<compile_context>
chip_gen: v7x
topology: tpu7x:2x2x1
jax: 0.10.2.dev20260603
libtpu: 0.0.44.dev20260713+nightly
codegen_flags: <defaults>
</compile_context>

<pallas_src>
import functools

import jax
import jax.numpy as jnp
from jax import lax
from jax.experimental import pallas as pl
from jax.experimental.pallas import tpu as pltpu
from jax.experimental.pallas import tpu_sc as plsc

_N_CORES = 2
_N_SUB = 16
_G = 64
_C = 128
_CW = 16

_TC_PARAMS = pltpu.CompilerParams(vmem_limit_bytes=100 * 1024 * 1024)


def _dot(a, b, precision=None):
    return jax.lax.dot_general(a, b, (((1,), (0,)), ((), ())),
                               precision=precision,
                               preferred_element_type=jnp.float32)


@functools.lru_cache(maxsize=None)
def _make_sc_pass(N8, NCH, W, with_counts):
    C = _C
    RPT = (N8 // _N_SUB) // 8 * 8
    TAIL = N8 - _N_SUB * RPT
    NBUF = 5
    ZR = 160
    assert TAIL % 8 == 0 and 0 <= TAIL <= ZR
    assert NCH % NBUF == 0 and NCH // NBUF >= 2
    assert RPT % ZR == 0

    mesh = plsc.VectorSubcoreMesh(core_axis_name="c", subcore_axis_name="s")

    out_type = [jax.ShapeDtypeStruct((_N_CORES, N8, W), jnp.float32)]
    scratch = [
        pltpu.VMEM((NCH, C), jnp.int32),
        pltpu.VMEM((NCH, C), jnp.int32),
        pltpu.VMEM((NBUF, C, W), jnp.float32),
        pltpu.VMEM((ZR, W), jnp.float32),
        pltpu.VMEM_SHARED((N8, W), jnp.float32),
    ]
    if with_counts:
        out_type.append(
            jax.ShapeDtypeStruct((_N_CORES, N8, _CW), jnp.float32))
        scratch.append(pltpu.VMEM((C, _CW), jnp.float32))
        scratch.append(
            pltpu.VMEM_SHARED((N8, _CW), jnp.float32))
    nsem = NBUF + 2 + (1 if with_counts else 0)
    scratch += [pltpu.SemaphoreType.DMA] * nsem

    def sc_pass_body(u_hbm, src_hbm, dst_hbm, *rest):
        if with_counts:
            (out_hbm, outc_hbm, sidx, didx, rows, zbuf, acc, ones, accc,
             *sems) = rest
        else:
            (out_hbm, sidx, didx, rows, zbuf, acc, *sems) = rest
            outc_hbm = ones = accc = None
        csem = sems[NBUF + 2] if with_counts else None

        c = lax.axis_index("c")
        s = lax.axis_index("s")
        w = c * _N_SUB + s

        pltpu.async_copy(src_hbm.at[w], sidx, sems[NBUF])
        pltpu.async_copy(dst_hbm.at[w], didx, sems[NBUF + 1])

        zero = jnp.zeros((16,), jnp.float32)
        one = jnp.ones((16,), jnp.float32)

        def zrow(i, carry):
            for k in range(W // 16):
                zbuf[i, pl.ds(k * 16, 16)] = zero
            return carry

        lax.fori_loop(0, ZR, zrow, 0)
        if with_counts:
            def orow(i, carry):
                ones[i, pl.ds(0, 16)] = one
                return carry
            lax.fori_loop(0, C, orow, 0)

        pltpu.make_async_copy(src_hbm.at[w], sidx, sems[NBUF]).wait()

        def gather_start(i, j):
            pltpu.async_copy(u_hbm.at[sidx.at[i]], rows.at[j], sems[j])

        def gather_wait(j):
            pltpu.make_async_copy(u_hbm.at[pl.ds(0, C)], rows.at[j],
                                  sems[j]).wait()

        for j in range(NBUF):
            gather_start(j, j)

        for k in range(RPT // ZR):
            pltpu.sync_copy(zbuf, acc.at[pl.ds(s * RPT + k * ZR, ZR)])
        if TAIL:
            @pl.when(s == _N_SUB - 1)
            def _():
                pltpu.sync_copy(zbuf.at[pl.ds(0, TAIL)],
                                acc.at[pl.ds(_N_SUB * RPT, TAIL)])
        if with_counts:
            zc = zbuf.at[pl.ds(0, ZR), pl.ds(0, _CW)]
            for k in range(RPT // ZR):
                pltpu.sync_copy(zc, accc.at[pl.ds(s * RPT + k * ZR, ZR)])
            if TAIL:
                @pl.when(s == _N_SUB - 1)
                def _():
                    pltpu.sync_copy(zbuf.at[pl.ds(0, TAIL), pl.ds(0, _CW)],
                                    accc.at[pl.ds(_N_SUB * RPT, TAIL)])

        pltpu.make_async_copy(dst_hbm.at[w], didx, sems[NBUF + 1]).wait()
        plsc.subcore_barrier()

        def chunk(i, j, refill):
            gather_wait(j)
            pltpu.sync_copy(rows.at[j], acc.at[didx.at[i]], add=True)
            if with_counts:
                pltpu.async_copy(ones, accc.at[didx.at[i]], csem, add=True)
            if refill:
                gather_start(i + NBUF, j)

        def body(g, carry):
            for j in range(NBUF):
                chunk(g * NBUF + j, j, True)
            return carry

        lax.fori_loop(0, NCH // NBUF - 1, body, 0)
        for j in range(NBUF):
            chunk(NCH - NBUF + j, j, False)

        if with_counts:
            def drain(i, carry):
                pltpu.make_async_copy(ones, accc.at[didx.at[0]],
                                      csem).wait()
                return carry
            lax.fori_loop(0, NCH, drain, 0)

        plsc.subcore_barrier()
        pltpu.sync_copy(acc.at[pl.ds(s * RPT, RPT)],
                        out_hbm.at[c, pl.ds(s * RPT, RPT)])
        if with_counts:
            pltpu.sync_copy(accc.at[pl.ds(s * RPT, RPT)],
                            outc_hbm.at[c, pl.ds(s * RPT, RPT)])
        if TAIL:
            @pl.when(s == _N_SUB - 1)
            def _():
                pltpu.sync_copy(acc.at[pl.ds(_N_SUB * RPT, TAIL)],
                                out_hbm.at[c, pl.ds(_N_SUB * RPT, TAIL)])
                if with_counts:
                    pltpu.sync_copy(accc.at[pl.ds(_N_SUB * RPT, TAIL)],
                                    outc_hbm.at[c, pl.ds(_N_SUB * RPT, TAIL)])

    return pl.kernel(
        sc_pass_body,
        out_type=out_type,
        mesh=mesh,
        scratch_types=scratch,
        compiler_params=pltpu.CompilerParams(use_tc_tiling_on_sc=False),
    )


def _tc_mid_body(n_real, sl_ref, sr_ref, c_ref, x_ref, b_ref,
                 wl_ref, wrr_ref, w2r_ref, h1_ref, r2_ref):
    cnt = jnp.maximum(c_ref[0][:, :1] + c_ref[1][:, :1], 1.0)
    mean = jnp.concatenate(
        [sl_ref[0] + sl_ref[1], sr_ref[0] + sr_ref[1]], axis=1) / cnt
    lin_l = _dot(mean, wl_ref[...])
    r1 = _dot(x_ref[...], wrr_ref[...])
    h1 = jnp.maximum(lin_l + b_ref[...] + r1, 0.0)
    n8 = h1.shape[0]
    mask = (lax.broadcasted_iota(jnp.int32, (n8, 1), 0)
            < n_real).astype(jnp.float32)
    h1 = h1 * mask
    h1_ref[...] = h1
    r2 = _dot(h1, w2r_ref[...])
    r2_ref[...] = jnp.concatenate(
        [r2, jnp.broadcast_to(cnt, r2.shape)], axis=1)


def _tc_post_body(s_ref, r2_ref, b_ref, bt_ref, wl_ref,
                  wa1_ref, ba1_ref, wa2_ref, ba2_ref,
                  wc1_ref, bc1_ref, wc2_ref, bc2_ref,
                  mu_ref, val_ref):
    r2a = r2_ref[...]
    h = s_ref.shape[2]
    mean2 = (s_ref[0] + s_ref[1]) / r2a[:, h:h + 1]
    h2 = jnp.maximum(_dot(mean2, wl_ref[...]) + b_ref[...] + r2a[:, :h],
                     0.0)
    n = h2.shape[0]
    bt = jnp.broadcast_to(bt_ref[...], (_G, n))
    ohT = (bt == lax.broadcasted_iota(jnp.int32, (_G, n), 0)) \
        .astype(jnp.float32)
    sums = _dot(ohT, h2, precision=jax.lax.Precision.HIGHEST)
    cnts = jnp.sum(ohT, axis=1, keepdims=True)
    pooled = sums / jnp.maximum(cnts, 1.0)
    a = jnp.maximum(_dot(pooled, wa1_ref[...]) + ba1_ref[...], 0.0)
    mu_ref[...] = _dot(a, wa2_ref[...]) + ba2_ref[...]
    cv = jnp.maximum(_dot(pooled, wc1_ref[...]) + bc1_ref[...], 0.0)
    val_ref[...] = _dot(cv, wc2_ref[...]) + bc2_ref[...]


def kernel(x, edge_index, batch, W1l, b1l, W1r, W2l, b2l, W2r,
           Wa1, ba1, Wa2, ba2, Wc1, bc1, Wc2, bc2):
    N, F = x.shape
    E = edge_index.shape[1]
    H = W1l.shape[0]
    A = Wa2.shape[0]
    NDUM = 240
    N8 = N + NDUM
    NW = _N_CORES * _N_SUB
    NCH = -(-E // (NW * _C * 5)) * 5
    EPAD = NW * NCH * _C

    f32 = jnp.float32
    i32 = jnp.int32
    pad = N + jnp.arange(EPAD - E, dtype=i32) % NDUM
    src3 = jnp.concatenate([edge_index[0], pad]).reshape(NW, NCH, _C)
    dst3 = jnp.concatenate([edge_index[1], pad]).reshape(NW, NCH, _C)
    x8 = jnp.pad(x, ((0, N8 - N), (0, 0)))
    batch8 = jnp.pad(batch, (0, N8 - N), constant_values=_G)

    s1l, c1 = _make_sc_pass(N8, NCH, H, True)(x8[:, :H], src3, dst3)
    s1r, = _make_sc_pass(N8, NCH, H, False)(x8[:, H:], src3, dst3)

    h1, r2a = pl.pallas_call(
        functools.partial(_tc_mid_body, N),
        out_shape=[jax.ShapeDtypeStruct((N8, H), f32),
                   jax.ShapeDtypeStruct((N8, 2 * H), f32)],
        compiler_params=_TC_PARAMS,
    )(s1l, s1r, c1, x8, b1l.reshape(1, H), W1l.T, W1r.T, W2r.T)

    s2, = _make_sc_pass(N8, NCH, H, False)(h1, src3, dst3)

    mu, value = pl.pallas_call(
        _tc_post_body,
        out_shape=[jax.ShapeDtypeStruct((_G, A), f32),
                   jax.ShapeDtypeStruct((_G, 1), f32)],
        compiler_params=_TC_PARAMS,
    )(s2, r2a, b2l.reshape(1, H), batch8.reshape(1, N8), W2l.T,
      Wa1.T, ba1.reshape(1, H), Wa2.T, ba2.reshape(1, A),
      Wc1.T, bc1.reshape(1, H), Wc2.T, bc2.reshape(1, 1))

    return (mu, value)

# --- scband reference (transcript-rebuilt; emitter-appended) ---
"""Pipeline reference for scband-actor-critic-gnn-16819091931152 (READ-ONLY COPY).

The authoritative reference and input builder live on the scoring server;
editing this copy changes nothing except your own understanding.
"""

import jax, jax.numpy as jnp
import numpy as np

N = 10000
E = 320000
F = 128
H = 64
A = 8
G = 64


def setup_inputs(seed: int = 0) -> dict:
    key = jax.random.key(seed)
    ks = jax.random.split(key, 20)
    x = jax.random.normal(ks[0], (N, F), dtype=jnp.float32)
    edge_index = jax.random.randint(ks[1], (2, E), 0, N, dtype=jnp.int32)
    batch = jnp.sort(jax.random.randint(ks[2], (N,), 0, G, dtype=jnp.int32))
    s = 0.05
    return {
        "x": x,
        "edge_index": edge_index,
        "batch": batch,
        # SAGEConv1: lin_l (aggregated neighbors, with bias), lin_r (root, no bias)
        "W1l": jax.random.normal(ks[3], (H, F), dtype=jnp.float32) * s,
        "b1l": jnp.zeros((H,), dtype=jnp.float32),
        "W1r": jax.random.normal(ks[4], (H, F), dtype=jnp.float32) * s,
        # SAGEConv2
        "W2l": jax.random.normal(ks[5], (H, H), dtype=jnp.float32) * s,
        "b2l": jnp.zeros((H,), dtype=jnp.float32),
        "W2r": jax.random.normal(ks[6], (H, H), dtype=jnp.float32) * s,
        # actor head
        "Wa1": jax.random.normal(ks[7], (H, H), dtype=jnp.float32) * s,
        "ba1": jnp.zeros((H,), dtype=jnp.float32),
        "Wa2": jax.random.normal(ks[8], (A, H), dtype=jnp.float32) * s,
        "ba2": jnp.zeros((A,), dtype=jnp.float32),
        # critic head
        "Wc1": jax.random.normal(ks[9], (H, H), dtype=jnp.float32) * s,
        "bc1": jnp.zeros((H,), dtype=jnp.float32),
        "Wc2": jax.random.normal(ks[10], (1, H), dtype=jnp.float32) * s,
        "bc2": jnp.zeros((1,), dtype=jnp.float32),
    }


def _sage_conv(x, src, dst, Wl, bl, Wr):
    # PyG SAGEConv with mean aggregation:
    # out[i] = lin_l(mean_{j:(j,i) in E} x_j) + lin_r(x_i)
    msgs = jnp.take(x, src, axis=0)
    summed = jax.ops.segment_sum(msgs, dst, num_segments=N)
    cnt = jax.ops.segment_sum(jnp.ones((src.shape[0], 1), x.dtype), dst, num_segments=N)
    mean = summed / jnp.maximum(cnt, 1.0)
    return mean @ Wl.T + bl + x @ Wr.T


def reference(x, edge_index, batch, W1l, b1l, W1r, W2l, b2l, W2r, Wa1, ba1, Wa2, ba2, Wc1, bc1, Wc2, bc2):
    src = edge_index[0]
    dst = edge_index[1]
    h = jax.nn.relu(_sage_conv(x, src, dst, W1l, b1l, W1r))
    h = jax.nn.relu(_sage_conv(h, src, dst, W2l, b2l, W2r))
    # global_mean_pool over graph ids
    sums = jax.ops.segment_sum(h, batch, num_segments=G)
    cnts = jax.ops.segment_sum(jnp.ones((N, 1), h.dtype), batch, num_segments=G)
    pooled = sums / jnp.maximum(cnts, 1.0)
    mu = jax.nn.relu(pooled @ Wa1.T + ba1) @ Wa2.T + ba2
    value = jax.nn.relu(pooled @ Wc1.T + bc1) @ Wc2.T + bc2
    return (mu, value)

if __name__ == "__main__":
    import jax
    _d = setup_inputs()
    print(jax.jit(kernel)(*tuple(_d.values())))

</pallas_src>

<mosaic_0001>
#map = affine_map<(d0, d1) -> (0, 0)>
#map1 = affine_map<(d0, d1) -> (0, 0, 0)>
module attributes {stable_mosaic.version = 14 : i64} {
  func.func @sc_pass_body(%arg0: i32, %arg1: i32, %arg2: memref<10240x64xf32, #tpu.memory_space<hbm>>, %arg3: memref<32x80x128xi32, #tpu.memory_space<hbm>>, %arg4: memref<32x80x128xi32, #tpu.memory_space<hbm>>, %arg5: memref<2x10240x64xf32, #tpu.memory_space<hbm>>, %arg6: memref<80x128xi32, #tpu.memory_space<vmem>>, %arg7: memref<80x128xi32, #tpu.memory_space<vmem>>, %arg8: memref<5x128x64xf32, #tpu.memory_space<vmem>>, %arg9: memref<160x64xf32, #tpu.memory_space<vmem>>, %arg10: memref<10240x64xf32, #tpu.memory_space<vmem_shared>>, %arg11: memref<!tpu.dma_semaphore, #tpu.memory_space<semaphore_mem>>, %arg12: memref<!tpu.dma_semaphore, #tpu.memory_space<semaphore_mem>>, %arg13: memref<!tpu.dma_semaphore, #tpu.memory_space<semaphore_mem>>, %arg14: memref<!tpu.dma_semaphore, #tpu.memory_space<semaphore_mem>>, %arg15: memref<!tpu.dma_semaphore, #tpu.memory_space<semaphore_mem>>, %arg16: memref<!tpu.dma_semaphore, #tpu.memory_space<semaphore_mem>>, %arg17: memref<!tpu.dma_semaphore, #tpu.memory_space<semaphore_mem>>) attributes {dimension_semantics = [#tpu.dimension_semantics<core_parallel>, #tpu.dimension_semantics<subcore_parallel>], iteration_bounds = array<i64: 2, 16>, scalar_prefetch = 0 : i64, scratch_operands = 12 : i64, tpu.core_type = #tpu.core_type<sc_vector_subcore>, window_params = [{transform_indices = #map}, {transform_indices = #map1}, {transform_indices = #map1}, {transform_indices = #map1}]} {
    %mul3A = arith.constant 16 : i32
    %mul3A_0 = arith.muli %arg0, %mul3A : i32
    %add3A = arith.addi %mul3A_0, %arg1 : i32
    %dma_start3A = arith.constant 0 : i32
    %dma_start3A_1 = arith.constant 0 : i32
    %dma_start3A_2 = tpu.memref_slice %arg3[%add3A, %dma_start3A, %dma_start3A_1] : memref<32x80x128xi32, #tpu.memory_space<hbm>> -> memref<1x80x128xi32, #tpu.memory_space<hbm>>
    %dma_start3A_3 = tpu.memref_squeeze %dma_start3A_2 : memref<1x80x128xi32, #tpu.memory_space<hbm>> -> memref<80x128xi32, #tpu.memory_space<hbm>>
    %dma_start3A_4 = arith.constant 0 : i32
    %dma_start3A_5 = arith.constant 0 : i32
    %dma_start3A_6 = tpu.memref_slice %arg3[%add3A, %dma_start3A_4, %dma_start3A_5] : memref<32x80x128xi32, #tpu.memory_space<hbm>> -> memref<1x80x128xi32, #tpu.memory_space<hbm>>
    %dma_start3A_7 = tpu.memref_squeeze %dma_start3A_6 : memref<1x80x128xi32, #tpu.memory_space<hbm>> -> memref<80x128xi32, #tpu.memory_space<hbm>>
    tpu.enqueue_dma source(%dma_start3A_7 : memref<80x128xi32, #tpu.memory_space<hbm>>) target(%arg6 : memref<80x128xi32, #tpu.memory_space<vmem>>) target_semaphore(%arg16 : memref<!tpu.dma_semaphore, #tpu.memory_space<semaphore_mem>>)
    %dma_start3A_8 = arith.constant 0 : i32
    %dma_start3A_9 = arith.constant 0 : i32
    %dma_start3A_10 = tpu.memref_slice %arg4[%add3A, %dma_start3A_8, %dma_start3A_9] : memref<32x80x128xi32, #tpu.memory_space<hbm>> -> memref<1x80x128xi32, #tpu.memory_space<hbm>>
    %dma_start3A_11 = tpu.memref_squeeze %dma_start3A_10 : memref<1x80x128xi32, #tpu.memory_space<hbm>> -> memref<80x128xi32, #tpu.memory_space<hbm>>
    %dma_start3A_12 = arith.constant 0 : i32
    %dma_start3A_13 = arith.constant 0 : i32
    %dma_start3A_14 = tpu.memref_slice %arg4[%add3A, %dma_start3A_12, %dma_start3A_13] : memref<32x80x128xi32, #tpu.memory_space<hbm>> -> memref<1x80x128xi32, #tpu.memory_space<hbm>>
    %dma_start3A_15 = tpu.memref_squeeze %dma_start3A_14 : memref<1x80x128xi32, #tpu.memory_space<hbm>> -> memref<80x128xi32, #tpu.memory_space<hbm>>
    tpu.enqueue_dma source(%dma_start3A_15 : memref<80x128xi32, #tpu.memory_space<hbm>>) target(%arg7 : memref<80x128xi32, #tpu.memory_space<vmem>>) target_semaphore(%arg17 : memref<!tpu.dma_semaphore, #tpu.memory_space<semaphore_mem>>)
    %broadcast_in_dim3A = arith.constant 0.000000e+00 : f32
    %broadcast_in_dim3A_16 = vector.broadcast %broadcast_in_dim3A : f32 to vector<16xf32>
    %broadcast_in_dim3A_17 = arith.constant 1.000000e+00 : f32
    %broadcast_in_dim3A_18 = vector.broadcast %broadcast_in_dim3A_17 : f32 to vector<16xf32>
    %scan3A = arith.constant 0 : i32
    %scan3A_19 = arith.constant 0 : i32
    %scan3A_20 = arith.constant 160 : i32
    %scan3A_21 = arith.addi %scan3A_19, %scan3A_20 : i32
    %scan3A_22 = arith.constant 1 : i32
    scf.for %scan3A_210 = %scan3A_19 to %scan3A_21 step %scan3A_22  : i32 {
      %swap3A = arith.index_cast %scan3A_210 : i32 to index
      %swap3A_211 = arith.constant 0 : index
      %swap3A_212 = tpu.vector_load %arg9[%swap3A, %swap3A_211] {strides = array<i32>} : memref<160x64xf32, #tpu.memory_space<vmem>>, vector<1x16xf32>,
      %swap3A_213 = vector.shape_cast %swap3A_212 : vector<1x16xf32> to vector<16xf32>
      %swap3A_214 = vector.shape_cast %broadcast_in_dim3A_16 : vector<16xf32> to vector<1x16xf32>
      tpu.vector_store %arg9[%swap3A, %swap3A_211], %swap3A_214 {strides = array<i32>} : memref<160x64xf32, #tpu.memory_space<vmem>>, vector<1x16xf32>,
      %swap3A_215 = arith.index_cast %scan3A_210 : i32 to index
      %swap3A_216 = arith.constant 16 : index
      %swap3A_217 = tpu.vector_load %arg9[%swap3A_215, %swap3A_216] {strides = array<i32>} : memref<160x64xf32, #tpu.memory_space<vmem>>, vector<1x16xf32>,
      %swap3A_218 = vector.shape_cast %swap3A_217 : vector<1x16xf32> to vector<16xf32>
      %swap3A_219 = vector.shape_cast %broadcast_in_dim3A_16 : vector<16xf32> to vector<1x16xf32>
      tpu.vector_store %arg9[%swap3A_215, %swap3A_216], %swap3A_219 {strides = array<i32>} : memref<160x64xf32, #tpu.memory_space<vmem>>, vector<1x16xf32>,
      %swap3A_220 = arith.index_cast %scan3A_210 : i32 to index
      %swap3A_221 = arith.constant 32 : index
      %swap3A_222 = tpu.vector_load %arg9[%swap3A_220, %swap3A_221] {strides = array<i32>} : memref<160x64xf32, #tpu.memory_space<vmem>>, vector<1x16xf32>,
      %swap3A_223 = vector.shape_cast %swap3A_222 : vector<1x16xf32> to vector<16xf32>
      %swap3A_224 = vector.shape_cast %broadcast_in_dim3A_16 : vector<16xf32> to vector<1x16xf32>
      tpu.vector_store %arg9[%swap3A_220, %swap3A_221], %swap3A_224 {strides = array<i32>} : memref<160x64xf32, #tpu.memory_space<vmem>>, vector<1x16xf32>,
      %swap3A_225 = arith.index_cast %scan3A_210 : i32 to index
      %swap3A_226 = arith.constant 48 : index
      %swap3A_227 = tpu.vector_load %arg9[%swap3A_225, %swap3A_226] {strides = array<i32>} : memref<160x64xf32, #tpu.memory_space<vmem>>, vector<1x16xf32>,
      %swap3A_228 = vector.shape_cast %swap3A_227 : vector<1x16xf32> to vector<16xf32>
      %swap3A_229 = vector.shape_cast %broadcast_in_dim3A_16 : vector<16xf32> to vector<1x16xf32>
      tpu.vector_store %arg9[%swap3A_225, %swap3A_226], %swap3A_229 {strides = array<i32>} : memref<160x64xf32, #tpu.memory_space<vmem>>, vector<1x16xf32>,
    }
    %scan3A_23 = arith.constant 160 : i32
    %dma_wait3A = arith.constant 0 : i32
    %dma_wait3A_24 = arith.constant 0 : i32
    %dma_wait3A_25 = tpu.memref_slice %arg3[%add3A, %dma_wait3A, %dma_wait3A_24] : memref<32x80x128xi32, #tpu.memory_space<hbm>> -> memref<1x80x128xi32, #tpu.memory_space<hbm>>
    %dma_wait3A_26 = tpu.memref_squeeze %dma_wait3A_25 : memref<1x80x128xi32, #tpu.memory_space<hbm>> -> memref<80x128xi32, #tpu.memory_space<hbm>>
    %dma_wait3A_27 = arith.constant 0 : i32
    %dma_wait3A_28 = arith.constant 0 : i32
    %dma_wait3A_29 = tpu.memref_slice %arg3[%add3A, %dma_wait3A_27, %dma_wait3A_28] : memref<32x80x128xi32, #tpu.memory_space<hbm>> -> memref<1x80x128xi32, #tpu.memory_space<hbm>>
    %dma_wait3A_30 = tpu.memref_squeeze %dma_wait3A_29 : memref<1x80x128xi32, #tpu.memory_space<hbm>> -> memref<80x128xi32, #tpu.memory_space<hbm>>
    tpu.wait_dma2 semaphore(%arg16 : memref<!tpu.dma_semaphore, #tpu.memory_space<semaphore_mem>>) src(%dma_wait3A_30 : memref<80x128xi32, #tpu.memory_space<hbm>>) dst(%arg6 : memref<80x128xi32, #tpu.memory_space<vmem>>)
    %dma_start3A_31 = arith.constant 0 : i32
    %dma_start3A_32 = arith.constant 0 : i32
    %dma_start3A_33 = arith.constant 0 : i32
    %dma_start3A_34 = arith.constant 0 : i32
    %dma_start3A_35 = tpu.memref_slice %arg8[%dma_start3A_32, %dma_start3A_33, %dma_start3A_34] : memref<5x128x64xf32, #tpu.memory_space<vmem>> -> memref<1x128x64xf32, #tpu.memory_space<vmem>>
    %dma_start3A_36 = tpu.memref_squeeze %dma_start3A_35 : memref<1x128x64xf32, #tpu.memory_space<vmem>> -> memref<128x64xf32, #tpu.memory_space<vmem>>
    %dma_start3A_37 = arith.constant 0 : i32
    %dma_start3A_38 = tpu.memref_slice %arg6[%dma_start3A_31, %dma_start3A_37] : memref<80x128xi32, #tpu.memory_space<vmem>> -> memref<1x128xi32, #tpu.memory_space<vmem>>
    %dma_start3A_39 = tpu.memref_squeeze %dma_start3A_38 : memref<1x128xi32, #tpu.memory_space<vmem>> -> memref<128xi32, #tpu.memory_space<vmem>>
    %dma_start3A_40 = arith.constant 0 : i32
    %dma_start3A_41 = arith.constant 0 : i32
    %dma_start3A_42 = tpu.memref_slice %arg2[%dma_start3A_40, %dma_start3A_41] : memref<10240x64xf32, #tpu.memory_space<hbm>> -> memref<10240x64xf32, #tpu.memory_space<hbm>>
    tpu.enqueue_indirect_dma source(%dma_start3A_42 : memref<10240x64xf32, #tpu.memory_space<hbm>>) target(%dma_start3A_36 : memref<128x64xf32, #tpu.memory_space<vmem>>) offsets(%dma_start3A_39 : memref<128xi32, #tpu.memory_space<vmem>>) semaphore(%arg11 : memref<!tpu.dma_semaphore, #tpu.memory_space<semaphore_mem>>)
    %dma_start3A_43 = arith.constant 1 : i32
    %dma_start3A_44 = arith.constant 1 : i32
    %dma_start3A_45 = arith.constant 0 : i32
    %dma_start3A_46 = arith.constant 0 : i32
    %dma_start3A_47 = tpu.memref_slice %arg8[%dma_start3A_44, %dma_start3A_45, %dma_start3A_46] : memref<5x128x64xf32, #tpu.memory_space<vmem>> -> memref<1x128x64xf32, #tpu.memory_space<vmem>>
    %dma_start3A_48 = tpu.memref_squeeze %dma_start3A_47 : memref<1x128x64xf32, #tpu.memory_space<vmem>> -> memref<128x64xf32, #tpu.memory_space<vmem>>
    %dma_start3A_49 = arith.constant 0 : i32
    %dma_start3A_50 = tpu.memref_slice %arg6[%dma_start3A_43, %dma_start3A_49] : memref<80x128xi32, #tpu.memory_space<vmem>> -> memref<1x128xi32, #tpu.memory_space<vmem>>
    %dma_start3A_51 = tpu.memref_squeeze %dma_start3A_50 : memref<1x128xi32, #tpu.memory_space<vmem>> -> memref<128xi32, #tpu.memory_space<vmem>>
    %dma_start3A_52 = arith.constant 0 : i32
    %dma_start3A_53 = arith.constant 0 : i32
    %dma_start3A_54 = tpu.memref_slice %arg2[%dma_start3A_52, %dma_start3A_53] : memref<10240x64xf32, #tpu.memory_space<hbm>> -> memref<10240x64xf32, #tpu.memory_space<hbm>>
    tpu.enqueue_indirect_dma source(%dma_start3A_54 : memref<10240x64xf32, #tpu.memory_space<hbm>>) target(%dma_start3A_48 : memref<128x64xf32, #tpu.memory_space<vmem>>) offsets(%dma_start3A_51 : memref<128xi32, #tpu.memory_space<vmem>>) semaphore(%arg12 : memref<!tpu.dma_semaphore, #tpu.memory_space<semaphore_mem>>)
    %dma_start3A_55 = arith.constant 2 : i32
    %dma_start3A_56 = arith.constant 2 : i32
    %dma_start3A_57 = arith.constant 0 : i32
    %dma_start3A_58 = arith.constant 0 : i32
    %dma_start3A_59 = tpu.memref_slice %arg8[%dma_start3A_56, %dma_start3A_57, %dma_start3A_58] : memref<5x128x64xf32, #tpu.memory_space<vmem>> -> memref<1x128x64xf32, #tpu.memory_space<vmem>>
    %dma_start3A_60 = tpu.memref_squeeze %dma_start3A_59 : memref<1x128x64xf32, #tpu.memory_space<vmem>> -> memref<128x64xf32, #tpu.memory_space<vmem>>
    %dma_start3A_61 = arith.constant 0 : i32
    %dma_start3A_62 = tpu.memref_slice %arg6[%dma_start3A_55, %dma_start3A_61] : memref<80x128xi32, #tpu.memory_space<vmem>> -> memref<1x128xi32, #tpu.memory_space<vmem>>
    %dma_start3A_63 = tpu.memref_squeeze %dma_start3A_62 : memref<1x128xi32, #tpu.memory_space<vmem>> -> memref<128xi32, #tpu.memory_space<vmem>>
    %dma_start3A_64 = arith.constant 0 : i32
    %dma_start3A_65 = arith.constant 0 : i32
    %dma_start3A_66 = tpu.memref_slice %arg2[%dma_start3A_64, %dma_start3A_65] : memref<10240x64xf32, #tpu.memory_space<hbm>> -> memref<10240x64xf32, #tpu.memory_space<hbm>>
    tpu.enqueue_indirect_dma source(%dma_start3A_66 : memref<10240x64xf32, #tpu.memory_space<hbm>>) target(%dma_start3A_60 : memref<128x64xf32, #tpu.memory_space<vmem>>) offsets(%dma_start3A_63 : memref<128xi32, #tpu.memory_space<vmem>>) semaphore(%arg13 : memref<!tpu.dma_semaphore, #tpu.memory_space<semaphore_mem>>)
    %dma_start3A_67 = arith.constant 3 : i32
    %dma_start3A_68 = arith.constant 3 : i32
    %dma_start3A_69 = arith.constant 0 : i32
    %dma_start3A_70 = arith.constant 0 : i32
    %dma_start3A_71 = tpu.memref_slice %arg8[%dma_start3A_68, %dma_start3A_69, %dma_start3A_70] : memref<5x128x64xf32, #tpu.memory_space<vmem>> -> memref<1x128x64xf32, #tpu.memory_space<vmem>>
    %dma_start3A_72 = tpu.memref_squeeze %dma_start3A_71 : memref<1x128x64xf32, #tpu.memory_space<vmem>> -> memref<128x64xf32, #tpu.memory_space<vmem>>
    %dma_start3A_73 = arith.constant 0 : i32
    %dma_start3A_74 = tpu.memref_slice %arg6[%dma_start3A_67, %dma_start3A_73] : memref<80x128xi32, #tpu.memory_space<vmem>> -> memref<1x128xi32, #tpu.memory_space<vmem>>
    %dma_start3A_75 = tpu.memref_squeeze %dma_start3A_74 : memref<1x128xi32, #tpu.memory_space<vmem>> -> memref<128xi32, #tpu.memory_space<vmem>>
    %dma_start3A_76 = arith.constant 0 : i32
    %dma_start3A_77 = arith.constant 0 : i32
    %dma_start3A_78 = tpu.memref_slice %arg2[%dma_start3A_76, %dma_start3A_77] : memref<10240x64xf32, #tpu.memory_space<hbm>> -> memref<10240x64xf32, #tpu.memory_space<hbm>>
    tpu.enqueue_indirect_dma source(%dma_start3A_78 : memref<10240x64xf32, #tpu.memory_space<hbm>>) target(%dma_start3A_72 : memref<128x64xf32, #tpu.memory_space<vmem>>) offsets(%dma_start3A_75 : memref<128xi32, #tpu.memory_space<vmem>>) semaphore(%arg14 : memref<!tpu.dma_semaphore, #tpu.memory_space<semaphore_mem>>)
    %dma_start3A_79 = arith.constant 4 : i32
    %dma_start3A_80 = arith.constant 4 : i32
    %dma_start3A_81 = arith.constant 0 : i32
    %dma_start3A_82 = arith.constant 0 : i32
    %dma_start3A_83 = tpu.memref_slice %arg8[%dma_start3A_80, %dma_start3A_81, %dma_start3A_82] : memref<5x128x64xf32, #tpu.memory_space<vmem>> -> memref<1x128x64xf32, #tpu.memory_space<vmem>>
    %dma_start3A_84 = tpu.memref_squeeze %dma_start3A_83 : memref<1x128x64xf32, #tpu.memory_space<vmem>> -> memref<128x64xf32, #tpu.memory_space<vmem>>
    %dma_start3A_85 = arith.constant 0 : i32
    %dma_start3A_86 = tpu.memref_slice %arg6[%dma_start3A_79, %dma_start3A_85] : memref<80x128xi32, #tpu.memory_space<vmem>> -> memref<1x128xi32, #tpu.memory_space<vmem>>
    %dma_start3A_87 = tpu.memref_squeeze %dma_start3A_86 : memref<1x128xi32, #tpu.memory_space<vmem>> -> memref<128xi32, #tpu.memory_space<vmem>>
    %dma_start3A_88 = arith.constant 0 : i32
    %dma_start3A_89 = arith.constant 0 : i32
    %dma_start3A_90 = tpu.memref_slice %arg2[%dma_start3A_88, %dma_start3A_89] : memref<10240x64xf32, #tpu.memory_space<hbm>> -> memref<10240x64xf32, #tpu.memory_space<hbm>>
    tpu.enqueue_indirect_dma source(%dma_start3A_90 : memref<10240x64xf32, #tpu.memory_space<hbm>>) target(%dma_start3A_84 : memref<128x64xf32, #tpu.memory_space<vmem>>) offsets(%dma_start3A_87 : memref<128xi32, #tpu.memory_space<vmem>>) semaphore(%arg15 : memref<!tpu.dma_semaphore, #tpu.memory_space<semaphore_mem>>)
    %mul3A_91 = arith.constant 640 : i32
    %mul3A_92 = arith.muli %arg1, %mul3A_91 : i32
    %add3A_93 = arith.constant 0 : i32
    %add3A_94 = arith.addi %mul3A_92, %add3A_93 : i32
    "tpu.region"() ({
      %run_scoped3A_210 = tpu.sem_alloc : memref<!tpu.dma_semaphore, #tpu.memory_space<semaphore_mem>>
      %dma_start3A_211 = arith.constant 0 : i32
      %dma_start3A_212 = tpu.memref_slice %arg10[%add3A_94, %dma_start3A_211] : memref<10240x64xf32, #tpu.memory_space<vmem_shared>> -> memref<160x64xf32, #tpu.memory_space<vmem_shared>>
      %dma_start3A_213 = arith.constant 0 : i32
      %dma_start3A_214 = tpu.memref_slice %arg10[%add3A_94, %dma_start3A_213] : memref<10240x64xf32, #tpu.memory_space<vmem_shared>> -> memref<160x64xf32, #tpu.memory_space<vmem_shared>>
      tpu.enqueue_dma source(%arg9 : memref<160x64xf32, #tpu.memory_space<vmem>>) target(%dma_start3A_214 : memref<160x64xf32, #tpu.memory_space<vmem_shared>>) target_semaphore(%run_scoped3A_210 : memref<!tpu.dma_semaphore, #tpu.memory_space<semaphore_mem>>)
      %dma_wait3A_215 = arith.constant 0 : i32
      %dma_wait3A_216 = tpu.memref_slice %arg10[%add3A_94, %dma_wait3A_215] : memref<10240x64xf32, #tpu.memory_space<vmem_shared>> -> memref<160x64xf32, #tpu.memory_space<vmem_shared>>
      %dma_wait3A_217 = arith.constant 0 : i32
      %dma_wait3A_218 = tpu.memref_slice %arg10[%add3A_94, %dma_wait3A_217] : memref<10240x64xf32, #tpu.memory_space<vmem_shared>> -> memref<160x64xf32, #tpu.memory_space<vmem_shared>>
      tpu.wait_dma2 semaphore(%run_scoped3A_210 : memref<!tpu.dma_semaphore, #tpu.memory_space<semaphore_mem>>) src(%arg9 : memref<160x64xf32, #tpu.memory_space<vmem>>) dst(%dma_wait3A_218 : memref<160x64xf32, #tpu.memory_space<vmem_shared>>)
      tpu.yield
    }) : () -> ()
    %mul3A_95 = arith.constant 640 : i32
    %mul3A_96 = arith.muli %arg1, %mul3A_95 : i32
    %add3A_97 = arith.constant 160 : i32
    %add3A_98 = arith.addi %mul3A_96, %add3A_97 : i32
    "tpu.region"() ({
      %run_scoped3A_210 = tpu.sem_alloc : memref<!tpu.dma_semaphore, #tpu.memory_space<semaphore_mem>>
      %dma_start3A_211 = arith.constant 0 : i32
      %dma_start3A_212 = tpu.memref_slice %arg10[%add3A_98, %dma_start3A_211] : memref<10240x64xf32, #tpu.memory_space<vmem_shared>> -> memref<160x64xf32, #tpu.memory_space<vmem_shared>>
      %dma_start3A_213 = arith.constant 0 : i32
      %dma_start3A_214 = tpu.memref_slice %arg10[%add3A_98, %dma_start3A_213] : memref<10240x64xf32, #tpu.memory_space<vmem_shared>> -> memref<160x64xf32, #tpu.memory_space<vmem_shared>>
      tpu.enqueue_dma source(%arg9 : memref<160x64xf32, #tpu.memory_space<vmem>>) target(%dma_start3A_214 : memref<160x64xf32, #tpu.memory_space<vmem_shared>>) target_semaphore(%run_scoped3A_210 : memref<!tpu.dma_semaphore, #tpu.memory_space<semaphore_mem>>)
      %dma_wait3A_215 = arith.constant 0 : i32
      %dma_wait3A_216 = tpu.memref_slice %arg10[%add3A_98, %dma_wait3A_215] : memref<10240x64xf32, #tpu.memory_space<vmem_shared>> -> memref<160x64xf32, #tpu.memory_space<vmem_shared>>
      %dma_wait3A_217 = arith.constant 0 : i32
      %dma_wait3A_218 = tpu.memref_slice %arg10[%add3A_98, %dma_wait3A_217] : memref<10240x64xf32, #tpu.memory_space<vmem_shared>> -> memref<160x64xf32, #tpu.memory_space<vmem_shared>>
      tpu.wait_dma2 semaphore(%run_scoped3A_210 : memref<!tpu.dma_semaphore, #tpu.memory_space<semaphore_mem>>) src(%arg9 : memref<160x64xf32, #tpu.memory_space<vmem>>) dst(%dma_wait3A_218 : memref<160x64xf32, #tpu.memory_space<vmem_shared>>)
      tpu.yield
    }) : () -> ()
    %mul3A_99 = arith.constant 640 : i32
    %mul3A_100 = arith.muli %arg1, %mul3A_99 : i32
    %add3A_101 = arith.constant 320 : i32
    %add3A_102 = arith.addi %mul3A_100, %add3A_101 : i32
    "tpu.region"() ({
      %run_scoped3A_210 = tpu.sem_alloc : memref<!tpu.dma_semaphore, #tpu.memory_space<semaphore_mem>>
      %dma_start3A_211 = arith.constant 0 : i32
      %dma_start3A_212 = tpu.memref_slice %arg10[%add3A_102, %dma_start3A_211] : memref<10240x64xf32, #tpu.memory_space<vmem_shared>> -> memref<160x64xf32, #tpu.memory_space<vmem_shared>>
      %dma_start3A_213 = arith.constant 0 : i32
      %dma_start3A_214 = tpu.memref_slice %arg10[%add3A_102, %dma_start3A_213] : memref<10240x64xf32, #tpu.memory_space<vmem_shared>> -> memref<160x64xf32, #tpu.memory_space<vmem_shared>>
      tpu.enqueue_dma source(%arg9 : memref<160x64xf32, #tpu.memory_space<vmem>>) target(%dma_start3A_214 : memref<160x64xf32, #tpu.memory_space<vmem_shared>>) target_semaphore(%run_scoped3A_210 : memref<!tpu.dma_semaphore, #tpu.memory_space<semaphore_mem>>)
      %dma_wait3A_215 = arith.constant 0 : i32
      %dma_wait3A_216 = tpu.memref_slice %arg10[%add3A_102, %dma_wait3A_215] : memref<10240x64xf32, #tpu.memory_space<vmem_shared>> -> memref<160x64xf32, #tpu.memory_space<vmem_shared>>
      %dma_wait3A_217 = arith.constant 0 : i32
      %dma_wait3A_218 = tpu.memref_slice %arg10[%add3A_102, %dma_wait3A_217] : memref<10240x64xf32, #tpu.memory_space<vmem_shared>> -> memref<160x64xf32, #tpu.memory_space<vmem_shared>>
      tpu.wait_dma2 semaphore(%run_scoped3A_210 : memref<!tpu.dma_semaphore, #tpu.memory_space<semaphore_mem>>) src(%arg9 : memref<160x64xf32, #tpu.memory_space<vmem>>) dst(%dma_wait3A_218 : memref<160x64xf32, #tpu.memory_space<vmem_shared>>)
      tpu.yield
    }) : () -> ()
    %mul3A_103 = arith.constant 640 : i32
    %mul3A_104 = arith.muli %arg1, %mul3A_103 : i32
    %add3A_105 = arith.constant 480 : i32
    %add3A_106 = arith.addi %mul3A_104, %add3A_105 : i32
    "tpu.region"() ({
      %run_scoped3A_210 = tpu.sem_alloc : memref<!tpu.dma_semaphore, #tpu.memory_space<semaphore_mem>>
      %dma_start3A_211 = arith.constant 0 : i32
      %dma_start3A_212 = tpu.memref_slice %arg10[%add3A_106, %dma_start3A_211] : memref<10240x64xf32, #tpu.memory_space<vmem_shared>> -> memref<160x64xf32, #tpu.memory_space<vmem_shared>>
      %dma_start3A_213 = arith.constant 0 : i32
      %dma_start3A_214 = tpu.memref_slice %arg10[%add3A_106, %dma_start3A_213] : memref<10240x64xf32, #tpu.memory_space<vmem_shared>> -> memref<160x64xf32, #tpu.memory_space<vmem_shared>>
      tpu.enqueue_dma source(%arg9 : memref<160x64xf32, #tpu.memory_space<vmem>>) target(%dma_start3A_214 : memref<160x64xf32, #tpu.memory_space<vmem_shared>>) target_semaphore(%run_scoped3A_210 : memref<!tpu.dma_semaphore, #tpu.memory_space<semaphore_mem>>)
      %dma_wait3A_215 = arith.constant 0 : i32
      %dma_wait3A_216 = tpu.memref_slice %arg10[%add3A_106, %dma_wait3A_215] : memref<10240x64xf32, #tpu.memory_space<vmem_shared>> -> memref<160x64xf32, #tpu.memory_space<vmem_shared>>
      %dma_wait3A_217 = arith.constant 0 : i32
      %dma_wait3A_218 = tpu.memref_slice %arg10[%add3A_106, %dma_wait3A_217] : memref<10240x64xf32, #tpu.memory_space<vmem_shared>> -> memref<160x64xf32, #tpu.memory_space<vmem_shared>>
      tpu.wait_dma2 semaphore(%run_scoped3A_210 : memref<!tpu.dma_semaphore, #tpu.memory_space<semaphore_mem>>) src(%arg9 : memref<160x64xf32, #tpu.memory_space<vmem>>) dst(%dma_wait3A_218 : memref<160x64xf32, #tpu.memory_space<vmem_shared>>)
      tpu.yield
    }) : () -> ()
    %dma_wait3A_107 = arith.constant 0 : i32
    %dma_wait3A_108 = arith.constant 0 : i32
    %dma_wait3A_109 = tpu.memref_slice %arg4[%add3A, %dma_wait3A_107, %dma_wait3A_108] : memref<32x80x128xi32, #tpu.memory_space<hbm>> -> memref<1x80x128xi32, #tpu.memory_space<hbm>>
    %dma_wait3A_110 = tpu.memref_squeeze %dma_wait3A_109 : memref<1x80x128xi32, #tpu.memory_space<hbm>> -> memref<80x128xi32, #tpu.memory_space<hbm>>
    %dma_wait3A_111 = arith.constant 0 : i32
    %dma_wait3A_112 = arith.constant 0 : i32
    %dma_wait3A_113 = tpu.memref_slice %arg4[%add3A, %dma_wait3A_111, %dma_wait3A_112] : memref<32x80x128xi32, #tpu.memory_space<hbm>> -> memref<1x80x128xi32, #tpu.memory_space<hbm>>
    %dma_wait3A_114 = tpu.memref_squeeze %dma_wait3A_113 : memref<1x80x128xi32, #tpu.memory_space<hbm>> -> memref<80x128xi32, #tpu.memory_space<hbm>>
    tpu.wait_dma2 semaphore(%arg17 : memref<!tpu.dma_semaphore, #tpu.memory_space<semaphore_mem>>) src(%dma_wait3A_114 : memref<80x128xi32, #tpu.memory_space<hbm>>) dst(%arg7 : memref<80x128xi32, #tpu.memory_space<vmem>>)
    %barrier3A = arith.constant 0 : index
    tpu.barrier barrier_id(%barrier3A)
    %scan3A_115 = arith.constant 0 : i32
    %scan3A_116 = arith.constant 0 : i32
    %scan3A_117 = arith.constant 15 : i32
    %scan3A_118 = arith.addi %scan3A_116, %scan3A_117 : i32
    %scan3A_119 = arith.constant 1 : i32
    scf.for %scan3A_210 = %scan3A_116 to %scan3A_118 step %scan3A_119  : i32 {
      %mul3A_211 = arith.constant 5 : i32
      %mul3A_212 = arith.muli %scan3A_210, %mul3A_211 : i32
      %add3A_213 = arith.constant 0 : i32
      %add3A_214 = arith.addi %mul3A_212, %add3A_213 : i32
      %dma_wait3A_215 = arith.constant 0 : i32
      %dma_wait3A_216 = arith.constant 0 : i32
      %dma_wait3A_217 = arith.constant 0 : i32
      %dma_wait3A_218 = tpu.memref_slice %arg8[%dma_wait3A_215, %dma_wait3A_216, %dma_wait3A_217] : memref<5x128x64xf32, #tpu.memory_space<vmem>> -> memref<1x128x64xf32, #tpu.memory_space<vmem>>
      %dma_wait3A_219 = tpu.memref_squeeze %dma_wait3A_218 : memref<1x128x64xf32, #tpu.memory_space<vmem>> -> memref<128x64xf32, #tpu.memory_space<vmem>>
      %dma_wait3A_220 = arith.constant 0 : i32
      %dma_wait3A_221 = arith.constant 0 : i32
      %dma_wait3A_222 = tpu.memref_slice %arg2[%dma_wait3A_220, %dma_wait3A_221] : memref<10240x64xf32, #tpu.memory_space<hbm>> -> memref<128x64xf32, #tpu.memory_space<hbm>>
      %dma_wait3A_223 = arith.constant 0 : i32
      %dma_wait3A_224 = arith.constant 0 : i32
      %dma_wait3A_225 = tpu.memref_slice %arg8[%dma_wait3A_215, %dma_wait3A_223, %dma_wait3A_224] : memref<5x128x64xf32, #tpu.memory_space<vmem>> -> memref<1x128x64xf32, #tpu.memory_space<vmem>>
      %dma_wait3A_226 = tpu.memref_squeeze %dma_wait3A_225 : memref<1x128x64xf32, #tpu.memory_space<vmem>> -> memref<128x64xf32, #tpu.memory_space<vmem>>
      %dma_wait3A_227 = arith.constant 0 : i32
      %dma_wait3A_228 = arith.constant 0 : i32
      %dma_wait3A_229 = tpu.memref_slice %arg2[%dma_wait3A_227, %dma_wait3A_228] : memref<10240x64xf32, #tpu.memory_space<hbm>> -> memref<128x64xf32, #tpu.memory_space<hbm>>
      tpu.wait_dma2 semaphore(%arg11 : memref<!tpu.dma_semaphore, #tpu.memory_space<semaphore_mem>>) src(%dma_wait3A_229 : memref<128x64xf32, #tpu.memory_space<hbm>>) dst(%dma_wait3A_226 : memref<128x64xf32, #tpu.memory_space<vmem>>)
      %run_scoped3A_230 = arith.constant 0 : i32
      "tpu.region"() ({
        %run_scoped3A_376 = tpu.sem_alloc : memref<!tpu.dma_semaphore, #tpu.memory_space<semaphore_mem>>
        %dma_start3A_377 = arith.constant 0 : i32
        %dma_start3A_378 = arith.constant 0 : i32
        %dma_start3A_379 = tpu.memref_slice %arg8[%run_scoped3A_230, %dma_start3A_377, %dma_start3A_378] : memref<5x128x64xf32, #tpu.memory_space<vmem>> -> memref<1x128x64xf32, #tpu.memory_space<vmem>>
        %dma_start3A_380 = tpu.memref_squeeze %dma_start3A_379 : memref<1x128x64xf32, #tpu.memory_space<vmem>> -> memref<128x64xf32, #tpu.memory_space<vmem>>
        %dma_start3A_381 = arith.constant 0 : i32
        %dma_start3A_382 = tpu.memref_slice %arg7[%add3A_214, %dma_start3A_381] : memref<80x128xi32, #tpu.memory_space<vmem>> -> memref<1x128xi32, #tpu.memory_space<vmem>>
        %dma_start3A_383 = tpu.memref_squeeze %dma_start3A_382 : memref<1x128xi32, #tpu.memory_space<vmem>> -> memref<128xi32, #tpu.memory_space<vmem>>
        %dma_start3A_384 = arith.constant 0 : i32
        %dma_start3A_385 = arith.constant 0 : i32
        %dma_start3A_386 = tpu.memref_slice %arg10[%dma_start3A_384, %dma_start3A_385] : memref<10240x64xf32, #tpu.memory_space<vmem_shared>> -> memref<10240x64xf32, #tpu.memory_space<vmem_shared>>
        tpu.enqueue_indirect_dma source(%dma_start3A_380 : memref<128x64xf32, #tpu.memory_space<vmem>>) target(%dma_start3A_386 : memref<10240x64xf32, #tpu.memory_space<vmem_shared>>) offsets(%dma_start3A_383 : memref<128xi32, #tpu.memory_space<vmem>>) semaphore(%run_scoped3A_376 : memref<!tpu.dma_semaphore, #tpu.memory_space<semaphore_mem>>) {add = true}
        %dma_wait3A_387 = arith.constant 0 : i32
        %dma_wait3A_388 = arith.constant 0 : i32
        %dma_wait3A_389 = tpu.memref_slice %arg8[%run_scoped3A_230, %dma_wait3A_387, %dma_wait3A_388] : memref<5x128x64xf32, #tpu.memory_space<vmem>> -> memref<1x128x64xf32, #tpu.memory_space<vmem>>
        %dma_wait3A_390 = tpu.memref_squeeze %dma_wait3A_389 : memref<1x128x64xf32, #tpu.memory_space<vmem>> -> memref<128x64xf32, #tpu.memory_space<vmem>>
        %dma_wait3A_391 = arith.constant 0 : i32
        %dma_wait3A_392 = tpu.memref_slice %arg7[%add3A_214, %dma_wait3A_391] : memref<80x128xi32, #tpu.memory_space<vmem>> -> memref<1x128xi32, #tpu.memory_space<vmem>>
        %dma_wait3A_393 = tpu.memref_squeeze %dma_wait3A_392 : memref<1x128xi32, #tpu.memory_space<vmem>> -> memref<128xi32, #tpu.memory_space<vmem>>
        %dma_wait3A_394 = arith.constant 0 : i32
        %dma_wait3A_395 = arith.constant 0 : i32
        %dma_wait3A_396 = tpu.memref_slice %arg10[%dma_wait3A_394, %dma_wait3A_395] : memref<10240x64xf32, #tpu.memory_space<vmem_shared>> -> memref<10240x64xf32, #tpu.memory_space<vmem_shared>>
        tpu.wait_indirect_dma semaphore(%run_scoped3A_376 : memref<!tpu.dma_semaphore, #tpu.memory_space<semaphore_mem>>) src(%dma_wait3A_390 : memref<128x64xf32, #tpu.memory_space<vmem>>) dst(%dma_wait3A_396 : memref<10240x64xf32, #tpu.memory_space<vmem_shared>>)
        tpu.yield
      }) : () -> ()
      %add3A_231 = arith.constant 5 : i32
      %add3A_232 = arith.addi %add3A_214, %add3A_231 : i32
      %dma_start3A_233 = arith.constant 0 : i32
      %dma_start3A_234 = arith.constant 0 : i32
      %dma_start3A_235 = arith.constant 0 : i32
      %dma_start3A_236 = tpu.memref_slice %arg8[%dma_start3A_233, %dma_start3A_234, %dma_start3A_235] : memref<5x128x64xf32, #tpu.memory_space<vmem>> -> memref<1x128x64xf32, #tpu.memory_space<vmem>>
      %dma_start3A_237 = tpu.memref_squeeze %dma_start3A_236 : memref<1x128x64xf32, #tpu.memory_space<vmem>> -> memref<128x64xf32, #tpu.memory_space<vmem>>
      %dma_start3A_238 = arith.constant 0 : i32
      %dma_start3A_239 = tpu.memref_slice %arg6[%add3A_232, %dma_start3A_238] : memref<80x128xi32, #tpu.memory_space<vmem>> -> memref<1x128xi32, #tpu.memory_space<vmem>>
      %dma_start3A_240 = tpu.memref_squeeze %dma_start3A_239 : memref<1x128xi32, #tpu.memory_space<vmem>> -> memref<128xi32, #tpu.memory_space<vmem>>
      %dma_start3A_241 = arith.constant 0 : i32
      %dma_start3A_242 = arith.constant 0 : i32
      %dma_start3A_243 = tpu.memref_slice %arg2[%dma_start3A_241, %dma_start3A_242] : memref<10240x64xf32, #tpu.memory_space<hbm>> -> memref<10240x64xf32, #tpu.memory_space<hbm>>
      tpu.enqueue_indirect_dma source(%dma_start3A_243 : memref<10240x64xf32, #tpu.memory_space<hbm>>) target(%dma_start3A_237 : memref<128x64xf32, #tpu.memory_space<vmem>>) offsets(%dma_start3A_240 : memref<128xi32, #tpu.memory_space<vmem>>) semaphore(%arg11 : memref<!tpu.dma_semaphore, #tpu.memory_space<semaphore_mem>>)
      %mul3A_244 = arith.constant 5 : i32
      %mul3A_245 = arith.muli %scan3A_210, %mul3A_244 : i32
      %add3A_246 = arith.constant 1 : i32
      %add3A_247 = arith.addi %mul3A_245, %add3A_246 : i32
      %dma_wait3A_248 = arith.constant 1 : i32
      %dma_wait3A_249 = arith.constant 0 : i32
      %dma_wait3A_250 = arith.constant 0 : i32
      %dma_wait3A_251 = tpu.memref_slice %arg8[%dma_wait3A_248, %dma_wait3A_249, %dma_wait3A_250] : memref<5x128x64xf32, #tpu.memory_space<vmem>> -> memref<1x128x64xf32, #tpu.memory_space<vmem>>
      %dma_wait3A_252 = tpu.memref_squeeze %dma_wait3A_251 : memref<1x128x64xf32, #tpu.memory_space<vmem>> -> memref<128x64xf32, #tpu.memory_space<vmem>>
      %dma_wait3A_253 = arith.constant 0 : i32
      %dma_wait3A_254 = arith.constant 0 : i32
      %dma_wait3A_255 = tpu.memref_slice %arg2[%dma_wait3A_253, %dma_wait3A_254] : memref<10240x64xf32, #tpu.memory_space<hbm>> -> memref<128x64xf32, #tpu.memory_space<hbm>>
      %dma_wait3A_256 = arith.constant 0 : i32
      %dma_wait3A_257 = arith.constant 0 : i32
      %dma_wait3A_258 = tpu.memref_slice %arg8[%dma_wait3A_248, %dma_wait3A_256, %dma_wait3A_257] : memref<5x128x64xf32, #tpu.memory_space<vmem>> -> memref<1x128x64xf32, #tpu.memory_space<vmem>>
      %dma_wait3A_259 = tpu.memref_squeeze %dma_wait3A_258 : memref<1x128x64xf32, #tpu.memory_space<vmem>> -> memref<128x64xf32, #tpu.memory_space<vmem>>
      %dma_wait3A_260 = arith.constant 0 : i32
      %dma_wait3A_261 = arith.constant 0 : i32
      %dma_wait3A_262 = tpu.memref_slice %arg2[%dma_wait3A_260, %dma_wait3A_261] : memref<10240x64xf32, #tpu.memory_space<hbm>> -> memref<128x64xf32, #tpu.memory_space<hbm>>
      tpu.wait_dma2 semaphore(%arg12 : memref<!tpu.dma_semaphore, #tpu.memory_space<semaphore_mem>>) src(%dma_wait3A_262 : memref<128x64xf32, #tpu.memory_space<hbm>>) dst(%dma_wait3A_259 : memref<128x64xf32, #tpu.memory_space<vmem>>)
      %run_scoped3A_263 = arith.constant 1 : i32
      "tpu.region"() ({
        %run_scoped3A_376 = tpu.sem_alloc : memref<!tpu.dma_semaphore, #tpu.memory_space<semaphore_mem>>
        %dma_start3A_377 = arith.constant 0 : i32
        %dma_start3A_378 = arith.constant 0 : i32
        %dma_start3A_379 = tpu.memref_slice %arg8[%run_scoped3A_263, %dma_start3A_377, %dma_start3A_378] : memref<5x128x64xf32, #tpu.memory_space<vmem>> -> memref<1x128x64xf32, #tpu.memory_space<vmem>>
        %dma_start3A_380 = tpu.memref_squeeze %dma_start3A_379 : memref<1x128x64xf32, #tpu.memory_space<vmem>> -> memref<128x64xf32, #tpu.memory_space<vmem>>
        %dma_start3A_381 = arith.constant 0 : i32
        %dma_start3A_382 = tpu.memref_slice %arg7[%add3A_247, %dma_start3A_381] : memref<80x128xi32, #tpu.memory_space<vmem>> -> memref<1x128xi32, #tpu.memory_space<vmem>>
        %dma_start3A_383 = tpu.memref_squeeze %dma_start3A_382 : memref<1x128xi32, #tpu.memory_space<vmem>> -> memref<128xi32, #tpu.memory_space<vmem>>
        %dma_start3A_384 = arith.constant 0 : i32
        %dma_start3A_385 = arith.constant 0 : i32
        %dma_start3A_386 = tpu.memref_slice %arg10[%dma_start3A_384, %dma_start3A_385] : memref<10240x64xf32, #tpu.memory_space<vmem_shared>> -> memref<10240x64xf32, #tpu.memory_space<vmem_shared>>
        tpu.enqueue_indirect_dma source(%dma_start3A_380 : memref<128x64xf32, #tpu.memory_space<vmem>>) target(%dma_start3A_386 : memref<10240x64xf32, #tpu.memory_space<vmem_shared>>) offsets(%dma_start3A_383 : memref<128xi32, #tpu.memory_space<vmem>>) semaphore(%run_scoped3A_376 : memref<!tpu.dma_semaphore, #tpu.memory_space<semaphore_mem>>) {add = true}
        %dma_wait3A_387 = arith.constant 0 : i32
        %dma_wait3A_388 = arith.constant 0 : i32
        %dma_wait3A_389 = tpu.memref_slice %arg8[%run_scoped3A_263, %dma_wait3A_387, %dma_wait3A_388] : memref<5x128x64xf32, #tpu.memory_space<vmem>> -> memref<1x128x64xf32, #tpu.memory_space<vmem>>
        %dma_wait3A_390 = tpu.memref_squeeze %dma_wait3A_389 : memref<1x128x64xf32, #tpu.memory_space<vmem>> -> memref<128x64xf32, #tpu.memory_space<vmem>>
        %dma_wait3A_391 = arith.constant 0 : i32
        %dma_wait3A_392 = tpu.memref_slice %arg7[%add3A_247, %dma_wait3A_391] : memref<80x128xi32, #tpu.memory_space<vmem>> -> memref<1x128xi32, #tpu.memory_space<vmem>>
        %dma_wait3A_393 = tpu.memref_squeeze %dma_wait3A_392 : memref<1x128xi32, #tpu.memory_space<vmem>> -> memref<128xi32, #tpu.memory_space<vmem>>
        %dma_wait3A_394 = arith.constant 0 : i32
        %dma_wait3A_395 = arith.constant 0 : i32
        %dma_wait3A_396 = tpu.memref_slice %arg10[%dma_wait3A_394, %dma_wait3A_395] : memref<10240x64xf32, #tpu.memory_space<vmem_shared>> -> memref<10240x64xf32, #tpu.memory_space<vmem_shared>>
        tpu.wait_indirect_dma semaphore(%run_scoped3A_376 : memref<!tpu.dma_semaphore, #tpu.memory_space<semaphore_mem>>) src(%dma_wait3A_390 : memref<128x64xf32, #tpu.memory_space<vmem>>) dst(%dma_wait3A_396 : memref<10240x64xf32, #tpu.memory_space<vmem_shared>>)
        tpu.yield
      }) : () -> ()
      %add3A_264 = arith.constant 5 : i32
      %add3A_265 = arith.addi %add3A_247, %add3A_264 : i32
      %dma_start3A_266 = arith.constant 1 : i32
      %dma_start3A_267 = arith.constant 0 : i32
      %dma_start3A_268 = arith.constant 0 : i32
      %dma_start3A_269 = tpu.memref_slice %arg8[%dma_start3A_266, %dma_start3A_267, %dma_start3A_268] : memref<5x128x64xf32, #tpu.memory_space<vmem>> -> memref<1x128x64xf32, #tpu.memory_space<vmem>>
      %dma_start3A_270 = tpu.memref_squeeze %dma_start3A_269 : memref<1x128x64xf32, #tpu.memory_space<vmem>> -> memref<128x64xf32, #tpu.memory_space<vmem>>
      %dma_start3A_271 = arith.constant 0 : i32
      %dma_start3A_272 = tpu.memref_slice %arg6[%add3A_265, %dma_start3A_271] : memref<80x128xi32, #tpu.memory_space<vmem>> -> memref<1x128xi32, #tpu.memory_space<vmem>>
      %dma_start3A_273 = tpu.memref_squeeze %dma_start3A_272 : memref<1x128xi32, #tpu.memory_space<vmem>> -> memref<128xi32, #tpu.memory_space<vmem>>
      %dma_start3A_274 = arith.constant 0 : i32
      %dma_start3A_275 = arith.constant 0 : i32
      %dma_start3A_276 = tpu.memref_slice %arg2[%dma_start3A_274, %dma_start3A_275] : memref<10240x64xf32, #tpu.memory_space<hbm>> -> memref<10240x64xf32, #tpu.memory_space<hbm>>
      tpu.enqueue_indirect_dma source(%dma_start3A_276 : memref<10240x64xf32, #tpu.memory_space<hbm>>) target(%dma_start3A_270 : memref<128x64xf32, #tpu.memory_space<vmem>>) offsets(%dma_start3A_273 : memref<128xi32, #tpu.memory_space<vmem>>) semaphore(%arg12 : memref<!tpu.dma_semaphore, #tpu.memory_space<semaphore_mem>>)
      %mul3A_277 = arith.constant 5 : i32
      %mul3A_278 = arith.muli %scan3A_210, %mul3A_277 : i32
      %add3A_279 = arith.constant 2 : i32
      %add3A_280 = arith.addi %mul3A_278, %add3A_279 : i32
      %dma_wait3A_281 = arith.constant 2 : i32
      %dma_wait3A_282 = arith.constant 0 : i32
      %dma_wait3A_283 = arith.constant 0 : i32
      %dma_wait3A_284 = tpu.memref_slice %arg8[%dma_wait3A_281, %dma_wait3A_282, %dma_wait3A_283] : memref<5x128x64xf32, #tpu.memory_space<vmem>> -> memref<1x128x64xf32, #tpu.memory_space<vmem>>
      %dma_wait3A_285 = tpu.memref_squeeze %dma_wait3A_284 : memref<1x128x64xf32, #tpu.memory_space<vmem>> -> memref<128x64xf32, #tpu.memory_space<vmem>>
      %dma_wait3A_286 = arith.constant 0 : i32
      %dma_wait3A_287 = arith.constant 0 : i32
      %dma_wait3A_288 = tpu.memref_slice %arg2[%dma_wait3A_286, %dma_wait3A_287] : memref<10240x64xf32, #tpu.memory_space<hbm>> -> memref<128x64xf32, #tpu.memory_space<hbm>>
      %dma_wait3A_289 = arith.constant 0 : i32
      %dma_wait3A_290 = arith.constant 0 : i32
      %dma_wait3A_291 = tpu.memref_slice %arg8[%dma_wait3A_281, %dma_wait3A_289, %dma_wait3A_290] : memref<5x128x64xf32, #tpu.memory_space<vmem>> -> memref<1x128x64xf32, #tpu.memory_space<vmem>>
      %dma_wait3A_292 = tpu.memref_squeeze %dma_wait3A_291 : memref<1x128x64xf32, #tpu.memory_space<vmem>> -> memref<128x64xf32, #tpu.memory_space<vmem>>
      %dma_wait3A_293 = arith.constant 0 : i32
      %dma_wait3A_294 = arith.constant 0 : i32
      %dma_wait3A_295 = tpu.memref_slice %arg2[%dma_wait3A_293, %dma_wait3A_294] : memref<10240x64xf32, #tpu.memory_space<hbm>> -> memref<128x64xf32, #tpu.memory_space<hbm>>
      tpu.wait_dma2 semaphore(%arg13 : memref<!tpu.dma_semaphore, #tpu.memory_space<semaphore_mem>>) src(%dma_wait3A_295 : memref<128x64xf32, #tpu.memory_space<hbm>>) dst(%dma_wait3A_292 : memref<128x64xf32, #tpu.memory_space<vmem>>)
      %run_scoped3A_296 = arith.constant 2 : i32
      "tpu.region"() ({
        %run_scoped3A_376 = tpu.sem_alloc : memref<!tpu.dma_semaphore, #tpu.memory_space<semaphore_mem>>
        %dma_start3A_377 = arith.constant 0 : i32
        %dma_start3A_378 = arith.constant 0 : i32
        %dma_start3A_379 = tpu.memref_slice %arg8[%run_scoped3A_296, %dma_start3A_377, %dma_start3A_378] : memref<5x128x64xf32, #tpu.memory_space<vmem>> -> memref<1x128x64xf32, #tpu.memory_space<vmem>>
        %dma_start3A_380 = tpu.memref_squeeze %dma_start3A_379 : memref<1x128x64xf32, #tpu.memory_space<vmem>> -> memref<128x64xf32, #tpu.memory_space<vmem>>
        %dma_start3A_381 = arith.constant 0 : i32
        %dma_start3A_382 = tpu.memref_slice %arg7[%add3A_280, %dma_start3A_381] : memref<80x128xi32, #tpu.memory_space<vmem>> -> memref<1x128xi32, #tpu.memory_space<vmem>>
        %dma_start3A_383 = tpu.memref_squeeze %dma_start3A_382 : memref<1x128xi32, #tpu.memory_space<vmem>> -> memref<128xi32, #tpu.memory_space<vmem>>
        %dma_start3A_384 = arith.constant 0 : i32
        %dma_start3A_385 = arith.constant 0 : i32
        %dma_start3A_386 = tpu.memref_slice %arg10[%dma_start3A_384, %dma_start3A_385] : memref<10240x64xf32, #tpu.memory_space<vmem_shared>> -> memref<10240x64xf32, #tpu.memory_space<vmem_shared>>
        tpu.enqueue_indirect_dma source(%dma_start3A_380 : memref<128x64xf32, #tpu.memory_space<vmem>>) target(%dma_start3A_386 : memref<10240x64xf32, #tpu.memory_space<vmem_shared>>) offsets(%dma_start3A_383 : memref<128xi32, #tpu.memory_space<vmem>>) semaphore(%run_scoped3A_376 : memref<!tpu.dma_semaphore, #tpu.memory_space<semaphore_mem>>) {add = true}
        %dma_wait3A_387 = arith.constant 0 : i32
        %dma_wait3A_388 = arith.constant 0 : i32
        %dma_wait3A_389 = tpu.memref_slice %arg8[%run_scoped3A_296, %dma_wait3A_387, %dma_wait3A_388] : memref<5x128x64xf32, #tpu.memory_space<vmem>> -> memref<1x128x64xf32, #tpu.memory_space<vmem>>
        %dma_wait3A_390 = tpu.memref_squeeze %dma_wait3A_389 : memref<1x128x64xf32, #tpu.memory_space<vmem>> -> memref<128x64xf32, #tpu.memory_space<vmem>>
        %dma_wait3A_391 = arith.constant 0 : i32
        %dma_wait3A_392 = tpu.memref_slice %arg7[%add3A_280, %dma_wait3A_391] : memref<80x128xi32, #tpu.memory_space<vmem>> -> memref<1x128xi32, #tpu.memory_space<vmem>>
        %dma_wait3A_393 = tpu.memref_squeeze %dma_wait3A_392 : memref<1x128xi32, #tpu.memory_space<vmem>> -> memref<128xi32, #tpu.memory_space<vmem>>
        %dma_wait3A_394 = arith.constant 0 : i32
        %dma_wait3A_395 = arith.constant 0 : i32
        %dma_wait3A_396 = tpu.memref_slice %arg10[%dma_wait3A_394, %dma_wait3A_395] : memref<10240x64xf32, #tpu.memory_space<vmem_shared>> -> memref<10240x64xf32, #tpu.memory_space<vmem_shared>>
        tpu.wait_indirect_dma semaphore(%run_scoped3A_376 : memref<!tpu.dma_semaphore, #tpu.memory_space<semaphore_mem>>) src(%dma_wait3A_390 : memref<128x64xf32, #tpu.memory_space<vmem>>) dst(%dma_wait3A_396 : memref<10240x64xf32, #tpu.memory_space<vmem_shared>>)
        tpu.yield
      }) : () -> ()
      %add3A_297 = arith.constant 5 : i32
      %add3A_298 = arith.addi %add3A_280, %add3A_297 : i32
      %dma_start3A_299 = arith.constant 2 : i32
      %dma_start3A_300 = arith.constant 0 : i32
      %dma_start3A_301 = arith.constant 0 : i32
      %dma_start3A_302 = tpu.memref_slice %arg8[%dma_start3A_299, %dma_start3A_300, %dma_start3A_301] : memref<5x128x64xf32, #tpu.memory_space<vmem>> -> memref<1x128x64xf32, #tpu.memory_space<vmem>>
      %dma_start3A_303 = tpu.memref_squeeze %dma_start3A_302 : memref<1x128x64xf32, #tpu.memory_space<vmem>> -> memref<128x64xf32, #tpu.memory_space<vmem>>
      %dma_start3A_304 = arith.constant 0 : i32
      %dma_start3A_305 = tpu.memref_slice %arg6[%add3A_298, %dma_start3A_304] : memref<80x128xi32, #tpu.memory_space<vmem>> -> memref<1x128xi32, #tpu.memory_space<vmem>>
      %dma_start3A_306 = tpu.memref_squeeze %dma_start3A_305 : memref<1x128xi32, #tpu.memory_space<vmem>> -> memref<128xi32, #tpu.memory_space<vmem>>
      %dma_start3A_307 = arith.constant 0 : i32
      %dma_start3A_308 = arith.constant 0 : i32
      %dma_start3A_309 = tpu.memref_slice %arg2[%dma_start3A_307, %dma_start3A_308] : memref<10240x64xf32, #tpu.memory_space<hbm>> -> memref<10240x64xf32, #tpu.memory_space<hbm>>
      tpu.enqueue_indirect_dma source(%dma_start3A_309 : memref<10240x64xf32, #tpu.memory_space<hbm>>) target(%dma_start3A_303 : memref<128x64xf32, #tpu.memory_space<vmem>>) offsets(%dma_start3A_306 : memref<128xi32, #tpu.memory_space<vmem>>) semaphore(%arg13 : memref<!tpu.dma_semaphore, #tpu.memory_space<semaphore_mem>>)
      %mul3A_310 = arith.constant 5 : i32
      %mul3A_311 = arith.muli %scan3A_210, %mul3A_310 : i32
      %add3A_312 = arith.constant 3 : i32
      %add3A_313 = arith.addi %mul3A_311, %add3A_312 : i32
      %dma_wait3A_314 = arith.constant 3 : i32
      %dma_wait3A_315 = arith.constant 0 : i32
      %dma_wait3A_316 = arith.constant 0 : i32
      %dma_wait3A_317 = tpu.memref_slice %arg8[%dma_wait3A_314, %dma_wait3A_315, %dma_wait3A_316] : memref<5x128x64xf32, #tpu.memory_space<vmem>> -> memref<1x128x64xf32, #tpu.memory_space<vmem>>
      %dma_wait3A_318 = tpu.memref_squeeze %dma_wait3A_317 : memref<1x128x64xf32, #tpu.memory_space<vmem>> -> memref<128x64xf32, #tpu.memory_space<vmem>>
      %dma_wait3A_319 = arith.constant 0 : i32
      %dma_wait3A_320 = arith.constant 0 : i32
      %dma_wait3A_321 = tpu.memref_slice %arg2[%dma_wait3A_319, %dma_wait3A_320] : memref<10240x64xf32, #tpu.memory_space<hbm>> -> memref<128x64xf32, #tpu.memory_space<hbm>>
      %dma_wait3A_322 = arith.constant 0 : i32
      %dma_wait3A_323 = arith.constant 0 : i32
      %dma_wait3A_324 = tpu.memref_slice %arg8[%dma_wait3A_314, %dma_wait3A_322, %dma_wait3A_323] : memref<5x128x64xf32, #tpu.memory_space<vmem>> -> memref<1x128x64xf32, #tpu.memory_space<vmem>>
      %dma_wait3A_325 = tpu.memref_squeeze %dma_wait3A_324 : memref<1x128x64xf32, #tpu.memory_space<vmem>> -> memref<128x64xf32, #tpu.memory_space<vmem>>
      %dma_wait3A_326 = arith.constant 0 : i32
      %dma_wait3A_327 = arith.constant 0 : i32
      %dma_wait3A_328 = tpu.memref_slice %arg2[%dma_wait3A_326, %dma_wait3A_327] : memref<10240x64xf32, #tpu.memory_space<hbm>> -> memref<128x64xf32, #tpu.memory_space<hbm>>
      tpu.wait_dma2 semaphore(%arg14 : memref<!tpu.dma_semaphore, #tpu.memory_space<semaphore_mem>>) src(%dma_wait3A_328 : memref<128x64xf32, #tpu.memory_space<hbm>>) dst(%dma_wait3A_325 : memref<128x64xf32, #tpu.memory_space<vmem>>)
      %run_scoped3A_329 = arith.constant 3 : i32
      "tpu.region"() ({
        %run_scoped3A_376 = tpu.sem_alloc : memref<!tpu.dma_semaphore, #tpu.memory_space<semaphore_mem>>
        %dma_start3A_377 = arith.constant 0 : i32
        %dma_start3A_378 = arith.constant 0 : i32
        %dma_start3A_379 = tpu.memref_slice %arg8[%run_scoped3A_329, %dma_start3A_377, %dma_start3A_378] : memref<5x128x64xf32, #tpu.memory_space<vmem>> -> memref<1x128x64xf32, #tpu.memory_space<vmem>>
        %dma_start3A_380 = tpu.memref_squeeze %dma_start3A_379 : memref<1x128x64xf32, #tpu.memory_space<vmem>> -> memref<128x64xf32, #tpu.memory_space<vmem>>
        %dma_start3A_381 = arith.constant 0 : i32
        %dma_start3A_382 = tpu.memref_slice %arg7[%add3A_313, %dma_start3A_381] : memref<80x128xi32, #tpu.memory_space<vmem>> -> memref<1x128xi32, #tpu.memory_space<vmem>>
        %dma_start3A_383 = tpu.memref_squeeze %dma_start3A_382 : memref<1x128xi32, #tpu.memory_space<vmem>> -> memref<128xi32, #tpu.memory_space<vmem>>
        %dma_start3A_384 = arith.constant 0 : i32
        %dma_start3A_385 = arith.constant 0 : i32
        %dma_start3A_386 = tpu.memref_slice %arg10[%dma_start3A_384, %dma_start3A_385] : memref<10240x64xf32, #tpu.memory_space<vmem_shared>> -> memref<10240x64xf32, #tpu.memory_space<vmem_shared>>
        tpu.enqueue_indirect_dma source(%dma_start3A_380 : memref<128x64xf32, #tpu.memory_space<vmem>>) target(%dma_start3A_386 : memref<10240x64xf32, #tpu.memory_space<vmem_shared>>) offsets(%dma_start3A_383 : memref<128xi32, #tpu.memory_space<vmem>>) semaphore(%run_scoped3A_376 : memref<!tpu.dma_semaphore, #tpu.memory_space<semaphore_mem>>) {add = true}
        %dma_wait3A_387 = arith.constant 0 : i32
        %dma_wait3A_388 = arith.constant 0 : i32
        %dma_wait3A_389 = tpu.memref_slice %arg8[%run_scoped3A_329, %dma_wait3A_387, %dma_wait3A_388] : memref<5x128x64xf32, #tpu.memory_space<vmem>> -> memref<1x128x64xf32, #tpu.memory_space<vmem>>
        %dma_wait3A_390 = tpu.memref_squeeze %dma_wait3A_389 : memref<1x128x64xf32, #tpu.memory_space<vmem>> -> memref<128x64xf32, #tpu.memory_space<vmem>>
        %dma_wait3A_391 = arith.constant 0 : i32
        %dma_wait3A_392 = tpu.memref_slice %arg7[%add3A_313, %dma_wait3A_391] : memref<80x128xi32, #tpu.memory_space<vmem>> -> memref<1x128xi32, #tpu.memory_space<vmem>>
        %dma_wait3A_393 = tpu.memref_squeeze %dma_wait3A_392 : memref<1x128xi32, #tpu.memory_space<vmem>> -> memref<128xi32, #tpu.memory_space<vmem>>
        %dma_wait3A_394 = arith.constant 0 : i32
        %dma_wait3A_395 = arith.constant 0 : i32
        %dma_wait3A_396 = tpu.memref_slice %arg10[%dma_wait3A_394, %dma_wait3A_395] : memref<10240x64xf32, #tpu.memory_space<vmem_shared>> -> memref<10240x64xf32, #tpu.memory_space<vmem_shared>>
        tpu.wait_indirect_dma semaphore(%run_scoped3A_376 : memref<!tpu.dma_semaphore, #tpu.memory_space<semaphore_mem>>) src(%dma_wait3A_390 : memref<128x64xf32, #tpu.memory_space<vmem>>) dst(%dma_wait3A_396 : memref<10240x64xf32, #tpu.memory_space<vmem_shared>>)
        tpu.yield
      }) : () -> ()
      %add3A_330 = arith.constant 5 : i32
      %add3A_331 = arith.addi %add3A_313, %add3A_330 : i32
      %dma_start3A_332 = arith.constant 3 : i32
      %dma_start3A_333 = arith.constant 0 : i32
      %dma_start3A_334 = arith.constant 0 : i32
      %dma_start3A_335 = tpu.memref_slice %arg8[%dma_start3A_332, %dma_start3A_333, %dma_start3A_334] : memref<5x128x64xf32, #tpu.memory_space<vmem>> -> memref<1x128x64xf32, #tpu.memory_space<vmem>>
      %dma_start3A_336 = tpu.memref_squeeze %dma_start3A_335 : memref<1x128x64xf32, #tpu.memory_space<vmem>> -> memref<128x64xf32, #tpu.memory_space<vmem>>
      %dma_start3A_337 = arith.constant 0 : i32
      %dma_start3A_338 = tpu.memref_slice %arg6[%add3A_331, %dma_start3A_337] : memref<80x128xi32, #tpu.memory_space<vmem>> -> memref<1x128xi32, #tpu.memory_space<vmem>>
      %dma_start3A_339 = tpu.memref_squeeze %dma_start3A_338 : memref<1x128xi32, #tpu.memory_space<vmem>> -> memref<128xi32, #tpu.memory_space<vmem>>
      %dma_start3A_340 = arith.constant 0 : i32
      %dma_start3A_341 = arith.constant 0 : i32
      %dma_start3A_342 = tpu.memref_slice %arg2[%dma_start3A_340, %dma_start3A_341] : memref<10240x64xf32, #tpu.memory_space<hbm>> -> memref<10240x64xf32, #tpu.memory_space<hbm>>
      tpu.enqueue_indirect_dma source(%dma_start3A_342 : memref<10240x64xf32, #tpu.memory_space<hbm>>) target(%dma_start3A_336 : memref<128x64xf32, #tpu.memory_space<vmem>>) offsets(%dma_start3A_339 : memref<128xi32, #tpu.memory_space<vmem>>) semaphore(%arg14 : memref<!tpu.dma_semaphore, #tpu.memory_space<semaphore_mem>>)
      %mul3A_343 = arith.constant 5 : i32
      %mul3A_344 = arith.muli %scan3A_210, %mul3A_343 : i32
      %add3A_345 = arith.constant 4 : i32
      %add3A_346 = arith.addi %mul3A_344, %add3A_345 : i32
      %dma_wait3A_347 = arith.constant 4 : i32
      %dma_wait3A_348 = arith.constant 0 : i32
      %dma_wait3A_349 = arith.constant 0 : i32
      %dma_wait3A_350 = tpu.memref_slice %arg8[%dma_wait3A_347, %dma_wait3A_348, %dma_wait3A_349] : memref<5x128x64xf32, #tpu.memory_space<vmem>> -> memref<1x128x64xf32, #tpu.memory_space<vmem>>
      %dma_wait3A_351 = tpu.memref_squeeze %dma_wait3A_350 : memref<1x128x64xf32, #tpu.memory_space<vmem>> -> memref<128x64xf32, #tpu.memory_space<vmem>>
      %dma_wait3A_352 = arith.constant 0 : i32
      %dma_wait3A_353 = arith.constant 0 : i32
      %dma_wait3A_354 = tpu.memref_slice %arg2[%dma_wait3A_352, %dma_wait3A_353] : memref<10240x64xf32, #tpu.memory_space<hbm>> -> memref<128x64xf32, #tpu.memory_space<hbm>>
      %dma_wait3A_355 = arith.constant 0 : i32
      %dma_wait3A_356 = arith.constant 0 : i32
      %dma_wait3A_357 = tpu.memref_slice %arg8[%dma_wait3A_347, %dma_wait3A_355, %dma_wait3A_356] : memref<5x128x64xf32, #tpu.memory_space<vmem>> -> memref<1x128x64xf32, #tpu.memory_space<vmem>>
      %dma_wait3A_358 = tpu.memref_squeeze %dma_wait3A_357 : memref<1x128x64xf32, #tpu.memory_space<vmem>> -> memref<128x64xf32, #tpu.memory_space<vmem>>
      %dma_wait3A_359 = arith.constant 0 : i32
      %dma_wait3A_360 = arith.constant 0 : i32
      %dma_wait3A_361 = tpu.memref_slice %arg2[%dma_wait3A_359, %dma_wait3A_360] : memref<10240x64xf32, #tpu.memory_space<hbm>> -> memref<128x64xf32, #tpu.memory_space<hbm>>
      tpu.wait_dma2 semaphore(%arg15 : memref<!tpu.dma_semaphore, #tpu.memory_space<semaphore_mem>>) src(%dma_wait3A_361 : memref<128x64xf32, #tpu.memory_space<hbm>>) dst(%dma_wait3A_358 : memref<128x64xf32, #tpu.memory_space<vmem>>)
      %run_scoped3A_362 = arith.constant 4 : i32
      "tpu.region"() ({
        %run_scoped3A_376 = tpu.sem_alloc : memref<!tpu.dma_semaphore, #tpu.memory_space<semaphore_mem>>
        %dma_start3A_377 = arith.constant 0 : i32
        %dma_start3A_378 = arith.constant 0 : i32
        %dma_start3A_379 = tpu.memref_slice %arg8[%run_scoped3A_362, %dma_start3A_377, %dma_start3A_378] : memref<5x128x64xf32, #tpu.memory_space<vmem>> -> memref<1x128x64xf32, #tpu.memory_space<vmem>>
        %dma_start3A_380 = tpu.memref_squeeze %dma_start3A_379 : memref<1x128x64xf32, #tpu.memory_space<vmem>> -> memref<128x64xf32, #tpu.memory_space<vmem>>
        %dma_start3A_381 = arith.constant 0 : i32
        %dma_start3A_382 = tpu.memref_slice %arg7[%add3A_346, %dma_start3A_381] : memref<80x128xi32, #tpu.memory_space<vmem>> -> memref<1x128xi32, #tpu.memory_space<vmem>>
        %dma_start3A_383 = tpu.memref_squeeze %dma_start3A_382 : memref<1x128xi32, #tpu.memory_space<vmem>> -> memref<128xi32, #tpu.memory_space<vmem>>
        %dma_start3A_384 = arith.constant 0 : i32
        %dma_start3A_385 = arith.constant 0 : i32
        %dma_start3A_386 = tpu.memref_slice %arg10[%dma_start3A_384, %dma_start3A_385] : memref<10240x64xf32, #tpu.memory_space<vmem_shared>> -> memref<10240x64xf32, #tpu.memory_space<vmem_shared>>
        tpu.enqueue_indirect_dma source(%dma_start3A_380 : memref<128x64xf32, #tpu.memory_space<vmem>>) target(%dma_start3A_386 : memref<10240x64xf32, #tpu.memory_space<vmem_shared>>) offsets(%dma_start3A_383 : memref<128xi32, #tpu.memory_space<vmem>>) semaphore(%run_scoped3A_376 : memref<!tpu.dma_semaphore, #tpu.memory_space<semaphore_mem>>) {add = true}
        %dma_wait3A_387 = arith.constant 0 : i32
        %dma_wait3A_388 = arith.constant 0 : i32
        %dma_wait3A_389 = tpu.memref_slice %arg8[%run_scoped3A_362, %dma_wait3A_387, %dma_wait3A_388] : memref<5x128x64xf32, #tpu.memory_space<vmem>> -> memref<1x128x64xf32, #tpu.memory_space<vmem>>
        %dma_wait3A_390 = tpu.memref_squeeze %dma_wait3A_389 : memref<1x128x64xf32, #tpu.memory_space<vmem>> -> memref<128x64xf32, #tpu.memory_space<vmem>>
        %dma_wait3A_391 = arith.constant 0 : i32
        %dma_wait3A_392 = tpu.memref_slice %arg7[%add3A_346, %dma_wait3A_391] : memref<80x128xi32, #tpu.memory_space<vmem>> -> memref<1x128xi32, #tpu.memory_space<vmem>>
        %dma_wait3A_393 = tpu.memref_squeeze %dma_wait3A_392 : memref<1x128xi32, #tpu.memory_space<vmem>> -> memref<128xi32, #tpu.memory_space<vmem>>
        %dma_wait3A_394 = arith.constant 0 : i32
        %dma_wait3A_395 = arith.constant 0 : i32
        %dma_wait3A_396 = tpu.memref_slice %arg10[%dma_wait3A_394, %dma_wait3A_395] : memref<10240x64xf32, #tpu.memory_space<vmem_shared>> -> memref<10240x64xf32, #tpu.memory_space<vmem_shared>>
        tpu.wait_indirect_dma semaphore(%run_scoped3A_376 : memref<!tpu.dma_semaphore, #tpu.memory_space<semaphore_mem>>) src(%dma_wait3A_390 : memref<128x64xf32, #tpu.memory_space<vmem>>) dst(%dma_wait3A_396 : memref<10240x64xf32, #tpu.memory_space<vmem_shared>>)
        tpu.yield
      }) : () -> ()
      %add3A_363 = arith.constant 5 : i32
      %add3A_364 = arith.addi %add3A_346, %add3A_363 : i32
      %dma_start3A_365 = arith.constant 4 : i32
      %dma_start3A_366 = arith.constant 0 : i32
      %dma_start3A_367 = arith.constant 0 : i32
      %dma_start3A_368 = tpu.memref_slice %arg8[%dma_start3A_365, %dma_start3A_366, %dma_start3A_367] : memref<5x128x64xf32, #tpu.memory_space<vmem>> -> memref<1x128x64xf32, #tpu.memory_space<vmem>>
      %dma_start3A_369 = tpu.memref_squeeze %dma_start3A_368 : memref<1x128x64xf32, #tpu.memory_space<vmem>> -> memref<128x64xf32, #tpu.memory_space<vmem>>
      %dma_start3A_370 = arith.constant 0 : i32
      %dma_start3A_371 = tpu.memref_slice %arg6[%add3A_364, %dma_start3A_370] : memref<80x128xi32, #tpu.memory_space<vmem>> -> memref<1x128xi32, #tpu.memory_space<vmem>>
      %dma_start3A_372 = tpu.memref_squeeze %dma_start3A_371 : memref<1x128xi32, #tpu.memory_space<vmem>> -> memref<128xi32, #tpu.memory_space<vmem>>
      %dma_start3A_373 = arith.constant 0 : i32
      %dma_start3A_374 = arith.constant 0 : i32
      %dma_start3A_375 = tpu.memref_slice %arg2[%dma_start3A_373, %dma_start3A_374] : memref<10240x64xf32, #tpu.memory_space<hbm>> -> memref<10240x64xf32, #tpu.memory_space<hbm>>
      tpu.enqueue_indirect_dma source(%dma_start3A_375 : memref<10240x64xf32, #tpu.memory_space<hbm>>) target(%dma_start3A_369 : memref<128x64xf32, #tpu.memory_space<vmem>>) offsets(%dma_start3A_372 : memref<128xi32, #tpu.memory_space<vmem>>) semaphore(%arg15 : memref<!tpu.dma_semaphore, #tpu.memory_space<semaphore_mem>>)
    }
    %scan3A_120 = arith.constant 15 : i32
    %dma_wait3A_121 = arith.constant 0 : i32
    %dma_wait3A_122 = arith.constant 0 : i32
    %dma_wait3A_123 = arith.constant 0 : i32
    %dma_wait3A_124 = tpu.memref_slice %arg8[%dma_wait3A_121, %dma_wait3A_122, %dma_wait3A_123] : memref<5x128x64xf32, #tpu.memory_space<vmem>> -> memref<1x128x64xf32, #tpu.memory_space<vmem>>
    %dma_wait3A_125 = tpu.memref_squeeze %dma_wait3A_124 : memref<1x128x64xf32, #tpu.memory_space<vmem>> -> memref<128x64xf32, #tpu.memory_space<vmem>>
    %dma_wait3A_126 = arith.constant 0 : i32
    %dma_wait3A_127 = arith.constant 0 : i32
    %dma_wait3A_128 = tpu.memref_slice %arg2[%dma_wait3A_126, %dma_wait3A_127] : memref<10240x64xf32, #tpu.memory_space<hbm>> -> memref<128x64xf32, #tpu.memory_space<hbm>>
    %dma_wait3A_129 = arith.constant 0 : i32
    %dma_wait3A_130 = arith.constant 0 : i32
    %dma_wait3A_131 = tpu.memref_slice %arg8[%dma_wait3A_121, %dma_wait3A_129, %dma_wait3A_130] : memref<5x128x64xf32, #tpu.memory_space<vmem>> -> memref<1x128x64xf32, #tpu.memory_space<vmem>>
    %dma_wait3A_132 = tpu.memref_squeeze %dma_wait3A_131 : memref<1x128x64xf32, #tpu.memory_space<vmem>> -> memref<128x64xf32, #tpu.memory_space<vmem>>
    %dma_wait3A_133 = arith.constant 0 : i32
    %dma_wait3A_134 = arith.constant 0 : i32
    %dma_wait3A_135 = tpu.memref_slice %arg2[%dma_wait3A_133, %dma_wait3A_134] : memref<10240x64xf32, #tpu.memory_space<hbm>> -> memref<128x64xf32, #tpu.memory_space<hbm>>
    tpu.wait_dma2 semaphore(%arg11 : memref<!tpu.dma_semaphore, #tpu.memory_space<semaphore_mem>>) src(%dma_wait3A_135 : memref<128x64xf32, #tpu.memory_space<hbm>>) dst(%dma_wait3A_132 : memref<128x64xf32, #tpu.memory_space<vmem>>)
    %run_scoped3A = arith.constant 0 : i32
    %run_scoped3A_136 = arith.constant 75 : i32
    "tpu.region"() ({
      %run_scoped3A_210 = tpu.sem_alloc : memref<!tpu.dma_semaphore, #tpu.memory_space<semaphore_mem>>
      %dma_start3A_211 = arith.constant 0 : i32
      %dma_start3A_212 = arith.constant 0 : i32
      %dma_start3A_213 = tpu.memref_slice %arg8[%run_scoped3A, %dma_start3A_211, %dma_start3A_212] : memref<5x128x64xf32, #tpu.memory_space<vmem>> -> memref<1x128x64xf32, #tpu.memory_space<vmem>>
      %dma_start3A_214 = tpu.memref_squeeze %dma_start3A_213 : memref<1x128x64xf32, #tpu.memory_space<vmem>> -> memref<128x64xf32, #tpu.memory_space<vmem>>
      %dma_start3A_215 = arith.constant 0 : i32
      %dma_start3A_216 = tpu.memref_slice %arg7[%run_scoped3A_136, %dma_start3A_215] : memref<80x128xi32, #tpu.memory_space<vmem>> -> memref<1x128xi32, #tpu.memory_space<vmem>>
      %dma_start3A_217 = tpu.memref_squeeze %dma_start3A_216 : memref<1x128xi32, #tpu.memory_space<vmem>> -> memref<128xi32, #tpu.memory_space<vmem>>
      %dma_start3A_218 = arith.constant 0 : i32
      %dma_start3A_219 = arith.constant 0 : i32
      %dma_start3A_220 = tpu.memref_slice %arg10[%dma_start3A_218, %dma_start3A_219] : memref<10240x64xf32, #tpu.memory_space<vmem_shared>> -> memref<10240x64xf32, #tpu.memory_space<vmem_shared>>
      tpu.enqueue_indirect_dma source(%dma_start3A_214 : memref<128x64xf32, #tpu.memory_space<vmem>>) target(%dma_start3A_220 : memref<10240x64xf32, #tpu.memory_space<vmem_shared>>) offsets(%dma_start3A_217 : memref<128xi32, #tpu.memory_space<vmem>>) semaphore(%run_scoped3A_210 : memref<!tpu.dma_semaphore, #tpu.memory_space<semaphore_mem>>) {add = true}
      %dma_wait3A_221 = arith.constant 0 : i32
      %dma_wait3A_222 = arith.constant 0 : i32
      %dma_wait3A_223 = tpu.memref_slice %arg8[%run_scoped3A, %dma_wait3A_221, %dma_wait3A_222] : memref<5x128x64xf32, #tpu.memory_space<vmem>> -> memref<1x128x64xf32, #tpu.memory_space<vmem>>
      %dma_wait3A_224 = tpu.memref_squeeze %dma_wait3A_223 : memref<1x128x64xf32, #tpu.memory_space<vmem>> -> memref<128x64xf32, #tpu.memory_space<vmem>>
      %dma_wait3A_225 = arith.constant 0 : i32
      %dma_wait3A_226 = tpu.memref_slice %arg7[%run_scoped3A_136, %dma_wait3A_225] : memref<80x128xi32, #tpu.memory_space<vmem>> -> memref<1x128xi32, #tpu.memory_space<vmem>>
      %dma_wait3A_227 = tpu.memref_squeeze %dma_wait3A_226 : memref<1x128xi32, #tpu.memory_space<vmem>> -> memref<128xi32, #tpu.memory_space<vmem>>
      %dma_wait3A_228 = arith.constant 0 : i32
      %dma_wait3A_229 = arith.constant 0 : i32
      %dma_wait3A_230 = tpu.memref_slice %arg10[%dma_wait3A_228, %dma_wait3A_229] : memref<10240x64xf32, #tpu.memory_space<vmem_shared>> -> memref<10240x64xf32, #tpu.memory_space<vmem_shared>>
      tpu.wait_indirect_dma semaphore(%run_scoped3A_210 : memref<!tpu.dma_semaphore, #tpu.memory_space<semaphore_mem>>) src(%dma_wait3A_224 : memref<128x64xf32, #tpu.memory_space<vmem>>) dst(%dma_wait3A_230 : memref<10240x64xf32, #tpu.memory_space<vmem_shared>>)
      tpu.yield
    }) : () -> ()
    %dma_wait3A_137 = arith.constant 1 : i32
    %dma_wait3A_138 = arith.constant 0 : i32
    %dma_wait3A_139 = arith.constant 0 : i32
    %dma_wait3A_140 = tpu.memref_slice %arg8[%dma_wait3A_137, %dma_wait3A_138, %dma_wait3A_139] : memref<5x128x64xf32, #tpu.memory_space<vmem>> -> memref<1x128x64xf32, #tpu.memory_space<vmem>>
    %dma_wait3A_141 = tpu.memref_squeeze %dma_wait3A_140 : memref<1x128x64xf32, #tpu.memory_space<vmem>> -> memref<128x64xf32, #tpu.memory_space<vmem>>
    %dma_wait3A_142 = arith.constant 0 : i32
    %dma_wait3A_143 = arith.constant 0 : i32
    %dma_wait3A_144 = tpu.memref_slice %arg2[%dma_wait3A_142, %dma_wait3A_143] : memref<10240x64xf32, #tpu.memory_space<hbm>> -> memref<128x64xf32, #tpu.memory_space<hbm>>
    %dma_wait3A_145 = arith.constant 0 : i32
    %dma_wait3A_146 = arith.constant 0 : i32
    %dma_wait3A_147 = tpu.memref_slice %arg8[%dma_wait3A_137, %dma_wait3A_145, %dma_wait3A_146] : memref<5x128x64xf32, #tpu.memory_space<vmem>> -> memref<1x128x64xf32, #tpu.memory_space<vmem>>
    %dma_wait3A_148 = tpu.memref_squeeze %dma_wait3A_147 : memref<1x128x64xf32, #tpu.memory_space<vmem>> -> memref<128x64xf32, #tpu.memory_space<vmem>>
    %dma_wait3A_149 = arith.constant 0 : i32
    %dma_wait3A_150 = arith.constant 0 : i32
    %dma_wait3A_151 = tpu.memref_slice %arg2[%dma_wait3A_149, %dma_wait3A_150] : memref<10240x64xf32, #tpu.memory_space<hbm>> -> memref<128x64xf32, #tpu.memory_space<hbm>>
    tpu.wait_dma2 semaphore(%arg12 : memref<!tpu.dma_semaphore, #tpu.memory_space<semaphore_mem>>) src(%dma_wait3A_151 : memref<128x64xf32, #tpu.memory_space<hbm>>) dst(%dma_wait3A_148 : memref<128x64xf32, #tpu.memory_space<vmem>>)
    %run_scoped3A_152 = arith.constant 1 : i32
    %run_scoped3A_153 = arith.constant 76 : i32
    "tpu.region"() ({
      %run_scoped3A_210 = tpu.sem_alloc : memref<!tpu.dma_semaphore, #tpu.memory_space<semaphore_mem>>
      %dma_start3A_211 = arith.constant 0 : i32
      %dma_start3A_212 = arith.constant 0 : i32
      %dma_start3A_213 = tpu.memref_slice %arg8[%run_scoped3A_152, %dma_start3A_211, %dma_start3A_212] : memref<5x128x64xf32, #tpu.memory_space<vmem>> -> memref<1x128x64xf32, #tpu.memory_space<vmem>>
      %dma_start3A_214 = tpu.memref_squeeze %dma_start3A_213 : memref<1x128x64xf32, #tpu.memory_space<vmem>> -> memref<128x64xf32, #tpu.memory_space<vmem>>
      %dma_start3A_215 = arith.constant 0 : i32
      %dma_start3A_216 = tpu.memref_slice %arg7[%run_scoped3A_153, %dma_start3A_215] : memref<80x128xi32, #tpu.memory_space<vmem>> -> memref<1x128xi32, #tpu.memory_space<vmem>>
      %dma_start3A_217 = tpu.memref_squeeze %dma_start3A_216 : memref<1x128xi32, #tpu.memory_space<vmem>> -> memref<128xi32, #tpu.memory_space<vmem>>
      %dma_start3A_218 = arith.constant 0 : i32
      %dma_start3A_219 = arith.constant 0 : i32
      %dma_start3A_220 = tpu.memref_slice %arg10[%dma_start3A_218, %dma_start3A_219] : memref<10240x64xf32, #tpu.memory_space<vmem_shared>> -> memref<10240x64xf32, #tpu.memory_space<vmem_shared>>
      tpu.enqueue_indirect_dma source(%dma_start3A_214 : memref<128x64xf32, #tpu.memory_space<vmem>>) target(%dma_start3A_220 : memref<10240x64xf32, #tpu.memory_space<vmem_shared>>) offsets(%dma_start3A_217 : memref<128xi32, #tpu.memory_space<vmem>>) semaphore(%run_scoped3A_210 : memref<!tpu.dma_semaphore, #tpu.memory_space<semaphore_mem>>) {add = true}
      %dma_wait3A_221 = arith.constant 0 : i32
      %dma_wait3A_222 = arith.constant 0 : i32
      %dma_wait3A_223 = tpu.memref_slice %arg8[%run_scoped3A_152, %dma_wait3A_221, %dma_wait3A_222] : memref<5x128x64xf32, #tpu.memory_space<vmem>> -> memref<1x128x64xf32, #tpu.memory_space<vmem>>
      %dma_wait3A_224 = tpu.memref_squeeze %dma_wait3A_223 : memref<1x128x64xf32, #tpu.memory_space<vmem>> -> memref<128x64xf32, #tpu.memory_space<vmem>>
      %dma_wait3A_225 = arith.constant 0 : i32
      %dma_wait3A_226 = tpu.memref_slice %arg7[%run_scoped3A_153, %dma_wait3A_225] : memref<80x128xi32, #tpu.memory_space<vmem>> -> memref<1x128xi32, #tpu.memory_space<vmem>>
      %dma_wait3A_227 = tpu.memref_squeeze %dma_wait3A_226 : memref<1x128xi32, #tpu.memory_space<vmem>> -> memref<128xi32, #tpu.memory_space<vmem>>
      %dma_wait3A_228 = arith.constant 0 : i32
      %dma_wait3A_229 = arith.constant 0 : i32
      %dma_wait3A_230 = tpu.memref_slice %arg10[%dma_wait3A_228, %dma_wait3A_229] : memref<10240x64xf32, #tpu.memory_space<vmem_shared>> -> memref<10240x64xf32, #tpu.memory_space<vmem_shared>>
      tpu.wait_indirect_dma semaphore(%run_scoped3A_210 : memref<!tpu.dma_semaphore, #tpu.memory_space<semaphore_mem>>) src(%dma_wait3A_224 : memref<128x64xf32, #tpu.memory_space<vmem>>) dst(%dma_wait3A_230 : memref<10240x64xf32, #tpu.memory_space<vmem_shared>>)
      tpu.yield
    }) : () -> ()
    %dma_wait3A_154 = arith.constant 2 : i32
    %dma_wait3A_155 = arith.constant 0 : i32
    %dma_wait3A_156 = arith.constant 0 : i32
    %dma_wait3A_157 = tpu.memref_slice %arg8[%dma_wait3A_154, %dma_wait3A_155, %dma_wait3A_156] : memref<5x128x64xf32, #tpu.memory_space<vmem>> -> memref<1x128x64xf32, #tpu.memory_space<vmem>>
    %dma_wait3A_158 = tpu.memref_squeeze %dma_wait3A_157 : memref<1x128x64xf32, #tpu.memory_space<vmem>> -> memref<128x64xf32, #tpu.memory_space<vmem>>
    %dma_wait3A_159 = arith.constant 0 : i32
    %dma_wait3A_160 = arith.constant 0 : i32
    %dma_wait3A_161 = tpu.memref_slice %arg2[%dma_wait3A_159, %dma_wait3A_160] : memref<10240x64xf32, #tpu.memory_space<hbm>> -> memref<128x64xf32, #tpu.memory_space<hbm>>
    %dma_wait3A_162 = arith.constant 0 : i32
    %dma_wait3A_163 = arith.constant 0 : i32
    %dma_wait3A_164 = tpu.memref_slice %arg8[%dma_wait3A_154, %dma_wait3A_162, %dma_wait3A_163] : memref<5x128x64xf32, #tpu.memory_space<vmem>> -> memref<1x128x64xf32, #tpu.memory_space<vmem>>
    %dma_wait3A_165 = tpu.memref_squeeze %dma_wait3A_164 : memref<1x128x64xf32, #tpu.memory_space<vmem>> -> memref<128x64xf32, #tpu.memory_space<vmem>>
    %dma_wait3A_166 = arith.constant 0 : i32
    %dma_wait3A_167 = arith.constant 0 : i32
    %dma_wait3A_168 = tpu.memref_slice %arg2[%dma_wait3A_166, %dma_wait3A_167] : memref<10240x64xf32, #tpu.memory_space<hbm>> -> memref<128x64xf32, #tpu.memory_space<hbm>>
    tpu.wait_dma2 semaphore(%arg13 : memref<!tpu.dma_semaphore, #tpu.memory_space<semaphore_mem>>) src(%dma_wait3A_168 : memref<128x64xf32, #tpu.memory_space<hbm>>) dst(%dma_wait3A_165 : memref<128x64xf32, #tpu.memory_space<vmem>>)
    %run_scoped3A_169 = arith.constant 2 : i32
    %run_scoped3A_170 = arith.constant 77 : i32
    "tpu.region"() ({
      %run_scoped3A_210 = tpu.sem_alloc : memref<!tpu.dma_semaphore, #tpu.memory_space<semaphore_mem>>
      %dma_start3A_211 = arith.constant 0 : i32
      %dma_start3A_212 = arith.constant 0 : i32
      %dma_start3A_213 = tpu.memref_slice %arg8[%run_scoped3A_169, %dma_start3A_211, %dma_start3A_212] : memref<5x128x64xf32, #tpu.memory_space<vmem>> -> memref<1x128x64xf32, #tpu.memory_space<vmem>>
      %dma_start3A_214 = tpu.memref_squeeze %dma_start3A_213 : memref<1x128x64xf32, #tpu.memory_space<vmem>> -> memref<128x64xf32, #tpu.memory_space<vmem>>
      %dma_start3A_215 = arith.constant 0 : i32
      %dma_start3A_216 = tpu.memref_slice %arg7[%run_scoped3A_170, %dma_start3A_215] : memref<80x128xi32, #tpu.memory_space<vmem>> -> memref<1x128xi32, #tpu.memory_space<vmem>>
      %dma_start3A_217 = tpu.memref_squeeze %dma_start3A_216 : memref<1x128xi32, #tpu.memory_space<vmem>> -> memref<128xi32, #tpu.memory_space<vmem>>
      %dma_start3A_218 = arith.constant 0 : i32
      %dma_start3A_219 = arith.constant 0 : i32
      %dma_start3A_220 = tpu.memref_slice %arg10[%dma_start3A_218, %dma_start3A_219] : memref<10240x64xf32, #tpu.memory_space<vmem_shared>> -> memref<10240x64xf32, #tpu.memory_space<vmem_shared>>
      tpu.enqueue_indirect_dma source(%dma_start3A_214 : memref<128x64xf32, #tpu.memory_space<vmem>>) target(%dma_start3A_220 : memref<10240x64xf32, #tpu.memory_space<vmem_shared>>) offsets(%dma_start3A_217 : memref<128xi32, #tpu.memory_space<vmem>>) semaphore(%run_scoped3A_210 : memref<!tpu.dma_semaphore, #tpu.memory_space<semaphore_mem>>) {add = true}
      %dma_wait3A_221 = arith.constant 0 : i32
      %dma_wait3A_222 = arith.constant 0 : i32
      %dma_wait3A_223 = tpu.memref_slice %arg8[%run_scoped3A_169, %dma_wait3A_221, %dma_wait3A_222] : memref<5x128x64xf32, #tpu.memory_space<vmem>> -> memref<1x128x64xf32, #tpu.memory_space<vmem>>
      %dma_wait3A_224 = tpu.memref_squeeze %dma_wait3A_223 : memref<1x128x64xf32, #tpu.memory_space<vmem>> -> memref<128x64xf32, #tpu.memory_space<vmem>>
      %dma_wait3A_225 = arith.constant 0 : i32
      %dma_wait3A_226 = tpu.memref_slice %arg7[%run_scoped3A_170, %dma_wait3A_225] : memref<80x128xi32, #tpu.memory_space<vmem>> -> memref<1x128xi32, #tpu.memory_space<vmem>>
      %dma_wait3A_227 = tpu.memref_squeeze %dma_wait3A_226 : memref<1x128xi32, #tpu.memory_space<vmem>> -> memref<128xi32, #tpu.memory_space<vmem>>
      %dma_wait3A_228 = arith.constant 0 : i32
      %dma_wait3A_229 = arith.constant 0 : i32
      %dma_wait3A_230 = tpu.memref_slice %arg10[%dma_wait3A_228, %dma_wait3A_229] : memref<10240x64xf32, #tpu.memory_space<vmem_shared>> -> memref<10240x64xf32, #tpu.memory_space<vmem_shared>>
      tpu.wait_indirect_dma semaphore(%run_scoped3A_210 : memref<!tpu.dma_semaphore, #tpu.memory_space<semaphore_mem>>) src(%dma_wait3A_224 : memref<128x64xf32, #tpu.memory_space<vmem>>) dst(%dma_wait3A_230 : memref<10240x64xf32, #tpu.memory_space<vmem_shared>>)
      tpu.yield
    }) : () -> ()
    %dma_wait3A_171 = arith.constant 3 : i32
    %dma_wait3A_172 = arith.constant 0 : i32
    %dma_wait3A_173 = arith.constant 0 : i32
    %dma_wait3A_174 = tpu.memref_slice %arg8[%dma_wait3A_171, %dma_wait3A_172, %dma_wait3A_173] : memref<5x128x64xf32, #tpu.memory_space<vmem>> -> memref<1x128x64xf32, #tpu.memory_space<vmem>>
    %dma_wait3A_175 = tpu.memref_squeeze %dma_wait3A_174 : memref<1x128x64xf32, #tpu.memory_space<vmem>> -> memref<128x64xf32, #tpu.memory_space<vmem>>
    %dma_wait3A_176 = arith.constant 0 : i32
    %dma_wait3A_177 = arith.constant 0 : i32
    %dma_wait3A_178 = tpu.memref_slice %arg2[%dma_wait3A_176, %dma_wait3A_177] : memref<10240x64xf32, #tpu.memory_space<hbm>> -> memref<128x64xf32, #tpu.memory_space<hbm>>
    %dma_wait3A_179 = arith.constant 0 : i32
    %dma_wait3A_180 = arith.constant 0 : i32
    %dma_wait3A_181 = tpu.memref_slice %arg8[%dma_wait3A_171, %dma_wait3A_179, %dma_wait3A_180] : memref<5x128x64xf32, #tpu.memory_space<vmem>> -> memref<1x128x64xf32, #tpu.memory_space<vmem>>
    %dma_wait3A_182 = tpu.memref_squeeze %dma_wait3A_181 : memref<1x128x64xf32, #tpu.memory_space<vmem>> -> memref<128x64xf32, #tpu.memory_space<vmem>>
    %dma_wait3A_183 = arith.constant 0 : i32
    %dma_wait3A_184 = arith.constant 0 : i32
    %dma_wait3A_185 = tpu.memref_slice %arg2[%dma_wait3A_183, %dma_wait3A_184] : memref<10240x64xf32, #tpu.memory_space<hbm>> -> memref<128x64xf32, #tpu.memory_space<hbm>>
    tpu.wait_dma2 semaphore(%arg14 : memref<!tpu.dma_semaphore, #tpu.memory_space<semaphore_mem>>) src(%dma_wait3A_185 : memref<128x64xf32, #tpu.memory_space<hbm>>) dst(%dma_wait3A_182 : memref<128x64xf32, #tpu.memory_space<vmem>>)
    %run_scoped3A_186 = arith.constant 3 : i32
    %run_scoped3A_187 = arith.constant 78 : i32
    "tpu.region"() ({
      %run_scoped3A_210 = tpu.sem_alloc : memref<!tpu.dma_semaphore, #tpu.memory_space<semaphore_mem>>
      %dma_start3A_211 = arith.constant 0 : i32
      %dma_start3A_212 = arith.constant 0 : i32
      %dma_start3A_213 = tpu.memref_slice %arg8[%run_scoped3A_186, %dma_start3A_211, %dma_start3A_212] : memref<5x128x64xf32, #tpu.memory_space<vmem>> -> memref<1x128x64xf32, #tpu.memory_space<vmem>>
      %dma_start3A_214 = tpu.memref_squeeze %dma_start3A_213 : memref<1x128x64xf32, #tpu.memory_space<vmem>> -> memref<128x64xf32, #tpu.memory_space<vmem>>
      %dma_start3A_215 = arith.constant 0 : i32
      %dma_start3A_216 = tpu.memref_slice %arg7[%run_scoped3A_187, %dma_start3A_215] : memref<80x128xi32, #tpu.memory_space<vmem>> -> memref<1x128xi32, #tpu.memory_space<vmem>>
      %dma_start3A_217 = tpu.memref_squeeze %dma_start3A_216 : memref<1x128xi32, #tpu.memory_space<vmem>> -> memref<128xi32, #tpu.memory_space<vmem>>
      %dma_start3A_218 = arith.constant 0 : i32
      %dma_start3A_219 = arith.constant 0 : i32
      %dma_start3A_220 = tpu.memref_slice %arg10[%dma_start3A_218, %dma_start3A_219] : memref<10240x64xf32, #tpu.memory_space<vmem_shared>> -> memref<10240x64xf32, #tpu.memory_space<vmem_shared>>
      tpu.enqueue_indirect_dma source(%dma_start3A_214 : memref<128x64xf32, #tpu.memory_space<vmem>>) target(%dma_start3A_220 : memref<10240x64xf32, #tpu.memory_space<vmem_shared>>) offsets(%dma_start3A_217 : memref<128xi32, #tpu.memory_space<vmem>>) semaphore(%run_scoped3A_210 : memref<!tpu.dma_semaphore, #tpu.memory_space<semaphore_mem>>) {add = true}
      %dma_wait3A_221 = arith.constant 0 : i32
      %dma_wait3A_222 = arith.constant 0 : i32
      %dma_wait3A_223 = tpu.memref_slice %arg8[%run_scoped3A_186, %dma_wait3A_221, %dma_wait3A_222] : memref<5x128x64xf32, #tpu.memory_space<vmem>> -> memref<1x128x64xf32, #tpu.memory_space<vmem>>
      %dma_wait3A_224 = tpu.memref_squeeze %dma_wait3A_223 : memref<1x128x64xf32, #tpu.memory_space<vmem>> -> memref<128x64xf32, #tpu.memory_space<vmem>>
      %dma_wait3A_225 = arith.constant 0 : i32
      %dma_wait3A_226 = tpu.memref_slice %arg7[%run_scoped3A_187, %dma_wait3A_225] : memref<80x128xi32, #tpu.memory_space<vmem>> -> memref<1x128xi32, #tpu.memory_space<vmem>>
      %dma_wait3A_227 = tpu.memref_squeeze %dma_wait3A_226 : memref<1x128xi32, #tpu.memory_space<vmem>> -> memref<128xi32, #tpu.memory_space<vmem>>
      %dma_wait3A_228 = arith.constant 0 : i32
      %dma_wait3A_229 = arith.constant 0 : i32
      %dma_wait3A_230 = tpu.memref_slice %arg10[%dma_wait3A_228, %dma_wait3A_229] : memref<10240x64xf32, #tpu.memory_space<vmem_shared>> -> memref<10240x64xf32, #tpu.memory_space<vmem_shared>>
      tpu.wait_indirect_dma semaphore(%run_scoped3A_210 : memref<!tpu.dma_semaphore, #tpu.memory_space<semaphore_mem>>) src(%dma_wait3A_224 : memref<128x64xf32, #tpu.memory_space<vmem>>) dst(%dma_wait3A_230 : memref<10240x64xf32, #tpu.memory_space<vmem_shared>>)
      tpu.yield
    }) : () -> ()
    %dma_wait3A_188 = arith.constant 4 : i32
    %dma_wait3A_189 = arith.constant 0 : i32
    %dma_wait3A_190 = arith.constant 0 : i32
    %dma_wait3A_191 = tpu.memref_slice %arg8[%dma_wait3A_188, %dma_wait3A_189, %dma_wait3A_190] : memref<5x128x64xf32, #tpu.memory_space<vmem>> -> memref<1x128x64xf32, #tpu.memory_space<vmem>>
    %dma_wait3A_192 = tpu.memref_squeeze %dma_wait3A_191 : memref<1x128x64xf32, #tpu.memory_space<vmem>> -> memref<128x64xf32, #tpu.memory_space<vmem>>
    %dma_wait3A_193 = arith.constant 0 : i32
    %dma_wait3A_194 = arith.constant 0 : i32
    %dma_wait3A_195 = tpu.memref_slice %arg2[%dma_wait3A_193, %dma_wait3A_194] : memref<10240x64xf32, #tpu.memory_space<hbm>> -> memref<128x64xf32, #tpu.memory_space<hbm>>
    %dma_wait3A_196 = arith.constant 0 : i32
    %dma_wait3A_197 = arith.constant 0 : i32
    %dma_wait3A_198 = tpu.memref_slice %arg8[%dma_wait3A_188, %dma_wait3A_196, %dma_wait3A_197] : memref<5x128x64xf32, #tpu.memory_space<vmem>> -> memref<1x128x64xf32, #tpu.memory_space<vmem>>
    %dma_wait3A_199 = tpu.memref_squeeze %dma_wait3A_198 : memref<1x128x64xf32, #tpu.memory_space<vmem>> -> memref<128x64xf32, #tpu.memory_space<vmem>>
    %dma_wait3A_200 = arith.constant 0 : i32
    %dma_wait3A_201 = arith.constant 0 : i32
    %dma_wait3A_202 = tpu.memref_slice %arg2[%dma_wait3A_200, %dma_wait3A_201] : memref<10240x64xf32, #tpu.memory_space<hbm>> -> memref<128x64xf32, #tpu.memory_space<hbm>>
    tpu.wait_dma2 semaphore(%arg15 : memref<!tpu.dma_semaphore, #tpu.memory_space<semaphore_mem>>) src(%dma_wait3A_202 : memref<128x64xf32, #tpu.memory_space<hbm>>) dst(%dma_wait3A_199 : memref<128x64xf32, #tpu.memory_space<vmem>>)
    %run_scoped3A_203 = arith.constant 4 : i32
    %run_scoped3A_204 = arith.constant 79 : i32
    "tpu.region"() ({
      %run_scoped3A_210 = tpu.sem_alloc : memref<!tpu.dma_semaphore, #tpu.memory_space<semaphore_mem>>
      %dma_start3A_211 = arith.constant 0 : i32
      %dma_start3A_212 = arith.constant 0 : i32
      %dma_start3A_213 = tpu.memref_slice %arg8[%run_scoped3A_203, %dma_start3A_211, %dma_start3A_212] : memref<5x128x64xf32, #tpu.memory_space<vmem>> -> memref<1x128x64xf32, #tpu.memory_space<vmem>>
      %dma_start3A_214 = tpu.memref_squeeze %dma_start3A_213 : memref<1x128x64xf32, #tpu.memory_space<vmem>> -> memref<128x64xf32, #tpu.memory_space<vmem>>
      %dma_start3A_215 = arith.constant 0 : i32
      %dma_start3A_216 = tpu.memref_slice %arg7[%run_scoped3A_204, %dma_start3A_215] : memref<80x128xi32, #tpu.memory_space<vmem>> -> memref<1x128xi32, #tpu.memory_space<vmem>>
      %dma_start3A_217 = tpu.memref_squeeze %dma_start3A_216 : memref<1x128xi32, #tpu.memory_space<vmem>> -> memref<128xi32, #tpu.memory_space<vmem>>
      %dma_start3A_218 = arith.constant 0 : i32
      %dma_start3A_219 = arith.constant 0 : i32
      %dma_start3A_220 = tpu.memref_slice %arg10[%dma_start3A_218, %dma_start3A_219] : memref<10240x64xf32, #tpu.memory_space<vmem_shared>> -> memref<10240x64xf32, #tpu.memory_space<vmem_shared>>
      tpu.enqueue_indirect_dma source(%dma_start3A_214 : memref<128x64xf32, #tpu.memory_space<vmem>>) target(%dma_start3A_220 : memref<10240x64xf32, #tpu.memory_space<vmem_shared>>) offsets(%dma_start3A_217 : memref<128xi32, #tpu.memory_space<vmem>>) semaphore(%run_scoped3A_210 : memref<!tpu.dma_semaphore, #tpu.memory_space<semaphore_mem>>) {add = true}
      %dma_wait3A_221 = arith.constant 0 : i32
      %dma_wait3A_222 = arith.constant 0 : i32
      %dma_wait3A_223 = tpu.memref_slice %arg8[%run_scoped3A_203, %dma_wait3A_221, %dma_wait3A_222] : memref<5x128x64xf32, #tpu.memory_space<vmem>> -> memref<1x128x64xf32, #tpu.memory_space<vmem>>
      %dma_wait3A_224 = tpu.memref_squeeze %dma_wait3A_223 : memref<1x128x64xf32, #tpu.memory_space<vmem>> -> memref<128x64xf32, #tpu.memory_space<vmem>>
      %dma_wait3A_225 = arith.constant 0 : i32
      %dma_wait3A_226 = tpu.memref_slice %arg7[%run_scoped3A_204, %dma_wait3A_225] : memref<80x128xi32, #tpu.memory_space<vmem>> -> memref<1x128xi32, #tpu.memory_space<vmem>>
      %dma_wait3A_227 = tpu.memref_squeeze %dma_wait3A_226 : memref<1x128xi32, #tpu.memory_space<vmem>> -> memref<128xi32, #tpu.memory_space<vmem>>
      %dma_wait3A_228 = arith.constant 0 : i32
      %dma_wait3A_229 = arith.constant 0 : i32
      %dma_wait3A_230 = tpu.memref_slice %arg10[%dma_wait3A_228, %dma_wait3A_229] : memref<10240x64xf32, #tpu.memory_space<vmem_shared>> -> memref<10240x64xf32, #tpu.memory_space<vmem_shared>>
      tpu.wait_indirect_dma semaphore(%run_scoped3A_210 : memref<!tpu.dma_semaphore, #tpu.memory_space<semaphore_mem>>) src(%dma_wait3A_224 : memref<128x64xf32, #tpu.memory_space<vmem>>) dst(%dma_wait3A_230 : memref<10240x64xf32, #tpu.memory_space<vmem_shared>>)
      tpu.yield
    }) : () -> ()
    %barrier3A_205 = arith.constant 0 : index
    tpu.barrier barrier_id(%barrier3A_205)
    %mul3A_206 = arith.constant 640 : i32
    %mul3A_207 = arith.muli %arg1, %mul3A_206 : i32
    %mul3A_208 = arith.constant 640 : i32
    %mul3A_209 = arith.muli %arg1, %mul3A_208 : i32
    "tpu.region"() ({
      %run_scoped3A_210 = tpu.sem_alloc : memref<!tpu.dma_semaphore, #tpu.memory_space<semaphore_mem>>
      %dma_start3A_211 = arith.constant 0 : i32
      %dma_start3A_212 = tpu.memref_slice %arg5[%arg0, %mul3A_209, %dma_start3A_211] : memref<2x10240x64xf32, #tpu.memory_space<hbm>> -> memref<1x640x64xf32, #tpu.memory_space<hbm>>
      %dma_start3A_213 = tpu.memref_squeeze %dma_start3A_212 : memref<1x640x64xf32, #tpu.memory_space<hbm>> -> memref<640x64xf32, #tpu.memory_space<hbm>>
      %dma_start3A_214 = arith.constant 0 : i32
      %dma_start3A_215 = tpu.memref_slice %arg10[%mul3A_207, %dma_start3A_214] : memref<10240x64xf32, #tpu.memory_space<vmem_shared>> -> memref<640x64xf32, #tpu.memory_space<vmem_shared>>
      tpu.enqueue_dma source(%dma_start3A_215 : memref<640x64xf32, #tpu.memory_space<vmem_shared>>) target(%dma_start3A_213 : memref<640x64xf32, #tpu.memory_space<hbm>>) target_semaphore(%run_scoped3A_210 : memref<!tpu.dma_semaphore, #tpu.memory_space<semaphore_mem>>)
      %dma_wait3A_216 = arith.constant 0 : i32
      %dma_wait3A_217 = tpu.memref_slice %arg5[%arg0, %mul3A_209, %dma_wait3A_216] : memref<2x10240x64xf32, #tpu.memory_space<hbm>> -> memref<1x640x64xf32, #tpu.memory_space<hbm>>
      %dma_wait3A_218 = tpu.memref_squeeze %dma_wait3A_217 : memref<1x640x64xf32, #tpu.memory_space<hbm>> -> memref<640x64xf32, #tpu.memory_space<hbm>>
      %dma_wait3A_219 = arith.constant 0 : i32
      %dma_wait3A_220 = tpu.memref_slice %arg10[%mul3A_207, %dma_wait3A_219] : memref<10240x64xf32, #tpu.memory_space<vmem_shared>> -> memref<640x64xf32, #tpu.memory_space<vmem_shared>>
      tpu.wait_dma2 semaphore(%run_scoped3A_210 : memref<!tpu.dma_semaphore, #tpu.memory_space<semaphore_mem>>) src(%dma_wait3A_220 : memref<640x64xf32, #tpu.memory_space<vmem_shared>>) dst(%dma_wait3A_218 : memref<640x64xf32, #tpu.memory_space<hbm>>)
      tpu.yield
    }) : () -> ()
    return
  }
}

#map = affine_map<(d0, d1) -> (0, 0)>
#map1 = affine_map<(d0, d1) -> (0, 0, 0)>
module attributes {stable_mosaic.version = 14 : i64} {
  func.func @sc_pass_body(%arg0: i32, %arg1: i32, %arg2: memref<10240x64xf32, #tpu.memory_space<hbm>>, %arg3: memref<32x80x128xi32, #tpu.memory_space<hbm>>, %arg4: memref<32x80x128xi32, #tpu.memory_space<hbm>>, %arg5: memref<2x10240x64xf32, #tpu.memory_space<hbm>>, %arg6: memref<2x10240x16xf32, #tpu.memory_space<hbm>>, %arg7: memref<80x128xi32, #tpu.memory_space<vmem>>, %arg8: memref<80x128xi32, #tpu.memory_space<vmem>>, %arg9: memref<5x128x64xf32, #tpu.memory_space<vmem>>, %arg10: memref<160x64xf32, #tpu.memory_space<vmem>>, %arg11: memref<10240x64xf32, #tpu.memory_space<vmem_shared>>, %arg12: memref<128x16xf32, #tpu.memory_space<vmem>>, %arg13: memref<10240x16xf32, #tpu.memory_space<vmem_shared>>, %arg14: memref<!tpu.dma_semaphore, #tpu.memory_space<semaphore_mem>>, %arg15: memref<!tpu.dma_semaphore, #tpu.memory_space<semaphore_mem>>, %arg16: memref<!tpu.dma_semaphore, #tpu.memory_space<semaphore_mem>>, %arg17: memref<!tpu.dma_semaphore, #tpu.memory_space<semaphore_mem>>, %arg18: memref<!tpu.dma_semaphore, #tpu.memory_space<semaphore_mem>>, %arg19: memref<!tpu.dma_semaphore, #tpu.memory_space<semaphore_mem>>, %arg20: memref<!tpu.dma_semaphore, #tpu.memory_space<semaphore_mem>>, %arg21: memref<!tpu.dma_semaphore, #tpu.memory_space<semaphore_mem>>) attributes {dimension_semantics = [#tpu.dimension_semantics<core_parallel>, #tpu.dimension_semantics<subcore_parallel>], iteration_bounds = array<i64: 2, 16>, scalar_prefetch = 0 : i64, scratch_operands = 15 : i64, tpu.core_type = #tpu.core_type<sc_vector_subcore>, window_params = [{transform_indices = #map}, {transform_indices = #map1}, {transform_indices = #map1}, {transform_indices = #map1}, {transform_indices = #map1}]} {
    %mul3A = arith.constant 16 : i32
    %mul3A_0 = arith.muli %arg0, %mul3A : i32
    %add3A = arith.addi %mul3A_0, %arg1 : i32
    %dma_start3A = arith.constant 0 : i32
    %dma_start3A_1 = arith.constant 0 : i32
    %dma_start3A_2 = tpu.memref_slice %arg3[%add3A, %dma_start3A, %dma_start3A_1] : memref<32x80x128xi32, #tpu.memory_space<hbm>> -> memref<1x80x128xi32, #tpu.memory_space<hbm>>
    %dma_start3A_3 = tpu.memref_squeeze %dma_start3A_2 : memref<1x80x128xi32, #tpu.memory_space<hbm>> -> memref<80x128xi32, #tpu.memory_space<hbm>>
    %dma_start3A_4 = arith.constant 0 : i32
    %dma_start3A_5 = arith.constant 0 : i32
    %dma_start3A_6 = tpu.memref_slice %arg3[%add3A, %dma_start3A_4, %dma_start3A_5] : memref<32x80x128xi32, #tpu.memory_space<hbm>> -> memref<1x80x128xi32, #tpu.memory_space<hbm>>
    %dma_start3A_7 = tpu.memref_squeeze %dma_start3A_6 : memref<1x80x128xi32, #tpu.memory_space<hbm>> -> memref<80x128xi32, #tpu.memory_space<hbm>>
    tpu.enqueue_dma source(%dma_start3A_7 : memref<80x128xi32, #tpu.memory_space<hbm>>) target(%arg7 : memref<80x128xi32, #tpu.memory_space<vmem>>) target_semaphore(%arg19 : memref<!tpu.dma_semaphore, #tpu.memory_space<semaphore_mem>>)
    %dma_start3A_8 = arith.constant 0 : i32
    %dma_start3A_9 = arith.constant 0 : i32
    %dma_start3A_10 = tpu.memref_slice %arg4[%add3A, %dma_start3A_8, %dma_start3A_9] : memref<32x80x128xi32, #tpu.memory_space<hbm>> -> memref<1x80x128xi32, #tpu.memory_space<hbm>>
    %dma_start3A_11 = tpu.memref_squeeze %dma_start3A_10 : memref<1x80x128xi32, #tpu.memory_space<hbm>> -> memref<80x128xi32, #tpu.memory_space<hbm>>
    %dma_start3A_12 = arith.constant 0 : i32
    %dma_start3A_13 = arith.constant 0 : i32
    %dma_start3A_14 = tpu.memref_slice %arg4[%add3A, %dma_start3A_12, %dma_start3A_13] : memref<32x80x128xi32, #tpu.memory_space<hbm>> -> memref<1x80x128xi32, #tpu.memory_space<hbm>>
    %dma_start3A_15 = tpu.memref_squeeze %dma_start3A_14 : memref<1x80x128xi32, #tpu.memory_space<hbm>> -> memref<80x128xi32, #tpu.memory_space<hbm>>
    tpu.enqueue_dma source(%dma_start3A_15 : memref<80x128xi32, #tpu.memory_space<hbm>>) target(%arg8 : memref<80x128xi32, #tpu.memory_space<vmem>>) target_semaphore(%arg20 : memref<!tpu.dma_semaphore, #tpu.memory_space<semaphore_mem>>)
    %broadcast_in_dim3A = arith.constant 0.000000e+00 : f32
    %broadcast_in_dim3A_16 = vector.broadcast %broadcast_in_dim3A : f32 to vector<16xf32>
    %broadcast_in_dim3A_17 = arith.constant 1.000000e+00 : f32
    %broadcast_in_dim3A_18 = vector.broadcast %broadcast_in_dim3A_17 : f32 to vector<16xf32>
    %scan3A = arith.constant 0 : i32
    %scan3A_19 = arith.constant 0 : i32
    %scan3A_20 = arith.constant 160 : i32
    %scan3A_21 = arith.addi %scan3A_19, %scan3A_20 : i32
    %scan3A_22 = arith.constant 1 : i32
    scf.for %scan3A_277 = %scan3A_19 to %scan3A_21 step %scan3A_22  : i32 {
      %swap3A = arith.index_cast %scan3A_277 : i32 to index
      %swap3A_278 = arith.constant 0 : index
      %swap3A_279 = tpu.vector_load %arg10[%swap3A, %swap3A_278] {strides = array<i32>} : memref<160x64xf32, #tpu.memory_space<vmem>>, vector<1x16xf32>,
      %swap3A_280 = vector.shape_cast %swap3A_279 : vector<1x16xf32> to vector<16xf32>
      %swap3A_281 = vector.shape_cast %broadcast_in_dim3A_16 : vector<16xf32> to vector<1x16xf32>
      tpu.vector_store %arg10[%swap3A, %swap3A_278], %swap3A_281 {strides = array<i32>} : memref<160x64xf32, #tpu.memory_space<vmem>>, vector<1x16xf32>,
      %swap3A_282 = arith.index_cast %scan3A_277 : i32 to index
      %swap3A_283 = arith.constant 16 : index
      %swap3A_284 = tpu.vector_load %arg10[%swap3A_282, %swap3A_283] {strides = array<i32>} : memref<160x64xf32, #tpu.memory_space<vmem>>, vector<1x16xf32>,
      %swap3A_285 = vector.shape_cast %swap3A_284 : vector<1x16xf32> to vector<16xf32>
      %swap3A_286 = vector.shape_cast %broadcast_in_dim3A_16 : vector<16xf32> to vector<1x16xf32>
      tpu.vector_store %arg10[%swap3A_282, %swap3A_283], %swap3A_286 {strides = array<i32>} : memref<160x64xf32, #tpu.memory_space<vmem>>, vector<1x16xf32>,
      %swap3A_287 = arith.index_cast %scan3A_277 : i32 to index
      %swap3A_288 = arith.constant 32 : index
      %swap3A_289 = tpu.vector_load %arg10[%swap3A_287, %swap3A_288] {strides = array<i32>} : memref<160x64xf32, #tpu.memory_space<vmem>>, vector<1x16xf32>,
      %swap3A_290 = vector.shape_cast %swap3A_289 : vector<1x16xf32> to vector<16xf32>
      %swap3A_291 = vector.shape_cast %broadcast_in_dim3A_16 : vector<16xf32> to vector<1x16xf32>
      tpu.vector_store %arg10[%swap3A_287, %swap3A_288], %swap3A_291 {strides = array<i32>} : memref<160x64xf32, #tpu.memory_space<vmem>>, vector<1x16xf32>,
      %swap3A_292 = arith.index_cast %scan3A_277 : i32 to index
      %swap3A_293 = arith.constant 48 : index
      %swap3A_294 = tpu.vector_load %arg10[%swap3A_292, %swap3A_293] {strides = array<i32>} : memref<160x64xf32, #tpu.memory_space<vmem>>, vector<1x16xf32>,
      %swap3A_295 = vector.shape_cast %swap3A_294 : vector<1x16xf32> to vector<16xf32>
      %swap3A_296 = vector.shape_cast %broadcast_in_dim3A_16 : vector<16xf32> to vector<1x16xf32>
      tpu.vector_store %arg10[%swap3A_292, %swap3A_293], %swap3A_296 {strides = array<i32>} : memref<160x64xf32, #tpu.memory_space<vmem>>, vector<1x16xf32>,
    }
    %scan3A_23 = arith.constant 160 : i32
    %scan3A_24 = arith.constant 0 : i32
    %scan3A_25 = arith.constant 0 : i32
    %scan3A_26 = arith.constant 128 : i32
    %scan3A_27 = arith.addi %scan3A_25, %scan3A_26 : i32
    %scan3A_28 = arith.constant 1 : i32
    scf.for %scan3A_277 = %scan3A_25 to %scan3A_27 step %scan3A_28  : i32 {
      %swap3A = arith.index_cast %scan3A_277 : i32 to index
      %swap3A_278 = arith.constant 0 : index
      %swap3A_279 = tpu.vector_load %arg12[%swap3A, %swap3A_278] {strides = array<i32>} : memref<128x16xf32, #tpu.memory_space<vmem>>, vector<1x16xf32>,
      %swap3A_280 = vector.shape_cast %swap3A_279 : vector<1x16xf32> to vector<16xf32>
      %swap3A_281 = vector.shape_cast %broadcast_in_dim3A_18 : vector<16xf32> to vector<1x16xf32>
      tpu.vector_store %arg12[%swap3A, %swap3A_278], %swap3A_281 {strides = array<i32>} : memref<128x16xf32, #tpu.memory_space<vmem>>, vector<1x16xf32>,
    }
    %scan3A_29 = arith.constant 128 : i32
    %dma_wait3A = arith.constant 0 : i32
    %dma_wait3A_30 = arith.constant 0 : i32
    %dma_wait3A_31 = tpu.memref_slice %arg3[%add3A, %dma_wait3A, %dma_wait3A_30] : memref<32x80x128xi32, #tpu.memory_space<hbm>> -> memref<1x80x128xi32, #tpu.memory_space<hbm>>
    %dma_wait3A_32 = tpu.memref_squeeze %dma_wait3A_31 : memref<1x80x128xi32, #tpu.memory_space<hbm>> -> memref<80x128xi32, #tpu.memory_space<hbm>>
    %dma_wait3A_33 = arith.constant 0 : i32
    %dma_wait3A_34 = arith.constant 0 : i32
    %dma_wait3A_35 = tpu.memref_slice %arg3[%add3A, %dma_wait3A_33, %dma_wait3A_34] : memref<32x80x128xi32, #tpu.memory_space<hbm>> -> memref<1x80x128xi32, #tpu.memory_space<hbm>>
    %dma_wait3A_36 = tpu.memref_squeeze %dma_wait3A_35 : memref<1x80x128xi32, #tpu.memory_space<hbm>> -> memref<80x128xi32, #tpu.memory_space<hbm>>
    tpu.wait_dma2 semaphore(%arg19 : memref<!tpu.dma_semaphore, #tpu.memory_space<semaphore_mem>>) src(%dma_wait3A_36 : memref<80x128xi32, #tpu.memory_space<hbm>>) dst(%arg7 : memref<80x128xi32, #tpu.memory_space<vmem>>)
    %dma_start3A_37 = arith.constant 0 : i32
    %dma_start3A_38 = arith.constant 0 : i32
    %dma_start3A_39 = arith.constant 0 : i32
    %dma_start3A_40 = arith.constant 0 : i32
    %dma_start3A_41 = tpu.memref_slice %arg9[%dma_start3A_38, %dma_start3A_39, %dma_start3A_40] : memref<5x128x64xf32, #tpu.memory_space<vmem>> -> memref<1x128x64xf32, #tpu.memory_space<vmem>>
    %dma_start3A_42 = tpu.memref_squeeze %dma_start3A_41 : memref<1x128x64xf32, #tpu.memory_space<vmem>> -> memref<128x64xf32, #tpu.memory_space<vmem>>
    %dma_start3A_43 = arith.constant 0 : i32
    %dma_start3A_44 = tpu.memref_slice %arg7[%dma_start3A_37, %dma_start3A_43] : memref<80x128xi32, #tpu.memory_space<vmem>> -> memref<1x128xi32, #tpu.memory_space<vmem>>
    %dma_start3A_45 = tpu.memref_squeeze %dma_start3A_44 : memref<1x128xi32, #tpu.memory_space<vmem>> -> memref<128xi32, #tpu.memory_space<vmem>>
    %dma_start3A_46 = arith.constant 0 : i32
    %dma_start3A_47 = arith.constant 0 : i32
    %dma_start3A_48 = tpu.memref_slice %arg2[%dma_start3A_46, %dma_start3A_47] : memref<10240x64xf32, #tpu.memory_space<hbm>> -> memref<10240x64xf32, #tpu.memory_space<hbm>>
    tpu.enqueue_indirect_dma source(%dma_start3A_48 : memref<10240x64xf32, #tpu.memory_space<hbm>>) target(%dma_start3A_42 : memref<128x64xf32, #tpu.memory_space<vmem>>) offsets(%dma_start3A_45 : memref<128xi32, #tpu.memory_space<vmem>>) semaphore(%arg14 : memref<!tpu.dma_semaphore, #tpu.memory_space<semaphore_mem>>)
    %dma_start3A_49 = arith.constant 1 : i32
    %dma_start3A_50 = arith.constant 1 : i32
    %dma_start3A_51 = arith.constant 0 : i32
    %dma_start3A_52 = arith.constant 0 : i32
    %dma_start3A_53 = tpu.memref_slice %arg9[%dma_start3A_50, %dma_start3A_51, %dma_start3A_52] : memref<5x128x64xf32, #tpu.memory_space<vmem>> -> memref<1x128x64xf32, #tpu.memory_space<vmem>>
    %dma_start3A_54 = tpu.memref_squeeze %dma_start3A_53 : memref<1x128x64xf32, #tpu.memory_space<vmem>> -> memref<128x64xf32, #tpu.memory_space<vmem>>
    %dma_start3A_55 = arith.constant 0 : i32
    %dma_start3A_56 = tpu.memref_slice %arg7[%dma_start3A_49, %dma_start3A_55] : memref<80x128xi32, #tpu.memory_space<vmem>> -> memref<1x128xi32, #tpu.memory_space<vmem>>
    %dma_start3A_57 = tpu.memref_squeeze %dma_start3A_56 : memref<1x128xi32, #tpu.memory_space<vmem>> -> memref<128xi32, #tpu.memory_space<vmem>>
    %dma_start3A_58 = arith.constant 0 : i32
    %dma_start3A_59 = arith.constant 0 : i32
    %dma_start3A_60 = tpu.memref_slice %arg2[%dma_start3A_58, %dma_start3A_59] : memref<10240x64xf32, #tpu.memory_space<hbm>> -> memref<10240x64xf32, #tpu.memory_space<hbm>>
    tpu.enqueue_indirect_dma source(%dma_start3A_60 : memref<10240x64xf32, #tpu.memory_space<hbm>>) target(%dma_start3A_54 : memref<128x64xf32, #tpu.memory_space<vmem>>) offsets(%dma_start3A_57 : memref<128xi32, #tpu.memory_space<vmem>>) semaphore(%arg15 : memref<!tpu.dma_semaphore, #tpu.memory_space<semaphore_mem>>)
    %dma_start3A_61 = arith.constant 2 : i32
    %dma_start3A_62 = arith.constant 2 : i32
    %dma_start3A_63 = arith.constant 0 : i32
    %dma_start3A_64 = arith.constant 0 : i32
    %dma_start3A_65 = tpu.memref_slice %arg9[%dma_start3A_62, %dma_start3A_63, %dma_start3A_64] : memref<5x128x64xf32, #tpu.memory_space<vmem>> -> memref<1x128x64xf32, #tpu.memory_space<vmem>>
    %dma_start3A_66 = tpu.memref_squeeze %dma_start3A_65 : memref<1x128x64xf32, #tpu.memory_space<vmem>> -> memref<128x64xf32, #tpu.memory_space<vmem>>
    %dma_start3A_67 = arith.constant 0 : i32
    %dma_start3A_68 = tpu.memref_slice %arg7[%dma_start3A_61, %dma_start3A_67] : memref<80x128xi32, #tpu.memory_space<vmem>> -> memref<1x128xi32, #tpu.memory_space<vmem>>
    %dma_start3A_69 = tpu.memref_squeeze %dma_start3A_68 : memref<1x128xi32, #tpu.memory_space<vmem>> -> memref<128xi32, #tpu.memory_space<vmem>>
    %dma_start3A_70 = arith.constant 0 : i32
    %dma_start3A_71 = arith.constant 0 : i32
    %dma_start3A_72 = tpu.memref_slice %arg2[%dma_start3A_70, %dma_start3A_71] : memref<10240x64xf32, #tpu.memory_space<hbm>> -> memref<10240x64xf32, #tpu.memory_space<hbm>>
    tpu.enqueue_indirect_dma source(%dma_start3A_72 : memref<10240x64xf32, #tpu.memory_space<hbm>>) target(%dma_start3A_66 : memref<128x64xf32, #tpu.memory_space<vmem>>) offsets(%dma_start3A_69 : memref<128xi32, #tpu.memory_space<vmem>>) semaphore(%arg16 : memref<!tpu.dma_semaphore, #tpu.memory_space<semaphore_mem>>)
    %dma_start3A_73 = arith.constant 3 : i32
    %dma_start3A_74 = arith.constant 3 : i32
    %dma_start3A_75 = arith.constant 0 : i32
    %dma_start3A_76 = arith.constant 0 : i32
    %dma_start3A_77 = tpu.memref_slice %arg9[%dma_start3A_74, %dma_start3A_75, %dma_start3A_76] : memref<5x128x64xf32, #tpu.memory_space<vmem>> -> memref<1x128x64xf32, #tpu.memory_space<vmem>>
    %dma_start3A_78 = tpu.memref_squeeze %dma_start3A_77 : memref<1x128x64xf32, #tpu.memory_space<vmem>> -> memref<128x64xf32, #tpu.memory_space<vmem>>
    %dma_start3A_79 = arith.constant 0 : i32
    %dma_start3A_80 = tpu.memref_slice %arg7[%dma_start3A_73, %dma_start3A_79] : memref<80x128xi32, #tpu.memory_space<vmem>> -> memref<1x128xi32, #tpu.memory_space<vmem>>
    %dma_start3A_81 = tpu.memref_squeeze %dma_start3A_80 : memref<1x128xi32, #tpu.memory_space<vmem>> -> memref<128xi32, #tpu.memory_space<vmem>>
    %dma_start3A_82 = arith.constant 0 : i32
    %dma_start3A_83 = arith.constant 0 : i32
    %dma_start3A_84 = tpu.memref_slice %arg2[%dma_start3A_82, %dma_start3A_83] : memref<10240x64xf32, #tpu.memory_space<hbm>> -> memref<10240x64xf32, #tpu.memory_space<hbm>>
    tpu.enqueue_indirect_dma source(%dma_start3A_84 : memref<10240x64xf32, #tpu.memory_space<hbm>>) target(%dma_start3A_78 : memref<128x64xf32, #tpu.memory_space<vmem>>) offsets(%dma_start3A_81 : memref<128xi32, #tpu.memory_space<vmem>>) semaphore(%arg17 : memref<!tpu.dma_semaphore, #tpu.memory_space<semaphore_mem>>)
    %dma_start3A_85 = arith.constant 4 : i32
    %dma_start3A_86 = arith.constant 4 : i32
    %dma_start3A_87 = arith.constant 0 : i32
    %dma_start3A_88 = arith.constant 0 : i32
    %dma_start3A_89 = tpu.memref_slice %arg9[%dma_start3A_86, %dma_start3A_87, %dma_start3A_88] : memref<5x128x64xf32, #tpu.memory_space<vmem>> -> memref<1x128x64xf32, #tpu.memory_space<vmem>>
    %dma_start3A_90 = tpu.memref_squeeze %dma_start3A_89 : memref<1x128x64xf32, #tpu.memory_space<vmem>> -> memref<128x64xf32, #tpu.memory_space<vmem>>
    %dma_start3A_91 = arith.constant 0 : i32
    %dma_start3A_92 = tpu.memref_slice %arg7[%dma_start3A_85, %dma_start3A_91] : memref<80x128xi32, #tpu.memory_space<vmem>> -> memref<1x128xi32, #tpu.memory_space<vmem>>
    %dma_start3A_93 = tpu.memref_squeeze %dma_start3A_92 : memref<1x128xi32, #tpu.memory_space<vmem>> -> memref<128xi32, #tpu.memory_space<vmem>>
    %dma_start3A_94 = arith.constant 0 : i32
    %dma_start3A_95 = arith.constant 0 : i32
    %dma_start3A_96 = tpu.memref_slice %arg2[%dma_start3A_94, %dma_start3A_95] : memref<10240x64xf32, #tpu.memory_space<hbm>> -> memref<10240x64xf32, #tpu.memory_space<hbm>>
    tpu.enqueue_indirect_dma source(%dma_start3A_96 : memref<10240x64xf32, #tpu.memory_space<hbm>>) target(%dma_start3A_90 : memref<128x64xf32, #tpu.memory_space<vmem>>) offsets(%dma_start3A_93 : memref<128xi32, #tpu.memory_space<vmem>>) semaphore(%arg18 : memref<!tpu.dma_semaphore, #tpu.memory_space<semaphore_mem>>)
    %mul3A_97 = arith.constant 640 : i32
    %mul3A_98 = arith.muli %arg1, %mul3A_97 : i32
    %add3A_99 = arith.constant 0 : i32
    %add3A_100 = arith.addi %mul3A_98, %add3A_99 : i32
    "tpu.region"() ({
      %run_scoped3A_277 = tpu.sem_alloc : memref<!tpu.dma_semaphore, #tpu.memory_space<semaphore_mem>>
      %dma_start3A_278 = arith.constant 0 : i32
      %dma_start3A_279 = tpu.memref_slice %arg11[%add3A_100, %dma_start3A_278] : memref<10240x64xf32, #tpu.memory_space<vmem_shared>> -> memref<160x64xf32, #tpu.memory_space<vmem_shared>>
      %dma_start3A_280 = arith.constant 0 : i32
      %dma_start3A_281 = tpu.memref_slice %arg11[%add3A_100, %dma_start3A_280] : memref<10240x64xf32, #tpu.memory_space<vmem_shared>> -> memref<160x64xf32, #tpu.memory_space<vmem_shared>>
      tpu.enqueue_dma source(%arg10 : memref<160x64xf32, #tpu.memory_space<vmem>>) target(%dma_start3A_281 : memref<160x64xf32, #tpu.memory_space<vmem_shared>>) target_semaphore(%run_scoped3A_277 : memref<!tpu.dma_semaphore, #tpu.memory_space<semaphore_mem>>)
      %dma_wait3A_282 = arith.constant 0 : i32
      %dma_wait3A_283 = tpu.memref_slice %arg11[%add3A_100, %dma_wait3A_282] : memref<10240x64xf32, #tpu.memory_space<vmem_shared>> -> memref<160x64xf32, #tpu.memory_space<vmem_shared>>
      %dma_wait3A_284 = arith.constant 0 : i32
      %dma_wait3A_285 = tpu.memref_slice %arg11[%add3A_100, %dma_wait3A_284] : memref<10240x64xf32, #tpu.memory_space<vmem_shared>> -> memref<160x64xf32, #tpu.memory_space<vmem_shared>>
      tpu.wait_dma2 semaphore(%run_scoped3A_277 : memref<!tpu.dma_semaphore, #tpu.memory_space<semaphore_mem>>) src(%arg10 : memref<160x64xf32, #tpu.memory_space<vmem>>) dst(%dma_wait3A_285 : memref<160x64xf32, #tpu.memory_space<vmem_shared>>)
      tpu.yield
    }) : () -> ()
    %mul3A_101 = arith.constant 640 : i32
    %mul3A_102 = arith.muli %arg1, %mul3A_101 : i32
    %add3A_103 = arith.constant 160 : i32
    %add3A_104 = arith.addi %mul3A_102, %add3A_103 : i32
    "tpu.region"() ({
      %run_scoped3A_277 = tpu.sem_alloc : memref<!tpu.dma_semaphore, #tpu.memory_space<semaphore_mem>>
      %dma_start3A_278 = arith.constant 0 : i32
      %dma_start3A_279 = tpu.memref_slice %arg11[%add3A_104, %dma_start3A_278] : memref<10240x64xf32, #tpu.memory_space<vmem_shared>> -> memref<160x64xf32, #tpu.memory_space<vmem_shared>>
      %dma_start3A_280 = arith.constant 0 : i32
      %dma_start3A_281 = tpu.memref_slice %arg11[%add3A_104, %dma_start3A_280] : memref<10240x64xf32, #tpu.memory_space<vmem_shared>> -> memref<160x64xf32, #tpu.memory_space<vmem_shared>>
      tpu.enqueue_dma source(%arg10 : memref<160x64xf32, #tpu.memory_space<vmem>>) target(%dma_start3A_281 : memref<160x64xf32, #tpu.memory_space<vmem_shared>>) target_semaphore(%run_scoped3A_277 : memref<!tpu.dma_semaphore, #tpu.memory_space<semaphore_mem>>)
      %dma_wait3A_282 = arith.constant 0 : i32
      %dma_wait3A_283 = tpu.memref_slice %arg11[%add3A_104, %dma_wait3A_282] : memref<10240x64xf32, #tpu.memory_space<vmem_shared>> -> memref<160x64xf32, #tpu.memory_space<vmem_shared>>
      %dma_wait3A_284 = arith.constant 0 : i32
      %dma_wait3A_285 = tpu.memref_slice %arg11[%add3A_104, %dma_wait3A_284] : memref<10240x64xf32, #tpu.memory_space<vmem_shared>> -> memref<160x64xf32, #tpu.memory_space<vmem_shared>>
      tpu.wait_dma2 semaphore(%run_scoped3A_277 : memref<!tpu.dma_semaphore, #tpu.memory_space<semaphore_mem>>) src(%arg10 : memref<160x64xf32, #tpu.memory_space<vmem>>) dst(%dma_wait3A_285 : memref<160x64xf32, #tpu.memory_space<vmem_shared>>)
      tpu.yield
    }) : () -> ()
    %mul3A_105 = arith.constant 640 : i32
    %mul3A_106 = arith.muli %arg1, %mul3A_105 : i32
    %add3A_107 = arith.constant 320 : i32
    %add3A_108 = arith.addi %mul3A_106, %add3A_107 : i32
    "tpu.region"() ({
      %run_scoped3A_277 = tpu.sem_alloc : memref<!tpu.dma_semaphore, #tpu.memory_space<semaphore_mem>>
      %dma_start3A_278 = arith.constant 0 : i32
      %dma_start3A_279 = tpu.memref_slice %arg11[%add3A_108, %dma_start3A_278] : memref<10240x64xf32, #tpu.memory_space<vmem_shared>> -> memref<160x64xf32, #tpu.memory_space<vmem_shared>>
      %dma_start3A_280 = arith.constant 0 : i32
      %dma_start3A_281 = tpu.memref_slice %arg11[%add3A_108, %dma_start3A_280] : memref<10240x64xf32, #tpu.memory_space<vmem_shared>> -> memref<160x64xf32, #tpu.memory_space<vmem_shared>>
      tpu.enqueue_dma source(%arg10 : memref<160x64xf32, #tpu.memory_space<vmem>>) target(%dma_start3A_281 : memref<160x64xf32, #tpu.memory_space<vmem_shared>>) target_semaphore(%run_scoped3A_277 : memref<!tpu.dma_semaphore, #tpu.memory_space<semaphore_mem>>)
      %dma_wait3A_282 = arith.constant 0 : i32
      %dma_wait3A_283 = tpu.memref_slice %arg11[%add3A_108, %dma_wait3A_282] : memref<10240x64xf32, #tpu.memory_space<vmem_shared>> -> memref<160x64xf32, #tpu.memory_space<vmem_shared>>
      %dma_wait3A_284 = arith.constant 0 : i32
      %dma_wait3A_285 = tpu.memref_slice %arg11[%add3A_108, %dma_wait3A_284] : memref<10240x64xf32, #tpu.memory_space<vmem_shared>> -> memref<160x64xf32, #tpu.memory_space<vmem_shared>>
      tpu.wait_dma2 semaphore(%run_scoped3A_277 : memref<!tpu.dma_semaphore, #tpu.memory_space<semaphore_mem>>) src(%arg10 : memref<160x64xf32, #tpu.memory_space<vmem>>) dst(%dma_wait3A_285 : memref<160x64xf32, #tpu.memory_space<vmem_shared>>)
      tpu.yield
    }) : () -> ()
    %mul3A_109 = arith.constant 640 : i32
    %mul3A_110 = arith.muli %arg1, %mul3A_109 : i32
    %add3A_111 = arith.constant 480 : i32
    %add3A_112 = arith.addi %mul3A_110, %add3A_111 : i32
    "tpu.region"() ({
      %run_scoped3A_277 = tpu.sem_alloc : memref<!tpu.dma_semaphore, #tpu.memory_space<semaphore_mem>>
      %dma_start3A_278 = arith.constant 0 : i32
      %dma_start3A_279 = tpu.memref_slice %arg11[%add3A_112, %dma_start3A_278] : memref<10240x64xf32, #tpu.memory_space<vmem_shared>> -> memref<160x64xf32, #tpu.memory_space<vmem_shared>>
      %dma_start3A_280 = arith.constant 0 : i32
      %dma_start3A_281 = tpu.memref_slice %arg11[%add3A_112, %dma_start3A_280] : memref<10240x64xf32, #tpu.memory_space<vmem_shared>> -> memref<160x64xf32, #tpu.memory_space<vmem_shared>>
      tpu.enqueue_dma source(%arg10 : memref<160x64xf32, #tpu.memory_space<vmem>>) target(%dma_start3A_281 : memref<160x64xf32, #tpu.memory_space<vmem_shared>>) target_semaphore(%run_scoped3A_277 : memref<!tpu.dma_semaphore, #tpu.memory_space<semaphore_mem>>)
      %dma_wait3A_282 = arith.constant 0 : i32
      %dma_wait3A_283 = tpu.memref_slice %arg11[%add3A_112, %dma_wait3A_282] : memref<10240x64xf32, #tpu.memory_space<vmem_shared>> -> memref<160x64xf32, #tpu.memory_space<vmem_shared>>
      %dma_wait3A_284 = arith.constant 0 : i32
      %dma_wait3A_285 = tpu.memref_slice %arg11[%add3A_112, %dma_wait3A_284] : memref<10240x64xf32, #tpu.memory_space<vmem_shared>> -> memref<160x64xf32, #tpu.memory_space<vmem_shared>>
      tpu.wait_dma2 semaphore(%run_scoped3A_277 : memref<!tpu.dma_semaphore, #tpu.memory_space<semaphore_mem>>) src(%arg10 : memref<160x64xf32, #tpu.memory_space<vmem>>) dst(%dma_wait3A_285 : memref<160x64xf32, #tpu.memory_space<vmem_shared>>)
      tpu.yield
    }) : () -> ()
    %mul3A_113 = arith.constant 640 : i32
    %mul3A_114 = arith.muli %arg1, %mul3A_113 : i32
    %add3A_115 = arith.constant 0 : i32
    %add3A_116 = arith.addi %mul3A_114, %add3A_115 : i32
    "tpu.region"() ({
      %run_scoped3A_277 = tpu.sem_alloc : memref<!tpu.dma_semaphore, #tpu.memory_space<semaphore_mem>>
      %dma_start3A_278 = arith.constant 0 : i32
      %dma_start3A_279 = arith.constant 0 : i32
      %dma_start3A_280 = tpu.memref_slice %arg10[%dma_start3A_278, %dma_start3A_279] : memref<160x64xf32, #tpu.memory_space<vmem>> -> memref<160x16xf32, #tpu.memory_space<vmem>>
      %dma_start3A_281 = arith.constant 0 : i32
      %dma_start3A_282 = tpu.memref_slice %arg13[%add3A_116, %dma_start3A_281] : memref<10240x16xf32, #tpu.memory_space<vmem_shared>> -> memref<160x16xf32, #tpu.memory_space<vmem_shared>>
      %dma_start3A_283 = arith.constant 0 : i32
      %dma_start3A_284 = tpu.memref_slice %arg13[%add3A_116, %dma_start3A_283] : memref<10240x16xf32, #tpu.memory_space<vmem_shared>> -> memref<160x16xf32, #tpu.memory_space<vmem_shared>>
      %dma_start3A_285 = arith.constant 0 : i32
      %dma_start3A_286 = arith.constant 0 : i32
      %dma_start3A_287 = tpu.memref_slice %arg10[%dma_start3A_285, %dma_start3A_286] : memref<160x64xf32, #tpu.memory_space<vmem>> -> memref<160x16xf32, #tpu.memory_space<vmem>>
      tpu.enqueue_dma source(%dma_start3A_287 : memref<160x16xf32, #tpu.memory_space<vmem>>) target(%dma_start3A_284 : memref<160x16xf32, #tpu.memory_space<vmem_shared>>) target_semaphore(%run_scoped3A_277 : memref<!tpu.dma_semaphore, #tpu.memory_space<semaphore_mem>>)
      %dma_wait3A_288 = arith.constant 0 : i32
      %dma_wait3A_289 = arith.constant 0 : i32
      %dma_wait3A_290 = tpu.memref_slice %arg10[%dma_wait3A_288, %dma_wait3A_289] : memref<160x64xf32, #tpu.memory_space<vmem>> -> memref<160x16xf32, #tpu.memory_space<vmem>>
      %dma_wait3A_291 = arith.constant 0 : i32
      %dma_wait3A_292 = tpu.memref_slice %arg13[%add3A_116, %dma_wait3A_291] : memref<10240x16xf32, #tpu.memory_space<vmem_shared>> -> memref<160x16xf32, #tpu.memory_space<vmem_shared>>
      %dma_wait3A_293 = arith.constant 0 : i32
      %dma_wait3A_294 = tpu.memref_slice %arg13[%add3A_116, %dma_wait3A_293] : memref<10240x16xf32, #tpu.memory_space<vmem_shared>> -> memref<160x16xf32, #tpu.memory_space<vmem_shared>>
      %dma_wait3A_295 = arith.constant 0 : i32
      %dma_wait3A_296 = arith.constant 0 : i32
      %dma_wait3A_297 = tpu.memref_slice %arg10[%dma_wait3A_295, %dma_wait3A_296] : memref<160x64xf32, #tpu.memory_space<vmem>> -> memref<160x16xf32, #tpu.memory_space<vmem>>
      tpu.wait_dma2 semaphore(%run_scoped3A_277 : memref<!tpu.dma_semaphore, #tpu.memory_space<semaphore_mem>>) src(%dma_wait3A_297 : memref<160x16xf32, #tpu.memory_space<vmem>>) dst(%dma_wait3A_294 : memref<160x16xf32, #tpu.memory_space<vmem_shared>>)
      tpu.yield
    }) : () -> ()
    %mul3A_117 = arith.constant 640 : i32
    %mul3A_118 = arith.muli %arg1, %mul3A_117 : i32
    %add3A_119 = arith.constant 160 : i32
    %add3A_120 = arith.addi %mul3A_118, %add3A_119 : i32
    "tpu.region"() ({
      %run_scoped3A_277 = tpu.sem_alloc : memref<!tpu.dma_semaphore, #tpu.memory_space<semaphore_mem>>
      %dma_start3A_278 = arith.constant 0 : i32
      %dma_start3A_279 = arith.constant 0 : i32
      %dma_start3A_280 = tpu.memref_slice %arg10[%dma_start3A_278, %dma_start3A_279] : memref<160x64xf32, #tpu.memory_space<vmem>> -> memref<160x16xf32, #tpu.memory_space<vmem>>
      %dma_start3A_281 = arith.constant 0 : i32
      %dma_start3A_282 = tpu.memref_slice %arg13[%add3A_120, %dma_start3A_281] : memref<10240x16xf32, #tpu.memory_space<vmem_shared>> -> memref<160x16xf32, #tpu.memory_space<vmem_shared>>
      %dma_start3A_283 = arith.constant 0 : i32
      %dma_start3A_284 = tpu.memref_slice %arg13[%add3A_120, %dma_start3A_283] : memref<10240x16xf32, #tpu.memory_space<vmem_shared>> -> memref<160x16xf32, #tpu.memory_space<vmem_shared>>
      %dma_start3A_285 = arith.constant 0 : i32
      %dma_start3A_286 = arith.constant 0 : i32
      %dma_start3A_287 = tpu.memref_slice %arg10[%dma_start3A_285, %dma_start3A_286] : memref<160x64xf32, #tpu.memory_space<vmem>> -> memref<160x16xf32, #tpu.memory_space<vmem>>
      tpu.enqueue_dma source(%dma_start3A_287 : memref<160x16xf32, #tpu.memory_space<vmem>>) target(%dma_start3A_284 : memref<160x16xf32, #tpu.memory_space<vmem_shared>>) target_semaphore(%run_scoped3A_277 : memref<!tpu.dma_semaphore, #tpu.memory_space<semaphore_mem>>)
      %dma_wait3A_288 = arith.constant 0 : i32
      %dma_wait3A_289 = arith.constant 0 : i32
      %dma_wait3A_290 = tpu.memref_slice %arg10[%dma_wait3A_288, %dma_wait3A_289] : memref<160x64xf32, #tpu.memory_space<vmem>> -> memref<160x16xf32, #tpu.memory_space<vmem>>
      %dma_wait3A_291 = arith.constant 0 : i32
      %dma_wait3A_292 = tpu.memref_slice %arg13[%add3A_120, %dma_wait3A_291] : memref<10240x16xf32, #tpu.memory_space<vmem_shared>> -> memref<160x16xf32, #tpu.memory_space<vmem_shared>>
      %dma_wait3A_293 = arith.constant 0 : i32
      %dma_wait3A_294 = tpu.memref_slice %arg13[%add3A_120, %dma_wait3A_293] : memref<10240x16xf32, #tpu.memory_space<vmem_shared>> -> memref<160x16xf32, #tpu.memory_space<vmem_shared>>
      %dma_wait3A_295 = arith.constant 0 : i32
      %dma_wait3A_296 = arith.constant 0 : i32
      %dma_wait3A_297 = tpu.memref_slice %arg10[%dma_wait3A_295, %dma_wait3A_296] : memref<160x64xf32, #tpu.memory_space<vmem>> -> memref<160x16xf32, #tpu.memory_space<vmem>>
      tpu.wait_dma2 semaphore(%run_scoped3A_277 : memref<!tpu.dma_semaphore, #tpu.memory_space<semaphore_mem>>) src(%dma_wait3A_297 : memref<160x16xf32, #tpu.memory_space<vmem>>) dst(%dma_wait3A_294 : memref<160x16xf32, #tpu.memory_space<vmem_shared>>)
      tpu.yield
    }) : () -> ()
    %mul3A_121 = arith.constant 640 : i32
    %mul3A_122 = arith.muli %arg1, %mul3A_121 : i32
    %add3A_123 = arith.constant 320 : i32
    %add3A_124 = arith.addi %mul3A_122, %add3A_123 : i32
    "tpu.region"() ({
      %run_scoped3A_277 = tpu.sem_alloc : memref<!tpu.dma_semaphore, #tpu.memory_space<semaphore_mem>>
      %dma_start3A_278 = arith.constant 0 : i32
      %dma_start3A_279 = arith.constant 0 : i32
      %dma_start3A_280 = tpu.memref_slice %arg10[%dma_start3A_278, %dma_start3A_279] : memref<160x64xf32, #tpu.memory_space<vmem>> -> memref<160x16xf32, #tpu.memory_space<vmem>>
      %dma_start3A_281 = arith.constant 0 : i32
      %dma_start3A_282 = tpu.memref_slice %arg13[%add3A_124, %dma_start3A_281] : memref<10240x16xf32, #tpu.memory_space<vmem_shared>> -> memref<160x16xf32, #tpu.memory_space<vmem_shared>>
      %dma_start3A_283 = arith.constant 0 : i32
      %dma_start3A_284 = tpu.memref_slice %arg13[%add3A_124, %dma_start3A_283] : memref<10240x16xf32, #tpu.memory_space<vmem_shared>> -> memref<160x16xf32, #tpu.memory_space<vmem_shared>>
      %dma_start3A_285 = arith.constant 0 : i32
      %dma_start3A_286 = arith.constant 0 : i32
      %dma_start3A_287 = tpu.memref_slice %arg10[%dma_start3A_285, %dma_start3A_286] : memref<160x64xf32, #tpu.memory_space<vmem>> -> memref<160x16xf32, #tpu.memory_space<vmem>>
      tpu.enqueue_dma source(%dma_start3A_287 : memref<160x16xf32, #tpu.memory_space<vmem>>) target(%dma_start3A_284 : memref<160x16xf32, #tpu.memory_space<vmem_shared>>) target_semaphore(%run_scoped3A_277 : memref<!tpu.dma_semaphore, #tpu.memory_space<semaphore_mem>>)
      %dma_wait3A_288 = arith.constant 0 : i32
      %dma_wait3A_289 = arith.constant 0 : i32
      %dma_wait3A_290 = tpu.memref_slice %arg10[%dma_wait3A_288, %dma_wait3A_289] : memref<160x64xf32, #tpu.memory_space<vmem>> -> memref<160x16xf32, #tpu.memory_space<vmem>>
      %dma_wait3A_291 = arith.constant 0 : i32
      %dma_wait3A_292 = tpu.memref_slice %arg13[%add3A_124, %dma_wait3A_291] : memref<10240x16xf32, #tpu.memory_space<vmem_shared>> -> memref<160x16xf32, #tpu.memory_space<vmem_shared>>
      %dma_wait3A_293 = arith.constant 0 : i32
      %dma_wait3A_294 = tpu.memref_slice %arg13[%add3A_124, %dma_wait3A_293] : memref<10240x16xf32, #tpu.memory_space<vmem_shared>> -> memref<160x16xf32, #tpu.memory_space<vmem_shared>>
      %dma_wait3A_295 = arith.constant 0 : i32
      %dma_wait3A_296 = arith.constant 0 : i32
      %dma_wait3A_297 = tpu.memref_slice %arg10[%dma_wait3A_295, %dma_wait3A_296] : memref<160x64xf32, #tpu.memory_space<vmem>> -> memref<160x16xf32, #tpu.memory_space<vmem>>
      tpu.wait_dma2 semaphore(%run_scoped3A_277 : memref<!tpu.dma_semaphore, #tpu.memory_space<semaphore_mem>>) src(%dma_wait3A_297 : memref<160x16xf32, #tpu.memory_space<vmem>>) dst(%dma_wait3A_294 : memref<160x16xf32, #tpu.memory_space<vmem_shared>>)
      tpu.yield
    }) : () -> ()
    %mul3A_125 = arith.constant 640 : i32
    %mul3A_126 = arith.muli %arg1, %mul3A_125 : i32
    %add3A_127 = arith.constant 480 : i32
    %add3A_128 = arith.addi %mul3A_126, %add3A_127 : i32
    "tpu.region"() ({
      %run_scoped3A_277 = tpu.sem_alloc : memref<!tpu.dma_semaphore, #tpu.memory_space<semaphore_mem>>
      %dma_start3A_278 = arith.constant 0 : i32
      %dma_start3A_279 = arith.constant 0 : i32
      %dma_start3A_280 = tpu.memref_slice %arg10[%dma_start3A_278, %dma_start3A_279] : memref<160x64xf32, #tpu.memory_space<vmem>> -> memref<160x16xf32, #tpu.memory_space<vmem>>
      %dma_start3A_281 = arith.constant 0 : i32
      %dma_start3A_282 = tpu.memref_slice %arg13[%add3A_128, %dma_start3A_281] : memref<10240x16xf32, #tpu.memory_space<vmem_shared>> -> memref<160x16xf32, #tpu.memory_space<vmem_shared>>
      %dma_start3A_283 = arith.constant 0 : i32
      %dma_start3A_284 = tpu.memref_slice %arg13[%add3A_128, %dma_start3A_283] : memref<10240x16xf32, #tpu.memory_space<vmem_shared>> -> memref<160x16xf32, #tpu.memory_space<vmem_shared>>
      %dma_start3A_285 = arith.constant 0 : i32
      %dma_start3A_286 = arith.constant 0 : i32
      %dma_start3A_287 = tpu.memref_slice %arg10[%dma_start3A_285, %dma_start3A_286] : memref<160x64xf32, #tpu.memory_space<vmem>> -> memref<160x16xf32, #tpu.memory_space<vmem>>
      tpu.enqueue_dma source(%dma_start3A_287 : memref<160x16xf32, #tpu.memory_space<vmem>>) target(%dma_start3A_284 : memref<160x16xf32, #tpu.memory_space<vmem_shared>>) target_semaphore(%run_scoped3A_277 : memref<!tpu.dma_semaphore, #tpu.memory_space<semaphore_mem>>)
      %dma_wait3A_288 = arith.constant 0 : i32
      %dma_wait3A_289 = arith.constant 0 : i32
      %dma_wait3A_290 = tpu.memref_slice %arg10[%dma_wait3A_288, %dma_wait3A_289] : memref<160x64xf32, #tpu.memory_space<vmem>> -> memref<160x16xf32, #tpu.memory_space<vmem>>
      %dma_wait3A_291 = arith.constant 0 : i32
      %dma_wait3A_292 = tpu.memref_slice %arg13[%add3A_128, %dma_wait3A_291] : memref<10240x16xf32, #tpu.memory_space<vmem_shared>> -> memref<160x16xf32, #tpu.memory_space<vmem_shared>>
      %dma_wait3A_293 = arith.constant 0 : i32
      %dma_wait3A_294 = tpu.memref_slice %arg13[%add3A_128, %dma_wait3A_293] : memref<10240x16xf32, #tpu.memory_space<vmem_shared>> -> memref<160x16xf32, #tpu.memory_space<vmem_shared>>
      %dma_wait3A_295 = arith.constant 0 : i32
      %dma_wait3A_296 = arith.constant 0 : i32
      %dma_wait3A_297 = tpu.memref_slice %arg10[%dma_wait3A_295, %dma_wait3A_296] : memref<160x64xf32, #tpu.memory_space<vmem>> -> memref<160x16xf32, #tpu.memory_space<vmem>>
      tpu.wait_dma2 semaphore(%run_scoped3A_277 : memref<!tpu.dma_semaphore, #tpu.memory_space<semaphore_mem>>) src(%dma_wait3A_297 : memref<160x16xf32, #tpu.memory_space<vmem>>) dst(%dma_wait3A_294 : memref<160x16xf32, #tpu.memory_space<vmem_shared>>)
      tpu.yield
    }) : () -> ()
    %dma_wait3A_129 = arith.constant 0 : i32
    %dma_wait3A_130 = arith.constant 0 : i32
    %dma_wait3A_131 = tpu.memref_slice %arg4[%add3A, %dma_wait3A_129, %dma_wait3A_130] : memref<32x80x128xi32, #tpu.memory_space<hbm>> -> memref<1x80x128xi32, #tpu.memory_space<hbm>>
    %dma_wait3A_132 = tpu.memref_squeeze %dma_wait3A_131 : memref<1x80x128xi32, #tpu.memory_space<hbm>> -> memref<80x128xi32, #tpu.memory_space<hbm>>
    %dma_wait3A_133 = arith.constant 0 : i32
    %dma_wait3A_134 = arith.constant 0 : i32
    %dma_wait3A_135 = tpu.memref_slice %arg4[%add3A, %dma_wait3A_133, %dma_wait3A_134] : memref<32x80x128xi32, #tpu.memory_space<hbm>> -> memref<1x80x128xi32, #tpu.memory_space<hbm>>
    %dma_wait3A_136 = tpu.memref_squeeze %dma_wait3A_135 : memref<1x80x128xi32, #tpu.memory_space<hbm>> -> memref<80x128xi32, #tpu.memory_space<hbm>>
    tpu.wait_dma2 semaphore(%arg20 : memref<!tpu.dma_semaphore, #tpu.memory_space<semaphore_mem>>) src(%dma_wait3A_136 : memref<80x128xi32, #tpu.memory_space<hbm>>) dst(%arg8 : memref<80x128xi32, #tpu.memory_space<vmem>>)
    %barrier3A = arith.constant 0 : index
    tpu.barrier barrier_id(%barrier3A)
    %scan3A_137 = arith.constant 0 : i32
    %scan3A_138 = arith.constant 0 : i32
    %scan3A_139 = arith.constant 15 : i32
    %scan3A_140 = arith.addi %scan3A_138, %scan3A_139 : i32
    %scan3A_141 = arith.constant 1 : i32
    scf.for %scan3A_277 = %scan3A_138 to %scan3A_140 step %scan3A_141  : i32 {
      %mul3A_278 = arith.constant 5 : i32
      %mul3A_279 = arith.muli %scan3A_277, %mul3A_278 : i32
      %add3A_280 = arith.constant 0 : i32
      %add3A_281 = arith.addi %mul3A_279, %add3A_280 : i32
      %dma_wait3A_282 = arith.constant 0 : i32
      %dma_wait3A_283 = arith.constant 0 : i32
      %dma_wait3A_284 = arith.constant 0 : i32
      %dma_wait3A_285 = tpu.memref_slice %arg9[%dma_wait3A_282, %dma_wait3A_283, %dma_wait3A_284] : memref<5x128x64xf32, #tpu.memory_space<vmem>> -> memref<1x128x64xf32, #tpu.memory_space<vmem>>
      %dma_wait3A_286 = tpu.memref_squeeze %dma_wait3A_285 : memref<1x128x64xf32, #tpu.memory_space<vmem>> -> memref<128x64xf32, #tpu.memory_space<vmem>>
      %dma_wait3A_287 = arith.constant 0 : i32
      %dma_wait3A_288 = arith.constant 0 : i32
      %dma_wait3A_289 = tpu.memref_slice %arg2[%dma_wait3A_287, %dma_wait3A_288] : memref<10240x64xf32, #tpu.memory_space<hbm>> -> memref<128x64xf32, #tpu.memory_space<hbm>>
      %dma_wait3A_290 = arith.constant 0 : i32
      %dma_wait3A_291 = arith.constant 0 : i32
      %dma_wait3A_292 = tpu.memref_slice %arg9[%dma_wait3A_282, %dma_wait3A_290, %dma_wait3A_291] : memref<5x128x64xf32, #tpu.memory_space<vmem>> -> memref<1x128x64xf32, #tpu.memory_space<vmem>>
      %dma_wait3A_293 = tpu.memref_squeeze %dma_wait3A_292 : memref<1x128x64xf32, #tpu.memory_space<vmem>> -> memref<128x64xf32, #tpu.memory_space<vmem>>
      %dma_wait3A_294 = arith.constant 0 : i32
      %dma_wait3A_295 = arith.constant 0 : i32
      %dma_wait3A_296 = tpu.memref_slice %arg2[%dma_wait3A_294, %dma_wait3A_295] : memref<10240x64xf32, #tpu.memory_space<hbm>> -> memref<128x64xf32, #tpu.memory_space<hbm>>
      tpu.wait_dma2 semaphore(%arg14 : memref<!tpu.dma_semaphore, #tpu.memory_space<semaphore_mem>>) src(%dma_wait3A_296 : memref<128x64xf32, #tpu.memory_space<hbm>>) dst(%dma_wait3A_293 : memref<128x64xf32, #tpu.memory_space<vmem>>)
      %run_scoped3A_297 = arith.constant 0 : i32
      "tpu.region"() ({
        %run_scoped3A_473 = tpu.sem_alloc : memref<!tpu.dma_semaphore, #tpu.memory_space<semaphore_mem>>
        %dma_start3A_474 = arith.constant 0 : i32
        %dma_start3A_475 = arith.constant 0 : i32
        %dma_start3A_476 = tpu.memref_slice %arg9[%run_scoped3A_297, %dma_start3A_474, %dma_start3A_475] : memref<5x128x64xf32, #tpu.memory_space<vmem>> -> memref<1x128x64xf32, #tpu.memory_space<vmem>>
        %dma_start3A_477 = tpu.memref_squeeze %dma_start3A_476 : memref<1x128x64xf32, #tpu.memory_space<vmem>> -> memref<128x64xf32, #tpu.memory_space<vmem>>
        %dma_start3A_478 = arith.constant 0 : i32
        %dma_start3A_479 = tpu.memref_slice %arg8[%add3A_281, %dma_start3A_478] : memref<80x128xi32, #tpu.memory_space<vmem>> -> memref<1x128xi32, #tpu.memory_space<vmem>>
        %dma_start3A_480 = tpu.memref_squeeze %dma_start3A_479 : memref<1x128xi32, #tpu.memory_space<vmem>> -> memref<128xi32, #tpu.memory_space<vmem>>
        %dma_start3A_481 = arith.constant 0 : i32
        %dma_start3A_482 = arith.constant 0 : i32
        %dma_start3A_483 = tpu.memref_slice %arg11[%dma_start3A_481, %dma_start3A_482] : memref<10240x64xf32, #tpu.memory_space<vmem_shared>> -> memref<10240x64xf32, #tpu.memory_space<vmem_shared>>
        tpu.enqueue_indirect_dma source(%dma_start3A_477 : memref<128x64xf32, #tpu.memory_space<vmem>>) target(%dma_start3A_483 : memref<10240x64xf32, #tpu.memory_space<vmem_shared>>) offsets(%dma_start3A_480 : memref<128xi32, #tpu.memory_space<vmem>>) semaphore(%run_scoped3A_473 : memref<!tpu.dma_semaphore, #tpu.memory_space<semaphore_mem>>) {add = true}
        %dma_wait3A_484 = arith.constant 0 : i32
        %dma_wait3A_485 = arith.constant 0 : i32
        %dma_wait3A_486 = tpu.memref_slice %arg9[%run_scoped3A_297, %dma_wait3A_484, %dma_wait3A_485] : memref<5x128x64xf32, #tpu.memory_space<vmem>> -> memref<1x128x64xf32, #tpu.memory_space<vmem>>
        %dma_wait3A_487 = tpu.memref_squeeze %dma_wait3A_486 : memref<1x128x64xf32, #tpu.memory_space<vmem>> -> memref<128x64xf32, #tpu.memory_space<vmem>>
        %dma_wait3A_488 = arith.constant 0 : i32
        %dma_wait3A_489 = tpu.memref_slice %arg8[%add3A_281, %dma_wait3A_488] : memref<80x128xi32, #tpu.memory_space<vmem>> -> memref<1x128xi32, #tpu.memory_space<vmem>>
        %dma_wait3A_490 = tpu.memref_squeeze %dma_wait3A_489 : memref<1x128xi32, #tpu.memory_space<vmem>> -> memref<128xi32, #tpu.memory_space<vmem>>
        %dma_wait3A_491 = arith.constant 0 : i32
        %dma_wait3A_492 = arith.constant 0 : i32
        %dma_wait3A_493 = tpu.memref_slice %arg11[%dma_wait3A_491, %dma_wait3A_492] : memref<10240x64xf32, #tpu.memory_space<vmem_shared>> -> memref<10240x64xf32, #tpu.memory_space<vmem_shared>>
        tpu.wait_indirect_dma semaphore(%run_scoped3A_473 : memref<!tpu.dma_semaphore, #tpu.memory_space<semaphore_mem>>) src(%dma_wait3A_487 : memref<128x64xf32, #tpu.memory_space<vmem>>) dst(%dma_wait3A_493 : memref<10240x64xf32, #tpu.memory_space<vmem_shared>>)
        tpu.yield
      }) : () -> ()
      %dma_start3A_298 = arith.constant 0 : i32
      %dma_start3A_299 = tpu.memref_slice %arg8[%add3A_281, %dma_start3A_298] : memref<80x128xi32, #tpu.memory_space<vmem>> -> memref<1x128xi32, #tpu.memory_space<vmem>>
      %dma_start3A_300 = tpu.memref_squeeze %dma_start3A_299 : memref<1x128xi32, #tpu.memory_space<vmem>> -> memref<128xi32, #tpu.memory_space<vmem>>
      %dma_start3A_301 = arith.constant 0 : i32
      %dma_start3A_302 = arith.constant 0 : i32
      %dma_start3A_303 = tpu.memref_slice %arg13[%dma_start3A_301, %dma_start3A_302] : memref<10240x16xf32, #tpu.memory_space<vmem_shared>> -> memref<10240x16xf32, #tpu.memory_space<vmem_shared>>
      tpu.enqueue_indirect_dma source(%arg12 : memref<128x16xf32, #tpu.memory_space<vmem>>) target(%dma_start3A_303 : memref<10240x16xf32, #tpu.memory_space<vmem_shared>>) offsets(%dma_start3A_300 : memref<128xi32, #tpu.memory_space<vmem>>) semaphore(%arg21 : memref<!tpu.dma_semaphore, #tpu.memory_space<semaphore_mem>>) {add = true}
      %add3A_304 = arith.constant 5 : i32
      %add3A_305 = arith.addi %add3A_281, %add3A_304 : i32
      %dma_start3A_306 = arith.constant 0 : i32
      %dma_start3A_307 = arith.constant 0 : i32
      %dma_start3A_308 = arith.constant 0 : i32
      %dma_start3A_309 = tpu.memref_slice %arg9[%dma_start3A_306, %dma_start3A_307, %dma_start3A_308] : memref<5x128x64xf32, #tpu.memory_space<vmem>> -> memref<1x128x64xf32, #tpu.memory_space<vmem>>
      %dma_start3A_310 = tpu.memref_squeeze %dma_start3A_309 : memref<1x128x64xf32, #tpu.memory_space<vmem>> -> memref<128x64xf32, #tpu.memory_space<vmem>>
      %dma_start3A_311 = arith.constant 0 : i32
      %dma_start3A_312 = tpu.memref_slice %arg7[%add3A_305, %dma_start3A_311] : memref<80x128xi32, #tpu.memory_space<vmem>> -> memref<1x128xi32, #tpu.memory_space<vmem>>
      %dma_start3A_313 = tpu.memref_squeeze %dma_start3A_312 : memref<1x128xi32, #tpu.memory_space<vmem>> -> memref<128xi32, #tpu.memory_space<vmem>>
      %dma_start3A_314 = arith.constant 0 : i32
      %dma_start3A_315 = arith.constant 0 : i32
      %dma_start3A_316 = tpu.memref_slice %arg2[%dma_start3A_314, %dma_start3A_315] : memref<10240x64xf32, #tpu.memory_space<hbm>> -> memref<10240x64xf32, #tpu.memory_space<hbm>>
      tpu.enqueue_indirect_dma source(%dma_start3A_316 : memref<10240x64xf32, #tpu.memory_space<hbm>>) target(%dma_start3A_310 : memref<128x64xf32, #tpu.memory_space<vmem>>) offsets(%dma_start3A_313 : memref<128xi32, #tpu.memory_space<vmem>>) semaphore(%arg14 : memref<!tpu.dma_semaphore, #tpu.memory_space<semaphore_mem>>)
      %mul3A_317 = arith.constant 5 : i32
      %mul3A_318 = arith.muli %scan3A_277, %mul3A_317 : i32
      %add3A_319 = arith.constant 1 : i32
      %add3A_320 = arith.addi %mul3A_318, %add3A_319 : i32
      %dma_wait3A_321 = arith.constant 1 : i32
      %dma_wait3A_322 = arith.constant 0 : i32
      %dma_wait3A_323 = arith.constant 0 : i32
      %dma_wait3A_324 = tpu.memref_slice %arg9[%dma_wait3A_321, %dma_wait3A_322, %dma_wait3A_323] : memref<5x128x64xf32, #tpu.memory_space<vmem>> -> memref<1x128x64xf32, #tpu.memory_space<vmem>>
      %dma_wait3A_325 = tpu.memref_squeeze %dma_wait3A_324 : memref<1x128x64xf32, #tpu.memory_space<vmem>> -> memref<128x64xf32, #tpu.memory_space<vmem>>
      %dma_wait3A_326 = arith.constant 0 : i32
      %dma_wait3A_327 = arith.constant 0 : i32
      %dma_wait3A_328 = tpu.memref_slice %arg2[%dma_wait3A_326, %dma_wait3A_327] : memref<10240x64xf32, #tpu.memory_space<hbm>> -> memref<128x64xf32, #tpu.memory_space<hbm>>
      %dma_wait3A_329 = arith.constant 0 : i32
      %dma_wait3A_330 = arith.constant 0 : i32
      %dma_wait3A_331 = tpu.memref_slice %arg9[%dma_wait3A_321, %dma_wait3A_329, %dma_wait3A_330] : memref<5x128x64xf32, #tpu.memory_space<vmem>> -> memref<1x128x64xf32, #tpu.memory_space<vmem>>
      %dma_wait3A_332 = tpu.memref_squeeze %dma_wait3A_331 : memref<1x128x64xf32, #tpu.memory_space<vmem>> -> memref<128x64xf32, #tpu.memory_space<vmem>>
      %dma_wait3A_333 = arith.constant 0 : i32
      %dma_wait3A_334 = arith.constant 0 : i32
      %dma_wait3A_335 = tpu.memref_slice %arg2[%dma_wait3A_333, %dma_wait3A_334] : memref<10240x64xf32, #tpu.memory_space<hbm>> -> memref<128x64xf32, #tpu.memory_space<hbm>>
      tpu.wait_dma2 semaphore(%arg15 : memref<!tpu.dma_semaphore, #tpu.memory_space<semaphore_mem>>) src(%dma_wait3A_335 : memref<128x64xf32, #tpu.memory_space<hbm>>) dst(%dma_wait3A_332 : memref<128x64xf32, #tpu.memory_space<vmem>>)
      %run_scoped3A_336 = arith.constant 1 : i32
      "tpu.region"() ({
        %run_scoped3A_473 = tpu.sem_alloc : memref<!tpu.dma_semaphore, #tpu.memory_space<semaphore_mem>>
        %dma_start3A_474 = arith.constant 0 : i32
        %dma_start3A_475 = arith.constant 0 : i32
        %dma_start3A_476 = tpu.memref_slice %arg9[%run_scoped3A_336, %dma_start3A_474, %dma_start3A_475] : memref<5x128x64xf32, #tpu.memory_space<vmem>> -> memref<1x128x64xf32, #tpu.memory_space<vmem>>
        %dma_start3A_477 = tpu.memref_squeeze %dma_start3A_476 : memref<1x128x64xf32, #tpu.memory_space<vmem>> -> memref<128x64xf32, #tpu.memory_space<vmem>>
        %dma_start3A_478 = arith.constant 0 : i32
        %dma_start3A_479 = tpu.memref_slice %arg8[%add3A_320, %dma_start3A_478] : memref<80x128xi32, #tpu.memory_space<vmem>> -> memref<1x128xi32, #tpu.memory_space<vmem>>
        %dma_start3A_480 = tpu.memref_squeeze %dma_start3A_479 : memref<1x128xi32, #tpu.memory_space<vmem>> -> memref<128xi32, #tpu.memory_space<vmem>>
        %dma_start3A_481 = arith.constant 0 : i32
        %dma_start3A_482 = arith.constant 0 : i32
        %dma_start3A_483 = tpu.memref_slice %arg11[%dma_start3A_481, %dma_start3A_482] : memref<10240x64xf32, #tpu.memory_space<vmem_shared>> -> memref<10240x64xf32, #tpu.memory_space<vmem_shared>>
        tpu.enqueue_indirect_dma source(%dma_start3A_477 : memref<128x64xf32, #tpu.memory_space<vmem>>) target(%dma_start3A_483 : memref<10240x64xf32, #tpu.memory_space<vmem_shared>>) offsets(%dma_start3A_480 : memref<128xi32, #tpu.memory_space<vmem>>) semaphore(%run_scoped3A_473 : memref<!tpu.dma_semaphore, #tpu.memory_space<semaphore_mem>>) {add = true}
        %dma_wait3A_484 = arith.constant 0 : i32
        %dma_wait3A_485 = arith.constant 0 : i32
        %dma_wait3A_486 = tpu.memref_slice %arg9[%run_scoped3A_336, %dma_wait3A_484, %dma_wait3A_485] : memref<5x128x64xf32, #tpu.memory_space<vmem>> -> memref<1x128x64xf32, #tpu.memory_space<vmem>>
        %dma_wait3A_487 = tpu.memref_squeeze %dma_wait3A_486 : memref<1x128x64xf32, #tpu.memory_space<vmem>> -> memref<128x64xf32, #tpu.memory_space<vmem>>
        %dma_wait3A_488 = arith.constant 0 : i32
        %dma_wait3A_489 = tpu.memref_slice %arg8[%add3A_320, %dma_wait3A_488] : memref<80x128xi32, #tpu.memory_space<vmem>> -> memref<1x128xi32, #tpu.memory_space<vmem>>
        %dma_wait3A_490 = tpu.memref_squeeze %dma_wait3A_489 : memref<1x128xi32, #tpu.memory_space<vmem>> -> memref<128xi32, #tpu.memory_space<vmem>>
        %dma_wait3A_491 = arith.constant 0 : i32
        %dma_wait3A_492 = arith.constant 0 : i32
        %dma_wait3A_493 = tpu.memref_slice %arg11[%dma_wait3A_491, %dma_wait3A_492] : memref<10240x64xf32, #tpu.memory_space<vmem_shared>> -> memref<10240x64xf32, #tpu.memory_space<vmem_shared>>
        tpu.wait_indirect_dma semaphore(%run_scoped3A_473 : memref<!tpu.dma_semaphore, #tpu.memory_space<semaphore_mem>>) src(%dma_wait3A_487 : memref<128x64xf32, #tpu.memory_space<vmem>>) dst(%dma_wait3A_493 : memref<10240x64xf32, #tpu.memory_space<vmem_shared>>)
        tpu.yield
      }) : () -> ()
      %dma_start3A_337 = arith.constant 0 : i32
      %dma_start3A_338 = tpu.memref_slice %arg8[%add3A_320, %dma_start3A_337] : memref<80x128xi32, #tpu.memory_space<vmem>> -> memref<1x128xi32, #tpu.memory_space<vmem>>
      %dma_start3A_339 = tpu.memref_squeeze %dma_start3A_338 : memref<1x128xi32, #tpu.memory_space<vmem>> -> memref<128xi32, #tpu.memory_space<vmem>>
      %dma_start3A_340 = arith.constant 0 : i32
      %dma_start3A_341 = arith.constant 0 : i32
      %dma_start3A_342 = tpu.memref_slice %arg13[%dma_start3A_340, %dma_start3A_341] : memref<10240x16xf32, #tpu.memory_space<vmem_shared>> -> memref<10240x16xf32, #tpu.memory_space<vmem_shared>>
      tpu.enqueue_indirect_dma source(%arg12 : memref<128x16xf32, #tpu.memory_space<vmem>>) target(%dma_start3A_342 : memref<10240x16xf32, #tpu.memory_space<vmem_shared>>) offsets(%dma_start3A_339 : memref<128xi32, #tpu.memory_space<vmem>>) semaphore(%arg21 : memref<!tpu.dma_semaphore, #tpu.memory_space<semaphore_mem>>) {add = true}
      %add3A_343 = arith.constant 5 : i32
      %add3A_344 = arith.addi %add3A_320, %add3A_343 : i32
      %dma_start3A_345 = arith.constant 1 : i32
      %dma_start3A_346 = arith.constant 0 : i32
      %dma_start3A_347 = arith.constant 0 : i32
      %dma_start3A_348 = tpu.memref_slice %arg9[%dma_start3A_345, %dma_start3A_346, %dma_start3A_347] : memref<5x128x64xf32, #tpu.memory_space<vmem>> -> memref<1x128x64xf32, #tpu.memory_space<vmem>>
      %dma_start3A_349 = tpu.memref_squeeze %dma_start3A_348 : memref<1x128x64xf32, #tpu.memory_space<vmem>> -> memref<128x64xf32, #tpu.memory_space<vmem>>
      %dma_start3A_350 = arith.constant 0 : i32
      %dma_start3A_351 = tpu.memref_slice %arg7[%add3A_344, %dma_start3A_350] : memref<80x128xi32, #tpu.memory_space<vmem>> -> memref<1x128xi32, #tpu.memory_space<vmem>>
      %dma_start3A_352 = tpu.memref_squeeze %dma_start3A_351 : memref<1x128xi32, #tpu.memory_space<vmem>> -> memref<128xi32, #tpu.memory_space<vmem>>
      %dma_start3A_353 = arith.constant 0 : i32
      %dma_start3A_354 = arith.constant 0 : i32
      %dma_start3A_355 = tpu.memref_slice %arg2[%dma_start3A_353, %dma_start3A_354] : memref<10240x64xf32, #tpu.memory_space<hbm>> -> memref<10240x64xf32, #tpu.memory_space<hbm>>
      tpu.enqueue_indirect_dma source(%dma_start3A_355 : memref<10240x64xf32, #tpu.memory_space<hbm>>) target(%dma_start3A_349 : memref<128x64xf32, #tpu.memory_space<vmem>>) offsets(%dma_start3A_352 : memref<128xi32, #tpu.memory_space<vmem>>) semaphore(%arg15 : memref<!tpu.dma_semaphore, #tpu.memory_space<semaphore_mem>>)
      %mul3A_356 = arith.constant 5 : i32
      %mul3A_357 = arith.muli %scan3A_277, %mul3A_356 : i32
      %add3A_358 = arith.constant 2 : i32
      %add3A_359 = arith.addi %mul3A_357, %add3A_358 : i32
      %dma_wait3A_360 = arith.constant 2 : i32
      %dma_wait3A_361 = arith.constant 0 : i32
      %dma_wait3A_362 = arith.constant 0 : i32
      %dma_wait3A_363 = tpu.memref_slice %arg9[%dma_wait3A_360, %dma_wait3A_361, %dma_wait3A_362] : memref<5x128x64xf32, #tpu.memory_space<vmem>> -> memref<1x128x64xf32, #tpu.memory_space<vmem>>
      %dma_wait3A_364 = tpu.memref_squeeze %dma_wait3A_363 : memref<1x128x64xf32, #tpu.memory_space<vmem>> -> memref<128x64xf32, #tpu.memory_space<vmem>>
      %dma_wait3A_365 = arith.constant 0 : i32
      %dma_wait3A_366 = arith.constant 0 : i32
      %dma_wait3A_367 = tpu.memref_slice %arg2[%dma_wait3A_365, %dma_wait3A_366] : memref<10240x64xf32, #tpu.memory_space<hbm>> -> memref<128x64xf32, #tpu.memory_space<hbm>>
      %dma_wait3A_368 = arith.constant 0 : i32
      %dma_wait3A_369 = arith.constant 0 : i32
      %dma_wait3A_370 = tpu.memref_slice %arg9[%dma_wait3A_360, %dma_wait3A_368, %dma_wait3A_369] : memref<5x128x64xf32, #tpu.memory_space<vmem>> -> memref<1x128x64xf32, #tpu.memory_space<vmem>>
      %dma_wait3A_371 = tpu.memref_squeeze %dma_wait3A_370 : memref<1x128x64xf32, #tpu.memory_space<vmem>> -> memref<128x64xf32, #tpu.memory_space<vmem>>
      %dma_wait3A_372 = arith.constant 0 : i32
      %dma_wait3A_373 = arith.constant 0 : i32
      %dma_wait3A_374 = tpu.memref_slice %arg2[%dma_wait3A_372, %dma_wait3A_373] : memref<10240x64xf32, #tpu.memory_space<hbm>> -> memref<128x64xf32, #tpu.memory_space<hbm>>
      tpu.wait_dma2 semaphore(%arg16 : memref<!tpu.dma_semaphore, #tpu.memory_space<semaphore_mem>>) src(%dma_wait3A_374 : memref<128x64xf32, #tpu.memory_space<hbm>>) dst(%dma_wait3A_371 : memref<128x64xf32, #tpu.memory_space<vmem>>)
      %run_scoped3A_375 = arith.constant 2 : i32
      "tpu.region"() ({
        %run_scoped3A_473 = tpu.sem_alloc : memref<!tpu.dma_semaphore, #tpu.memory_space<semaphore_mem>>
        %dma_start3A_474 = arith.constant 0 : i32
        %dma_start3A_475 = arith.constant 0 : i32
        %dma_start3A_476 = tpu.memref_slice %arg9[%run_scoped3A_375, %dma_start3A_474, %dma_start3A_475] : memref<5x128x64xf32, #tpu.memory_space<vmem>> -> memref<1x128x64xf32, #tpu.memory_space<vmem>>
        %dma_start3A_477 = tpu.memref_squeeze %dma_start3A_476 : memref<1x128x64xf32, #tpu.memory_space<vmem>> -> memref<128x64xf32, #tpu.memory_space<vmem>>
        %dma_start3A_478 = arith.constant 0 : i32
        %dma_start3A_479 = tpu.memref_slice %arg8[%add3A_359, %dma_start3A_478] : memref<80x128xi32, #tpu.memory_space<vmem>> -> memref<1x128xi32, #tpu.memory_space<vmem>>
        %dma_start3A_480 = tpu.memref_squeeze %dma_start3A_479 : memref<1x128xi32, #tpu.memory_space<vmem>> -> memref<128xi32, #tpu.memory_space<vmem>>
        %dma_start3A_481 = arith.constant 0 : i32
        %dma_start3A_482 = arith.constant 0 : i32
        %dma_start3A_483 = tpu.memref_slice %arg11[%dma_start3A_481, %dma_start3A_482] : memref<10240x64xf32, #tpu.memory_space<vmem_shared>> -> memref<10240x64xf32, #tpu.memory_space<vmem_shared>>
        tpu.enqueue_indirect_dma source(%dma_start3A_477 : memref<128x64xf32, #tpu.memory_space<vmem>>) target(%dma_start3A_483 : memref<10240x64xf32, #tpu.memory_space<vmem_shared>>) offsets(%dma_start3A_480 : memref<128xi32, #tpu.memory_space<vmem>>) semaphore(%run_scoped3A_473 : memref<!tpu.dma_semaphore, #tpu.memory_space<semaphore_mem>>) {add = true}
        %dma_wait3A_484 = arith.constant 0 : i32
        %dma_wait3A_485 = arith.constant 0 : i32
        %dma_wait3A_486 = tpu.memref_slice %arg9[%run_scoped3A_375, %dma_wait3A_484, %dma_wait3A_485] : memref<5x128x64xf32, #tpu.memory_space<vmem>> -> memref<1x128x64xf32, #tpu.memory_space<vmem>>
        %dma_wait3A_487 = tpu.memref_squeeze %dma_wait3A_486 : memref<1x128x64xf32, #tpu.memory_space<vmem>> -> memref<128x64xf32, #tpu.memory_space<vmem>>
        %dma_wait3A_488 = arith.constant 0 : i32
        %dma_wait3A_489 = tpu.memref_slice %arg8[%add3A_359, %dma_wait3A_488] : memref<80x128xi32, #tpu.memory_space<vmem>> -> memref<1x128xi32, #tpu.memory_space<vmem>>
        %dma_wait3A_490 = tpu.memref_squeeze %dma_wait3A_489 : memref<1x128xi32, #tpu.memory_space<vmem>> -> memref<128xi32, #tpu.memory_space<vmem>>
        %dma_wait3A_491 = arith.constant 0 : i32
        %dma_wait3A_492 = arith.constant 0 : i32
        %dma_wait3A_493 = tpu.memref_slice %arg11[%dma_wait3A_491, %dma_wait3A_492] : memref<10240x64xf32, #tpu.memory_space<vmem_shared>> -> memref<10240x64xf32, #tpu.memory_space<vmem_shared>>
        tpu.wait_indirect_dma semaphore(%run_scoped3A_473 : memref<!tpu.dma_semaphore, #tpu.memory_space<semaphore_mem>>) src(%dma_wait3A_487 : memref<128x64xf32, #tpu.memory_space<vmem>>) dst(%dma_wait3A_493 : memref<10240x64xf32, #tpu.memory_space<vmem_shared>>)
        tpu.yield
      }) : () -> ()
      %dma_start3A_376 = arith.constant 0 : i32
      %dma_start3A_377 = tpu.memref_slice %arg8[%add3A_359, %dma_start3A_376] : memref<80x128xi32, #tpu.memory_space<vmem>> -> memref<1x128xi32, #tpu.memory_space<vmem>>
      %dma_start3A_378 = tpu.memref_squeeze %dma_start3A_377 : memref<1x128xi32, #tpu.memory_space<vmem>> -> memref<128xi32, #tpu.memory_space<vmem>>
      %dma_start3A_379 = arith.constant 0 : i32
      %dma_start3A_380 = arith.constant 0 : i32
      %dma_start3A_381 = tpu.memref_slice %arg13[%dma_start3A_379, %dma_start3A_380] : memref<10240x16xf32, #tpu.memory_space<vmem_shared>> -> memref<10240x16xf32, #tpu.memory_space<vmem_shared>>
      tpu.enqueue_indirect_dma source(%arg12 : memref<128x16xf32, #tpu.memory_space<vmem>>) target(%dma_start3A_381 : memref<10240x16xf32, #tpu.memory_space<vmem_shared>>) offsets(%dma_start3A_378 : memref<128xi32, #tpu.memory_space<vmem>>) semaphore(%arg21 : memref<!tpu.dma_semaphore, #tpu.memory_space<semaphore_mem>>) {add = true}
      %add3A_382 = arith.constant 5 : i32
      %add3A_383 = arith.addi %add3A_359, %add3A_382 : i32
      %dma_start3A_384 = arith.constant 2 : i32
      %dma_start3A_385 = arith.constant 0 : i32
      %dma_start3A_386 = arith.constant 0 : i32
      %dma_start3A_387 = tpu.memref_slice %arg9[%dma_start3A_384, %dma_start3A_385, %dma_start3A_386] : memref<5x128x64xf32, #tpu.memory_space<vmem>> -> memref<1x128x64xf32, #tpu.memory_space<vmem>>
      %dma_start3A_388 = tpu.memref_squeeze %dma_start3A_387 : memref<1x128x64xf32, #tpu.memory_space<vmem>> -> memref<128x64xf32, #tpu.memory_space<vmem>>
      %dma_start3A_389 = arith.constant 0 : i32
      %dma_start3A_390 = tpu.memref_slice %arg7[%add3A_383, %dma_start3A_389] : memref<80x128xi32, #tpu.memory_space<vmem>> -> memref<1x128xi32, #tpu.memory_space<vmem>>
      %dma_start3A_391 = tpu.memref_squeeze %dma_start3A_390 : memref<1x128xi32, #tpu.memory_space<vmem>> -> memref<128xi32, #tpu.memory_space<vmem>>
      %dma_start3A_392 = arith.constant 0 : i32
      %dma_start3A_393 = arith.constant 0 : i32
      %dma_start3A_394 = tpu.memref_slice %arg2[%dma_start3A_392, %dma_start3A_393] : memref<10240x64xf32, #tpu.memory_space<hbm>> -> memref<10240x64xf32, #tpu.memory_space<hbm>>
      tpu.enqueue_indirect_dma source(%dma_start3A_394 : memref<10240x64xf32, #tpu.memory_space<hbm>>) target(%dma_start3A_388 : memref<128x64xf32, #tpu.memory_space<vmem>>) offsets(%dma_start3A_391 : memref<128xi32, #tpu.memory_space<vmem>>) semaphore(%arg16 : memref<!tpu.dma_semaphore, #tpu.memory_space<semaphore_mem>>)
      %mul3A_395 = arith.constant 5 : i32
      %mul3A_396 = arith.muli %scan3A_277, %mul3A_395 : i32
      %add3A_397 = arith.constant 3 : i32
      %add3A_398 = arith.addi %mul3A_396, %add3A_397 : i32
      %dma_wait3A_399 = arith.constant 3 : i32
      %dma_wait3A_400 = arith.constant 0 : i32
      %dma_wait3A_401 = arith.constant 0 : i32
      %dma_wait3A_402 = tpu.memref_slice %arg9[%dma_wait3A_399, %dma_wait3A_400, %dma_wait3A_401] : memref<5x128x64xf32, #tpu.memory_space<vmem>> -> memref<1x128x64xf32, #tpu.memory_space<vmem>>
      %dma_wait3A_403 = tpu.memref_squeeze %dma_wait3A_402 : memref<1x128x64xf32, #tpu.memory_space<vmem>> -> memref<128x64xf32, #tpu.memory_space<vmem>>
      %dma_wait3A_404 = arith.constant 0 : i32
      %dma_wait3A_405 = arith.constant 0 : i32
      %dma_wait3A_406 = tpu.memref_slice %arg2[%dma_wait3A_404, %dma_wait3A_405] : memref<10240x64xf32, #tpu.memory_space<hbm>> -> memref<128x64xf32, #tpu.memory_space<hbm>>
      %dma_wait3A_407 = arith.constant 0 : i32
      %dma_wait3A_408 = arith.constant 0 : i32
      %dma_wait3A_409 = tpu.memref_slice %arg9[%dma_wait3A_399, %dma_wait3A_407, %dma_wait3A_408] : memref<5x128x64xf32, #tpu.memory_space<vmem>> -> memref<1x128x64xf32, #tpu.memory_space<vmem>>
      %dma_wait3A_410 = tpu.memref_squeeze %dma_wait3A_409 : memref<1x128x64xf32, #tpu.memory_space<vmem>> -> memref<128x64xf32, #tpu.memory_space<vmem>>
      %dma_wait3A_411 = arith.constant 0 : i32
      %dma_wait3A_412 = arith.constant 0 : i32
      %dma_wait3A_413 = tpu.memref_slice %arg2[%dma_wait3A_411, %dma_wait3A_412] : memref<10240x64xf32, #tpu.memory_space<hbm>> -> memref<128x64xf32, #tpu.memory_space<hbm>>
      tpu.wait_dma2 semaphore(%arg17 : memref<!tpu.dma_semaphore, #tpu.memory_space<semaphore_mem>>) src(%dma_wait3A_413 : memref<128x64xf32, #tpu.memory_space<hbm>>) dst(%dma_wait3A_410 : memref<128x64xf32, #tpu.memory_space<vmem>>)
      %run_scoped3A_414 = arith.constant 3 : i32
      "tpu.region"() ({
        %run_scoped3A_473 = tpu.sem_alloc : memref<!tpu.dma_semaphore, #tpu.memory_space<semaphore_mem>>
        %dma_start3A_474 = arith.constant 0 : i32
        %dma_start3A_475 = arith.constant 0 : i32
        %dma_start3A_476 = tpu.memref_slice %arg9[%run_scoped3A_414, %dma_start3A_474, %dma_start3A_475] : memref<5x128x64xf32, #tpu.memory_space<vmem>> -> memref<1x128x64xf32, #tpu.memory_space<vmem>>
        %dma_start3A_477 = tpu.memref_squeeze %dma_start3A_476 : memref<1x128x64xf32, #tpu.memory_space<vmem>> -> memref<128x64xf32, #tpu.memory_space<vmem>>
        %dma_start3A_478 = arith.constant 0 : i32
        %dma_start3A_479 = tpu.memref_slice %arg8[%add3A_398, %dma_start3A_478] : memref<80x128xi32, #tpu.memory_space<vmem>> -> memref<1x128xi32, #tpu.memory_space<vmem>>
        %dma_start3A_480 = tpu.memref_squeeze %dma_start3A_479 : memref<1x128xi32, #tpu.memory_space<vmem>> -> memref<128xi32, #tpu.memory_space<vmem>>
        %dma_start3A_481 = arith.constant 0 : i32
        %dma_start3A_482 = arith.constant 0 : i32
        %dma_start3A_483 = tpu.memref_slice %arg11[%dma_start3A_481, %dma_start3A_482] : memref<10240x64xf32, #tpu.memory_space<vmem_shared>> -> memref<10240x64xf32, #tpu.memory_space<vmem_shared>>
        tpu.enqueue_indirect_dma source(%dma_start3A_477 : memref<128x64xf32, #tpu.memory_space<vmem>>) target(%dma_start3A_483 : memref<10240x64xf32, #tpu.memory_space<vmem_shared>>) offsets(%dma_start3A_480 : memref<128xi32, #tpu.memory_space<vmem>>) semaphore(%run_scoped3A_473 : memref<!tpu.dma_semaphore, #tpu.memory_space<semaphore_mem>>) {add = true}
        %dma_wait3A_484 = arith.constant 0 : i32
        %dma_wait3A_485 = arith.constant 0 : i32
        %dma_wait3A_486 = tpu.memref_slice %arg9[%run_scoped3A_414, %dma_wait3A_484, %dma_wait3A_485] : memref<5x128x64xf32, #tpu.memory_space<vmem>> -> memref<1x128x64xf32, #tpu.memory_space<vmem>>
        %dma_wait3A_487 = tpu.memref_squeeze %dma_wait3A_486 : memref<1x128x64xf32, #tpu.memory_space<vmem>> -> memref<128x64xf32, #tpu.memory_space<vmem>>
        %dma_wait3A_488 = arith.constant 0 : i32
        %dma_wait3A_489 = tpu.memref_slice %arg8[%add3A_398, %dma_wait3A_488] : memref<80x128xi32, #tpu.memory_space<vmem>> -> memref<1x128xi32, #tpu.memory_space<vmem>>
        %dma_wait3A_490 = tpu.memref_squeeze %dma_wait3A_489 : memref<1x128xi32, #tpu.memory_space<vmem>> -> memref<128xi32, #tpu.memory_space<vmem>>
        %dma_wait3A_491 = arith.constant 0 : i32
        %dma_wait3A_492 = arith.constant 0 : i32
        %dma_wait3A_493 = tpu.memref_slice %arg11[%dma_wait3A_491, %dma_wait3A_492] : memref<10240x64xf32, #tpu.memory_space<vmem_shared>> -> memref<10240x64xf32, #tpu.memory_space<vmem_shared>>
        tpu.wait_indirect_dma semaphore(%run_scoped3A_473 : memref<!tpu.dma_semaphore, #tpu.memory_space<semaphore_mem>>) src(%dma_wait3A_487 : memref<128x64xf32, #tpu.memory_space<vmem>>) dst(%dma_wait3A_493 : memref<10240x64xf32, #tpu.memory_space<vmem_shared>>)
        tpu.yield
      }) : () -> ()
      %dma_start3A_415 = arith.constant 0 : i32
      %dma_start3A_416 = tpu.memref_slice %arg8[%add3A_398, %dma_start3A_415] : memref<80x128xi32, #tpu.memory_space<vmem>> -> memref<1x128xi32, #tpu.memory_space<vmem>>
      %dma_start3A_417 = tpu.memref_squeeze %dma_start3A_416 : memref<1x128xi32, #tpu.memory_space<vmem>> -> memref<128xi32, #tpu.memory_space<vmem>>
      %dma_start3A_418 = arith.constant 0 : i32
      %dma_start3A_419 = arith.constant 0 : i32
      %dma_start3A_420 = tpu.memref_slice %arg13[%dma_start3A_418, %dma_start3A_419] : memref<10240x16xf32, #tpu.memory_space<vmem_shared>> -> memref<10240x16xf32, #tpu.memory_space<vmem_shared>>
      tpu.enqueue_indirect_dma source(%arg12 : memref<128x16xf32, #tpu.memory_space<vmem>>) target(%dma_start3A_420 : memref<10240x16xf32, #tpu.memory_space<vmem_shared>>) offsets(%dma_start3A_417 : memref<128xi32, #tpu.memory_space<vmem>>) semaphore(%arg21 : memref<!tpu.dma_semaphore, #tpu.memory_space<semaphore_mem>>) {add = true}
      %add3A_421 = arith.constant 5 : i32
      %add3A_422 = arith.addi %add3A_398, %add3A_421 : i32
      %dma_start3A_423 = arith.constant 3 : i32
      %dma_start3A_424 = arith.constant 0 : i32
      %dma_start3A_425 = arith.constant 0 : i32
      %dma_start3A_426 = tpu.memref_slice %arg9[%dma_start3A_423, %dma_start3A_424, %dma_start3A_425] : memref<5x128x64xf32, #tpu.memory_space<vmem>> -> memref<1x128x64xf32, #tpu.memory_space<vmem>>
      %dma_start3A_427 = tpu.memref_squeeze %dma_start3A_426 : memref<1x128x64xf32, #tpu.memory_space<vmem>> -> memref<128x64xf32, #tpu.memory_space<vmem>>
      %dma_start3A_428 = arith.constant 0 : i32
      %dma_start3A_429 = tpu.memref_slice %arg7[%add3A_422, %dma_start3A_428] : memref<80x128xi32, #tpu.memory_space<vmem>> -> memref<1x128xi32, #tpu.memory_space<vmem>>
      %dma_start3A_430 = tpu.memref_squeeze %dma_start3A_429 : memref<1x128xi32, #tpu.memory_space<vmem>> -> memref<128xi32, #tpu.memory_space<vmem>>
      %dma_start3A_431 = arith.constant 0 : i32
      %dma_start3A_432 = arith.constant 0 : i32
      %dma_start3A_433 = tpu.memref_slice %arg2[%dma_start3A_431, %dma_start3A_432] : memref<10240x64xf32, #tpu.memory_space<hbm>> -> memref<10240x64xf32, #tpu.memory_space<hbm>>
      tpu.enqueue_indirect_dma source(%dma_start3A_433 : memref<10240x64xf32, #tpu.memory_space<hbm>>) target(%dma_start3A_427 : memref<128x64xf32, #tpu.memory_space<vmem>>) offsets(%dma_start3A_430 : memref<128xi32, #tpu.memory_space<vmem>>) semaphore(%arg17 : memref<!tpu.dma_semaphore, #tpu.memory_space<semaphore_mem>>)
      %mul3A_434 = arith.constant 5 : i32
      %mul3A_435 = arith.muli %scan3A_277, %mul3A_434 : i32
      %add3A_436 = arith.constant 4 : i32
      %add3A_437 = arith.addi %mul3A_435, %add3A_436 : i32
      %dma_wait3A_438 = arith.constant 4 : i32
      %dma_wait3A_439 = arith.constant 0 : i32
      %dma_wait3A_440 = arith.constant 0 : i32
      %dma_wait3A_441 = tpu.memref_slice %arg9[%dma_wait3A_438, %dma_wait3A_439, %dma_wait3A_440] : memref<5x128x64xf32, #tpu.memory_space<vmem>> -> memref<1x128x64xf32, #tpu.memory_space<vmem>>
      %dma_wait3A_442 = tpu.memref_squeeze %dma_wait3A_441 : memref<1x128x64xf32, #tpu.memory_space<vmem>> -> memref<128x64xf32, #tpu.memory_space<vmem>>
      %dma_wait3A_443 = arith.constant 0 : i32
      %dma_wait3A_444 = arith.constant 0 : i32
      %dma_wait3A_445 = tpu.memref_slice %arg2[%dma_wait3A_443, %dma_wait3A_444] : memref<10240x64xf32, #tpu.memory_space<hbm>> -> memref<128x64xf32, #tpu.memory_space<hbm>>
      %dma_wait3A_446 = arith.constant 0 : i32
      %dma_wait3A_447 = arith.constant 0 : i32
      %dma_wait3A_448 = tpu.memref_slice %arg9[%dma_wait3A_438, %dma_wait3A_446, %dma_wait3A_447] : memref<5x128x64xf32, #tpu.memory_space<vmem>> -> memref<1x128x64xf32, #tpu.memory_space<vmem>>
      %dma_wait3A_449 = tpu.memref_squeeze %dma_wait3A_448 : memref<1x128x64xf32, #tpu.memory_space<vmem>> -> memref<128x64xf32, #tpu.memory_space<vmem>>
      %dma_wait3A_450 = arith.constant 0 : i32
      %dma_wait3A_451 = arith.constant 0 : i32
      %dma_wait3A_452 = tpu.memref_slice %arg2[%dma_wait3A_450, %dma_wait3A_451] : memref<10240x64xf32, #tpu.memory_space<hbm>> -> memref<128x64xf32, #tpu.memory_space<hbm>>
      tpu.wait_dma2 semaphore(%arg18 : memref<!tpu.dma_semaphore, #tpu.memory_space<semaphore_mem>>) src(%dma_wait3A_452 : memref<128x64xf32, #tpu.memory_space<hbm>>) dst(%dma_wait3A_449 : memref<128x64xf32, #tpu.memory_space<vmem>>)
      %run_scoped3A_453 = arith.constant 4 : i32
      "tpu.region"() ({
        %run_scoped3A_473 = tpu.sem_alloc : memref<!tpu.dma_semaphore, #tpu.memory_space<semaphore_mem>>
        %dma_start3A_474 = arith.constant 0 : i32
        %dma_start3A_475 = arith.constant 0 : i32
        %dma_start3A_476 = tpu.memref_slice %arg9[%run_scoped3A_453, %dma_start3A_474, %dma_start3A_475] : memref<5x128x64xf32, #tpu.memory_space<vmem>> -> memref<1x128x64xf32, #tpu.memory_space<vmem>>
        %dma_start3A_477 = tpu.memref_squeeze %dma_start3A_476 : memref<1x128x64xf32, #tpu.memory_space<vmem>> -> memref<128x64xf32, #tpu.memory_space<vmem>>
        %dma_start3A_478 = arith.constant 0 : i32
        %dma_start3A_479 = tpu.memref_slice %arg8[%add3A_437, %dma_start3A_478] : memref<80x128xi32, #tpu.memory_space<vmem>> -> memref<1x128xi32, #tpu.memory_space<vmem>>
        %dma_start3A_480 = tpu.memref_squeeze %dma_start3A_479 : memref<1x128xi32, #tpu.memory_space<vmem>> -> memref<128xi32, #tpu.memory_space<vmem>>
        %dma_start3A_481 = arith.constant 0 : i32
        %dma_start3A_482 = arith.constant 0 : i32
        %dma_start3A_483 = tpu.memref_slice %arg11[%dma_start3A_481, %dma_start3A_482] : memref<10240x64xf32, #tpu.memory_space<vmem_shared>> -> memref<10240x64xf32, #tpu.memory_space<vmem_shared>>
        tpu.enqueue_indirect_dma source(%dma_start3A_477 : memref<128x64xf32, #tpu.memory_space<vmem>>) target(%dma_start3A_483 : memref<10240x64xf32, #tpu.memory_space<vmem_shared>>) offsets(%dma_start3A_480 : memref<128xi32, #tpu.memory_space<vmem>>) semaphore(%run_scoped3A_473 : memref<!tpu.dma_semaphore, #tpu.memory_space<semaphore_mem>>) {add = true}
        %dma_wait3A_484 = arith.constant 0 : i32
        %dma_wait3A_485 = arith.constant 0 : i32
        %dma_wait3A_486 = tpu.memref_slice %arg9[%run_scoped3A_453, %dma_wait3A_484, %dma_wait3A_485] : memref<5x128x64xf32, #tpu.memory_space<vmem>> -> memref<1x128x64xf32, #tpu.memory_space<vmem>>
        %dma_wait3A_487 = tpu.memref_squeeze %dma_wait3A_486 : memref<1x128x64xf32, #tpu.memory_space<vmem>> -> memref<128x64xf32, #tpu.memory_space<vmem>>
        %dma_wait3A_488 = arith.constant 0 : i32
        %dma_wait3A_489 = tpu.memref_slice %arg8[%add3A_437, %dma_wait3A_488] : memref<80x128xi32, #tpu.memory_space<vmem>> -> memref<1x128xi32, #tpu.memory_space<vmem>>
        %dma_wait3A_490 = tpu.memref_squeeze %dma_wait3A_489 : memref<1x128xi32, #tpu.memory_space<vmem>> -> memref<128xi32, #tpu.memory_space<vmem>>
        %dma_wait3A_491 = arith.constant 0 : i32
        %dma_wait3A_492 = arith.constant 0 : i32
        %dma_wait3A_493 = tpu.memref_slice %arg11[%dma_wait3A_491, %dma_wait3A_492] : memref<10240x64xf32, #tpu.memory_space<vmem_shared>> -> memref<10240x64xf32, #tpu.memory_space<vmem_shared>>
        tpu.wait_indirect_dma semaphore(%run_scoped3A_473 : memref<!tpu.dma_semaphore, #tpu.memory_space<semaphore_mem>>) src(%dma_wait3A_487 : memref<128x64xf32, #tpu.memory_space<vmem>>) dst(%dma_wait3A_493 : memref<10240x64xf32, #tpu.memory_space<vmem_shared>>)
        tpu.yield
      }) : () -> ()
      %dma_start3A_454 = arith.constant 0 : i32
      %dma_start3A_455 = tpu.memref_slice %arg8[%add3A_437, %dma_start3A_454] : memref<80x128xi32, #tpu.memory_space<vmem>> -> memref<1x128xi32, #tpu.memory_space<vmem>>
      %dma_start3A_456 = tpu.memref_squeeze %dma_start3A_455 : memref<1x128xi32, #tpu.memory_space<vmem>> -> memref<128xi32, #tpu.memory_space<vmem>>
      %dma_start3A_457 = arith.constant 0 : i32
      %dma_start3A_458 = arith.constant 0 : i32
      %dma_start3A_459 = tpu.memref_slice %arg13[%dma_start3A_457, %dma_start3A_458] : memref<10240x16xf32, #tpu.memory_space<vmem_shared>> -> memref<10240x16xf32, #tpu.memory_space<vmem_shared>>
      tpu.enqueue_indirect_dma source(%arg12 : memref<128x16xf32, #tpu.memory_space<vmem>>) target(%dma_start3A_459 : memref<10240x16xf32, #tpu.memory_space<vmem_shared>>) offsets(%dma_start3A_456 : memref<128xi32, #tpu.memory_space<vmem>>) semaphore(%arg21 : memref<!tpu.dma_semaphore, #tpu.memory_space<semaphore_mem>>) {add = true}
      %add3A_460 = arith.constant 5 : i32
      %add3A_461 = arith.addi %add3A_437, %add3A_460 : i32
      %dma_start3A_462 = arith.constant 4 : i32
      %dma_start3A_463 = arith.constant 0 : i32
      %dma_start3A_464 = arith.constant 0 : i32
      %dma_start3A_465 = tpu.memref_slice %arg9[%dma_start3A_462, %dma_start3A_463, %dma_start3A_464] : memref<5x128x64xf32, #tpu.memory_space<vmem>> -> memref<1x128x64xf32, #tpu.memory_space<vmem>>
      %dma_start3A_466 = tpu.memref_squeeze %dma_start3A_465 : memref<1x128x64xf32, #tpu.memory_space<vmem>> -> memref<128x64xf32, #tpu.memory_space<vmem>>
      %dma_start3A_467 = arith.constant 0 : i32
      %dma_start3A_468 = tpu.memref_slice %arg7[%add3A_461, %dma_start3A_467] : memref<80x128xi32, #tpu.memory_space<vmem>> -> memref<1x128xi32, #tpu.memory_space<vmem>>
      %dma_start3A_469 = tpu.memref_squeeze %dma_start3A_468 : memref<1x128xi32, #tpu.memory_space<vmem>> -> memref<128xi32, #tpu.memory_space<vmem>>
      %dma_start3A_470 = arith.constant 0 : i32
      %dma_start3A_471 = arith.constant 0 : i32
      %dma_start3A_472 = tpu.memref_slice %arg2[%dma_start3A_470, %dma_start3A_471] : memref<10240x64xf32, #tpu.memory_space<hbm>> -> memref<10240x64xf32, #tpu.memory_space<hbm>>
      tpu.enqueue_indirect_dma source(%dma_start3A_472 : memref<10240x64xf32, #tpu.memory_space<hbm>>) target(%dma_start3A_466 : memref<128x64xf32, #tpu.memory_space<vmem>>) offsets(%dma_start3A_469 : memref<128xi32, #tpu.memory_space<vmem>>) semaphore(%arg18 : memref<!tpu.dma_semaphore, #tpu.memory_space<semaphore_mem>>)
    }
    %scan3A_142 = arith.constant 15 : i32
    %dma_wait3A_143 = arith.constant 0 : i32
    %dma_wait3A_144 = arith.constant 0 : i32
    %dma_wait3A_145 = arith.constant 0 : i32
    %dma_wait3A_146 = tpu.memref_slice %arg9[%dma_wait3A_143, %dma_wait3A_144, %dma_wait3A_145] : memref<5x128x64xf32, #tpu.memory_space<vmem>> -> memref<1x128x64xf32, #tpu.memory_space<vmem>>
    %dma_wait3A_147 = tpu.memref_squeeze %dma_wait3A_146 : memref<1x128x64xf32, #tpu.memory_space<vmem>> -> memref<128x64xf32, #tpu.memory_space<vmem>>
    %dma_wait3A_148 = arith.constant 0 : i32
    %dma_wait3A_149 = arith.constant 0 : i32
    %dma_wait3A_150 = tpu.memref_slice %arg2[%dma_wait3A_148, %dma_wait3A_149] : memref<10240x64xf32, #tpu.memory_space<hbm>> -> memref<128x64xf32, #tpu.memory_space<hbm>>
    %dma_wait3A_151 = arith.constant 0 : i32
    %dma_wait3A_152 = arith.constant 0 : i32
    %dma_wait3A_153 = tpu.memref_slice %arg9[%dma_wait3A_143, %dma_wait3A_151, %dma_wait3A_152] : memref<5x128x64xf32, #tpu.memory_space<vmem>> -> memref<1x128x64xf32, #tpu.memory_space<vmem>>
    %dma_wait3A_154 = tpu.memref_squeeze %dma_wait3A_153 : memref<1x128x64xf32, #tpu.memory_space<vmem>> -> memref<128x64xf32, #tpu.memory_space<vmem>>
    %dma_wait3A_155 = arith.constant 0 : i32
    %dma_wait3A_156 = arith.constant 0 : i32
    %dma_wait3A_157 = tpu.memref_slice %arg2[%dma_wait3A_155, %dma_wait3A_156] : memref<10240x64xf32, #tpu.memory_space<hbm>> -> memref<128x64xf32, #tpu.memory_space<hbm>>
    tpu.wait_dma2 semaphore(%arg14 : memref<!tpu.dma_semaphore, #tpu.memory_space<semaphore_mem>>) src(%dma_wait3A_157 : memref<128x64xf32, #tpu.memory_space<hbm>>) dst(%dma_wait3A_154 : memref<128x64xf32, #tpu.memory_space<vmem>>)
    %run_scoped3A = arith.constant 0 : i32
    %run_scoped3A_158 = arith.constant 75 : i32
    "tpu.region"() ({
      %run_scoped3A_277 = tpu.sem_alloc : memref<!tpu.dma_semaphore, #tpu.memory_space<semaphore_mem>>
      %dma_start3A_278 = arith.constant 0 : i32
      %dma_start3A_279 = arith.constant 0 : i32
      %dma_start3A_280 = tpu.memref_slice %arg9[%run_scoped3A, %dma_start3A_278, %dma_start3A_279] : memref<5x128x64xf32, #tpu.memory_space<vmem>> -> memref<1x128x64xf32, #tpu.memory_space<vmem>>
      %dma_start3A_281 = tpu.memref_squeeze %dma_start3A_280 : memref<1x128x64xf32, #tpu.memory_space<vmem>> -> memref<128x64xf32, #tpu.memory_space<vmem>>
      %dma_start3A_282 = arith.constant 0 : i32
      %dma_start3A_283 = tpu.memref_slice %arg8[%run_scoped3A_158, %dma_start3A_282] : memref<80x128xi32, #tpu.memory_space<vmem>> -> memref<1x128xi32, #tpu.memory_space<vmem>>
      %dma_start3A_284 = tpu.memref_squeeze %dma_start3A_283 : memref<1x128xi32, #tpu.memory_space<vmem>> -> memref<128xi32, #tpu.memory_space<vmem>>
      %dma_start3A_285 = arith.constant 0 : i32
      %dma_start3A_286 = arith.constant 0 : i32
      %dma_start3A_287 = tpu.memref_slice %arg11[%dma_start3A_285, %dma_start3A_286] : memref<10240x64xf32, #tpu.memory_space<vmem_shared>> -> memref<10240x64xf32, #tpu.memory_space<vmem_shared>>
      tpu.enqueue_indirect_dma source(%dma_start3A_281 : memref<128x64xf32, #tpu.memory_space<vmem>>) target(%dma_start3A_287 : memref<10240x64xf32, #tpu.memory_space<vmem_shared>>) offsets(%dma_start3A_284 : memref<128xi32, #tpu.memory_space<vmem>>) semaphore(%run_scoped3A_277 : memref<!tpu.dma_semaphore, #tpu.memory_space<semaphore_mem>>) {add = true}
      %dma_wait3A_288 = arith.constant 0 : i32
      %dma_wait3A_289 = arith.constant 0 : i32
      %dma_wait3A_290 = tpu.memref_slice %arg9[%run_scoped3A, %dma_wait3A_288, %dma_wait3A_289] : memref<5x128x64xf32, #tpu.memory_space<vmem>> -> memref<1x128x64xf32, #tpu.memory_space<vmem>>
      %dma_wait3A_291 = tpu.memref_squeeze %dma_wait3A_290 : memref<1x128x64xf32, #tpu.memory_space<vmem>> -> memref<128x64xf32, #tpu.memory_space<vmem>>
      %dma_wait3A_292 = arith.constant 0 : i32
      %dma_wait3A_293 = tpu.memref_slice %arg8[%run_scoped3A_158, %dma_wait3A_292] : memref<80x128xi32, #tpu.memory_space<vmem>> -> memref<1x128xi32, #tpu.memory_space<vmem>>
      %dma_wait3A_294 = tpu.memref_squeeze %dma_wait3A_293 : memref<1x128xi32, #tpu.memory_space<vmem>> -> memref<128xi32, #tpu.memory_space<vmem>>
      %dma_wait3A_295 = arith.constant 0 : i32
      %dma_wait3A_296 = arith.constant 0 : i32
      %dma_wait3A_297 = tpu.memref_slice %arg11[%dma_wait3A_295, %dma_wait3A_296] : memref<10240x64xf32, #tpu.memory_space<vmem_shared>> -> memref<10240x64xf32, #tpu.memory_space<vmem_shared>>
      tpu.wait_indirect_dma semaphore(%run_scoped3A_277 : memref<!tpu.dma_semaphore, #tpu.memory_space<semaphore_mem>>) src(%dma_wait3A_291 : memref<128x64xf32, #tpu.memory_space<vmem>>) dst(%dma_wait3A_297 : memref<10240x64xf32, #tpu.memory_space<vmem_shared>>)
      tpu.yield
    }) : () -> ()
    %dma_start3A_159 = arith.constant 75 : i32
    %dma_start3A_160 = arith.constant 0 : i32
    %dma_start3A_161 = tpu.memref_slice %arg8[%dma_start3A_159, %dma_start3A_160] : memref<80x128xi32, #tpu.memory_space<vmem>> -> memref<1x128xi32, #tpu.memory_space<vmem>>
    %dma_start3A_162 = tpu.memref_squeeze %dma_start3A_161 : memref<1x128xi32, #tpu.memory_space<vmem>> -> memref<128xi32, #tpu.memory_space<vmem>>
    %dma_start3A_163 = arith.constant 0 : i32
    %dma_start3A_164 = arith.constant 0 : i32
    %dma_start3A_165 = tpu.memref_slice %arg13[%dma_start3A_163, %dma_start3A_164] : memref<10240x16xf32, #tpu.memory_space<vmem_shared>> -> memref<10240x16xf32, #tpu.memory_space<vmem_shared>>
    tpu.enqueue_indirect_dma source(%arg12 : memref<128x16xf32, #tpu.memory_space<vmem>>) target(%dma_start3A_165 : memref<10240x16xf32, #tpu.memory_space<vmem_shared>>) offsets(%dma_start3A_162 : memref<128xi32, #tpu.memory_space<vmem>>) semaphore(%arg21 : memref<!tpu.dma_semaphore, #tpu.memory_space<semaphore_mem>>) {add = true}
    %dma_wait3A_166 = arith.constant 1 : i32
    %dma_wait3A_167 = arith.constant 0 : i32
    %dma_wait3A_168 = arith.constant 0 : i32
    %dma_wait3A_169 = tpu.memref_slice %arg9[%dma_wait3A_166, %dma_wait3A_167, %dma_wait3A_168] : memref<5x128x64xf32, #tpu.memory_space<vmem>> -> memref<1x128x64xf32, #tpu.memory_space<vmem>>
    %dma_wait3A_170 = tpu.memref_squeeze %dma_wait3A_169 : memref<1x128x64xf32, #tpu.memory_space<vmem>> -> memref<128x64xf32, #tpu.memory_space<vmem>>
    %dma_wait3A_171 = arith.constant 0 : i32
    %dma_wait3A_172 = arith.constant 0 : i32
    %dma_wait3A_173 = tpu.memref_slice %arg2[%dma_wait3A_171, %dma_wait3A_172] : memref<10240x64xf32, #tpu.memory_space<hbm>> -> memref<128x64xf32, #tpu.memory_space<hbm>>
    %dma_wait3A_174 = arith.constant 0 : i32
    %dma_wait3A_175 = arith.constant 0 : i32
    %dma_wait3A_176 = tpu.memref_slice %arg9[%dma_wait3A_166, %dma_wait3A_174, %dma_wait3A_175] : memref<5x128x64xf32, #tpu.memory_space<vmem>> -> memref<1x128x64xf32, #tpu.memory_space<vmem>>
    %dma_wait3A_177 = tpu.memref_squeeze %dma_wait3A_176 : memref<1x128x64xf32, #tpu.memory_space<vmem>> -> memref<128x64xf32, #tpu.memory_space<vmem>>
    %dma_wait3A_178 = arith.constant 0 : i32
    %dma_wait3A_179 = arith.constant 0 : i32
    %dma_wait3A_180 = tpu.memref_slice %arg2[%dma_wait3A_178, %dma_wait3A_179] : memref<10240x64xf32, #tpu.memory_space<hbm>> -> memref<128x64xf32, #tpu.memory_space<hbm>>
    tpu.wait_dma2 semaphore(%arg15 : memref<!tpu.dma_semaphore, #tpu.memory_space<semaphore_mem>>) src(%dma_wait3A_180 : memref<128x64xf32, #tpu.memory_space<hbm>>) dst(%dma_wait3A_177 : memref<128x64xf32, #tpu.memory_space<vmem>>)
    %run_scoped3A_181 = arith.constant 1 : i32
    %run_scoped3A_182 = arith.constant 76 : i32
    "tpu.region"() ({
      %run_scoped3A_277 = tpu.sem_alloc : memref<!tpu.dma_semaphore, #tpu.memory_space<semaphore_mem>>
      %dma_start3A_278 = arith.constant 0 : i32
      %dma_start3A_279 = arith.constant 0 : i32
      %dma_start3A_280 = tpu.memref_slice %arg9[%run_scoped3A_181, %dma_start3A_278, %dma_start3A_279] : memref<5x128x64xf32, #tpu.memory_space<vmem>> -> memref<1x128x64xf32, #tpu.memory_space<vmem>>
      %dma_start3A_281 = tpu.memref_squeeze %dma_start3A_280 : memref<1x128x64xf32, #tpu.memory_space<vmem>> -> memref<128x64xf32, #tpu.memory_space<vmem>>
      %dma_start3A_282 = arith.constant 0 : i32
      %dma_start3A_283 = tpu.memref_slice %arg8[%run_scoped3A_182, %dma_start3A_282] : memref<80x128xi32, #tpu.memory_space<vmem>> -> memref<1x128xi32, #tpu.memory_space<vmem>>
      %dma_start3A_284 = tpu.memref_squeeze %dma_start3A_283 : memref<1x128xi32, #tpu.memory_space<vmem>> -> memref<128xi32, #tpu.memory_space<vmem>>
      %dma_start3A_285 = arith.constant 0 : i32
      %dma_start3A_286 = arith.constant 0 : i32
      %dma_start3A_287 = tpu.memref_slice %arg11[%dma_start3A_285, %dma_start3A_286] : memref<10240x64xf32, #tpu.memory_space<vmem_shared>> -> memref<10240x64xf32, #tpu.memory_space<vmem_shared>>
      tpu.enqueue_indirect_dma source(%dma_start3A_281 : memref<128x64xf32, #tpu.memory_space<vmem>>) target(%dma_start3A_287 : memref<10240x64xf32, #tpu.memory_space<vmem_shared>>) offsets(%dma_start3A_284 : memref<128xi32, #tpu.memory_space<vmem>>) semaphore(%run_scoped3A_277 : memref<!tpu.dma_semaphore, #tpu.memory_space<semaphore_mem>>) {add = true}
      %dma_wait3A_288 = arith.constant 0 : i32
      %dma_wait3A_289 = arith.constant 0 : i32
      %dma_wait3A_290 = tpu.memref_slice %arg9[%run_scoped3A_181, %dma_wait3A_288, %dma_wait3A_289] : memref<5x128x64xf32, #tpu.memory_space<vmem>> -> memref<1x128x64xf32, #tpu.memory_space<vmem>>
      %dma_wait3A_291 = tpu.memref_squeeze %dma_wait3A_290 : memref<1x128x64xf32, #tpu.memory_space<vmem>> -> memref<128x64xf32, #tpu.memory_space<vmem>>
      %dma_wait3A_292 = arith.constant 0 : i32
      %dma_wait3A_293 = tpu.memref_slice %arg8[%run_scoped3A_182, %dma_wait3A_292] : memref<80x128xi32, #tpu.memory_space<vmem>> -> memref<1x128xi32, #tpu.memory_space<vmem>>
      %dma_wait3A_294 = tpu.memref_squeeze %dma_wait3A_293 : memref<1x128xi32, #tpu.memory_space<vmem>> -> memref<128xi32, #tpu.memory_space<vmem>>
      %dma_wait3A_295 = arith.constant 0 : i32
      %dma_wait3A_296 = arith.constant 0 : i32
      %dma_wait3A_297 = tpu.memref_slice %arg11[%dma_wait3A_295, %dma_wait3A_296] : memref<10240x64xf32, #tpu.memory_space<vmem_shared>> -> memref<10240x64xf32, #tpu.memory_space<vmem_shared>>
      tpu.wait_indirect_dma semaphore(%run_scoped3A_277 : memref<!tpu.dma_semaphore, #tpu.memory_space<semaphore_mem>>) src(%dma_wait3A_291 : memref<128x64xf32, #tpu.memory_space<vmem>>) dst(%dma_wait3A_297 : memref<10240x64xf32, #tpu.memory_space<vmem_shared>>)
      tpu.yield
    }) : () -> ()
    %dma_start3A_183 = arith.constant 76 : i32
    %dma_start3A_184 = arith.constant 0 : i32
    %dma_start3A_185 = tpu.memref_slice %arg8[%dma_start3A_183, %dma_start3A_184] : memref<80x128xi32, #tpu.memory_space<vmem>> -> memref<1x128xi32, #tpu.memory_space<vmem>>
    %dma_start3A_186 = tpu.memref_squeeze %dma_start3A_185 : memref<1x128xi32, #tpu.memory_space<vmem>> -> memref<128xi32, #tpu.memory_space<vmem>>
    %dma_start3A_187 = arith.constant 0 : i32
    %dma_start3A_188 = arith.constant 0 : i32
    %dma_start3A_189 = tpu.memref_slice %arg13[%dma_start3A_187, %dma_start3A_188] : memref<10240x16xf32, #tpu.memory_space<vmem_shared>> -> memref<10240x16xf32, #tpu.memory_space<vmem_shared>>
    tpu.enqueue_indirect_dma source(%arg12 : memref<128x16xf32, #tpu.memory_space<vmem>>) target(%dma_start3A_189 : memref<10240x16xf32, #tpu.memory_space<vmem_shared>>) offsets(%dma_start3A_186 : memref<128xi32, #tpu.memory_space<vmem>>) semaphore(%arg21 : memref<!tpu.dma_semaphore, #tpu.memory_space<semaphore_mem>>) {add = true}
    %dma_wait3A_190 = arith.constant 2 : i32
    %dma_wait3A_191 = arith.constant 0 : i32
    %dma_wait3A_192 = arith.constant 0 : i32
    %dma_wait3A_193 = tpu.memref_slice %arg9[%dma_wait3A_190, %dma_wait3A_191, %dma_wait3A_192] : memref<5x128x64xf32, #tpu.memory_space<vmem>> -> memref<1x128x64xf32, #tpu.memory_space<vmem>>
    %dma_wait3A_194 = tpu.memref_squeeze %dma_wait3A_193 : memref<1x128x64xf32, #tpu.memory_space<vmem>> -> memref<128x64xf32, #tpu.memory_space<vmem>>
    %dma_wait3A_195 = arith.constant 0 : i32
    %dma_wait3A_196 = arith.constant 0 : i32
    %dma_wait3A_197 = tpu.memref_slice %arg2[%dma_wait3A_195, %dma_wait3A_196] : memref<10240x64xf32, #tpu.memory_space<hbm>> -> memref<128x64xf32, #tpu.memory_space<hbm>>
    %dma_wait3A_198 = arith.constant 0 : i32
    %dma_wait3A_199 = arith.constant 0 : i32
    %dma_wait3A_200 = tpu.memref_slice %arg9[%dma_wait3A_190, %dma_wait3A_198, %dma_wait3A_199] : memref<5x128x64xf32, #tpu.memory_space<vmem>> -> memref<1x128x64xf32, #tpu.memory_space<vmem>>
    %dma_wait3A_201 = tpu.memref_squeeze %dma_wait3A_200 : memref<1x128x64xf32, #tpu.memory_space<vmem>> -> memref<128x64xf32, #tpu.memory_space<vmem>>
    %dma_wait3A_202 = arith.constant 0 : i32
    %dma_wait3A_203 = arith.constant 0 : i32
    %dma_wait3A_204 = tpu.memref_slice %arg2[%dma_wait3A_202, %dma_wait3A_203] : memref<10240x64xf32, #tpu.memory_space<hbm>> -> memref<128x64xf32, #tpu.memory_space<hbm>>
    tpu.wait_dma2 semaphore(%arg16 : memref<!tpu.dma_semaphore, #tpu.memory_space<semaphore_mem>>) src(%dma_wait3A_204 : memref<128x64xf32, #tpu.memory_space<hbm>>) dst(%dma_wait3A_201 : memref<128x64xf32, #tpu.memory_space<vmem>>)
    %run_scoped3A_205 = arith.constant 2 : i32
    %run_scoped3A_206 = arith.constant 77 : i32
    "tpu.region"() ({
      %run_scoped3A_277 = tpu.sem_alloc : memref<!tpu.dma_semaphore, #tpu.memory_space<semaphore_mem>>
      %dma_start3A_278 = arith.constant 0 : i32
      %dma_start3A_279 = arith.constant 0 : i32
      %dma_start3A_280 = tpu.memref_slice %arg9[%run_scoped3A_205, %dma_start3A_278, %dma_start3A_279] : memref<5x128x64xf32, #tpu.memory_space<vmem>> -> memref<1x128x64xf32, #tpu.memory_space<vmem>>
      %dma_start3A_281 = tpu.memref_squeeze %dma_start3A_280 : memref<1x128x64xf32, #tpu.memory_space<vmem>> -> memref<128x64xf32, #tpu.memory_space<vmem>>
      %dma_start3A_282 = arith.constant 0 : i32
      %dma_start3A_283 = tpu.memref_slice %arg8[%run_scoped3A_206, %dma_start3A_282] : memref<80x128xi32, #tpu.memory_space<vmem>> -> memref<1x128xi32, #tpu.memory_space<vmem>>
      %dma_start3A_284 = tpu.memref_squeeze %dma_start3A_283 : memref<1x128xi32, #tpu.memory_space<vmem>> -> memref<128xi32, #tpu.memory_space<vmem>>
      %dma_start3A_285 = arith.constant 0 : i32
      %dma_start3A_286 = arith.constant 0 : i32
      %dma_start3A_287 = tpu.memref_slice %arg11[%dma_start3A_285, %dma_start3A_286] : memref<10240x64xf32, #tpu.memory_space<vmem_shared>> -> memref<10240x64xf32, #tpu.memory_space<vmem_shared>>
      tpu.enqueue_indirect_dma source(%dma_start3A_281 : memref<128x64xf32, #tpu.memory_space<vmem>>) target(%dma_start3A_287 : memref<10240x64xf32, #tpu.memory_space<vmem_shared>>) offsets(%dma_start3A_284 : memref<128xi32, #tpu.memory_space<vmem>>) semaphore(%run_scoped3A_277 : memref<!tpu.dma_semaphore, #tpu.memory_space<semaphore_mem>>) {add = true}
      %dma_wait3A_288 = arith.constant 0 : i32
      %dma_wait3A_289 = arith.constant 0 : i32
      %dma_wait3A_290 = tpu.memref_slice %arg9[%run_scoped3A_205, %dma_wait3A_288, %dma_wait3A_289] : memref<5x128x64xf32, #tpu.memory_space<vmem>> -> memref<1x128x64xf32, #tpu.memory_space<vmem>>
      %dma_wait3A_291 = tpu.memref_squeeze %dma_wait3A_290 : memref<1x128x64xf32, #tpu.memory_space<vmem>> -> memref<128x64xf32, #tpu.memory_space<vmem>>
      %dma_wait3A_292 = arith.constant 0 : i32
      %dma_wait3A_293 = tpu.memref_slice %arg8[%run_scoped3A_206, %dma_wait3A_292] : memref<80x128xi32, #tpu.memory_space<vmem>> -> memref<1x128xi32, #tpu.memory_space<vmem>>
      %dma_wait3A_294 = tpu.memref_squeeze %dma_wait3A_293 : memref<1x128xi32, #tpu.memory_space<vmem>> -> memref<128xi32, #tpu.memory_space<vmem>>
      %dma_wait3A_295 = arith.constant 0 : i32
      %dma_wait3A_296 = arith.constant 0 : i32
      %dma_wait3A_297 = tpu.memref_slice %arg11[%dma_wait3A_295, %dma_wait3A_296] : memref<10240x64xf32, #tpu.memory_space<vmem_shared>> -> memref<10240x64xf32, #tpu.memory_space<vmem_shared>>
      tpu.wait_indirect_dma semaphore(%run_scoped3A_277 : memref<!tpu.dma_semaphore, #tpu.memory_space<semaphore_mem>>) src(%dma_wait3A_291 : memref<128x64xf32, #tpu.memory_space<vmem>>) dst(%dma_wait3A_297 : memref<10240x64xf32, #tpu.memory_space<vmem_shared>>)
      tpu.yield
    }) : () -> ()
    %dma_start3A_207 = arith.constant 77 : i32
    %dma_start3A_208 = arith.constant 0 : i32
    %dma_start3A_209 = tpu.memref_slice %arg8[%dma_start3A_207, %dma_start3A_208] : memref<80x128xi32, #tpu.memory_space<vmem>> -> memref<1x128xi32, #tpu.memory_space<vmem>>
    %dma_start3A_210 = tpu.memref_squeeze %dma_start3A_209 : memref<1x128xi32, #tpu.memory_space<vmem>> -> memref<128xi32, #tpu.memory_space<vmem>>
    %dma_start3A_211 = arith.constant 0 : i32
    %dma_start3A_212 = arith.constant 0 : i32
    %dma_start3A_213 = tpu.memref_slice %arg13[%dma_start3A_211, %dma_start3A_212] : memref<10240x16xf32, #tpu.memory_space<vmem_shared>> -> memref<10240x16xf32, #tpu.memory_space<vmem_shared>>
    tpu.enqueue_indirect_dma source(%arg12 : memref<128x16xf32, #tpu.memory_space<vmem>>) target(%dma_start3A_213 : memref<10240x16xf32, #tpu.memory_space<vmem_shared>>) offsets(%dma_start3A_210 : memref<128xi32, #tpu.memory_space<vmem>>) semaphore(%arg21 : memref<!tpu.dma_semaphore, #tpu.memory_space<semaphore_mem>>) {add = true}
    %dma_wait3A_214 = arith.constant 3 : i32
    %dma_wait3A_215 = arith.constant 0 : i32
    %dma_wait3A_216 = arith.constant 0 : i32
    %dma_wait3A_217 = tpu.memref_slice %arg9[%dma_wait3A_214, %dma_wait3A_215, %dma_wait3A_216] : memref<5x128x64xf32, #tpu.memory_space<vmem>> -> memref<1x128x64xf32, #tpu.memory_space<vmem>>
    %dma_wait3A_218 = tpu.memref_squeeze %dma_wait3A_217 : memref<1x128x64xf32, #tpu.memory_space<vmem>> -> memref<128x64xf32, #tpu.memory_space<vmem>>
    %dma_wait3A_219 = arith.constant 0 : i32
    %dma_wait3A_220 = arith.constant 0 : i32
    %dma_wait3A_221 = tpu.memref_slice %arg2[%dma_wait3A_219, %dma_wait3A_220] : memref<10240x64xf32, #tpu.memory_space<hbm>> -> memref<128x64xf32, #tpu.memory_space<hbm>>
    %dma_wait3A_222 = arith.constant 0 : i32
    %dma_wait3A_223 = arith.constant 0 : i32
    %dma_wait3A_224 = tpu.memref_slice %arg9[%dma_wait3A_214, %dma_wait3A_222, %dma_wait3A_223] : memref<5x128x64xf32, #tpu.memory_space<vmem>> -> memref<1x128x64xf32, #tpu.memory_space<vmem>>
    %dma_wait3A_225 = tpu.memref_squeeze %dma_wait3A_224 : memref<1x128x64xf32, #tpu.memory_space<vmem>> -> memref<128x64xf32, #tpu.memory_space<vmem>>
    %dma_wait3A_226 = arith.constant 0 : i32
    %dma_wait3A_227 = arith.constant 0 : i32
    %dma_wait3A_228 = tpu.memref_slice %arg2[%dma_wait3A_226, %dma_wait3A_227] : memref<10240x64xf32, #tpu.memory_space<hbm>> -> memref<128x64xf32, #tpu.memory_space<hbm>>
    tpu.wait_dma2 semaphore(%arg17 : memref<!tpu.dma_semaphore, #tpu.memory_space<semaphore_mem>>) src(%dma_wait3A_228 : memref<128x64xf32, #tpu.memory_space<hbm>>) dst(%dma_wait3A_225 : memref<128x64xf32, #tpu.memory_space<vmem>>)
    %run_scoped3A_229 = arith.constant 3 : i32
    %run_scoped3A_230 = arith.constant 78 : i32
    "tpu.region"() ({
      %run_scoped3A_277 = tpu.sem_alloc : memref<!tpu.dma_semaphore, #tpu.memory_space<semaphore_mem>>
      %dma_start3A_278 = arith.constant 0 : i32
      %dma_start3A_279 = arith.constant 0 : i32
      %dma_start3A_280 = tpu.memref_slice %arg9[%run_scoped3A_229, %dma_start3A_278, %dma_start3A_279] : memref<5x128x64xf32, #tpu.memory_space<vmem>> -> memref<1x128x64xf32, #tpu.memory_space<vmem>>
      %dma_start3A_281 = tpu.memref_squeeze %dma_start3A_280 : memref<1x128x64xf32, #tpu.memory_space<vmem>> -> memref<128x64xf32, #tpu.memory_space<vmem>>
      %dma_start3A_282 = arith.constant 0 : i32
      %dma_start3A_283 = tpu.memref_slice %arg8[%run_scoped3A_230, %dma_start3A_282] : memref<80x128xi32, #tpu.memory_space<vmem>> -> memref<1x128xi32, #tpu.memory_space<vmem>>
      %dma_start3A_284 = tpu.memref_squeeze %dma_start3A_283 : memref<1x128xi32, #tpu.memory_space<vmem>> -> memref<128xi32, #tpu.memory_space<vmem>>
      %dma_start3A_285 = arith.constant 0 : i32
      %dma_start3A_286 = arith.constant 0 : i32
      %dma_start3A_287 = tpu.memref_slice %arg11[%dma_start3A_285, %dma_start3A_286] : memref<10240x64xf32, #tpu.memory_space<vmem_shared>> -> memref<10240x64xf32, #tpu.memory_space<vmem_shared>>
      tpu.enqueue_indirect_dma source(%dma_start3A_281 : memref<128x64xf32, #tpu.memory_space<vmem>>) target(%dma_start3A_287 : memref<10240x64xf32, #tpu.memory_space<vmem_shared>>) offsets(%dma_start3A_284 : memref<128xi32, #tpu.memory_space<vmem>>) semaphore(%run_scoped3A_277 : memref<!tpu.dma_semaphore, #tpu.memory_space<semaphore_mem>>) {add = true}
      %dma_wait3A_288 = arith.constant 0 : i32
      %dma_wait3A_289 = arith.constant 0 : i32
      %dma_wait3A_290 = tpu.memref_slice %arg9[%run_scoped3A_229, %dma_wait3A_288, %dma_wait3A_289] : memref<5x128x64xf32, #tpu.memory_space<vmem>> -> memref<1x128x64xf32, #tpu.memory_space<vmem>>
      %dma_wait3A_291 = tpu.memref_squeeze %dma_wait3A_290 : memref<1x128x64xf32, #tpu.memory_space<vmem>> -> memref<128x64xf32, #tpu.memory_space<vmem>>
      %dma_wait3A_292 = arith.constant 0 : i32
      %dma_wait3A_293 = tpu.memref_slice %arg8[%run_scoped3A_230, %dma_wait3A_292] : memref<80x128xi32, #tpu.memory_space<vmem>> -> memref<1x128xi32, #tpu.memory_space<vmem>>
      %dma_wait3A_294 = tpu.memref_squeeze %dma_wait3A_293 : memref<1x128xi32, #tpu.memory_space<vmem>> -> memref<128xi32, #tpu.memory_space<vmem>>
      %dma_wait3A_295 = arith.constant 0 : i32
      %dma_wait3A_296 = arith.constant 0 : i32
      %dma_wait3A_297 = tpu.memref_slice %arg11[%dma_wait3A_295, %dma_wait3A_296] : memref<10240x64xf32, #tpu.memory_space<vmem_shared>> -> memref<10240x64xf32, #tpu.memory_space<vmem_shared>>
      tpu.wait_indirect_dma semaphore(%run_scoped3A_277 : memref<!tpu.dma_semaphore, #tpu.memory_space<semaphore_mem>>) src(%dma_wait3A_291 : memref<128x64xf32, #tpu.memory_space<vmem>>) dst(%dma_wait3A_297 : memref<10240x64xf32, #tpu.memory_space<vmem_shared>>)
      tpu.yield
    }) : () -> ()
    %dma_start3A_231 = arith.constant 78 : i32
    %dma_start3A_232 = arith.constant 0 : i32
    %dma_start3A_233 = tpu.memref_slice %arg8[%dma_start3A_231, %dma_start3A_232] : memref<80x128xi32, #tpu.memory_space<vmem>> -> memref<1x128xi32, #tpu.memory_space<vmem>>
    %dma_start3A_234 = tpu.memref_squeeze %dma_start3A_233 : memref<1x128xi32, #tpu.memory_space<vmem>> -> memref<128xi32, #tpu.memory_space<vmem>>
    %dma_start3A_235 = arith.constant 0 : i32
    %dma_start3A_236 = arith.constant 0 : i32
    %dma_start3A_237 = tpu.memref_slice %arg13[%dma_start3A_235, %dma_start3A_236] : memref<10240x16xf32, #tpu.memory_space<vmem_shared>> -> memref<10240x16xf32, #tpu.memory_space<vmem_shared>>
    tpu.enqueue_indirect_dma source(%arg12 : memref<128x16xf32, #tpu.memory_space<vmem>>) target(%dma_start3A_237 : memref<10240x16xf32, #tpu.memory_space<vmem_shared>>) offsets(%dma_start3A_234 : memref<128xi32, #tpu.memory_space<vmem>>) semaphore(%arg21 : memref<!tpu.dma_semaphore, #tpu.memory_space<semaphore_mem>>) {add = true}
    %dma_wait3A_238 = arith.constant 4 : i32
    %dma_wait3A_239 = arith.constant 0 : i32
    %dma_wait3A_240 = arith.constant 0 : i32
    %dma_wait3A_241 = tpu.memref_slice %arg9[%dma_wait3A_238, %dma_wait3A_239, %dma_wait3A_240] : memref<5x128x64xf32, #tpu.memory_space<vmem>> -> memref<1x128x64xf32, #tpu.memory_space<vmem>>
    %dma_wait3A_242 = tpu.memref_squeeze %dma_wait3A_241 : memref<1x128x64xf32, #tpu.memory_space<vmem>> -> memref<128x64xf32, #tpu.memory_space<vmem>>
    %dma_wait3A_243 = arith.constant 0 : i32
    %dma_wait3A_244 = arith.constant 0 : i32
    %dma_wait3A_245 = tpu.memref_slice %arg2[%dma_wait3A_243, %dma_wait3A_244] : memref<10240x64xf32, #tpu.memory_space<hbm>> -> memref<128x64xf32, #tpu.memory_space<hbm>>
    %dma_wait3A_246 = arith.constant 0 : i32
    %dma_wait3A_247 = arith.constant 0 : i32
    %dma_wait3A_248 = tpu.memref_slice %arg9[%dma_wait3A_238, %dma_wait3A_246, %dma_wait3A_247] : memref<5x128x64xf32, #tpu.memory_space<vmem>> -> memref<1x128x64xf32, #tpu.memory_space<vmem>>
    %dma_wait3A_249 = tpu.memref_squeeze %dma_wait3A_248 : memref<1x128x64xf32, #tpu.memory_space<vmem>> -> memref<128x64xf32, #tpu.memory_space<vmem>>
    %dma_wait3A_250 = arith.constant 0 : i32
    %dma_wait3A_251 = arith.constant 0 : i32
    %dma_wait3A_252 = tpu.memref_slice %arg2[%dma_wait3A_250, %dma_wait3A_251] : memref<10240x64xf32, #tpu.memory_space<hbm>> -> memref<128x64xf32, #tpu.memory_space<hbm>>
    tpu.wait_dma2 semaphore(%arg18 : memref<!tpu.dma_semaphore, #tpu.memory_space<semaphore_mem>>) src(%dma_wait3A_252 : memref<128x64xf32, #tpu.memory_space<hbm>>) dst(%dma_wait3A_249 : memref<128x64xf32, #tpu.memory_space<vmem>>)
    %run_scoped3A_253 = arith.constant 4 : i32
    %run_scoped3A_254 = arith.constant 79 : i32
    "tpu.region"() ({
      %run_scoped3A_277 = tpu.sem_alloc : memref<!tpu.dma_semaphore, #tpu.memory_space<semaphore_mem>>
      %dma_start3A_278 = arith.constant 0 : i32
      %dma_start3A_279 = arith.constant 0 : i32
      %dma_start3A_280 = tpu.memref_slice %arg9[%run_scoped3A_253, %dma_start3A_278, %dma_start3A_279] : memref<5x128x64xf32, #tpu.memory_space<vmem>> -> memref<1x128x64xf32, #tpu.memory_space<vmem>>
      %dma_start3A_281 = tpu.memref_squeeze %dma_start3A_280 : memref<1x128x64xf32, #tpu.memory_space<vmem>> -> memref<128x64xf32, #tpu.memory_space<vmem>>
      %dma_start3A_282 = arith.constant 0 : i32
      %dma_start3A_283 = tpu.memref_slice %arg8[%run_scoped3A_254, %dma_start3A_282] : memref<80x128xi32, #tpu.memory_space<vmem>> -> memref<1x128xi32, #tpu.memory_space<vmem>>
      %dma_start3A_284 = tpu.memref_squeeze %dma_start3A_283 : memref<1x128xi32, #tpu.memory_space<vmem>> -> memref<128xi32, #tpu.memory_space<vmem>>
      %dma_start3A_285 = arith.constant 0 : i32
      %dma_start3A_286 = arith.constant 0 : i32
      %dma_start3A_287 = tpu.memref_slice %arg11[%dma_start3A_285, %dma_start3A_286] : memref<10240x64xf32, #tpu.memory_space<vmem_shared>> -> memref<10240x64xf32, #tpu.memory_space<vmem_shared>>
      tpu.enqueue_indirect_dma source(%dma_start3A_281 : memref<128x64xf32, #tpu.memory_space<vmem>>) target(%dma_start3A_287 : memref<10240x64xf32, #tpu.memory_space<vmem_shared>>) offsets(%dma_start3A_284 : memref<128xi32, #tpu.memory_space<vmem>>) semaphore(%run_scoped3A_277 : memref<!tpu.dma_semaphore, #tpu.memory_space<semaphore_mem>>) {add = true}
      %dma_wait3A_288 = arith.constant 0 : i32
      %dma_wait3A_289 = arith.constant 0 : i32
      %dma_wait3A_290 = tpu.memref_slice %arg9[%run_scoped3A_253, %dma_wait3A_288, %dma_wait3A_289] : memref<5x128x64xf32, #tpu.memory_space<vmem>> -> memref<1x128x64xf32, #tpu.memory_space<vmem>>
      %dma_wait3A_291 = tpu.memref_squeeze %dma_wait3A_290 : memref<1x128x64xf32, #tpu.memory_space<vmem>> -> memref<128x64xf32, #tpu.memory_space<vmem>>
      %dma_wait3A_292 = arith.constant 0 : i32
      %dma_wait3A_293 = tpu.memref_slice %arg8[%run_scoped3A_254, %dma_wait3A_292] : memref<80x128xi32, #tpu.memory_space<vmem>> -> memref<1x128xi32, #tpu.memory_space<vmem>>
      %dma_wait3A_294 = tpu.memref_squeeze %dma_wait3A_293 : memref<1x128xi32, #tpu.memory_space<vmem>> -> memref<128xi32, #tpu.memory_space<vmem>>
      %dma_wait3A_295 = arith.constant 0 : i32
      %dma_wait3A_296 = arith.constant 0 : i32
      %dma_wait3A_297 = tpu.memref_slice %arg11[%dma_wait3A_295, %dma_wait3A_296] : memref<10240x64xf32, #tpu.memory_space<vmem_shared>> -> memref<10240x64xf32, #tpu.memory_space<vmem_shared>>
      tpu.wait_indirect_dma semaphore(%run_scoped3A_277 : memref<!tpu.dma_semaphore, #tpu.memory_space<semaphore_mem>>) src(%dma_wait3A_291 : memref<128x64xf32, #tpu.memory_space<vmem>>) dst(%dma_wait3A_297 : memref<10240x64xf32, #tpu.memory_space<vmem_shared>>)
      tpu.yield
    }) : () -> ()
    %dma_start3A_255 = arith.constant 79 : i32
    %dma_start3A_256 = arith.constant 0 : i32
    %dma_start3A_257 = tpu.memref_slice %arg8[%dma_start3A_255, %dma_start3A_256] : memref<80x128xi32, #tpu.memory_space<vmem>> -> memref<1x128xi32, #tpu.memory_space<vmem>>
    %dma_start3A_258 = tpu.memref_squeeze %dma_start3A_257 : memref<1x128xi32, #tpu.memory_space<vmem>> -> memref<128xi32, #tpu.memory_space<vmem>>
    %dma_start3A_259 = arith.constant 0 : i32
    %dma_start3A_260 = arith.constant 0 : i32
    %dma_start3A_261 = tpu.memref_slice %arg13[%dma_start3A_259, %dma_start3A_260] : memref<10240x16xf32, #tpu.memory_space<vmem_shared>> -> memref<10240x16xf32, #tpu.memory_space<vmem_shared>>
    tpu.enqueue_indirect_dma source(%arg12 : memref<128x16xf32, #tpu.memory_space<vmem>>) target(%dma_start3A_261 : memref<10240x16xf32, #tpu.memory_space<vmem_shared>>) offsets(%dma_start3A_258 : memref<128xi32, #tpu.memory_space<vmem>>) semaphore(%arg21 : memref<!tpu.dma_semaphore, #tpu.memory_space<semaphore_mem>>) {add = true}
    %scan3A_262 = arith.constant 0 : i32
    %scan3A_263 = arith.constant 0 : i32
    %scan3A_264 = arith.constant 80 : i32
    %scan3A_265 = arith.addi %scan3A_263, %scan3A_264 : i32
    %scan3A_266 = arith.constant 1 : i32
    scf.for %scan3A_277 = %scan3A_263 to %scan3A_265 step %scan3A_266  : i32 {
      %dma_wait3A_278 = arith.constant 0 : i32
      %dma_wait3A_279 = arith.constant 0 : i32
      %dma_wait3A_280 = tpu.memref_slice %arg8[%dma_wait3A_278, %dma_wait3A_279] : memref<80x128xi32, #tpu.memory_space<vmem>> -> memref<1x128xi32, #tpu.memory_space<vmem>>
      %dma_wait3A_281 = tpu.memref_squeeze %dma_wait3A_280 : memref<1x128xi32, #tpu.memory_space<vmem>> -> memref<128xi32, #tpu.memory_space<vmem>>
      %dma_wait3A_282 = arith.constant 0 : i32
      %dma_wait3A_283 = arith.constant 0 : i32
      %dma_wait3A_284 = tpu.memref_slice %arg13[%dma_wait3A_282, %dma_wait3A_283] : memref<10240x16xf32, #tpu.memory_space<vmem_shared>> -> memref<10240x16xf32, #tpu.memory_space<vmem_shared>>
      tpu.wait_indirect_dma semaphore(%arg21 : memref<!tpu.dma_semaphore, #tpu.memory_space<semaphore_mem>>) src(%arg12 : memref<128x16xf32, #tpu.memory_space<vmem>>) dst(%dma_wait3A_284 : memref<10240x16xf32, #tpu.memory_space<vmem_shared>>)
    }
    %scan3A_267 = arith.constant 80 : i32
    %barrier3A_268 = arith.constant 0 : index
    tpu.barrier barrier_id(%barrier3A_268)
    %mul3A_269 = arith.constant 640 : i32
    %mul3A_270 = arith.muli %arg1, %mul3A_269 : i32
    %mul3A_271 = arith.constant 640 : i32
    %mul3A_272 = arith.muli %arg1, %mul3A_271 : i32
    "tpu.region"() ({
      %run_scoped3A_277 = tpu.sem_alloc : memref<!tpu.dma_semaphore, #tpu.memory_space<semaphore_mem>>
      %dma_start3A_278 = arith.constant 0 : i32
      %dma_start3A_279 = tpu.memref_slice %arg5[%arg0, %mul3A_272, %dma_start3A_278] : memref<2x10240x64xf32, #tpu.memory_space<hbm>> -> memref<1x640x64xf32, #tpu.memory_space<hbm>>
      %dma_start3A_280 = tpu.memref_squeeze %dma_start3A_279 : memref<1x640x64xf32, #tpu.memory_space<hbm>> -> memref<640x64xf32, #tpu.memory_space<hbm>>
      %dma_start3A_281 = arith.constant 0 : i32
      %dma_start3A_282 = tpu.memref_slice %arg11[%mul3A_270, %dma_start3A_281] : memref<10240x64xf32, #tpu.memory_space<vmem_shared>> -> memref<640x64xf32, #tpu.memory_space<vmem_shared>>
      tpu.enqueue_dma source(%dma_start3A_282 : memref<640x64xf32, #tpu.memory_space<vmem_shared>>) target(%dma_start3A_280 : memref<640x64xf32, #tpu.memory_space<hbm>>) target_semaphore(%run_scoped3A_277 : memref<!tpu.dma_semaphore, #tpu.memory_space<semaphore_mem>>)
      %dma_wait3A_283 = arith.constant 0 : i32
      %dma_wait3A_284 = tpu.memref_slice %arg5[%arg0, %mul3A_272, %dma_wait3A_283] : memref<2x10240x64xf32, #tpu.memory_space<hbm>> -> memref<1x640x64xf32, #tpu.memory_space<hbm>>
      %dma_wait3A_285 = tpu.memref_squeeze %dma_wait3A_284 : memref<1x640x64xf32, #tpu.memory_space<hbm>> -> memref<640x64xf32, #tpu.memory_space<hbm>>
      %dma_wait3A_286 = arith.constant 0 : i32
      %dma_wait3A_287 = tpu.memref_slice %arg11[%mul3A_270, %dma_wait3A_286] : memref<10240x64xf32, #tpu.memory_space<vmem_shared>> -> memref<640x64xf32, #tpu.memory_space<vmem_shared>>
      tpu.wait_dma2 semaphore(%run_scoped3A_277 : memref<!tpu.dma_semaphore, #tpu.memory_space<semaphore_mem>>) src(%dma_wait3A_287 : memref<640x64xf32, #tpu.memory_space<vmem_shared>>) dst(%dma_wait3A_285 : memref<640x64xf32, #tpu.memory_space<hbm>>)
      tpu.yield
    }) : () -> ()
    %mul3A_273 = arith.constant 640 : i32
    %mul3A_274 = arith.muli %arg1, %mul3A_273 : i32
    %mul3A_275 = arith.constant 640 : i32
    %mul3A_276 = arith.muli %arg1, %mul3A_275 : i32
    "tpu.region"() ({
      %run_scoped3A_277 = tpu.sem_alloc : memref<!tpu.dma_semaphore, #tpu.memory_space<semaphore_mem>>
      %dma_start3A_278 = arith.constant 0 : i32
      %dma_start3A_279 = tpu.memref_slice %arg6[%arg0, %mul3A_276, %dma_start3A_278] : memref<2x10240x16xf32, #tpu.memory_space<hbm>> -> memref<1x640x16xf32, #tpu.memory_space<hbm>>
      %dma_start3A_280 = tpu.memref_squeeze %dma_start3A_279 : memref<1x640x16xf32, #tpu.memory_space<hbm>> -> memref<640x16xf32, #tpu.memory_space<hbm>>
      %dma_start3A_281 = arith.constant 0 : i32
      %dma_start3A_282 = tpu.memref_slice %arg13[%mul3A_274, %dma_start3A_281] : memref<10240x16xf32, #tpu.memory_space<vmem_shared>> -> memref<640x16xf32, #tpu.memory_space<vmem_shared>>
      tpu.enqueue_dma source(%dma_start3A_282 : memref<640x16xf32, #tpu.memory_space<vmem_shared>>) target(%dma_start3A_280 : memref<640x16xf32, #tpu.memory_space<hbm>>) target_semaphore(%run_scoped3A_277 : memref<!tpu.dma_semaphore, #tpu.memory_space<semaphore_mem>>)
      %dma_wait3A_283 = arith.constant 0 : i32
      %dma_wait3A_284 = tpu.memref_slice %arg6[%arg0, %mul3A_276, %dma_wait3A_283] : memref<2x10240x16xf32, #tpu.memory_space<hbm>> -> memref<1x640x16xf32, #tpu.memory_space<hbm>>
      %dma_wait3A_285 = tpu.memref_squeeze %dma_wait3A_284 : memref<1x640x16xf32, #tpu.memory_space<hbm>> -> memref<640x16xf32, #tpu.memory_space<hbm>>
      %dma_wait3A_286 = arith.constant 0 : i32
      %dma_wait3A_287 = tpu.memref_slice %arg13[%mul3A_274, %dma_wait3A_286] : memref<10240x16xf32, #tpu.memory_space<vmem_shared>> -> memref<640x16xf32, #tpu.memory_space<vmem_shared>>
      tpu.wait_dma2 semaphore(%run_scoped3A_277 : memref<!tpu.dma_semaphore, #tpu.memory_space<semaphore_mem>>) src(%dma_wait3A_287 : memref<640x16xf32, #tpu.memory_space<vmem_shared>>) dst(%dma_wait3A_285 : memref<640x16xf32, #tpu.memory_space<hbm>>)
      tpu.yield
    }) : () -> ()
    return
  }
}

#map = affine_map<(d0, d1) -> (0, 0)>
#map1 = affine_map<(d0, d1) -> (0, 0, 0)>
module attributes {stable_mosaic.version = 14 : i64} {
  func.func @sc_pass_body(%arg0: i32, %arg1: i32, %arg2: memref<10240x64xf32, #tpu.memory_space<hbm>>, %arg3: memref<32x80x128xi32, #tpu.memory_space<hbm>>, %arg4: memref<32x80x128xi32, #tpu.memory_space<hbm>>, %arg5: memref<2x10240x64xf32, #tpu.memory_space<hbm>>, %arg6: memref<80x128xi32, #tpu.memory_space<vmem>>, %arg7: memref<80x128xi32, #tpu.memory_space<vmem>>, %arg8: memref<5x128x64xf32, #tpu.memory_space<vmem>>, %arg9: memref<160x64xf32, #tpu.memory_space<vmem>>, %arg10: memref<10240x64xf32, #tpu.memory_space<vmem_shared>>, %arg11: memref<!tpu.dma_semaphore, #tpu.memory_space<semaphore_mem>>, %arg12: memref<!tpu.dma_semaphore, #tpu.memory_space<semaphore_mem>>, %arg13: memref<!tpu.dma_semaphore, #tpu.memory_space<semaphore_mem>>, %arg14: memref<!tpu.dma_semaphore, #tpu.memory_space<semaphore_mem>>, %arg15: memref<!tpu.dma_semaphore, #tpu.memory_space<semaphore_mem>>, %arg16: memref<!tpu.dma_semaphore, #tpu.memory_space<semaphore_mem>>, %arg17: memref<!tpu.dma_semaphore, #tpu.memory_space<semaphore_mem>>) attributes {dimension_semantics = [#tpu.dimension_semantics<core_parallel>, #tpu.dimension_semantics<subcore_parallel>], iteration_bounds = array<i64: 2, 16>, scalar_prefetch = 0 : i64, scratch_operands = 12 : i64, tpu.core_type = #tpu.core_type<sc_vector_subcore>, window_params = [{transform_indices = #map}, {transform_indices = #map1}, {transform_indices = #map1}, {transform_indices = #map1}]} {
    %mul3A = arith.constant 16 : i32
    %mul3A_0 = arith.muli %arg0, %mul3A : i32
    %add3A = arith.addi %mul3A_0, %arg1 : i32
    %dma_start3A = arith.constant 0 : i32
    %dma_start3A_1 = arith.constant 0 : i32
    %dma_start3A_2 = tpu.memref_slice %arg3[%add3A, %dma_start3A, %dma_start3A_1] : memref<32x80x128xi32, #tpu.memory_space<hbm>> -> memref<1x80x128xi32, #tpu.memory_space<hbm>>
    %dma_start3A_3 = tpu.memref_squeeze %dma_start3A_2 : memref<1x80x128xi32, #tpu.memory_space<hbm>> -> memref<80x128xi32, #tpu.memory_space<hbm>>
    %dma_start3A_4 = arith.constant 0 : i32
    %dma_start3A_5 = arith.constant 0 : i32
    %dma_start3A_6 = tpu.memref_slice %arg3[%add3A, %dma_start3A_4, %dma_start3A_5] : memref<32x80x128xi32, #tpu.memory_space<hbm>> -> memref<1x80x128xi32, #tpu.memory_space<hbm>>
    %dma_start3A_7 = tpu.memref_squeeze %dma_start3A_6 : memref<1x80x128xi32, #tpu.memory_space<hbm>> -> memref<80x128xi32, #tpu.memory_space<hbm>>
    tpu.enqueue_dma source(%dma_start3A_7 : memref<80x128xi32, #tpu.memory_space<hbm>>) target(%arg6 : memref<80x128xi32, #tpu.memory_space<vmem>>) target_semaphore(%arg16 : memref<!tpu.dma_semaphore, #tpu.memory_space<semaphore_mem>>)
    %dma_start3A_8 = arith.constant 0 : i32
    %dma_start3A_9 = arith.constant 0 : i32
    %dma_start3A_10 = tpu.memref_slice %arg4[%add3A, %dma_start3A_8, %dma_start3A_9] : memref<32x80x128xi32, #tpu.memory_space<hbm>> -> memref<1x80x128xi32, #tpu.memory_space<hbm>>
    %dma_start3A_11 = tpu.memref_squeeze %dma_start3A_10 : memref<1x80x128xi32, #tpu.memory_space<hbm>> -> memref<80x128xi32, #tpu.memory_space<hbm>>
    %dma_start3A_12 = arith.constant 0 : i32
    %dma_start3A_13 = arith.constant 0 : i32
    %dma_start3A_14 = tpu.memref_slice %arg4[%add3A, %dma_start3A_12, %dma_start3A_13] : memref<32x80x128xi32, #tpu.memory_space<hbm>> -> memref<1x80x128xi32, #tpu.memory_space<hbm>>
    %dma_start3A_15 = tpu.memref_squeeze %dma_start3A_14 : memref<1x80x128xi32, #tpu.memory_space<hbm>> -> memref<80x128xi32, #tpu.memory_space<hbm>>
    tpu.enqueue_dma source(%dma_start3A_15 : memref<80x128xi32, #tpu.memory_space<hbm>>) target(%arg7 : memref<80x128xi32, #tpu.memory_space<vmem>>) target_semaphore(%arg17 : memref<!tpu.dma_semaphore, #tpu.memory_space<semaphore_mem>>)
    %broadcast_in_dim3A = arith.constant 0.000000e+00 : f32
    %broadcast_in_dim3A_16 = vector.broadcast %broadcast_in_dim3A : f32 to vector<16xf32>
    %broadcast_in_dim3A_17 = arith.constant 1.000000e+00 : f32
    %broadcast_in_dim3A_18 = vector.broadcast %broadcast_in_dim3A_17 : f32 to vector<16xf32>
    %scan3A = arith.constant 0 : i32
    %scan3A_19 = arith.constant 0 : i32
    %scan3A_20 = arith.constant 160 : i32
    %scan3A_21 = arith.addi %scan3A_19, %scan3A_20 : i32
    %scan3A_22 = arith.constant 1 : i32
    scf.for %scan3A_210 = %scan3A_19 to %scan3A_21 step %scan3A_22  : i32 {
      %swap3A = arith.index_cast %scan3A_210 : i32 to index
      %swap3A_211 = arith.constant 0 : index
      %swap3A_212 = tpu.vector_load %arg9[%swap3A, %swap3A_211] {strides = array<i32>} : memref<160x64xf32, #tpu.memory_space<vmem>>, vector<1x16xf32>,
      %swap3A_213 = vector.shape_cast %swap3A_212 : vector<1x16xf32> to vector<16xf32>
      %swap3A_214 = vector.shape_cast %broadcast_in_dim3A_16 : vector<16xf32> to vector<1x16xf32>
      tpu.vector_store %arg9[%swap3A, %swap3A_211], %swap3A_214 {strides = array<i32>} : memref<160x64xf32, #tpu.memory_space<vmem>>, vector<1x16xf32>,
      %swap3A_215 = arith.index_cast %scan3A_210 : i32 to index
      %swap3A_216 = arith.constant 16 : index
      %swap3A_217 = tpu.vector_load %arg9[%swap3A_215, %swap3A_216] {strides = array<i32>} : memref<160x64xf32, #tpu.memory_space<vmem>>, vector<1x16xf32>,
      %swap3A_218 = vector.shape_cast %swap3A_217 : vector<1x16xf32> to vector<16xf32>
      %swap3A_219 = vector.shape_cast %broadcast_in_dim3A_16 : vector<16xf32> to vector<1x16xf32>
      tpu.vector_store %arg9[%swap3A_215, %swap3A_216], %swap3A_219 {strides = array<i32>} : memref<160x64xf32, #tpu.memory_space<vmem>>, vector<1x16xf32>,
      %swap3A_220 = arith.index_cast %scan3A_210 : i32 to index
      %swap3A_221 = arith.constant 32 : index
      %swap3A_222 = tpu.vector_load %arg9[%swap3A_220, %swap3A_221] {strides = array<i32>} : memref<160x64xf32, #tpu.memory_space<vmem>>, vector<1x16xf32>,
      %swap3A_223 = vector.shape_cast %swap3A_222 : vector<1x16xf32> to vector<16xf32>
      %swap3A_224 = vector.shape_cast %broadcast_in_dim3A_16 : vector<16xf32> to vector<1x16xf32>
      tpu.vector_store %arg9[%swap3A_220, %swap3A_221], %swap3A_224 {strides = array<i32>} : memref<160x64xf32, #tpu.memory_space<vmem>>, vector<1x16xf32>,
      %swap3A_225 = arith.index_cast %scan3A_210 : i32 to index
      %swap3A_226 = arith.constant 48 : index
      %swap3A_227 = tpu.vector_load %arg9[%swap3A_225, %swap3A_226] {strides = array<i32>} : memref<160x64xf32, #tpu.memory_space<vmem>>, vector<1x16xf32>,
      %swap3A_228 = vector.shape_cast %swap3A_227 : vector<1x16xf32> to vector<16xf32>
      %swap3A_229 = vector.shape_cast %broadcast_in_dim3A_16 : vector<16xf32> to vector<1x16xf32>
      tpu.vector_store %arg9[%swap3A_225, %swap3A_226], %swap3A_229 {strides = array<i32>} : memref<160x64xf32, #tpu.memory_space<vmem>>, vector<1x16xf32>,
    }
    %scan3A_23 = arith.constant 160 : i32
    %dma_wait3A = arith.constant 0 : i32
    %dma_wait3A_24 = arith.constant 0 : i32
    %dma_wait3A_25 = tpu.memref_slice %arg3[%add3A, %dma_wait3A, %dma_wait3A_24] : memref<32x80x128xi32, #tpu.memory_space<hbm>> -> memref<1x80x128xi32, #tpu.memory_space<hbm>>
    %dma_wait3A_26 = tpu.memref_squeeze %dma_wait3A_25 : memref<1x80x128xi32, #tpu.memory_space<hbm>> -> memref<80x128xi32, #tpu.memory_space<hbm>>
    %dma_wait3A_27 = arith.constant 0 : i32
    %dma_wait3A_28 = arith.constant 0 : i32
    %dma_wait3A_29 = tpu.memref_slice %arg3[%add3A, %dma_wait3A_27, %dma_wait3A_28] : memref<32x80x128xi32, #tpu.memory_space<hbm>> -> memref<1x80x128xi32, #tpu.memory_space<hbm>>
    %dma_wait3A_30 = tpu.memref_squeeze %dma_wait3A_29 : memref<1x80x128xi32, #tpu.memory_space<hbm>> -> memref<80x128xi32, #tpu.memory_space<hbm>>
    tpu.wait_dma2 semaphore(%arg16 : memref<!tpu.dma_semaphore, #tpu.memory_space<semaphore_mem>>) src(%dma_wait3A_30 : memref<80x128xi32, #tpu.memory_space<hbm>>) dst(%arg6 : memref<80x128xi32, #tpu.memory_space<vmem>>)
    %dma_start3A_31 = arith.constant 0 : i32
    %dma_start3A_32 = arith.constant 0 : i32
    %dma_start3A_33 = arith.constant 0 : i32
    %dma_start3A_34 = arith.constant 0 : i32
    %dma_start3A_35 = tpu.memref_slice %arg8[%dma_start3A_32, %dma_start3A_33, %dma_start3A_34] : memref<5x128x64xf32, #tpu.memory_space<vmem>> -> memref<1x128x64xf32, #tpu.memory_space<vmem>>
    %dma_start3A_36 = tpu.memref_squeeze %dma_start3A_35 : memref<1x128x64xf32, #tpu.memory_space<vmem>> -> memref<128x64xf32, #tpu.memory_space<vmem>>
    %dma_start3A_37 = arith.constant 0 : i32
    %dma_start3A_38 = tpu.memref_slice %arg6[%dma_start3A_31, %dma_start3A_37] : memref<80x128xi32, #tpu.memory_space<vmem>> -> memref<1x128xi32, #tpu.memory_space<vmem>>
    %dma_start3A_39 = tpu.memref_squeeze %dma_start3A_38 : memref<1x128xi32, #tpu.memory_space<vmem>> -> memref<128xi32, #tpu.memory_space<vmem>>
    %dma_start3A_40 = arith.constant 0 : i32
    %dma_start3A_41 = arith.constant 0 : i32
    %dma_start3A_42 = tpu.memref_slice %arg2[%dma_start3A_40, %dma_start3A_41] : memref<10240x64xf32, #tpu.memory_space<hbm>> -> memref<10240x64xf32, #tpu.memory_space<hbm>>
    tpu.enqueue_indirect_dma source(%dma_start3A_42 : memref<10240x64xf32, #tpu.memory_space<hbm>>) target(%dma_start3A_36 : memref<128x64xf32, #tpu.memory_space<vmem>>) offsets(%dma_start3A_39 : memref<128xi32, #tpu.memory_space<vmem>>) semaphore(%arg11 : memref<!tpu.dma_semaphore, #tpu.memory_space<semaphore_mem>>)
    %dma_start3A_43 = arith.constant 1 : i32
    %dma_start3A_44 = arith.constant 1 : i32
    %dma_start3A_45 = arith.constant 0 : i32
    %dma_start3A_46 = arith.constant 0 : i32
    %dma_start3A_47 = tpu.memref_slice %arg8[%dma_start3A_44, %dma_start3A_45, %dma_start3A_46] : memref<5x128x64xf32, #tpu.memory_space<vmem>> -> memref<1x128x64xf32, #tpu.memory_space<vmem>>
    %dma_start3A_48 = tpu.memref_squeeze %dma_start3A_47 : memref<1x128x64xf32, #tpu.memory_space<vmem>> -> memref<128x64xf32, #tpu.memory_space<vmem>>
    %dma_start3A_49 = arith.constant 0 : i32
    %dma_start3A_50 = tpu.memref_slice %arg6[%dma_start3A_43, %dma_start3A_49] : memref<80x128xi32, #tpu.memory_space<vmem>> -> memref<1x128xi32, #tpu.memory_space<vmem>>
    %dma_start3A_51 = tpu.memref_squeeze %dma_start3A_50 : memref<1x128xi32, #tpu.memory_space<vmem>> -> memref<128xi32, #tpu.memory_space<vmem>>
    %dma_start3A_52 = arith.constant 0 : i32
    %dma_start3A_53 = arith.constant 0 : i32
    %dma_start3A_54 = tpu.memref_slice %arg2[%dma_start3A_52, %dma_start3A_53] : memref<10240x64xf32, #tpu.memory_space<hbm>> -> memref<10240x64xf32, #tpu.memory_space<hbm>>
    tpu.enqueue_indirect_dma source(%dma_start3A_54 : memref<10240x64xf32, #tpu.memory_space<hbm>>) target(%dma_start3A_48 : memref<128x64xf32, #tpu.memory_space<vmem>>) offsets(%dma_start3A_51 : memref<128xi32, #tpu.memory_space<vmem>>) semaphore(%arg12 : memref<!tpu.dma_semaphore, #tpu.memory_space<semaphore_mem>>)
    %dma_start3A_55 = arith.constant 2 : i32
    %dma_start3A_56 = arith.constant 2 : i32
    %dma_start3A_57 = arith.constant 0 : i32
    %dma_start3A_58 = arith.constant 0 : i32
    %dma_start3A_59 = tpu.memref_slice %arg8[%dma_start3A_56, %dma_start3A_57, %dma_start3A_58] : memref<5x128x64xf32, #tpu.memory_space<vmem>> -> memref<1x128x64xf32, #tpu.memory_space<vmem>>
    %dma_start3A_60 = tpu.memref_squeeze %dma_start3A_59 : memref<1x128x64xf32, #tpu.memory_space<vmem>> -> memref<128x64xf32, #tpu.memory_space<vmem>>
    %dma_start3A_61 = arith.constant 0 : i32
    %dma_start3A_62 = tpu.memref_slice %arg6[%dma_start3A_55, %dma_start3A_61] : memref<80x128xi32, #tpu.memory_space<vmem>> -> memref<1x128xi32, #tpu.memory_space<vmem>>
    %dma_start3A_63 = tpu.memref_squeeze %dma_start3A_62 : memref<1x128xi32, #tpu.memory_space<vmem>> -> memref<128xi32, #tpu.memory_space<vmem>>
    %dma_start3A_64 = arith.constant 0 : i32
    %dma_start3A_65 = arith.constant 0 : i32
    %dma_start3A_66 = tpu.memref_slice %arg2[%dma_start3A_64, %dma_start3A_65] : memref<10240x64xf32, #tpu.memory_space<hbm>> -> memref<10240x64xf32, #tpu.memory_space<hbm>>
    tpu.enqueue_indirect_dma source(%dma_start3A_66 : memref<10240x64xf32, #tpu.memory_space<hbm>>) target(%dma_start3A_60 : memref<128x64xf32, #tpu.memory_space<vmem>>) offsets(%dma_start3A_63 : memref<128xi32, #tpu.memory_space<vmem>>) semaphore(%arg13 : memref<!tpu.dma_semaphore, #tpu.memory_space<semaphore_mem>>)
    %dma_start3A_67 = arith.constant 3 : i32
    %dma_start3A_68 = arith.constant 3 : i32
    %dma_start3A_69 = arith.constant 0 : i32
    %dma_start3A_70 = arith.constant 0 : i32
    %dma_start3A_71 = tpu.memref_slice %arg8[%dma_start3A_68, %dma_start3A_69, %dma_start3A_70] : memref<5x128x64xf32, #tpu.memory_space<vmem>> -> memref<1x128x64xf32, #tpu.memory_space<vmem>>
    %dma_start3A_72 = tpu.memref_squeeze %dma_start3A_71 : memref<1x128x64xf32, #tpu.memory_space<vmem>> -> memref<128x64xf32, #tpu.memory_space<vmem>>
    %dma_start3A_73 = arith.constant 0 : i32
    %dma_start3A_74 = tpu.memref_slice %arg6[%dma_start3A_67, %dma_start3A_73] : memref<80x128xi32, #tpu.memory_space<vmem>> -> memref<1x128xi32, #tpu.memory_space<vmem>>
    %dma_start3A_75 = tpu.memref_squeeze %dma_start3A_74 : memref<1x128xi32, #tpu.memory_space<vmem>> -> memref<128xi32, #tpu.memory_space<vmem>>
    %dma_start3A_76 = arith.constant 0 : i32
    %dma_start3A_77 = arith.constant 0 : i32
    %dma_start3A_78 = tpu.memref_slice %arg2[%dma_start3A_76, %dma_start3A_77] : memref<10240x64xf32, #tpu.memory_space<hbm>> -> memref<10240x64xf32, #tpu.memory_space<hbm>>
    tpu.enqueue_indirect_dma source(%dma_start3A_78 : memref<10240x64xf32, #tpu.memory_space<hbm>>) target(%dma_start3A_72 : memref<128x64xf32, #tpu.memory_space<vmem>>) offsets(%dma_start3A_75 : memref<128xi32, #tpu.memory_space<vmem>>) semaphore(%arg14 : memref<!tpu.dma_semaphore, #tpu.memory_space<semaphore_mem>>)
    %dma_start3A_79 = arith.constant 4 : i32
    %dma_start3A_80 = arith.constant 4 : i32
    %dma_start3A_81 = arith.constant 0 : i32
    %dma_start3A_82 = arith.constant 0 : i32
    %dma_start3A_83 = tpu.memref_slice %arg8[%dma_start3A_80, %dma_start3A_81, %dma_start3A_82] : memref<5x128x64xf32, #tpu.memory_space<vmem>> -> memref<1x128x64xf32, #tpu.memory_space<vmem>>
    %dma_start3A_84 = tpu.memref_squeeze %dma_start3A_83 : memref<1x128x64xf32, #tpu.memory_space<vmem>> -> memref<128x64xf32, #tpu.memory_space<vmem>>
    %dma_start3A_85 = arith.constant 0 : i32
    %dma_start3A_86 = tpu.memref_slice %arg6[%dma_start3A_79, %dma_start3A_85] : memref<80x128xi32, #tpu.memory_space<vmem>> -> memref<1x128xi32, #tpu.memory_space<vmem>>
    %dma_start3A_87 = tpu.memref_squeeze %dma_start3A_86 : memref<1x128xi32, #tpu.memory_space<vmem>> -> memref<128xi32, #tpu.memory_space<vmem>>
    %dma_start3A_88 = arith.constant 0 : i32
    %dma_start3A_89 = arith.constant 0 : i32
    %dma_start3A_90 = tpu.memref_slice %arg2[%dma_start3A_88, %dma_start3A_89] : memref<10240x64xf32, #tpu.memory_space<hbm>> -> memref<10240x64xf32, #tpu.memory_space<hbm>>
    tpu.enqueue_indirect_dma source(%dma_start3A_90 : memref<10240x64xf32, #tpu.memory_space<hbm>>) target(%dma_start3A_84 : memref<128x64xf32, #tpu.memory_space<vmem>>) offsets(%dma_start3A_87 : memref<128xi32, #tpu.memory_space<vmem>>) semaphore(%arg15 : memref<!tpu.dma_semaphore, #tpu.memory_space<semaphore_mem>>)
    %mul3A_91 = arith.constant 640 : i32
    %mul3A_92 = arith.muli %arg1, %mul3A_91 : i32
    %add3A_93 = arith.constant 0 : i32
    %add3A_94 = arith.addi %mul3A_92, %add3A_93 : i32
    "tpu.region"() ({
      %run_scoped3A_210 = tpu.sem_alloc : memref<!tpu.dma_semaphore, #tpu.memory_space<semaphore_mem>>
      %dma_start3A_211 = arith.constant 0 : i32
      %dma_start3A_212 = tpu.memref_slice %arg10[%add3A_94, %dma_start3A_211] : memref<10240x64xf32, #tpu.memory_space<vmem_shared>> -> memref<160x64xf32, #tpu.memory_space<vmem_shared>>
      %dma_start3A_213 = arith.constant 0 : i32
      %dma_start3A_214 = tpu.memref_slice %arg10[%add3A_94, %dma_start3A_213] : memref<10240x64xf32, #tpu.memory_space<vmem_shared>> -> memref<160x64xf32, #tpu.memory_space<vmem_shared>>
      tpu.enqueue_dma source(%arg9 : memref<160x64xf32, #tpu.memory_space<vmem>>) target(%dma_start3A_214 : memref<160x64xf32, #tpu.memory_space<vmem_shared>>) target_semaphore(%run_scoped3A_210 : memref<!tpu.dma_semaphore, #tpu.memory_space<semaphore_mem>>)
      %dma_wait3A_215 = arith.constant 0 : i32
      %dma_wait3A_216 = tpu.memref_slice %arg10[%add3A_94, %dma_wait3A_215] : memref<10240x64xf32, #tpu.memory_space<vmem_shared>> -> memref<160x64xf32, #tpu.memory_space<vmem_shared>>
      %dma_wait3A_217 = arith.constant 0 : i32
      %dma_wait3A_218 = tpu.memref_slice %arg10[%add3A_94, %dma_wait3A_217] : memref<10240x64xf32, #tpu.memory_space<vmem_shared>> -> memref<160x64xf32, #tpu.memory_space<vmem_shared>>
      tpu.wait_dma2 semaphore(%run_scoped3A_210 : memref<!tpu.dma_semaphore, #tpu.memory_space<semaphore_mem>>) src(%arg9 : memref<160x64xf32, #tpu.memory_space<vmem>>) dst(%dma_wait3A_218 : memref<160x64xf32, #tpu.memory_space<vmem_shared>>)
      tpu.yield
    }) : () -> ()
    %mul3A_95 = arith.constant 640 : i32
    %mul3A_96 = arith.muli %arg1, %mul3A_95 : i32
    %add3A_97 = arith.constant 160 : i32
    %add3A_98 = arith.addi %mul3A_96, %add3A_97 : i32
    "tpu.region"() ({
      %run_scoped3A_210 = tpu.sem_alloc : memref<!tpu.dma_semaphore, #tpu.memory_space<semaphore_mem>>
      %dma_start3A_211 = arith.constant 0 : i32
      %dma_start3A_212 = tpu.memref_slice %arg10[%add3A_98, %dma_start3A_211] : memref<10240x64xf32, #tpu.memory_space<vmem_shared>> -> memref<160x64xf32, #tpu.memory_space<vmem_shared>>
      %dma_start3A_213 = arith.constant 0 : i32
      %dma_start3A_214 = tpu.memref_slice %arg10[%add3A_98, %dma_start3A_213] : memref<10240x64xf32, #tpu.memory_space<vmem_shared>> -> memref<160x64xf32, #tpu.memory_space<vmem_shared>>
      tpu.enqueue_dma source(%arg9 : memref<160x64xf32, #tpu.memory_space<vmem>>) target(%dma_start3A_214 : memref<160x64xf32, #tpu.memory_space<vmem_shared>>) target_semaphore(%run_scoped3A_210 : memref<!tpu.dma_semaphore, #tpu.memory_space<semaphore_mem>>)
      %dma_wait3A_215 = arith.constant 0 : i32
      %dma_wait3A_216 = tpu.memref_slice %arg10[%add3A_98, %dma_wait3A_215] : memref<10240x64xf32, #tpu.memory_space<vmem_shared>> -> memref<160x64xf32, #tpu.memory_space<vmem_shared>>
      %dma_wait3A_217 = arith.constant 0 : i32
      %dma_wait3A_218 = tpu.memref_slice %arg10[%add3A_98, %dma_wait3A_217] : memref<10240x64xf32, #tpu.memory_space<vmem_shared>> -> memref<160x64xf32, #tpu.memory_space<vmem_shared>>
      tpu.wait_dma2 semaphore(%run_scoped3A_210 : memref<!tpu.dma_semaphore, #tpu.memory_space<semaphore_mem>>) src(%arg9 : memref<160x64xf32, #tpu.memory_space<vmem>>) dst(%dma_wait3A_218 : memref<160x64xf32, #tpu.memory_space<vmem_shared>>)
      tpu.yield
    }) : () -> ()
    %mul3A_99 = arith.constant 640 : i32
    %mul3A_100 = arith.muli %arg1, %mul3A_99 : i32
    %add3A_101 = arith.constant 320 : i32
    %add3A_102 = arith.addi %mul3A_100, %add3A_101 : i32
    "tpu.region"() ({
      %run_scoped3A_210 = tpu.sem_alloc : memref<!tpu.dma_semaphore, #tpu.memory_space<semaphore_mem>>
      %dma_start3A_211 = arith.constant 0 : i32
      %dma_start3A_212 = tpu.memref_slice %arg10[%add3A_102, %dma_start3A_211] : memref<10240x64xf32, #tpu.memory_space<vmem_shared>> -> memref<160x64xf32, #tpu.memory_space<vmem_shared>>
      %dma_start3A_213 = arith.constant 0 : i32
      %dma_start3A_214 = tpu.memref_slice %arg10[%add3A_102, %dma_start3A_213] : memref<10240x64xf32, #tpu.memory_space<vmem_shared>> -> memref<160x64xf32, #tpu.memory_space<vmem_shared>>
      tpu.enqueue_dma source(%arg9 : memref<160x64xf32, #tpu.memory_space<vmem>>) target(%dma_start3A_214 : memref<160x64xf32, #tpu.memory_space<vmem_shared>>) target_semaphore(%run_scoped3A_210 : memref<!tpu.dma_semaphore, #tpu.memory_space<semaphore_mem>>)
      %dma_wait3A_215 = arith.constant 0 : i32
      %dma_wait3A_216 = tpu.memref_slice %arg10[%add3A_102, %dma_wait3A_215] : memref<10240x64xf32, #tpu.memory_space<vmem_shared>> -> memref<160x64xf32, #tpu.memory_space<vmem_shared>>
      %dma_wait3A_217 = arith.constant 0 : i32
      %dma_wait3A_218 = tpu.memref_slice %arg10[%add3A_102, %dma_wait3A_217] : memref<10240x64xf32, #tpu.memory_space<vmem_shared>> -> memref<160x64xf32, #tpu.memory_space<vmem_shared>>
      tpu.wait_dma2 semaphore(%run_scoped3A_210 : memref<!tpu.dma_semaphore, #tpu.memory_space<semaphore_mem>>) src(%arg9 : memref<160x64xf32, #tpu.memory_space<vmem>>) dst(%dma_wait3A_218 : memref<160x64xf32, #tpu.memory_space<vmem_shared>>)
      tpu.yield
    }) : () -> ()
    %mul3A_103 = arith.constant 640 : i32
    %mul3A_104 = arith.muli %arg1, %mul3A_103 : i32
    %add3A_105 = arith.constant 480 : i32
    %add3A_106 = arith.addi %mul3A_104, %add3A_105 : i32
    "tpu.region"() ({
      %run_scoped3A_210 = tpu.sem_alloc : memref<!tpu.dma_semaphore, #tpu.memory_space<semaphore_mem>>
      %dma_start3A_211 = arith.constant 0 : i32
      %dma_start3A_212 = tpu.memref_slice %arg10[%add3A_106, %dma_start3A_211] : memref<10240x64xf32, #tpu.memory_space<vmem_shared>> -> memref<160x64xf32, #tpu.memory_space<vmem_shared>>
      %dma_start3A_213 = arith.constant 0 : i32
      %dma_start3A_214 = tpu.memref_slice %arg10[%add3A_106, %dma_start3A_213] : memref<10240x64xf32, #tpu.memory_space<vmem_shared>> -> memref<160x64xf32, #tpu.memory_space<vmem_shared>>
      tpu.enqueue_dma source(%arg9 : memref<160x64xf32, #tpu.memory_space<vmem>>) target(%dma_start3A_214 : memref<160x64xf32, #tpu.memory_space<vmem_shared>>) target_semaphore(%run_scoped3A_210 : memref<!tpu.dma_semaphore, #tpu.memory_space<semaphore_mem>>)
      %dma_wait3A_215 = arith.constant 0 : i32
      %dma_wait3A_216 = tpu.memref_slice %arg10[%add3A_106, %dma_wait3A_215] : memref<10240x64xf32, #tpu.memory_space<vmem_shared>> -> memref<160x64xf32, #tpu.memory_space<vmem_shared>>
      %dma_wait3A_217 = arith.constant 0 : i32
      %dma_wait3A_218 = tpu.memref_slice %arg10[%add3A_106, %dma_wait3A_217] : memref<10240x64xf32, #tpu.memory_space<vmem_shared>> -> memref<160x64xf32, #tpu.memory_space<vmem_shared>>
      tpu.wait_dma2 semaphore(%run_scoped3A_210 : memref<!tpu.dma_semaphore, #tpu.memory_space<semaphore_mem>>) src(%arg9 : memref<160x64xf32, #tpu.memory_space<vmem>>) dst(%dma_wait3A_218 : memref<160x64xf32, #tpu.memory_space<vmem_shared>>)
      tpu.yield
    }) : () -> ()
    %dma_wait3A_107 = arith.constant 0 : i32
    %dma_wait3A_108 = arith.constant 0 : i32
    %dma_wait3A_109 = tpu.memref_slice %arg4[%add3A, %dma_wait3A_107, %dma_wait3A_108] : memref<32x80x128xi32, #tpu.memory_space<hbm>> -> memref<1x80x128xi32, #tpu.memory_space<hbm>>
    %dma_wait3A_110 = tpu.memref_squeeze %dma_wait3A_109 : memref<1x80x128xi32, #tpu.memory_space<hbm>> -> memref<80x128xi32, #tpu.memory_space<hbm>>
    %dma_wait3A_111 = arith.constant 0 : i32
    %dma_wait3A_112 = arith.constant 0 : i32
    %dma_wait3A_113 = tpu.memref_slice %arg4[%add3A, %dma_wait3A_111, %dma_wait3A_112] : memref<32x80x128xi32, #tpu.memory_space<hbm>> -> memref<1x80x128xi32, #tpu.memory_space<hbm>>
    %dma_wait3A_114 = tpu.memref_squeeze %dma_wait3A_113 : memref<1x80x128xi32, #tpu.memory_space<hbm>> -> memref<80x128xi32, #tpu.memory_space<hbm>>
    tpu.wait_dma2 semaphore(%arg17 : memref<!tpu.dma_semaphore, #tpu.memory_space<semaphore_mem>>) src(%dma_wait3A_114 : memref<80x128xi32, #tpu.memory_space<hbm>>) dst(%arg7 : memref<80x128xi32, #tpu.memory_space<vmem>>)
    %barrier3A = arith.constant 0 : index
    tpu.barrier barrier_id(%barrier3A)
    %scan3A_115 = arith.constant 0 : i32
    %scan3A_116 = arith.constant 0 : i32
    %scan3A_117 = arith.constant 15 : i32
    %scan3A_118 = arith.addi %scan3A_116, %scan3A_117 : i32
    %scan3A_119 = arith.constant 1 : i32
    scf.for %scan3A_210 = %scan3A_116 to %scan3A_118 step %scan3A_119  : i32 {
      %mul3A_211 = arith.constant 5 : i32
      %mul3A_212 = arith.muli %scan3A_210, %mul3A_211 : i32
      %add3A_213 = arith.constant 0 : i32
      %add3A_214 = arith.addi %mul3A_212, %add3A_213 : i32
      %dma_wait3A_215 = arith.constant 0 : i32
      %dma_wait3A_216 = arith.constant 0 : i32
      %dma_wait3A_217 = arith.constant 0 : i32
      %dma_wait3A_218 = tpu.memref_slice %arg8[%dma_wait3A_215, %dma_wait3A_216, %dma_wait3A_217] : memref<5x128x64xf32, #tpu.memory_space<vmem>> -> memref<1x128x64xf32, #tpu.memory_space<vmem>>
      %dma_wait3A_219 = tpu.memref_squeeze %dma_wait3A_218 : memref<1x128x64xf32, #tpu.memory_space<vmem>> -> memref<128x64xf32, #tpu.memory_space<vmem>>
      %dma_wait3A_220 = arith.constant 0 : i32
      %dma_wait3A_221 = arith.constant 0 : i32
      %dma_wait3A_222 = tpu.memref_slice %arg2[%dma_wait3A_220, %dma_wait3A_221] : memref<10240x64xf32, #tpu.memory_space<hbm>> -> memref<128x64xf32, #tpu.memory_space<hbm>>
      %dma_wait3A_223 = arith.constant 0 : i32
      %dma_wait3A_224 = arith.constant 0 : i32
      %dma_wait3A_225 = tpu.memref_slice %arg8[%dma_wait3A_215, %dma_wait3A_223, %dma_wait3A_224] : memref<5x128x64xf32, #tpu.memory_space<vmem>> -> memref<1x128x64xf32, #tpu.memory_space<vmem>>
      %dma_wait3A_226 = tpu.memref_squeeze %dma_wait3A_225 : memref<1x128x64xf32, #tpu.memory_space<vmem>> -> memref<128x64xf32, #tpu.memory_space<vmem>>
      %dma_wait3A_227 = arith.constant 0 : i32
      %dma_wait3A_228 = arith.constant 0 : i32
      %dma_wait3A_229 = tpu.memref_slice %arg2[%dma_wait3A_227, %dma_wait3A_228] : memref<10240x64xf32, #tpu.memory_space<hbm>> -> memref<128x64xf32, #tpu.memory_space<hbm>>
      tpu.wait_dma2 semaphore(%arg11 : memref<!tpu.dma_semaphore, #tpu.memory_space<semaphore_mem>>) src(%dma_wait3A_229 : memref<128x64xf32, #tpu.memory_space<hbm>>) dst(%dma_wait3A_226 : memref<128x64xf32, #tpu.memory_space<vmem>>)
      %run_scoped3A_230 = arith.constant 0 : i32
      "tpu.region"() ({
        %run_scoped3A_376 = tpu.sem_alloc : memref<!tpu.dma_semaphore, #tpu.memory_space<semaphore_mem>>
        %dma_start3A_377 = arith.constant 0 : i32
        %dma_start3A_378 = arith.constant 0 : i32
        %dma_start3A_379 = tpu.memref_slice %arg8[%run_scoped3A_230, %dma_start3A_377, %dma_start3A_378] : memref<5x128x64xf32, #tpu.memory_space<vmem>> -> memref<1x128x64xf32, #tpu.memory_space<vmem>>
        %dma_start3A_380 = tpu.memref_squeeze %dma_start3A_379 : memref<1x128x64xf32, #tpu.memory_space<vmem>> -> memref<128x64xf32, #tpu.memory_space<vmem>>
        %dma_start3A_381 = arith.constant 0 : i32
        %dma_start3A_382 = tpu.memref_slice %arg7[%add3A_214, %dma_start3A_381] : memref<80x128xi32, #tpu.memory_space<vmem>> -> memref<1x128xi32, #tpu.memory_space<vmem>>
        %dma_start3A_383 = tpu.memref_squeeze %dma_start3A_382 : memref<1x128xi32, #tpu.memory_space<vmem>> -> memref<128xi32, #tpu.memory_space<vmem>>
        %dma_start3A_384 = arith.constant 0 : i32
        %dma_start3A_385 = arith.constant 0 : i32
        %dma_start3A_386 = tpu.memref_slice %arg10[%dma_start3A_384, %dma_start3A_385] : memref<10240x64xf32, #tpu.memory_space<vmem_shared>> -> memref<10240x64xf32, #tpu.memory_space<vmem_shared>>
        tpu.enqueue_indirect_dma source(%dma_start3A_380 : memref<128x64xf32, #tpu.memory_space<vmem>>) target(%dma_start3A_386 : memref<10240x64xf32, #tpu.memory_space<vmem_shared>>) offsets(%dma_start3A_383 : memref<128xi32, #tpu.memory_space<vmem>>) semaphore(%run_scoped3A_376 : memref<!tpu.dma_semaphore, #tpu.memory_space<semaphore_mem>>) {add = true}
        %dma_wait3A_387 = arith.constant 0 : i32
        %dma_wait3A_388 = arith.constant 0 : i32
        %dma_wait3A_389 = tpu.memref_slice %arg8[%run_scoped3A_230, %dma_wait3A_387, %dma_wait3A_388] : memref<5x128x64xf32, #tpu.memory_space<vmem>> -> memref<1x128x64xf32, #tpu.memory_space<vmem>>
        %dma_wait3A_390 = tpu.memref_squeeze %dma_wait3A_389 : memref<1x128x64xf32, #tpu.memory_space<vmem>> -> memref<128x64xf32, #tpu.memory_space<vmem>>
        %dma_wait3A_391 = arith.constant 0 : i32
        %dma_wait3A_392 = tpu.memref_slice %arg7[%add3A_214, %dma_wait3A_391] : memref<80x128xi32, #tpu.memory_space<vmem>> -> memref<1x128xi32, #tpu.memory_space<vmem>>
        %dma_wait3A_393 = tpu.memref_squeeze %dma_wait3A_392 : memref<1x128xi32, #tpu.memory_space<vmem>> -> memref<128xi32, #tpu.memory_space<vmem>>
        %dma_wait3A_394 = arith.constant 0 : i32
        %dma_wait3A_395 = arith.constant 0 : i32
        %dma_wait3A_396 = tpu.memref_slice %arg10[%dma_wait3A_394, %dma_wait3A_395] : memref<10240x64xf32, #tpu.memory_space<vmem_shared>> -> memref<10240x64xf32, #tpu.memory_space<vmem_shared>>
        tpu.wait_indirect_dma semaphore(%run_scoped3A_376 : memref<!tpu.dma_semaphore, #tpu.memory_space<semaphore_mem>>) src(%dma_wait3A_390 : memref<128x64xf32, #tpu.memory_space<vmem>>) dst(%dma_wait3A_396 : memref<10240x64xf32, #tpu.memory_space<vmem_shared>>)
        tpu.yield
      }) : () -> ()
      %add3A_231 = arith.constant 5 : i32
      %add3A_232 = arith.addi %add3A_214, %add3A_231 : i32
      %dma_start3A_233 = arith.constant 0 : i32
      %dma_start3A_234 = arith.constant 0 : i32
      %dma_start3A_235 = arith.constant 0 : i32
      %dma_start3A_236 = tpu.memref_slice %arg8[%dma_start3A_233, %dma_start3A_234, %dma_start3A_235] : memref<5x128x64xf32, #tpu.memory_space<vmem>> -> memref<1x128x64xf32, #tpu.memory_space<vmem>>
      %dma_start3A_237 = tpu.memref_squeeze %dma_start3A_236 : memref<1x128x64xf32, #tpu.memory_space<vmem>> -> memref<128x64xf32, #tpu.memory_space<vmem>>
      %dma_start3A_238 = arith.constant 0 : i32
      %dma_start3A_239 = tpu.memref_slice %arg6[%add3A_232, %dma_start3A_238] : memref<80x128xi32, #tpu.memory_space<vmem>> -> memref<1x128xi32, #tpu.memory_space<vmem>>
      %dma_start3A_240 = tpu.memref_squeeze %dma_start3A_239 : memref<1x128xi32, #tpu.memory_space<vmem>> -> memref<128xi32, #tpu.memory_space<vmem>>
      %dma_start3A_241 = arith.constant 0 : i32
      %dma_start3A_242 = arith.constant 0 : i32
      %dma_start3A_243 = tpu.memref_slice %arg2[%dma_start3A_241, %dma_start3A_242] : memref<10240x64xf32, #tpu.memory_space<hbm>> -> memref<10240x64xf32, #tpu.memory_space<hbm>>
      tpu.enqueue_indirect_dma source(%dma_start3A_243 : memref<10240x64xf32, #tpu.memory_space<hbm>>) target(%dma_start3A_237 : memref<128x64xf32, #tpu.memory_space<vmem>>) offsets(%dma_start3A_240 : memref<128xi32, #tpu.memory_space<vmem>>) semaphore(%arg11 : memref<!tpu.dma_semaphore, #tpu.memory_space<semaphore_mem>>)
      %mul3A_244 = arith.constant 5 : i32
      %mul3A_245 = arith.muli %scan3A_210, %mul3A_244 : i32
      %add3A_246 = arith.constant 1 : i32
      %add3A_247 = arith.addi %mul3A_245, %add3A_246 : i32
      %dma_wait3A_248 = arith.constant 1 : i32
      %dma_wait3A_249 = arith.constant 0 : i32
      %dma_wait3A_250 = arith.constant 0 : i32
      %dma_wait3A_251 = tpu.memref_slice %arg8[%dma_wait3A_248, %dma_wait3A_249, %dma_wait3A_250] : memref<5x128x64xf32, #tpu.memory_space<vmem>> -> memref<1x128x64xf32, #tpu.memory_space<vmem>>
      %dma_wait3A_252 = tpu.memref_squeeze %dma_wait3A_251 : memref<1x128x64xf32, #tpu.memory_space<vmem>> -> memref<128x64xf32, #tpu.memory_space<vmem>>
      %dma_wait3A_253 = arith.constant 0 : i32
      %dma_wait3A_254 = arith.constant 0 : i32
      %dma_wait3A_255 = tpu.memref_slice %arg2[%dma_wait3A_253, %dma_wait3A_254] : memref<10240x64xf32, #tpu.memory_space<hbm>> -> memref<128x64xf32, #tpu.memory_space<hbm>>
      %dma_wait3A_256 = arith.constant 0 : i32
      %dma_wait3A_257 = arith.constant 0 : i32
      %dma_wait3A_258 = tpu.memref_slice %arg8[%dma_wait3A_248, %dma_wait3A_256, %dma_wait3A_257] : memref<5x128x64xf32, #tpu.memory_space<vmem>> -> memref<1x128x64xf32, #tpu.memory_space<vmem>>
      %dma_wait3A_259 = tpu.memref_squeeze %dma_wait3A_258 : memref<1x128x64xf32, #tpu.memory_space<vmem>> -> memref<128x64xf32, #tpu.memory_space<vmem>>
      %dma_wait3A_260 = arith.constant 0 : i32
      %dma_wait3A_261 = arith.constant 0 : i32
      %dma_wait3A_262 = tpu.memref_slice %arg2[%dma_wait3A_260, %dma_wait3A_261] : memref<10240x64xf32, #tpu.memory_space<hbm>> -> memref<128x64xf32, #tpu.memory_space<hbm>>
      tpu.wait_dma2 semaphore(%arg12 : memref<!tpu.dma_semaphore, #tpu.memory_space<semaphore_mem>>) src(%dma_wait3A_262 : memref<128x64xf32, #tpu.memory_space<hbm>>) dst(%dma_wait3A_259 : memref<128x64xf32, #tpu.memory_space<vmem>>)
      %run_scoped3A_263 = arith.constant 1 : i32
      "tpu.region"() ({
        %run_scoped3A_376 = tpu.sem_alloc : memref<!tpu.dma_semaphore, #tpu.memory_space<semaphore_mem>>
        %dma_start3A_377 = arith.constant 0 : i32
        %dma_start3A_378 = arith.constant 0 : i32
        %dma_start3A_379 = tpu.memref_slice %arg8[%run_scoped3A_263, %dma_start3A_377, %dma_start3A_378] : memref<5x128x64xf32, #tpu.memory_space<vmem>> -> memref<1x128x64xf32, #tpu.memory_space<vmem>>
        %dma_start3A_380 = tpu.memref_squeeze %dma_start3A_379 : memref<1x128x64xf32, #tpu.memory_space<vmem>> -> memref<128x64xf32, #tpu.memory_space<vmem>>
        %dma_start3A_381 = arith.constant 0 : i32
        %dma_start3A_382 = tpu.memref_slice %arg7[%add3A_247, %dma_start3A_381] : memref<80x128xi32, #tpu.memory_space<vmem>> -> memref<1x128xi32, #tpu.memory_space<vmem>>
        %dma_start3A_383 = tpu.memref_squeeze %dma_start3A_382 : memref<1x128xi32, #tpu.memory_space<vmem>> -> memref<128xi32, #tpu.memory_space<vmem>>
        %dma_start3A_384 = arith.constant 0 : i32
        %dma_start3A_385 = arith.constant 0 : i32
        %dma_start3A_386 = tpu.memref_slice %arg10[%dma_start3A_384, %dma_start3A_385] : memref<10240x64xf32, #tpu.memory_space<vmem_shared>> -> memref<10240x64xf32, #tpu.memory_space<vmem_shared>>
        tpu.enqueue_indirect_dma source(%dma_start3A_380 : memref<128x64xf32, #tpu.memory_space<vmem>>) target(%dma_start3A_386 : memref<10240x64xf32, #tpu.memory_space<vmem_shared>>) offsets(%dma_start3A_383 : memref<128xi32, #tpu.memory_space<vmem>>) semaphore(%run_scoped3A_376 : memref<!tpu.dma_semaphore, #tpu.memory_space<semaphore_mem>>) {add = true}
        %dma_wait3A_387 = arith.constant 0 : i32
        %dma_wait3A_388 = arith.constant 0 : i32
        %dma_wait3A_389 = tpu.memref_slice %arg8[%run_scoped3A_263, %dma_wait3A_387, %dma_wait3A_388] : memref<5x128x64xf32, #tpu.memory_space<vmem>> -> memref<1x128x64xf32, #tpu.memory_space<vmem>>
        %dma_wait3A_390 = tpu.memref_squeeze %dma_wait3A_389 : memref<1x128x64xf32, #tpu.memory_space<vmem>> -> memref<128x64xf32, #tpu.memory_space<vmem>>
        %dma_wait3A_391 = arith.constant 0 : i32
        %dma_wait3A_392 = tpu.memref_slice %arg7[%add3A_247, %dma_wait3A_391] : memref<80x128xi32, #tpu.memory_space<vmem>> -> memref<1x128xi32, #tpu.memory_space<vmem>>
        %dma_wait3A_393 = tpu.memref_squeeze %dma_wait3A_392 : memref<1x128xi32, #tpu.memory_space<vmem>> -> memref<128xi32, #tpu.memory_space<vmem>>
        %dma_wait3A_394 = arith.constant 0 : i32
        %dma_wait3A_395 = arith.constant 0 : i32
        %dma_wait3A_396 = tpu.memref_slice %arg10[%dma_wait3A_394, %dma_wait3A_395] : memref<10240x64xf32, #tpu.memory_space<vmem_shared>> -> memref<10240x64xf32, #tpu.memory_space<vmem_shared>>
        tpu.wait_indirect_dma semaphore(%run_scoped3A_376 : memref<!tpu.dma_semaphore, #tpu.memory_space<semaphore_mem>>) src(%dma_wait3A_390 : memref<128x64xf32, #tpu.memory_space<vmem>>) dst(%dma_wait3A_396 : memref<10240x64xf32, #tpu.memory_space<vmem_shared>>)
        tpu.yield
      }) : () -> ()
      %add3A_264 = arith.constant 5 : i32
      %add3A_265 = arith.addi %add3A_247, %add3A_264 : i32
      %dma_start3A_266 = arith.constant 1 : i32
      %dma_start3A_267 = arith.constant 0 : i32
      %dma_start3A_268 = arith.constant 0 : i32
      %dma_start3A_269 = tpu.memref_slice %arg8[%dma_start3A_266, %dma_start3A_267, %dma_start3A_268] : memref<5x128x64xf32, #tpu.memory_space<vmem>> -> memref<1x128x64xf32, #tpu.memory_space<vmem>>
      %dma_start3A_270 = tpu.memref_squeeze %dma_start3A_269 : memref<1x128x64xf32, #tpu.memory_space<vmem>> -> memref<128x64xf32, #tpu.memory_space<vmem>>
      %dma_start3A_271 = arith.constant 0 : i32
      %dma_start3A_272 = tpu.memref_slice %arg6[%add3A_265, %dma_start3A_271] : memref<80x128xi32, #tpu.memory_space<vmem>> -> memref<1x128xi32, #tpu.memory_space<vmem>>
      %dma_start3A_273 = tpu.memref_squeeze %dma_start3A_272 : memref<1x128xi32, #tpu.memory_space<vmem>> -> memref<128xi32, #tpu.memory_space<vmem>>
      %dma_start3A_274 = arith.constant 0 : i32
      %dma_start3A_275 = arith.constant 0 : i32
      %dma_start3A_276 = tpu.memref_slice %arg2[%dma_start3A_274, %dma_start3A_275] : memref<10240x64xf32, #tpu.memory_space<hbm>> -> memref<10240x64xf32, #tpu.memory_space<hbm>>
      tpu.enqueue_indirect_dma source(%dma_start3A_276 : memref<10240x64xf32, #tpu.memory_space<hbm>>) target(%dma_start3A_270 : memref<128x64xf32, #tpu.memory_space<vmem>>) offsets(%dma_start3A_273 : memref<128xi32, #tpu.memory_space<vmem>>) semaphore(%arg12 : memref<!tpu.dma_semaphore, #tpu.memory_space<semaphore_mem>>)
      %mul3A_277 = arith.constant 5 : i32
      %mul3A_278 = arith.muli %scan3A_210, %mul3A_277 : i32
      %add3A_279 = arith.constant 2 : i32
      %add3A_280 = arith.addi %mul3A_278, %add3A_279 : i32
      %dma_wait3A_281 = arith.constant 2 : i32
      %dma_wait3A_282 = arith.constant 0 : i32
      %dma_wait3A_283 = arith.constant 0 : i32
      %dma_wait3A_284 = tpu.memref_slice %arg8[%dma_wait3A_281, %dma_wait3A_282, %dma_wait3A_283] : memref<5x128x64xf32, #tpu.memory_space<vmem>> -> memref<1x128x64xf32, #tpu.memory_space<vmem>>
      %dma_wait3A_285 = tpu.memref_squeeze %dma_wait3A_284 : memref<1x128x64xf32, #tpu.memory_space<vmem>> -> memref<128x64xf32, #tpu.memory_space<vmem>>
      %dma_wait3A_286 = arith.constant 0 : i32
      %dma_wait3A_287 = arith.constant 0 : i32
      %dma_wait3A_288 = tpu.memref_slice %arg2[%dma_wait3A_286, %dma_wait3A_287] : memref<10240x64xf32, #tpu.memory_space<hbm>> -> memref<128x64xf32, #tpu.memory_space<hbm>>
      %dma_wait3A_289 = arith.constant 0 : i32
      %dma_wait3A_290 = arith.constant 0 : i32
      %dma_wait3A_291 = tpu.memref_slice %arg8[%dma_wait3A_281, %dma_wait3A_289, %dma_wait3A_290] : memref<5x128x64xf32, #tpu.memory_space<vmem>> -> memref<1x128x64xf32, #tpu.memory_space<vmem>>
      %dma_wait3A_292 = tpu.memref_squeeze %dma_wait3A_291 : memref<1x128x64xf32, #tpu.memory_space<vmem>> -> memref<128x64xf32, #tpu.memory_space<vmem>>
      %dma_wait3A_293 = arith.constant 0 : i32
      %dma_wait3A_294 = arith.constant 0 : i32
      %dma_wait3A_295 = tpu.memref_slice %arg2[%dma_wait3A_293, %dma_wait3A_294] : memref<10240x64xf32, #tpu.memory_space<hbm>> -> memref<128x64xf32, #tpu.memory_space<hbm>>
      tpu.wait_dma2 semaphore(%arg13 : memref<!tpu.dma_semaphore, #tpu.memory_space<semaphore_mem>>) src(%dma_wait3A_295 : memref<128x64xf32, #tpu.memory_space<hbm>>) dst(%dma_wait3A_292 : memref<128x64xf32, #tpu.memory_space<vmem>>)
      %run_scoped3A_296 = arith.constant 2 : i32
      "tpu.region"() ({
        %run_scoped3A_376 = tpu.sem_alloc : memref<!tpu.dma_semaphore, #tpu.memory_space<semaphore_mem>>
        %dma_start3A_377 = arith.constant 0 : i32
        %dma_start3A_378 = arith.constant 0 : i32
        %dma_start3A_379 = tpu.memref_slice %arg8[%run_scoped3A_296, %dma_start3A_377, %dma_start3A_378] : memref<5x128x64xf32, #tpu.memory_space<vmem>> -> memref<1x128x64xf32, #tpu.memory_space<vmem>>
        %dma_start3A_380 = tpu.memref_squeeze %dma_start3A_379 : memref<1x128x64xf32, #tpu.memory_space<vmem>> -> memref<128x64xf32, #tpu.memory_space<vmem>>
        %dma_start3A_381 = arith.constant 0 : i32
        %dma_start3A_382 = tpu.memref_slice %arg7[%add3A_280, %dma_start3A_381] : memref<80x128xi32, #tpu.memory_space<vmem>> -> memref<1x128xi32, #tpu.memory_space<vmem>>
        %dma_start3A_383 = tpu.memref_squeeze %dma_start3A_382 : memref<1x128xi32, #tpu.memory_space<vmem>> -> memref<128xi32, #tpu.memory_space<vmem>>
        %dma_start3A_384 = arith.constant 0 : i32
        %dma_start3A_385 = arith.constant 0 : i32
        %dma_start3A_386 = tpu.memref_slice %arg10[%dma_start3A_384, %dma_start3A_385] : memref<10240x64xf32, #tpu.memory_space<vmem_shared>> -> memref<10240x64xf32, #tpu.memory_space<vmem_shared>>
        tpu.enqueue_indirect_dma source(%dma_start3A_380 : memref<128x64xf32, #tpu.memory_space<vmem>>) target(%dma_start3A_386 : memref<10240x64xf32, #tpu.memory_space<vmem_shared>>) offsets(%dma_start3A_383 : memref<128xi32, #tpu.memory_space<vmem>>) semaphore(%run_scoped3A_376 : memref<!tpu.dma_semaphore, #tpu.memory_space<semaphore_mem>>) {add = true}
        %dma_wait3A_387 = arith.constant 0 : i32
        %dma_wait3A_388 = arith.constant 0 : i32
        %dma_wait3A_389 = tpu.memref_slice %arg8[%run_scoped3A_296, %dma_wait3A_387, %dma_wait3A_388] : memref<5x128x64xf32, #tpu.memory_space<vmem>> -> memref<1x128x64xf32, #tpu.memory_space<vmem>>
        %dma_wait3A_390 = tpu.memref_squeeze %dma_wait3A_389 : memref<1x128x64xf32, #tpu.memory_space<vmem>> -> memref<128x64xf32, #tpu.memory_space<vmem>>
        %dma_wait3A_391 = arith.constant 0 : i32
        %dma_wait3A_392 = tpu.memref_slice %arg7[%add3A_280, %dma_wait3A_391] : memref<80x128xi32, #tpu.memory_space<vmem>> -> memref<1x128xi32, #tpu.memory_space<vmem>>
        %dma_wait3A_393 = tpu.memref_squeeze %dma_wait3A_392 : memref<1x128xi32, #tpu.memory_space<vmem>> -> memref<128xi32, #tpu.memory_space<vmem>>
        %dma_wait3A_394 = arith.constant 0 : i32
        %dma_wait3A_395 = arith.constant 0 : i32
        %dma_wait3A_396 = tpu.memref_slice %arg10[%dma_wait3A_394, %dma_wait3A_395] : memref<10240x64xf32, #tpu.memory_space<vmem_shared>> -> memref<10240x64xf32, #tpu.memory_space<vmem_shared>>
        tpu.wait_indirect_dma semaphore(%run_scoped3A_376 : memref<!tpu.dma_semaphore, #tpu.memory_space<semaphore_mem>>) src(%dma_wait3A_390 : memref<128x64xf32, #tpu.memory_space<vmem>>) dst(%dma_wait3A_396 : memref<10240x64xf32, #tpu.memory_space<vmem_shared>>)
        tpu.yield
      }) : () -> ()
      %add3A_297 = arith.constant 5 : i32
      %add3A_298 = arith.addi %add3A_280, %add3A_297 : i32
      %dma_start3A_299 = arith.constant 2 : i32
      %dma_start3A_300 = arith.constant 0 : i32
      %dma_start3A_301 = arith.constant 0 : i32
      %dma_start3A_302 = tpu.memref_slice %arg8[%dma_start3A_299, %dma_start3A_300, %dma_start3A_301] : memref<5x128x64xf32, #tpu.memory_space<vmem>> -> memref<1x128x64xf32, #tpu.memory_space<vmem>>
      %dma_start3A_303 = tpu.memref_squeeze %dma_start3A_302 : memref<1x128x64xf32, #tpu.memory_space<vmem>> -> memref<128x64xf32, #tpu.memory_space<vmem>>
      %dma_start3A_304 = arith.constant 0 : i32
      %dma_start3A_305 = tpu.memref_slice %arg6[%add3A_298, %dma_start3A_304] : memref<80x128xi32, #tpu.memory_space<vmem>> -> memref<1x128xi32, #tpu.memory_space<vmem>>
      %dma_start3A_306 = tpu.memref_squeeze %dma_start3A_305 : memref<1x128xi32, #tpu.memory_space<vmem>> -> memref<128xi32, #tpu.memory_space<vmem>>
      %dma_start3A_307 = arith.constant 0 : i32
      %dma_start3A_308 = arith.constant 0 : i32
      %dma_start3A_309 = tpu.memref_slice %arg2[%dma_start3A_307, %dma_start3A_308] : memref<10240x64xf32, #tpu.memory_space<hbm>> -> memref<10240x64xf32, #tpu.memory_space<hbm>>
      tpu.enqueue_indirect_dma source(%dma_start3A_309 : memref<10240x64xf32, #tpu.memory_space<hbm>>) target(%dma_start3A_303 : memref<128x64xf32, #tpu.memory_space<vmem>>) offsets(%dma_start3A_306 : memref<128xi32, #tpu.memory_space<vmem>>) semaphore(%arg13 : memref<!tpu.dma_semaphore, #tpu.memory_space<semaphore_mem>>)
      %mul3A_310 = arith.constant 5 : i32
      %mul3A_311 = arith.muli %scan3A_210, %mul3A_310 : i32
      %add3A_312 = arith.constant 3 : i32
      %add3A_313 = arith.addi %mul3A_311, %add3A_312 : i32
      %dma_wait3A_314 = arith.constant 3 : i32
      %dma_wait3A_315 = arith.constant 0 : i32
      %dma_wait3A_316 = arith.constant 0 : i32
      %dma_wait3A_317 = tpu.memref_slice %arg8[%dma_wait3A_314, %dma_wait3A_315, %dma_wait3A_316] : memref<5x128x64xf32, #tpu.memory_space<vmem>> -> memref<1x128x64xf32, #tpu.memory_space<vmem>>
      %dma_wait3A_318 = tpu.memref_squeeze %dma_wait3A_317 : memref<1x128x64xf32, #tpu.memory_space<vmem>> -> memref<128x64xf32, #tpu.memory_space<vmem>>
      %dma_wait3A_319 = arith.constant 0 : i32
      %dma_wait3A_320 = arith.constant 0 : i32
      %dma_wait3A_321 = tpu.memref_slice %arg2[%dma_wait3A_319, %dma_wait3A_320] : memref<10240x64xf32, #tpu.memory_space<hbm>> -> memref<128x64xf32, #tpu.memory_space<hbm>>
      %dma_wait3A_322 = arith.constant 0 : i32
      %dma_wait3A_323 = arith.constant 0 : i32
      %dma_wait3A_324 = tpu.memref_slice %arg8[%dma_wait3A_314, %dma_wait3A_322, %dma_wait3A_323] : memref<5x128x64xf32, #tpu.memory_space<vmem>> -> memref<1x128x64xf32, #tpu.memory_space<vmem>>
      %dma_wait3A_325 = tpu.memref_squeeze %dma_wait3A_324 : memref<1x128x64xf32, #tpu.memory_space<vmem>> -> memref<128x64xf32, #tpu.memory_space<vmem>>
      %dma_wait3A_326 = arith.constant 0 : i32
      %dma_wait3A_327 = arith.constant 0 : i32
      %dma_wait3A_328 = tpu.memref_slice %arg2[%dma_wait3A_326, %dma_wait3A_327] : memref<10240x64xf32, #tpu.memory_space<hbm>> -> memref<128x64xf32, #tpu.memory_space<hbm>>
      tpu.wait_dma2 semaphore(%arg14 : memref<!tpu.dma_semaphore, #tpu.memory_space<semaphore_mem>>) src(%dma_wait3A_328 : memref<128x64xf32, #tpu.memory_space<hbm>>) dst(%dma_wait3A_325 : memref<128x64xf32, #tpu.memory_space<vmem>>)
      %run_scoped3A_329 = arith.constant 3 : i32
      "tpu.region"() ({
        %run_scoped3A_376 = tpu.sem_alloc : memref<!tpu.dma_semaphore, #tpu.memory_space<semaphore_mem>>
        %dma_start3A_377 = arith.constant 0 : i32
        %dma_start3A_378 = arith.constant 0 : i32
        %dma_start3A_379 = tpu.memref_slice %arg8[%run_scoped3A_329, %dma_start3A_377, %dma_start3A_378] : memref<5x128x64xf32, #tpu.memory_space<vmem>> -> memref<1x128x64xf32, #tpu.memory_space<vmem>>
        %dma_start3A_380 = tpu.memref_squeeze %dma_start3A_379 : memref<1x128x64xf32, #tpu.memory_space<vmem>> -> memref<128x64xf32, #tpu.memory_space<vmem>>
        %dma_start3A_381 = arith.constant 0 : i32
        %dma_start3A_382 = tpu.memref_slice %arg7[%add3A_313, %dma_start3A_381] : memref<80x128xi32, #tpu.memory_space<vmem>> -> memref<1x128xi32, #tpu.memory_space<vmem>>
        %dma_start3A_383 = tpu.memref_squeeze %dma_start3A_382 : memref<1x128xi32, #tpu.memory_space<vmem>> -> memref<128xi32, #tpu.memory_space<vmem>>
        %dma_start3A_384 = arith.constant 0 : i32
        %dma_start3A_385 = arith.constant 0 : i32
        %dma_start3A_386 = tpu.memref_slice %arg10[%dma_start3A_384, %dma_start3A_385] : memref<10240x64xf32, #tpu.memory_space<vmem_shared>> -> memref<10240x64xf32, #tpu.memory_space<vmem_shared>>
        tpu.enqueue_indirect_dma source(%dma_start3A_380 : memref<128x64xf32, #tpu.memory_space<vmem>>) target(%dma_start3A_386 : memref<10240x64xf32, #tpu.memory_space<vmem_shared>>) offsets(%dma_start3A_383 : memref<128xi32, #tpu.memory_space<vmem>>) semaphore(%run_scoped3A_376 : memref<!tpu.dma_semaphore, #tpu.memory_space<semaphore_mem>>) {add = true}
        %dma_wait3A_387 = arith.constant 0 : i32
        %dma_wait3A_388 = arith.constant 0 : i32
        %dma_wait3A_389 = tpu.memref_slice %arg8[%run_scoped3A_329, %dma_wait3A_387, %dma_wait3A_388] : memref<5x128x64xf32, #tpu.memory_space<vmem>> -> memref<1x128x64xf32, #tpu.memory_space<vmem>>
        %dma_wait3A_390 = tpu.memref_squeeze %dma_wait3A_389 : memref<1x128x64xf32, #tpu.memory_space<vmem>> -> memref<128x64xf32, #tpu.memory_space<vmem>>
        %dma_wait3A_391 = arith.constant 0 : i32
        %dma_wait3A_392 = tpu.memref_slice %arg7[%add3A_313, %dma_wait3A_391] : memref<80x128xi32, #tpu.memory_space<vmem>> -> memref<1x128xi32, #tpu.memory_space<vmem>>
        %dma_wait3A_393 = tpu.memref_squeeze %dma_wait3A_392 : memref<1x128xi32, #tpu.memory_space<vmem>> -> memref<128xi32, #tpu.memory_space<vmem>>
        %dma_wait3A_394 = arith.constant 0 : i32
        %dma_wait3A_395 = arith.constant 0 : i32
        %dma_wait3A_396 = tpu.memref_slice %arg10[%dma_wait3A_394, %dma_wait3A_395] : memref<10240x64xf32, #tpu.memory_space<vmem_shared>> -> memref<10240x64xf32, #tpu.memory_space<vmem_shared>>
        tpu.wait_indirect_dma semaphore(%run_scoped3A_376 : memref<!tpu.dma_semaphore, #tpu.memory_space<semaphore_mem>>) src(%dma_wait3A_390 : memref<128x64xf32, #tpu.memory_space<vmem>>) dst(%dma_wait3A_396 : memref<10240x64xf32, #tpu.memory_space<vmem_shared>>)
        tpu.yield
      }) : () -> ()
      %add3A_330 = arith.constant 5 : i32
      %add3A_331 = arith.addi %add3A_313, %add3A_330 : i32
      %dma_start3A_332 = arith.constant 3 : i32
      %dma_start3A_333 = arith.constant 0 : i32
      %dma_start3A_334 = arith.constant 0 : i32
      %dma_start3A_335 = tpu.memref_slice %arg8[%dma_start3A_332, %dma_start3A_333, %dma_start3A_334] : memref<5x128x64xf32, #tpu.memory_space<vmem>> -> memref<1x128x64xf32, #tpu.memory_space<vmem>>
      %dma_start3A_336 = tpu.memref_squeeze %dma_start3A_335 : memref<1x128x64xf32, #tpu.memory_space<vmem>> -> memref<128x64xf32, #tpu.memory_space<vmem>>
      %dma_start3A_337 = arith.constant 0 : i32
      %dma_start3A_338 = tpu.memref_slice %arg6[%add3A_331, %dma_start3A_337] : memref<80x128xi32, #tpu.memory_space<vmem>> -> memref<1x128xi32, #tpu.memory_space<vmem>>
      %dma_start3A_339 = tpu.memref_squeeze %dma_start3A_338 : memref<1x128xi32, #tpu.memory_space<vmem>> -> memref<128xi32, #tpu.memory_space<vmem>>
      %dma_start3A_340 = arith.constant 0 : i32
      %dma_start3A_341 = arith.constant 0 : i32
      %dma_start3A_342 = tpu.memref_slice %arg2[%dma_start3A_340, %dma_start3A_341] : memref<10240x64xf32, #tpu.memory_space<hbm>> -> memref<10240x64xf32, #tpu.memory_space<hbm>>
      tpu.enqueue_indirect_dma source(%dma_start3A_342 : memref<10240x64xf32, #tpu.memory_space<hbm>>) target(%dma_start3A_336 : memref<128x64xf32, #tpu.memory_space<vmem>>) offsets(%dma_start3A_339 : memref<128xi32, #tpu.memory_space<vmem>>) semaphore(%arg14 : memref<!tpu.dma_semaphore, #tpu.memory_space<semaphore_mem>>)
      %mul3A_343 = arith.constant 5 : i32
      %mul3A_344 = arith.muli %scan3A_210, %mul3A_343 : i32
      %add3A_345 = arith.constant 4 : i32
      %add3A_346 = arith.addi %mul3A_344, %add3A_345 : i32
      %dma_wait3A_347 = arith.constant 4 : i32
      %dma_wait3A_348 = arith.constant 0 : i32
      %dma_wait3A_349 = arith.constant 0 : i32
      %dma_wait3A_350 = tpu.memref_slice %arg8[%dma_wait3A_347, %dma_wait3A_348, %dma_wait3A_349] : memref<5x128x64xf32, #tpu.memory_space<vmem>> -> memref<1x128x64xf32, #tpu.memory_space<vmem>>
      %dma_wait3A_351 = tpu.memref_squeeze %dma_wait3A_350 : memref<1x128x64xf32, #tpu.memory_space<vmem>> -> memref<128x64xf32, #tpu.memory_space<vmem>>
      %dma_wait3A_352 = arith.constant 0 : i32
      %dma_wait3A_353 = arith.constant 0 : i32
      %dma_wait3A_354 = tpu.memref_slice %arg2[%dma_wait3A_352, %dma_wait3A_353] : memref<10240x64xf32, #tpu.memory_space<hbm>> -> memref<128x64xf32, #tpu.memory_space<hbm>>
      %dma_wait3A_355 = arith.constant 0 : i32
      %dma_wait3A_356 = arith.constant 0 : i32
      %dma_wait3A_357 = tpu.memref_slice %arg8[%dma_wait3A_347, %dma_wait3A_355, %dma_wait3A_356] : memref<5x128x64xf32, #tpu.memory_space<vmem>> -> memref<1x128x64xf32, #tpu.memory_space<vmem>>
      %dma_wait3A_358 = tpu.memref_squeeze %dma_wait3A_357 : memref<1x128x64xf32, #tpu.memory_space<vmem>> -> memref<128x64xf32, #tpu.memory_space<vmem>>
      %dma_wait3A_359 = arith.constant 0 : i32
      %dma_wait3A_360 = arith.constant 0 : i32
      %dma_wait3A_361 = tpu.memref_slice %arg2[%dma_wait3A_359, %dma_wait3A_360] : memref<10240x64xf32, #tpu.memory_space<hbm>> -> memref<128x64xf32, #tpu.memory_space<hbm>>
      tpu.wait_dma2 semaphore(%arg15 : memref<!tpu.dma_semaphore, #tpu.memory_space<semaphore_mem>>) src(%dma_wait3A_361 : memref<128x64xf32, #tpu.memory_space<hbm>>) dst(%dma_wait3A_358 : memref<128x64xf32, #tpu.memory_space<vmem>>)
      %run_scoped3A_362 = arith.constant 4 : i32
      "tpu.region"() ({
        %run_scoped3A_376 = tpu.sem_alloc : memref<!tpu.dma_semaphore, #tpu.memory_space<semaphore_mem>>
        %dma_start3A_377 = arith.constant 0 : i32
        %dma_start3A_378 = arith.constant 0 : i32
        %dma_start3A_379 = tpu.memref_slice %arg8[%run_scoped3A_362, %dma_start3A_377, %dma_start3A_378] : memref<5x128x64xf32, #tpu.memory_space<vmem>> -> memref<1x128x64xf32, #tpu.memory_space<vmem>>
        %dma_start3A_380 = tpu.memref_squeeze %dma_start3A_379 : memref<1x128x64xf32, #tpu.memory_space<vmem>> -> memref<128x64xf32, #tpu.memory_space<vmem>>
        %dma_start3A_381 = arith.constant 0 : i32
        %dma_start3A_382 = tpu.memref_slice %arg7[%add3A_346, %dma_start3A_381] : memref<80x128xi32, #tpu.memory_space<vmem>> -> memref<1x128xi32, #tpu.memory_space<vmem>>
        %dma_start3A_383 = tpu.memref_squeeze %dma_start3A_382 : memref<1x128xi32, #tpu.memory_space<vmem>> -> memref<128xi32, #tpu.memory_space<vmem>>
        %dma_start3A_384 = arith.constant 0 : i32
        %dma_start3A_385 = arith.constant 0 : i32
        %dma_start3A_386 = tpu.memref_slice %arg10[%dma_start3A_384, %dma_start3A_385] : memref<10240x64xf32, #tpu.memory_space<vmem_shared>> -> memref<10240x64xf32, #tpu.memory_space<vmem_shared>>
        tpu.enqueue_indirect_dma source(%dma_start3A_380 : memref<128x64xf32, #tpu.memory_space<vmem>>) target(%dma_start3A_386 : memref<10240x64xf32, #tpu.memory_space<vmem_shared>>) offsets(%dma_start3A_383 : memref<128xi32, #tpu.memory_space<vmem>>) semaphore(%run_scoped3A_376 : memref<!tpu.dma_semaphore, #tpu.memory_space<semaphore_mem>>) {add = true}
        %dma_wait3A_387 = arith.constant 0 : i32
        %dma_wait3A_388 = arith.constant 0 : i32
        %dma_wait3A_389 = tpu.memref_slice %arg8[%run_scoped3A_362, %dma_wait3A_387, %dma_wait3A_388] : memref<5x128x64xf32, #tpu.memory_space<vmem>> -> memref<1x128x64xf32, #tpu.memory_space<vmem>>
        %dma_wait3A_390 = tpu.memref_squeeze %dma_wait3A_389 : memref<1x128x64xf32, #tpu.memory_space<vmem>> -> memref<128x64xf32, #tpu.memory_space<vmem>>
        %dma_wait3A_391 = arith.constant 0 : i32
        %dma_wait3A_392 = tpu.memref_slice %arg7[%add3A_346, %dma_wait3A_391] : memref<80x128xi32, #tpu.memory_space<vmem>> -> memref<1x128xi32, #tpu.memory_space<vmem>>
        %dma_wait3A_393 = tpu.memref_squeeze %dma_wait3A_392 : memref<1x128xi32, #tpu.memory_space<vmem>> -> memref<128xi32, #tpu.memory_space<vmem>>
        %dma_wait3A_394 = arith.constant 0 : i32
        %dma_wait3A_395 = arith.constant 0 : i32
        %dma_wait3A_396 = tpu.memref_slice %arg10[%dma_wait3A_394, %dma_wait3A_395] : memref<10240x64xf32, #tpu.memory_space<vmem_shared>> -> memref<10240x64xf32, #tpu.memory_space<vmem_shared>>
        tpu.wait_indirect_dma semaphore(%run_scoped3A_376 : memref<!tpu.dma_semaphore, #tpu.memory_space<semaphore_mem>>) src(%dma_wait3A_390 : memref<128x64xf32, #tpu.memory_space<vmem>>) dst(%dma_wait3A_396 : memref<10240x64xf32, #tpu.memory_space<vmem_shared>>)
        tpu.yield
      }) : () -> ()
      %add3A_363 = arith.constant 5 : i32
      %add3A_364 = arith.addi %add3A_346, %add3A_363 : i32
      %dma_start3A_365 = arith.constant 4 : i32
      %dma_start3A_366 = arith.constant 0 : i32
      %dma_start3A_367 = arith.constant 0 : i32
      %dma_start3A_368 = tpu.memref_slice %arg8[%dma_start3A_365, %dma_start3A_366, %dma_start3A_367] : memref<5x128x64xf32, #tpu.memory_space<vmem>> -> memref<1x128x64xf32, #tpu.memory_space<vmem>>
      %dma_start3A_369 = tpu.memref_squeeze %dma_start3A_368 : memref<1x128x64xf32, #tpu.memory_space<vmem>> -> memref<128x64xf32, #tpu.memory_space<vmem>>
      %dma_start3A_370 = arith.constant 0 : i32
      %dma_start3A_371 = tpu.memref_slice %arg6[%add3A_364, %dma_start3A_370] : memref<80x128xi32, #tpu.memory_space<vmem>> -> memref<1x128xi32, #tpu.memory_space<vmem>>
      %dma_start3A_372 = tpu.memref_squeeze %dma_start3A_371 : memref<1x128xi32, #tpu.memory_space<vmem>> -> memref<128xi32, #tpu.memory_space<vmem>>
      %dma_start3A_373 = arith.constant 0 : i32
      %dma_start3A_374 = arith.constant 0 : i32
      %dma_start3A_375 = tpu.memref_slice %arg2[%dma_start3A_373, %dma_start3A_374] : memref<10240x64xf32, #tpu.memory_space<hbm>> -> memref<10240x64xf32, #tpu.memory_space<hbm>>
      tpu.enqueue_indirect_dma source(%dma_start3A_375 : memref<10240x64xf32, #tpu.memory_space<hbm>>) target(%dma_start3A_369 : memref<128x64xf32, #tpu.memory_space<vmem>>) offsets(%dma_start3A_372 : memref<128xi32, #tpu.memory_space<vmem>>) semaphore(%arg15 : memref<!tpu.dma_semaphore, #tpu.memory_space<semaphore_mem>>)
    }
    %scan3A_120 = arith.constant 15 : i32
    %dma_wait3A_121 = arith.constant 0 : i32
    %dma_wait3A_122 = arith.constant 0 : i32
    %dma_wait3A_123 = arith.constant 0 : i32
    %dma_wait3A_124 = tpu.memref_slice %arg8[%dma_wait3A_121, %dma_wait3A_122, %dma_wait3A_123] : memref<5x128x64xf32, #tpu.memory_space<vmem>> -> memref<1x128x64xf32, #tpu.memory_space<vmem>>
    %dma_wait3A_125 = tpu.memref_squeeze %dma_wait3A_124 : memref<1x128x64xf32, #tpu.memory_space<vmem>> -> memref<128x64xf32, #tpu.memory_space<vmem>>
    %dma_wait3A_126 = arith.constant 0 : i32
    %dma_wait3A_127 = arith.constant 0 : i32
    %dma_wait3A_128 = tpu.memref_slice %arg2[%dma_wait3A_126, %dma_wait3A_127] : memref<10240x64xf32, #tpu.memory_space<hbm>> -> memref<128x64xf32, #tpu.memory_space<hbm>>
    %dma_wait3A_129 = arith.constant 0 : i32
    %dma_wait3A_130 = arith.constant 0 : i32
    %dma_wait3A_131 = tpu.memref_slice %arg8[%dma_wait3A_121, %dma_wait3A_129, %dma_wait3A_130] : memref<5x128x64xf32, #tpu.memory_space<vmem>> -> memref<1x128x64xf32, #tpu.memory_space<vmem>>
    %dma_wait3A_132 = tpu.memref_squeeze %dma_wait3A_131 : memref<1x128x64xf32, #tpu.memory_space<vmem>> -> memref<128x64xf32, #tpu.memory_space<vmem>>
    %dma_wait3A_133 = arith.constant 0 : i32
    %dma_wait3A_134 = arith.constant 0 : i32
    %dma_wait3A_135 = tpu.memref_slice %arg2[%dma_wait3A_133, %dma_wait3A_134] : memref<10240x64xf32, #tpu.memory_space<hbm>> -> memref<128x64xf32, #tpu.memory_space<hbm>>
    tpu.wait_dma2 semaphore(%arg11 : memref<!tpu.dma_semaphore, #tpu.memory_space<semaphore_mem>>) src(%dma_wait3A_135 : memref<128x64xf32, #tpu.memory_space<hbm>>) dst(%dma_wait3A_132 : memref<128x64xf32, #tpu.memory_space<vmem>>)
    %run_scoped3A = arith.constant 0 : i32
    %run_scoped3A_136 = arith.constant 75 : i32
    "tpu.region"() ({
      %run_scoped3A_210 = tpu.sem_alloc : memref<!tpu.dma_semaphore, #tpu.memory_space<semaphore_mem>>
      %dma_start3A_211 = arith.constant 0 : i32
      %dma_start3A_212 = arith.constant 0 : i32
      %dma_start3A_213 = tpu.memref_slice %arg8[%run_scoped3A, %dma_start3A_211, %dma_start3A_212] : memref<5x128x64xf32, #tpu.memory_space<vmem>> -> memref<1x128x64xf32, #tpu.memory_space<vmem>>
      %dma_start3A_214 = tpu.memref_squeeze %dma_start3A_213 : memref<1x128x64xf32, #tpu.memory_space<vmem>> -> memref<128x64xf32, #tpu.memory_space<vmem>>
      %dma_start3A_215 = arith.constant 0 : i32
      %dma_start3A_216 = tpu.memref_slice %arg7[%run_scoped3A_136, %dma_start3A_215] : memref<80x128xi32, #tpu.memory_space<vmem>> -> memref<1x128xi32, #tpu.memory_space<vmem>>
      %dma_start3A_217 = tpu.memref_squeeze %dma_start3A_216 : memref<1x128xi32, #tpu.memory_space<vmem>> -> memref<128xi32, #tpu.memory_space<vmem>>
      %dma_start3A_218 = arith.constant 0 : i32
      %dma_start3A_219 = arith.constant 0 : i32
      %dma_start3A_220 = tpu.memref_slice %arg10[%dma_start3A_218, %dma_start3A_219] : memref<10240x64xf32, #tpu.memory_space<vmem_shared>> -> memref<10240x64xf32, #tpu.memory_space<vmem_shared>>
      tpu.enqueue_indirect_dma source(%dma_start3A_214 : memref<128x64xf32, #tpu.memory_space<vmem>>) target(%dma_start3A_220 : memref<10240x64xf32, #tpu.memory_space<vmem_shared>>) offsets(%dma_start3A_217 : memref<128xi32, #tpu.memory_space<vmem>>) semaphore(%run_scoped3A_210 : memref<!tpu.dma_semaphore, #tpu.memory_space<semaphore_mem>>) {add = true}
      %dma_wait3A_221 = arith.constant 0 : i32
      %dma_wait3A_222 = arith.constant 0 : i32
      %dma_wait3A_223 = tpu.memref_slice %arg8[%run_scoped3A, %dma_wait3A_221, %dma_wait3A_222] : memref<5x128x64xf32, #tpu.memory_space<vmem>> -> memref<1x128x64xf32, #tpu.memory_space<vmem>>
      %dma_wait3A_224 = tpu.memref_squeeze %dma_wait3A_223 : memref<1x128x64xf32, #tpu.memory_space<vmem>> -> memref<128x64xf32, #tpu.memory_space<vmem>>
      %dma_wait3A_225 = arith.constant 0 : i32
      %dma_wait3A_226 = tpu.memref_slice %arg7[%run_scoped3A_136, %dma_wait3A_225] : memref<80x128xi32, #tpu.memory_space<vmem>> -> memref<1x128xi32, #tpu.memory_space<vmem>>
      %dma_wait3A_227 = tpu.memref_squeeze %dma_wait3A_226 : memref<1x128xi32, #tpu.memory_space<vmem>> -> memref<128xi32, #tpu.memory_space<vmem>>
      %dma_wait3A_228 = arith.constant 0 : i32
      %dma_wait3A_229 = arith.constant 0 : i32
      %dma_wait3A_230 = tpu.memref_slice %arg10[%dma_wait3A_228, %dma_wait3A_229] : memref<10240x64xf32, #tpu.memory_space<vmem_shared>> -> memref<10240x64xf32, #tpu.memory_space<vmem_shared>>
      tpu.wait_indirect_dma semaphore(%run_scoped3A_210 : memref<!tpu.dma_semaphore, #tpu.memory_space<semaphore_mem>>) src(%dma_wait3A_224 : memref<128x64xf32, #tpu.memory_space<vmem>>) dst(%dma_wait3A_230 : memref<10240x64xf32, #tpu.memory_space<vmem_shared>>)
      tpu.yield
    }) : () -> ()
    %dma_wait3A_137 = arith.constant 1 : i32
    %dma_wait3A_138 = arith.constant 0 : i32
    %dma_wait3A_139 = arith.constant 0 : i32
    %dma_wait3A_140 = tpu.memref_slice %arg8[%dma_wait3A_137, %dma_wait3A_138, %dma_wait3A_139] : memref<5x128x64xf32, #tpu.memory_space<vmem>> -> memref<1x128x64xf32, #tpu.memory_space<vmem>>
    %dma_wait3A_141 = tpu.memref_squeeze %dma_wait3A_140 : memref<1x128x64xf32, #tpu.memory_space<vmem>> -> memref<128x64xf32, #tpu.memory_space<vmem>>
    %dma_wait3A_142 = arith.constant 0 : i32
    %dma_wait3A_143 = arith.constant 0 : i32
    %dma_wait3A_144 = tpu.memref_slice %arg2[%dma_wait3A_142, %dma_wait3A_143] : memref<10240x64xf32, #tpu.memory_space<hbm>> -> memref<128x64xf32, #tpu.memory_space<hbm>>
    %dma_wait3A_145 = arith.constant 0 : i32
    %dma_wait3A_146 = arith.constant 0 : i32
    %dma_wait3A_147 = tpu.memref_slice %arg8[%dma_wait3A_137, %dma_wait3A_145, %dma_wait3A_146] : memref<5x128x64xf32, #tpu.memory_space<vmem>> -> memref<1x128x64xf32, #tpu.memory_space<vmem>>
    %dma_wait3A_148 = tpu.memref_squeeze %dma_wait3A_147 : memref<1x128x64xf32, #tpu.memory_space<vmem>> -> memref<128x64xf32, #tpu.memory_space<vmem>>
    %dma_wait3A_149 = arith.constant 0 : i32
    %dma_wait3A_150 = arith.constant 0 : i32
    %dma_wait3A_151 = tpu.memref_slice %arg2[%dma_wait3A_149, %dma_wait3A_150] : memref<10240x64xf32, #tpu.memory_space<hbm>> -> memref<128x64xf32, #tpu.memory_space<hbm>>
    tpu.wait_dma2 semaphore(%arg12 : memref<!tpu.dma_semaphore, #tpu.memory_space<semaphore_mem>>) src(%dma_wait3A_151 : memref<128x64xf32, #tpu.memory_space<hbm>>) dst(%dma_wait3A_148 : memref<128x64xf32, #tpu.memory_space<vmem>>)
    %run_scoped3A_152 = arith.constant 1 : i32
    %run_scoped3A_153 = arith.constant 76 : i32
    "tpu.region"() ({
      %run_scoped3A_210 = tpu.sem_alloc : memref<!tpu.dma_semaphore, #tpu.memory_space<semaphore_mem>>
      %dma_start3A_211 = arith.constant 0 : i32
      %dma_start3A_212 = arith.constant 0 : i32
      %dma_start3A_213 = tpu.memref_slice %arg8[%run_scoped3A_152, %dma_start3A_211, %dma_start3A_212] : memref<5x128x64xf32, #tpu.memory_space<vmem>> -> memref<1x128x64xf32, #tpu.memory_space<vmem>>
      %dma_start3A_214 = tpu.memref_squeeze %dma_start3A_213 : memref<1x128x64xf32, #tpu.memory_space<vmem>> -> memref<128x64xf32, #tpu.memory_space<vmem>>
      %dma_start3A_215 = arith.constant 0 : i32
      %dma_start3A_216 = tpu.memref_slice %arg7[%run_scoped3A_153, %dma_start3A_215] : memref<80x128xi32, #tpu.memory_space<vmem>> -> memref<1x128xi32, #tpu.memory_space<vmem>>
      %dma_start3A_217 = tpu.memref_squeeze %dma_start3A_216 : memref<1x128xi32, #tpu.memory_space<vmem>> -> memref<128xi32, #tpu.memory_space<vmem>>
      %dma_start3A_218 = arith.constant 0 : i32
      %dma_start3A_219 = arith.constant 0 : i32
      %dma_start3A_220 = tpu.memref_slice %arg10[%dma_start3A_218, %dma_start3A_219] : memref<10240x64xf32, #tpu.memory_space<vmem_shared>> -> memref<10240x64xf32, #tpu.memory_space<vmem_shared>>
      tpu.enqueue_indirect_dma source(%dma_start3A_214 : memref<128x64xf32, #tpu.memory_space<vmem>>) target(%dma_start3A_220 : memref<10240x64xf32, #tpu.memory_space<vmem_shared>>) offsets(%dma_start3A_217 : memref<128xi32, #tpu.memory_space<vmem>>) semaphore(%run_scoped3A_210 : memref<!tpu.dma_semaphore, #tpu.memory_space<semaphore_mem>>) {add = true}
      %dma_wait3A_221 = arith.constant 0 : i32
      %dma_wait3A_222 = arith.constant 0 : i32
      %dma_wait3A_223 = tpu.memref_slice %arg8[%run_scoped3A_152, %dma_wait3A_221, %dma_wait3A_222] : memref<5x128x64xf32, #tpu.memory_space<vmem>> -> memref<1x128x64xf32, #tpu.memory_space<vmem>>
      %dma_wait3A_224 = tpu.memref_squeeze %dma_wait3A_223 : memref<1x128x64xf32, #tpu.memory_space<vmem>> -> memref<128x64xf32, #tpu.memory_space<vmem>>
      %dma_wait3A_225 = arith.constant 0 : i32
      %dma_wait3A_226 = tpu.memref_slice %arg7[%run_scoped3A_153, %dma_wait3A_225] : memref<80x128xi32, #tpu.memory_space<vmem>> -> memref<1x128xi32, #tpu.memory_space<vmem>>
      %dma_wait3A_227 = tpu.memref_squeeze %dma_wait3A_226 : memref<1x128xi32, #tpu.memory_space<vmem>> -> memref<128xi32, #tpu.memory_space<vmem>>
      %dma_wait3A_228 = arith.constant 0 : i32
      %dma_wait3A_229 = arith.constant 0 : i32
      %dma_wait3A_230 = tpu.memref_slice %arg10[%dma_wait3A_228, %dma_wait3A_229] : memref<10240x64xf32, #tpu.memory_space<vmem_shared>> -> memref<10240x64xf32, #tpu.memory_space<vmem_shared>>
      tpu.wait_indirect_dma semaphore(%run_scoped3A_210 : memref<!tpu.dma_semaphore, #tpu.memory_space<semaphore_mem>>) src(%dma_wait3A_224 : memref<128x64xf32, #tpu.memory_space<vmem>>) dst(%dma_wait3A_230 : memref<10240x64xf32, #tpu.memory_space<vmem_shared>>)
      tpu.yield
    }) : () -> ()
    %dma_wait3A_154 = arith.constant 2 : i32
    %dma_wait3A_155 = arith.constant 0 : i32
    %dma_wait3A_156 = arith.constant 0 : i32
    %dma_wait3A_157 = tpu.memref_slice %arg8[%dma_wait3A_154, %dma_wait3A_155, %dma_wait3A_156] : memref<5x128x64xf32, #tpu.memory_space<vmem>> -> memref<1x128x64xf32, #tpu.memory_space<vmem>>
    %dma_wait3A_158 = tpu.memref_squeeze %dma_wait3A_157 : memref<1x128x64xf32, #tpu.memory_space<vmem>> -> memref<128x64xf32, #tpu.memory_space<vmem>>
    %dma_wait3A_159 = arith.constant 0 : i32
    %dma_wait3A_160 = arith.constant 0 : i32
    %dma_wait3A_161 = tpu.memref_slice %arg2[%dma_wait3A_159, %dma_wait3A_160] : memref<10240x64xf32, #tpu.memory_space<hbm>> -> memref<128x64xf32, #tpu.memory_space<hbm>>
    %dma_wait3A_162 = arith.constant 0 : i32
    %dma_wait3A_163 = arith.constant 0 : i32
    %dma_wait3A_164 = tpu.memref_slice %arg8[%dma_wait3A_154, %dma_wait3A_162, %dma_wait3A_163] : memref<5x128x64xf32, #tpu.memory_space<vmem>> -> memref<1x128x64xf32, #tpu.memory_space<vmem>>
    %dma_wait3A_165 = tpu.memref_squeeze %dma_wait3A_164 : memref<1x128x64xf32, #tpu.memory_space<vmem>> -> memref<128x64xf32, #tpu.memory_space<vmem>>
    %dma_wait3A_166 = arith.constant 0 : i32
    %dma_wait3A_167 = arith.constant 0 : i32
    %dma_wait3A_168 = tpu.memref_slice %arg2[%dma_wait3A_166, %dma_wait3A_167] : memref<10240x64xf32, #tpu.memory_space<hbm>> -> memref<128x64xf32, #tpu.memory_space<hbm>>
    tpu.wait_dma2 semaphore(%arg13 : memref<!tpu.dma_semaphore, #tpu.memory_space<semaphore_mem>>) src(%dma_wait3A_168 : memref<128x64xf32, #tpu.memory_space<hbm>>) dst(%dma_wait3A_165 : memref<128x64xf32, #tpu.memory_space<vmem>>)
    %run_scoped3A_169 = arith.constant 2 : i32
    %run_scoped3A_170 = arith.constant 77 : i32
    "tpu.region"() ({
      %run_scoped3A_210 = tpu.sem_alloc : memref<!tpu.dma_semaphore, #tpu.memory_space<semaphore_mem>>
      %dma_start3A_211 = arith.constant 0 : i32
      %dma_start3A_212 = arith.constant 0 : i32
      %dma_start3A_213 = tpu.memref_slice %arg8[%run_scoped3A_169, %dma_start3A_211, %dma_start3A_212] : memref<5x128x64xf32, #tpu.memory_space<vmem>> -> memref<1x128x64xf32, #tpu.memory_space<vmem>>
      %dma_start3A_214 = tpu.memref_squeeze %dma_start3A_213 : memref<1x128x64xf32, #tpu.memory_space<vmem>> -> memref<128x64xf32, #tpu.memory_space<vmem>>
      %dma_start3A_215 = arith.constant 0 : i32
      %dma_start3A_216 = tpu.memref_slice %arg7[%run_scoped3A_170, %dma_start3A_215] : memref<80x128xi32, #tpu.memory_space<vmem>> -> memref<1x128xi32, #tpu.memory_space<vmem>>
      %dma_start3A_217 = tpu.memref_squeeze %dma_start3A_216 : memref<1x128xi32, #tpu.memory_space<vmem>> -> memref<128xi32, #tpu.memory_space<vmem>>
      %dma_start3A_218 = arith.constant 0 : i32
      %dma_start3A_219 = arith.constant 0 : i32
      %dma_start3A_220 = tpu.memref_slice %arg10[%dma_start3A_218, %dma_start3A_219] : memref<10240x64xf32, #tpu.memory_space<vmem_shared>> -> memref<10240x64xf32, #tpu.memory_space<vmem_shared>>
      tpu.enqueue_indirect_dma source(%dma_start3A_214 : memref<128x64xf32, #tpu.memory_space<vmem>>) target(%dma_start3A_220 : memref<10240x64xf32, #tpu.memory_space<vmem_shared>>) offsets(%dma_start3A_217 : memref<128xi32, #tpu.memory_space<vmem>>) semaphore(%run_scoped3A_210 : memref<!tpu.dma_semaphore, #tpu.memory_space<semaphore_mem>>) {add = true}
      %dma_wait3A_221 = arith.constant 0 : i32
      %dma_wait3A_222 = arith.constant 0 : i32
      %dma_wait3A_223 = tpu.memref_slice %arg8[%run_scoped3A_169, %dma_wait3A_221, %dma_wait3A_222] : memref<5x128x64xf32, #tpu.memory_space<vmem>> -> memref<1x128x64xf32, #tpu.memory_space<vmem>>
      %dma_wait3A_224 = tpu.memref_squeeze %dma_wait3A_223 : memref<1x128x64xf32, #tpu.memory_space<vmem>> -> memref<128x64xf32, #tpu.memory_space<vmem>>
      %dma_wait3A_225 = arith.constant 0 : i32
      %dma_wait3A_226 = tpu.memref_slice %arg7[%run_scoped3A_170, %dma_wait3A_225] : memref<80x128xi32, #tpu.memory_space<vmem>> -> memref<1x128xi32, #tpu.memory_space<vmem>>
      %dma_wait3A_227 = tpu.memref_squeeze %dma_wait3A_226 : memref<1x128xi32, #tpu.memory_space<vmem>> -> memref<128xi32, #tpu.memory_space<vmem>>
      %dma_wait3A_228 = arith.constant 0 : i32
      %dma_wait3A_229 = arith.constant 0 : i32
      %dma_wait3A_230 = tpu.memref_slice %arg10[%dma_wait3A_228, %dma_wait3A_229] : memref<10240x64xf32, #tpu.memory_space<vmem_shared>> -> memref<10240x64xf32, #tpu.memory_space<vmem_shared>>
      tpu.wait_indirect_dma semaphore(%run_scoped3A_210 : memref<!tpu.dma_semaphore, #tpu.memory_space<semaphore_mem>>) src(%dma_wait3A_224 : memref<128x64xf32, #tpu.memory_space<vmem>>) dst(%dma_wait3A_230 : memref<10240x64xf32, #tpu.memory_space<vmem_shared>>)
      tpu.yield
    }) : () -> ()
    %dma_wait3A_171 = arith.constant 3 : i32
    %dma_wait3A_172 = arith.constant 0 : i32
    %dma_wait3A_173 = arith.constant 0 : i32
    %dma_wait3A_174 = tpu.memref_slice %arg8[%dma_wait3A_171, %dma_wait3A_172, %dma_wait3A_173] : memref<5x128x64xf32, #tpu.memory_space<vmem>> -> memref<1x128x64xf32, #tpu.memory_space<vmem>>
    %dma_wait3A_175 = tpu.memref_squeeze %dma_wait3A_174 : memref<1x128x64xf32, #tpu.memory_space<vmem>> -> memref<128x64xf32, #tpu.memory_space<vmem>>
    %dma_wait3A_176 = arith.constant 0 : i32
    %dma_wait3A_177 = arith.constant 0 : i32
    %dma_wait3A_178 = tpu.memref_slice %arg2[%dma_wait3A_176, %dma_wait3A_177] : memref<10240x64xf32, #tpu.memory_space<hbm>> -> memref<128x64xf32, #tpu.memory_space<hbm>>
    %dma_wait3A_179 = arith.constant 0 : i32
    %dma_wait3A_180 = arith.constant 0 : i32
    %dma_wait3A_181 = tpu.memref_slice %arg8[%dma_wait3A_171, %dma_wait3A_179, %dma_wait3A_180] : memref<5x128x64xf32, #tpu.memory_space<vmem>> -> memref<1x128x64xf32, #tpu.memory_space<vmem>>
    %dma_wait3A_182 = tpu.memref_squeeze %dma_wait3A_181 : memref<1x128x64xf32, #tpu.memory_space<vmem>> -> memref<128x64xf32, #tpu.memory_space<vmem>>
    %dma_wait3A_183 = arith.constant 0 : i32
    %dma_wait3A_184 = arith.constant 0 : i32
    %dma_wait3A_185 = tpu.memref_slice %arg2[%dma_wait3A_183, %dma_wait3A_184] : memref<10240x64xf32, #tpu.memory_space<hbm>> -> memref<128x64xf32, #tpu.memory_space<hbm>>
    tpu.wait_dma2 semaphore(%arg14 : memref<!tpu.dma_semaphore, #tpu.memory_space<semaphore_mem>>) src(%dma_wait3A_185 : memref<128x64xf32, #tpu.memory_space<hbm>>) dst(%dma_wait3A_182 : memref<128x64xf32, #tpu.memory_space<vmem>>)
    %run_scoped3A_186 = arith.constant 3 : i32
    %run_scoped3A_187 = arith.constant 78 : i32
    "tpu.region"() ({
      %run_scoped3A_210 = tpu.sem_alloc : memref<!tpu.dma_semaphore, #tpu.memory_space<semaphore_mem>>
      %dma_start3A_211 = arith.constant 0 : i32
      %dma_start3A_212 = arith.constant 0 : i32
      %dma_start3A_213 = tpu.memref_slice %arg8[%run_scoped3A_186, %dma_start3A_211, %dma_start3A_212] : memref<5x128x64xf32, #tpu.memory_space<vmem>> -> memref<1x128x64xf32, #tpu.memory_space<vmem>>
      %dma_start3A_214 = tpu.memref_squeeze %dma_start3A_213 : memref<1x128x64xf32, #tpu.memory_space<vmem>> -> memref<128x64xf32, #tpu.memory_space<vmem>>
      %dma_start3A_215 = arith.constant 0 : i32
      %dma_start3A_216 = tpu.memref_slice %arg7[%run_scoped3A_187, %dma_start3A_215] : memref<80x128xi32, #tpu.memory_space<vmem>> -> memref<1x128xi32, #tpu.memory_space<vmem>>
      %dma_start3A_217 = tpu.memref_squeeze %dma_start3A_216 : memref<1x128xi32, #tpu.memory_space<vmem>> -> memref<128xi32, #tpu.memory_space<vmem>>
      %dma_start3A_218 = arith.constant 0 : i32
      %dma_start3A_219 = arith.constant 0 : i32
      %dma_start3A_220 = tpu.memref_slice %arg10[%dma_start3A_218, %dma_start3A_219] : memref<10240x64xf32, #tpu.memory_space<vmem_shared>> -> memref<10240x64xf32, #tpu.memory_space<vmem_shared>>
      tpu.enqueue_indirect_dma source(%dma_start3A_214 : memref<128x64xf32, #tpu.memory_space<vmem>>) target(%dma_start3A_220 : memref<10240x64xf32, #tpu.memory_space<vmem_shared>>) offsets(%dma_start3A_217 : memref<128xi32, #tpu.memory_space<vmem>>) semaphore(%run_scoped3A_210 : memref<!tpu.dma_semaphore, #tpu.memory_space<semaphore_mem>>) {add = true}
      %dma_wait3A_221 = arith.constant 0 : i32
      %dma_wait3A_222 = arith.constant 0 : i32
      %dma_wait3A_223 = tpu.memref_slice %arg8[%run_scoped3A_186, %dma_wait3A_221, %dma_wait3A_222] : memref<5x128x64xf32, #tpu.memory_space<vmem>> -> memref<1x128x64xf32, #tpu.memory_space<vmem>>
      %dma_wait3A_224 = tpu.memref_squeeze %dma_wait3A_223 : memref<1x128x64xf32, #tpu.memory_space<vmem>> -> memref<128x64xf32, #tpu.memory_space<vmem>>
      %dma_wait3A_225 = arith.constant 0 : i32
      %dma_wait3A_226 = tpu.memref_slice %arg7[%run_scoped3A_187, %dma_wait3A_225] : memref<80x128xi32, #tpu.memory_space<vmem>> -> memref<1x128xi32, #tpu.memory_space<vmem>>
      %dma_wait3A_227 = tpu.memref_squeeze %dma_wait3A_226 : memref<1x128xi32, #tpu.memory_space<vmem>> -> memref<128xi32, #tpu.memory_space<vmem>>
      %dma_wait3A_228 = arith.constant 0 : i32
      %dma_wait3A_229 = arith.constant 0 : i32
      %dma_wait3A_230 = tpu.memref_slice %arg10[%dma_wait3A_228, %dma_wait3A_229] : memref<10240x64xf32, #tpu.memory_space<vmem_shared>> -> memref<10240x64xf32, #tpu.memory_space<vmem_shared>>
      tpu.wait_indirect_dma semaphore(%run_scoped3A_210 : memref<!tpu.dma_semaphore, #tpu.memory_space<semaphore_mem>>) src(%dma_wait3A_224 : memref<128x64xf32, #tpu.memory_space<vmem>>) dst(%dma_wait3A_230 : memref<10240x64xf32, #tpu.memory_space<vmem_shared>>)
      tpu.yield
    }) : () -> ()
    %dma_wait3A_188 = arith.constant 4 : i32
    %dma_wait3A_189 = arith.constant 0 : i32
    %dma_wait3A_190 = arith.constant 0 : i32
    %dma_wait3A_191 = tpu.memref_slice %arg8[%dma_wait3A_188, %dma_wait3A_189, %dma_wait3A_190] : memref<5x128x64xf32, #tpu.memory_space<vmem>> -> memref<1x128x64xf32, #tpu.memory_space<vmem>>
    %dma_wait3A_192 = tpu.memref_squeeze %dma_wait3A_191 : memref<1x128x64xf32, #tpu.memory_space<vmem>> -> memref<128x64xf32, #tpu.memory_space<vmem>>
    %dma_wait3A_193 = arith.constant 0 : i32
    %dma_wait3A_194 = arith.constant 0 : i32
    %dma_wait3A_195 = tpu.memref_slice %arg2[%dma_wait3A_193, %dma_wait3A_194] : memref<10240x64xf32, #tpu.memory_space<hbm>> -> memref<128x64xf32, #tpu.memory_space<hbm>>
    %dma_wait3A_196 = arith.constant 0 : i32
    %dma_wait3A_197 = arith.constant 0 : i32
    %dma_wait3A_198 = tpu.memref_slice %arg8[%dma_wait3A_188, %dma_wait3A_196, %dma_wait3A_197] : memref<5x128x64xf32, #tpu.memory_space<vmem>> -> memref<1x128x64xf32, #tpu.memory_space<vmem>>
    %dma_wait3A_199 = tpu.memref_squeeze %dma_wait3A_198 : memref<1x128x64xf32, #tpu.memory_space<vmem>> -> memref<128x64xf32, #tpu.memory_space<vmem>>
    %dma_wait3A_200 = arith.constant 0 : i32
    %dma_wait3A_201 = arith.constant 0 : i32
    %dma_wait3A_202 = tpu.memref_slice %arg2[%dma_wait3A_200, %dma_wait3A_201] : memref<10240x64xf32, #tpu.memory_space<hbm>> -> memref<128x64xf32, #tpu.memory_space<hbm>>
    tpu.wait_dma2 semaphore(%arg15 : memref<!tpu.dma_semaphore, #tpu.memory_space<semaphore_mem>>) src(%dma_wait3A_202 : memref<128x64xf32, #tpu.memory_space<hbm>>) dst(%dma_wait3A_199 : memref<128x64xf32, #tpu.memory_space<vmem>>)
    %run_scoped3A_203 = arith.constant 4 : i32
    %run_scoped3A_204 = arith.constant 79 : i32
    "tpu.region"() ({
      %run_scoped3A_210 = tpu.sem_alloc : memref<!tpu.dma_semaphore, #tpu.memory_space<semaphore_mem>>
      %dma_start3A_211 = arith.constant 0 : i32
      %dma_start3A_212 = arith.constant 0 : i32
      %dma_start3A_213 = tpu.memref_slice %arg8[%run_scoped3A_203, %dma_start3A_211, %dma_start3A_212] : memref<5x128x64xf32, #tpu.memory_space<vmem>> -> memref<1x128x64xf32, #tpu.memory_space<vmem>>
      %dma_start3A_214 = tpu.memref_squeeze %dma_start3A_213 : memref<1x128x64xf32, #tpu.memory_space<vmem>> -> memref<128x64xf32, #tpu.memory_space<vmem>>
      %dma_start3A_215 = arith.constant 0 : i32
      %dma_start3A_216 = tpu.memref_slice %arg7[%run_scoped3A_204, %dma_start3A_215] : memref<80x128xi32, #tpu.memory_space<vmem>> -> memref<1x128xi32, #tpu.memory_space<vmem>>
      %dma_start3A_217 = tpu.memref_squeeze %dma_start3A_216 : memref<1x128xi32, #tpu.memory_space<vmem>> -> memref<128xi32, #tpu.memory_space<vmem>>
      %dma_start3A_218 = arith.constant 0 : i32
      %dma_start3A_219 = arith.constant 0 : i32
      %dma_start3A_220 = tpu.memref_slice %arg10[%dma_start3A_218, %dma_start3A_219] : memref<10240x64xf32, #tpu.memory_space<vmem_shared>> -> memref<10240x64xf32, #tpu.memory_space<vmem_shared>>
      tpu.enqueue_indirect_dma source(%dma_start3A_214 : memref<128x64xf32, #tpu.memory_space<vmem>>) target(%dma_start3A_220 : memref<10240x64xf32, #tpu.memory_space<vmem_shared>>) offsets(%dma_start3A_217 : memref<128xi32, #tpu.memory_space<vmem>>) semaphore(%run_scoped3A_210 : memref<!tpu.dma_semaphore, #tpu.memory_space<semaphore_mem>>) {add = true}
      %dma_wait3A_221 = arith.constant 0 : i32
      %dma_wait3A_222 = arith.constant 0 : i32
      %dma_wait3A_223 = tpu.memref_slice %arg8[%run_scoped3A_203, %dma_wait3A_221, %dma_wait3A_222] : memref<5x128x64xf32, #tpu.memory_space<vmem>> -> memref<1x128x64xf32, #tpu.memory_space<vmem>>
      %dma_wait3A_224 = tpu.memref_squeeze %dma_wait3A_223 : memref<1x128x64xf32, #tpu.memory_space<vmem>> -> memref<128x64xf32, #tpu.memory_space<vmem>>
      %dma_wait3A_225 = arith.constant 0 : i32
      %dma_wait3A_226 = tpu.memref_slice %arg7[%run_scoped3A_204, %dma_wait3A_225] : memref<80x128xi32, #tpu.memory_space<vmem>> -> memref<1x128xi32, #tpu.memory_space<vmem>>
      %dma_wait3A_227 = tpu.memref_squeeze %dma_wait3A_226 : memref<1x128xi32, #tpu.memory_space<vmem>> -> memref<128xi32, #tpu.memory_space<vmem>>
      %dma_wait3A_228 = arith.constant 0 : i32
      %dma_wait3A_229 = arith.constant 0 : i32
      %dma_wait3A_230 = tpu.memref_slice %arg10[%dma_wait3A_228, %dma_wait3A_229] : memref<10240x64xf32, #tpu.memory_space<vmem_shared>> -> memref<10240x64xf32, #tpu.memory_space<vmem_shared>>
      tpu.wait_indirect_dma semaphore(%run_scoped3A_210 : memref<!tpu.dma_semaphore, #tpu.memory_space<semaphore_mem>>) src(%dma_wait3A_224 : memref<128x64xf32, #tpu.memory_space<vmem>>) dst(%dma_wait3A_230 : memref<10240x64xf32, #tpu.memory_space<vmem_shared>>)
      tpu.yield
    }) : () -> ()
    %barrier3A_205 = arith.constant 0 : index
    tpu.barrier barrier_id(%barrier3A_205)
    %mul3A_206 = arith.constant 640 : i32
    %mul3A_207 = arith.muli %arg1, %mul3A_206 : i32
    %mul3A_208 = arith.constant 640 : i32
    %mul3A_209 = arith.muli %arg1, %mul3A_208 : i32
    "tpu.region"() ({
      %run_scoped3A_210 = tpu.sem_alloc : memref<!tpu.dma_semaphore, #tpu.memory_space<semaphore_mem>>
      %dma_start3A_211 = arith.constant 0 : i32
      %dma_start3A_212 = tpu.memref_slice %arg5[%arg0, %mul3A_209, %dma_start3A_211] : memref<2x10240x64xf32, #tpu.memory_space<hbm>> -> memref<1x640x64xf32, #tpu.memory_space<hbm>>
      %dma_start3A_213 = tpu.memref_squeeze %dma_start3A_212 : memref<1x640x64xf32, #tpu.memory_space<hbm>> -> memref<640x64xf32, #tpu.memory_space<hbm>>
      %dma_start3A_214 = arith.constant 0 : i32
      %dma_start3A_215 = tpu.memref_slice %arg10[%mul3A_207, %dma_start3A_214] : memref<10240x64xf32, #tpu.memory_space<vmem_shared>> -> memref<640x64xf32, #tpu.memory_space<vmem_shared>>
      tpu.enqueue_dma source(%dma_start3A_215 : memref<640x64xf32, #tpu.memory_space<vmem_shared>>) target(%dma_start3A_213 : memref<640x64xf32, #tpu.memory_space<hbm>>) target_semaphore(%run_scoped3A_210 : memref<!tpu.dma_semaphore, #tpu.memory_space<semaphore_mem>>)
      %dma_wait3A_216 = arith.constant 0 : i32
      %dma_wait3A_217 = tpu.memref_slice %arg5[%arg0, %mul3A_209, %dma_wait3A_216] : memref<2x10240x64xf32, #tpu.memory_space<hbm>> -> memref<1x640x64xf32, #tpu.memory_space<hbm>>
      %dma_wait3A_218 = tpu.memref_squeeze %dma_wait3A_217 : memref<1x640x64xf32, #tpu.memory_space<hbm>> -> memref<640x64xf32, #tpu.memory_space<hbm>>
      %dma_wait3A_219 = arith.constant 0 : i32
      %dma_wait3A_220 = tpu.memref_slice %arg10[%mul3A_207, %dma_wait3A_219] : memref<10240x64xf32, #tpu.memory_space<vmem_shared>> -> memref<640x64xf32, #tpu.memory_space<vmem_shared>>
      tpu.wait_dma2 semaphore(%run_scoped3A_210 : memref<!tpu.dma_semaphore, #tpu.memory_space<semaphore_mem>>) src(%dma_wait3A_220 : memref<640x64xf32, #tpu.memory_space<vmem_shared>>) dst(%dma_wait3A_218 : memref<640x64xf32, #tpu.memory_space<hbm>>)
      tpu.yield
    }) : () -> ()
    return
  }
}

module attributes {stable_mosaic.version = 14 : i64} {
  func.func @_tc_mid_body(%arg0: memref<2x10240x64xf32, #tpu.memory_space<vmem>>, %arg1: memref<2x10240x64xf32, #tpu.memory_space<vmem>>, %arg2: memref<2x10240x16xf32, #tpu.memory_space<vmem>>, %arg3: memref<10240x128xf32, #tpu.memory_space<vmem>>, %arg4: memref<1x64xf32, #tpu.memory_space<vmem>>, %arg5: memref<128x64xf32, #tpu.memory_space<vmem>>, %arg6: memref<128x64xf32, #tpu.memory_space<vmem>>, %arg7: memref<64x64xf32, #tpu.memory_space<vmem>>, %arg8: memref<10240x64xf32, #tpu.memory_space<vmem>>, %arg9: memref<10240x128xf32, #tpu.memory_space<vmem>>) attributes {dimension_semantics = [], scalar_prefetch = 0 : i64, scratch_operands = 0 : i64, tpu.core_type = #tpu.core_type<tc>} {
    %get3A = arith.constant 0 : index
    %get3A_0 = arith.constant 0 : index
    %get3A_1 = arith.constant 0 : index
    %get3A_2 = vector.load %arg2[%get3A, %get3A_0, %get3A_1] : memref<2x10240x16xf32, #tpu.memory_space<vmem>>, vector<1x10240x16xf32>
    %get3A_3 = vector.shape_cast %get3A_2 : vector<1x10240x16xf32> to vector<10240x16xf32>
    %slice3A = vector.extract_strided_slice %get3A_3 {offsets = [0, 0], sizes = [10240, 1], strides = [1, 1]} : vector<10240x16xf32> to vector<10240x1xf32>
    %get3A_4 = arith.constant 1 : index
    %get3A_5 = arith.constant 0 : index
    %get3A_6 = arith.constant 0 : index
    %get3A_7 = vector.load %arg2[%get3A_4, %get3A_5, %get3A_6] : memref<2x10240x16xf32, #tpu.memory_space<vmem>>, vector<1x10240x16xf32>
    %get3A_8 = vector.shape_cast %get3A_7 : vector<1x10240x16xf32> to vector<10240x16xf32>
    %slice3A_9 = vector.extract_strided_slice %get3A_8 {offsets = [0, 0], sizes = [10240, 1], strides = [1, 1]} : vector<10240x16xf32> to vector<10240x1xf32>
    %add3A = arith.addf %slice3A, %slice3A_9 : vector<10240x1xf32>
    %max3A = arith.constant 1.000000e+00 : f32
    %max3A_10 = vector.broadcast %max3A : f32 to vector<10240x1xf32>
    %max3A_11 = arith.maximumf %add3A, %max3A_10 : vector<10240x1xf32>
    %get3A_12 = arith.constant 0 : index
    %get3A_13 = arith.constant 0 : index
    %get3A_14 = arith.constant 0 : index
    %get3A_15 = vector.load %arg0[%get3A_12, %get3A_13, %get3A_14] : memref<2x10240x64xf32, #tpu.memory_space<vmem>>, vector<1x10240x64xf32>
    %get3A_16 = vector.shape_cast %get3A_15 : vector<1x10240x64xf32> to vector<10240x64xf32>
    %get3A_17 = arith.constant 1 : index
    %get3A_18 = arith.constant 0 : index
    %get3A_19 = arith.constant 0 : index
    %get3A_20 = vector.load %arg0[%get3A_17, %get3A_18, %get3A_19] : memref<2x10240x64xf32, #tpu.memory_space<vmem>>, vector<1x10240x64xf32>
    %get3A_21 = vector.shape_cast %get3A_20 : vector<1x10240x64xf32> to vector<10240x64xf32>
    %add3A_22 = arith.addf %get3A_16, %get3A_21 : vector<10240x64xf32>
    %get3A_23 = arith.constant 0 : index
    %get3A_24 = arith.constant 0 : index
    %get3A_25 = arith.constant 0 : index
    %get3A_26 = vector.load %arg1[%get3A_23, %get3A_24, %get3A_25] : memref<2x10240x64xf32, #tpu.memory_space<vmem>>, vector<1x10240x64xf32>
    %get3A_27 = vector.shape_cast %get3A_26 : vector<1x10240x64xf32> to vector<10240x64xf32>
    %get3A_28 = arith.constant 1 : index
    %get3A_29 = arith.constant 0 : index
    %get3A_30 = arith.constant 0 : index
    %get3A_31 = vector.load %arg1[%get3A_28, %get3A_29, %get3A_30] : memref<2x10240x64xf32, #tpu.memory_space<vmem>>, vector<1x10240x64xf32>
    %get3A_32 = vector.shape_cast %get3A_31 : vector<1x10240x64xf32> to vector<10240x64xf32>
    %add3A_33 = arith.addf %get3A_27, %get3A_32 : vector<10240x64xf32>
    %concatenate3A = tpu.concatenate %add3A_22, %add3A_33 in 1 : vector<10240x64xf32>, vector<10240x64xf32> -> vector<10240x128xf32>
    %div3A = vector.broadcast %max3A_11 : vector<10240x1xf32> to vector<10240x128xf32>
    %div3A_34 = arith.divf %concatenate3A, %div3A : vector<10240x128xf32>
    %get3A_35 = arith.constant 0 : index
    %get3A_36 = arith.constant 0 : index
    %get3A_37 = vector.load %arg5[%get3A_35, %get3A_36] : memref<128x64xf32, #tpu.memory_space<vmem>>, vector<128x64xf32>
    %dot_general3A = arith.constant dense<0.000000e+00> : vector<10240x64xf32>
    %dot_general3A_38 = tpu.matmul %div3A_34, %get3A_37, %dot_general3A {dimension_numbers = #tpu.dot_dimension_numbers<[1], [0], [0], [1], [0, 0, 1, 1], [], []>, transpose_lhs_hint = false} : vector<10240x128xf32>, vector<128x64xf32>, vector<10240x64xf32> -> vector<10240x64xf32>
    %get3A_39 = arith.constant 0 : index
    %get3A_40 = arith.constant 0 : index
    %get3A_41 = vector.load %arg3[%get3A_39, %get3A_40] : memref<10240x128xf32, #tpu.memory_space<vmem>>, vector<10240x128xf32>
    %get3A_42 = arith.constant 0 : index
    %get3A_43 = arith.constant 0 : index
    %get3A_44 = vector.load %arg6[%get3A_42, %get3A_43] : memref<128x64xf32, #tpu.memory_space<vmem>>, vector<128x64xf32>
    %dot_general3A_45 = arith.constant dense<0.000000e+00> : vector<10240x64xf32>
    %dot_general3A_46 = tpu.matmul %get3A_41, %get3A_44, %dot_general3A_45 {dimension_numbers = #tpu.dot_dimension_numbers<[1], [0], [0], [1], [0, 0, 1, 1], [], []>, transpose_lhs_hint = false} : vector<10240x128xf32>, vector<128x64xf32>, vector<10240x64xf32> -> vector<10240x64xf32>
    %get3A_47 = arith.constant 0 : index
    %get3A_48 = arith.constant 0 : index
    %get3A_49 = vector.load %arg4[%get3A_47, %get3A_48] : memref<1x64xf32, #tpu.memory_space<vmem>>, vector<1x64xf32>
    %add3A_50 = vector.broadcast %get3A_49 : vector<1x64xf32> to vector<10240x64xf32>
    %add3A_51 = arith.addf %dot_general3A_38, %add3A_50 : vector<10240x64xf32>
    %add3A_52 = arith.addf %add3A_51, %dot_general3A_46 : vector<10240x64xf32>
    %max3A_53 = arith.constant 0.000000e+00 : f32
    %max3A_54 = vector.broadcast %max3A_53 : f32 to vector<10240x64xf32>
    %max3A_55 = arith.maximumf %add3A_52, %max3A_54 : vector<10240x64xf32>
    %iota3A = tpu.iota {dimensions = array<i32: 0>} : vector<10240x1xi32>
    %lt3A = arith.constant 10000 : i32
    %lt3A_56 = vector.broadcast %lt3A : i32 to vector<10240x1xi32>
    %lt3A_57 = arith.cmpi slt, %iota3A, %lt3A_56 : vector<10240x1xi32>
    %convert_element_type3A = arith.extui %lt3A_57 : vector<10240x1xi1> to vector<10240x1xi32>
    %convert_element_type3A_58 = arith.sitofp %convert_element_type3A : vector<10240x1xi32> to vector<10240x1xf32>
    %mul3A = vector.broadcast %convert_element_type3A_58 : vector<10240x1xf32> to vector<10240x64xf32>
    %mul3A_59 = arith.mulf %max3A_55, %mul3A : vector<10240x64xf32>
    %swap3A = arith.constant 0 : index
    %swap3A_60 = arith.constant 0 : index
    %swap3A_61 = vector.load %arg8[%swap3A, %swap3A_60] : memref<10240x64xf32, #tpu.memory_space<vmem>>, vector<10240x64xf32>
    tpu.vector_store %arg8[%swap3A, %swap3A_60], %mul3A_59 {strides = array<i32>} : memref<10240x64xf32, #tpu.memory_space<vmem>>, vector<10240x64xf32>,
    %get3A_62 = arith.constant 0 : index
    %get3A_63 = arith.constant 0 : index
    %get3A_64 = vector.load %arg7[%get3A_62, %get3A_63] : memref<64x64xf32, #tpu.memory_space<vmem>>, vector<64x64xf32>
    %dot_general3A_65 = arith.constant dense<0.000000e+00> : vector<10240x64xf32>
    %dot_general3A_66 = tpu.matmul %mul3A_59, %get3A_64, %dot_general3A_65 {dimension_numbers = #tpu.dot_dimension_numbers<[1], [0], [0], [1], [0, 0, 1, 1], [], []>, transpose_lhs_hint = false} : vector<10240x64xf32>, vector<64x64xf32>, vector<10240x64xf32> -> vector<10240x64xf32>
    %broadcast_in_dim3A = vector.shape_cast %max3A_11 : vector<10240x1xf32> to vector<10240x1xf32>
    %broadcast_in_dim3A_67 = vector.broadcast %broadcast_in_dim3A : vector<10240x1xf32> to vector<10240x64xf32>
    %concatenate3A_68 = tpu.concatenate %dot_general3A_66, %broadcast_in_dim3A_67 in 1 : vector<10240x64xf32>, vector<10240x64xf32> -> vector<10240x128xf32>
    %swap3A_69 = arith.constant 0 : index
    %swap3A_70 = arith.constant 0 : index
    %swap3A_71 = vector.load %arg9[%swap3A_69, %swap3A_70] : memref<10240x128xf32, #tpu.memory_space<vmem>>, vector<10240x128xf32>
    tpu.vector_store %arg9[%swap3A_69, %swap3A_70], %concatenate3A_68 {strides = array<i32>} : memref<10240x128xf32, #tpu.memory_space<vmem>>, vector<10240x128xf32>,
    return
  }
}

module attributes {stable_mosaic.version = 14 : i64} {
  func.func @_tc_post_body(%arg0: memref<2x10240x64xf32, #tpu.memory_space<vmem>>, %arg1: memref<10240x128xf32, #tpu.memory_space<vmem>>, %arg2: memref<1x64xf32, #tpu.memory_space<vmem>>, %arg3: memref<1x10240xi32, #tpu.memory_space<vmem>>, %arg4: memref<64x64xf32, #tpu.memory_space<vmem>>, %arg5: memref<64x64xf32, #tpu.memory_space<vmem>>, %arg6: memref<1x64xf32, #tpu.memory_space<vmem>>, %arg7: memref<64x8xf32, #tpu.memory_space<vmem>>, %arg8: memref<1x8xf32, #tpu.memory_space<vmem>>, %arg9: memref<64x64xf32, #tpu.memory_space<vmem>>, %arg10: memref<1x64xf32, #tpu.memory_space<vmem>>, %arg11: memref<64x1xf32, #tpu.memory_space<vmem>>, %arg12: memref<1x1xf32, #tpu.memory_space<vmem>>, %arg13: memref<64x8xf32, #tpu.memory_space<vmem>>, %arg14: memref<64x1xf32, #tpu.memory_space<vmem>>) attributes {dimension_semantics = [], scalar_prefetch = 0 : i64, scratch_operands = 0 : i64, tpu.core_type = #tpu.core_type<tc>} {
    %get3A = arith.constant 0 : index
    %get3A_0 = arith.constant 0 : index
    %get3A_1 = vector.load %arg1[%get3A, %get3A_0] : memref<10240x128xf32, #tpu.memory_space<vmem>>, vector<10240x128xf32>
    %get3A_2 = arith.constant 0 : index
    %get3A_3 = arith.constant 0 : index
    %get3A_4 = arith.constant 0 : index
    %get3A_5 = vector.load %arg0[%get3A_2, %get3A_3, %get3A_4] : memref<2x10240x64xf32, #tpu.memory_space<vmem>>, vector<1x10240x64xf32>
    %get3A_6 = vector.shape_cast %get3A_5 : vector<1x10240x64xf32> to vector<10240x64xf32>
    %get3A_7 = arith.constant 1 : index
    %get3A_8 = arith.constant 0 : index
    %get3A_9 = arith.constant 0 : index
    %get3A_10 = vector.load %arg0[%get3A_7, %get3A_8, %get3A_9] : memref<2x10240x64xf32, #tpu.memory_space<vmem>>, vector<1x10240x64xf32>
    %get3A_11 = vector.shape_cast %get3A_10 : vector<1x10240x64xf32> to vector<10240x64xf32>
    %add3A = arith.addf %get3A_6, %get3A_11 : vector<10240x64xf32>
    %slice3A = vector.extract_strided_slice %get3A_1 {offsets = [0, 64], sizes = [10240, 1], strides = [1, 1]} : vector<10240x128xf32> to vector<10240x1xf32>
    %div3A = vector.broadcast %slice3A : vector<10240x1xf32> to vector<10240x64xf32>
    %div3A_12 = arith.divf %add3A, %div3A : vector<10240x64xf32>
    %get3A_13 = arith.constant 0 : index
    %get3A_14 = arith.constant 0 : index
    %get3A_15 = vector.load %arg4[%get3A_13, %get3A_14] : memref<64x64xf32, #tpu.memory_space<vmem>>, vector<64x64xf32>
    %dot_general3A = arith.constant dense<0.000000e+00> : vector<10240x64xf32>
    %dot_general3A_16 = tpu.matmul %div3A_12, %get3A_15, %dot_general3A {dimension_numbers = #tpu.dot_dimension_numbers<[1], [0], [0], [1], [0, 0, 1, 1], [], []>, transpose_lhs_hint = false} : vector<10240x64xf32>, vector<64x64xf32>, vector<10240x64xf32> -> vector<10240x64xf32>
    %get3A_17 = arith.constant 0 : index
    %get3A_18 = arith.constant 0 : index
    %get3A_19 = vector.load %arg2[%get3A_17, %get3A_18] : memref<1x64xf32, #tpu.memory_space<vmem>>, vector<1x64xf32>
    %add3A_20 = vector.broadcast %get3A_19 : vector<1x64xf32> to vector<10240x64xf32>
    %add3A_21 = arith.addf %dot_general3A_16, %add3A_20 : vector<10240x64xf32>
    %slice3A_22 = vector.extract_strided_slice %get3A_1 {offsets = [0, 0], sizes = [10240, 64], strides = [1, 1]} : vector<10240x128xf32> to vector<10240x64xf32>
    %add3A_23 = arith.addf %add3A_21, %slice3A_22 : vector<10240x64xf32>
    %max3A = arith.constant 0.000000e+00 : f32
    %max3A_24 = vector.broadcast %max3A : f32 to vector<10240x64xf32>
    %max3A_25 = arith.maximumf %add3A_23, %max3A_24 : vector<10240x64xf32>
    %get3A_26 = arith.constant 0 : index
    %get3A_27 = arith.constant 0 : index
    %get3A_28 = vector.load %arg3[%get3A_26, %get3A_27] : memref<1x10240xi32, #tpu.memory_space<vmem>>, vector<1x10240xi32>
    %broadcast_in_dim3A = vector.shape_cast %get3A_28 : vector<1x10240xi32> to vector<1x10240xi32>
    %broadcast_in_dim3A_29 = vector.broadcast %broadcast_in_dim3A : vector<1x10240xi32> to vector<64x10240xi32>
    %iota3A = tpu.iota {dimensions = array<i32: 0>} : vector<64x10240xi32>
    %eq3A = arith.cmpi eq, %broadcast_in_dim3A_29, %iota3A : vector<64x10240xi32>
    %convert_element_type3A = arith.extui %eq3A : vector<64x10240xi1> to vector<64x10240xi32>
    %convert_element_type3A_30 = arith.sitofp %convert_element_type3A : vector<64x10240xi32> to vector<64x10240xf32>
    %dot_general3A_31 = arith.constant dense<0.000000e+00> : vector<64x64xf32>
    %dot_general3A_32 = tpu.matmul %convert_element_type3A_30, %max3A_25, %dot_general3A_31 {dimension_numbers = #tpu.dot_dimension_numbers<[1], [0], [0], [1], [0, 0, 1, 1], [], []>, precision = #tpu.contract_precision<fp32>, transpose_lhs_hint = false} : vector<64x10240xf32>, vector<10240x64xf32>, vector<64x64xf32> -> vector<64x64xf32>
    %reduce_sum3A = arith.constant dense<0.000000e+00> : vector<64xf32>
    %reduce_sum3A_33 = vector.multi_reduction <add>, %convert_element_type3A_30, %reduce_sum3A [1] : vector<64x10240xf32> to vector<64xf32>
    %broadcast_in_dim3A_34 = vector.shape_cast %reduce_sum3A_33 : vector<64xf32> to vector<64x1xf32>
    %max3A_35 = arith.constant 1.000000e+00 : f32
    %max3A_36 = vector.broadcast %max3A_35 : f32 to vector<64x1xf32>
    %max3A_37 = arith.maximumf %broadcast_in_dim3A_34, %max3A_36 : vector<64x1xf32>
    %div3A_38 = vector.broadcast %max3A_37 : vector<64x1xf32> to vector<64x64xf32>
    %div3A_39 = arith.divf %dot_general3A_32, %div3A_38 : vector<64x64xf32>
    %get3A_40 = arith.constant 0 : index
    %get3A_41 = arith.constant 0 : index
    %get3A_42 = vector.load %arg5[%get3A_40, %get3A_41] : memref<64x64xf32, #tpu.memory_space<vmem>>, vector<64x64xf32>
    %dot_general3A_43 = arith.constant dense<0.000000e+00> : vector<64x64xf32>
    %dot_general3A_44 = tpu.matmul %div3A_39, %get3A_42, %dot_general3A_43 {dimension_numbers = #tpu.dot_dimension_numbers<[1], [0], [0], [1], [0, 0, 1, 1], [], []>, transpose_lhs_hint = false} : vector<64x64xf32>, vector<64x64xf32>, vector<64x64xf32> -> vector<64x64xf32>
    %get3A_45 = arith.constant 0 : index
    %get3A_46 = arith.constant 0 : index
    %get3A_47 = vector.load %arg6[%get3A_45, %get3A_46] : memref<1x64xf32, #tpu.memory_space<vmem>>, vector<1x64xf32>
    %add3A_48 = vector.broadcast %get3A_47 : vector<1x64xf32> to vector<64x64xf32>
    %add3A_49 = arith.addf %dot_general3A_44, %add3A_48 : vector<64x64xf32>
    %max3A_50 = arith.constant 0.000000e+00 : f32
    %max3A_51 = vector.broadcast %max3A_50 : f32 to vector<64x64xf32>
    %max3A_52 = arith.maximumf %add3A_49, %max3A_51 : vector<64x64xf32>
    %get3A_53 = arith.constant 0 : index
    %get3A_54 = arith.constant 0 : index
    %get3A_55 = vector.load %arg7[%get3A_53, %get3A_54] : memref<64x8xf32, #tpu.memory_space<vmem>>, vector<64x8xf32>
    %dot_general3A_56 = arith.constant dense<0.000000e+00> : vector<64x8xf32>
    %dot_general3A_57 = tpu.matmul %max3A_52, %get3A_55, %dot_general3A_56 {dimension_numbers = #tpu.dot_dimension_numbers<[1], [0], [0], [1], [0, 0, 1, 1], [], []>, transpose_lhs_hint = false} : vector<64x64xf32>, vector<64x8xf32>, vector<64x8xf32> -> vector<64x8xf32>
    %get3A_58 = arith.constant 0 : index
    %get3A_59 = arith.constant 0 : index
    %get3A_60 = vector.load %arg8[%get3A_58, %get3A_59] : memref<1x8xf32, #tpu.memory_space<vmem>>, vector<1x8xf32>
    %add3A_61 = vector.broadcast %get3A_60 : vector<1x8xf32> to vector<64x8xf32>
    %add3A_62 = arith.addf %dot_general3A_57, %add3A_61 : vector<64x8xf32>
    %swap3A = arith.constant 0 : index
    %swap3A_63 = arith.constant 0 : index
    %swap3A_64 = vector.load %arg13[%swap3A, %swap3A_63] : memref<64x8xf32, #tpu.memory_space<vmem>>, vector<64x8xf32>
    tpu.vector_store %arg13[%swap3A, %swap3A_63], %add3A_62 {strides = array<i32>} : memref<64x8xf32, #tpu.memory_space<vmem>>, vector<64x8xf32>,
    %get3A_65 = arith.constant 0 : index
    %get3A_66 = arith.constant 0 : index
    %get3A_67 = vector.load %arg9[%get3A_65, %get3A_66] : memref<64x64xf32, #tpu.memory_space<vmem>>, vector<64x64xf32>
    %dot_general3A_68 = arith.constant dense<0.000000e+00> : vector<64x64xf32>
    %dot_general3A_69 = tpu.matmul %div3A_39, %get3A_67, %dot_general3A_68 {dimension_numbers = #tpu.dot_dimension_numbers<[1], [0], [0], [1], [0, 0, 1, 1], [], []>, transpose_lhs_hint = false} : vector<64x64xf32>, vector<64x64xf32>, vector<64x64xf32> -> vector<64x64xf32>
    %get3A_70 = arith.constant 0 : index
    %get3A_71 = arith.constant 0 : index
    %get3A_72 = vector.load %arg10[%get3A_70, %get3A_71] : memref<1x64xf32, #tpu.memory_space<vmem>>, vector<1x64xf32>
    %add3A_73 = vector.broadcast %get3A_72 : vector<1x64xf32> to vector<64x64xf32>
    %add3A_74 = arith.addf %dot_general3A_69, %add3A_73 : vector<64x64xf32>
    %max3A_75 = arith.constant 0.000000e+00 : f32
    %max3A_76 = vector.broadcast %max3A_75 : f32 to vector<64x64xf32>
    %max3A_77 = arith.maximumf %add3A_74, %max3A_76 : vector<64x64xf32>
    %get3A_78 = arith.constant 0 : index
    %get3A_79 = arith.constant 0 : index
    %get3A_80 = vector.load %arg11[%get3A_78, %get3A_79] : memref<64x1xf32, #tpu.memory_space<vmem>>, vector<64x1xf32>
    %dot_general3A_81 = arith.constant dense<0.000000e+00> : vector<64x1xf32>
    %dot_general3A_82 = tpu.matmul %max3A_77, %get3A_80, %dot_general3A_81 {dimension_numbers = #tpu.dot_dimension_numbers<[1], [0], [0], [1], [0, 0, 1, 1], [], []>, transpose_lhs_hint = false} : vector<64x64xf32>, vector<64x1xf32>, vector<64x1xf32> -> vector<64x1xf32>
    %get3A_83 = arith.constant 0 : index
    %get3A_84 = arith.constant 0 : index
    %get3A_85 = vector.load %arg12[%get3A_83, %get3A_84] : memref<1x1xf32, #tpu.memory_space<vmem>>, vector<1x1xf32>
    %add3A_86 = vector.broadcast %get3A_85 : vector<1x1xf32> to vector<64x1xf32>
    %add3A_87 = arith.addf %dot_general3A_82, %add3A_86 : vector<64x1xf32>
    %swap3A_88 = arith.constant 0 : index
    %swap3A_89 = arith.constant 0 : index
    %swap3A_90 = vector.load %arg14[%swap3A_88, %swap3A_89] : memref<64x1xf32, #tpu.memory_space<vmem>>, vector<64x1xf32>
    tpu.vector_store %arg14[%swap3A_88, %swap3A_89], %add3A_87 {strides = array<i32>} : memref<64x1xf32, #tpu.memory_space<vmem>>, vector<64x1xf32>,
    return
  }
}

</mosaic_0001>

<sc_bundles>
// kernel: kernel.10.cloned.1.call-start
scs
__scs_entry_jumppad:
0x0: {  	(pc) =	sbr.rel $0x88, $3  }
0x1: {  	(tag) =	ssettag $0x0;
	lr =	simm.s32 $0x1  }
0x2: {  	[smem:$0x3F90] =	sst lr;
	_ =	strace $0xD0000000  }
0x3: {  	_ = 	snop  }
0x4: {  	_ = 	snop  }
0x5: {  	_ = 	snop  }
0x6: {  	_ = 	snop  }
0x7: {  	_ = 	snop  }
__scs_overlays_trampoline_lowered:
0x8: {  	[smem:$0x3F9F] =	sst s0  }
0x9: {  	[smem:$0x3FA0] =	sst s1  }
0xa: {  	[smem:$0x3FA1] =	sst s2  }
0xb: {  	[smem:$0x3FA2] =	sst s3  }
0xc: {  	[smem:$0x3FA3] =	sst s4  }
0xd: {  	[smem:$0x3FA4] =	sst s5  }
0xe: {  	[smem:$0x3FA5] =	sst s6  }
0xf: {  	[smem:$0x3FA6] =	sst s7  }
0x10: {  	[smem:$0x3FA7] =	sst s8  }
0x11: {  	[smem:$0x3FA8] =	sst s9;
	s0 =	simm.s32 @!p0 $0x0  }
0x12: {  	s1 =	sld [smem:$0x3F8E];
	s0 =	simm.s32 @p0 $0x1  }
0x13: {  	[smem:$0x3FA9] =	sst s0;
	s0 =	simm.s32 @!p1 $0x0  }
0x14: {  	s2 =	sld [smem:$0x3F8D];
	s0 =	simm.s32 @p1 $0x1  }
0x15: {  	[smem:$0x3FAA] =	sst s0;
	s0 =	simm.s32 @!p2 $0x0  }
0x16: {  	s3 =	sld [smem:$0x3FDB];
	s0 =	simm.s32 @p2 $0x1  }
0x17: {  	s4 =	simm.s32 $0x1BF5;
	[smem:$0x3FAC] =	sst s0  }
0x18: {  	s0 =	sld [smem:$0x3F8F];
	_ =	swait.ge [sflag:s4], $0x0  }
0x19: {  	s7 =	sld [smem:$0x3F90]  }
0x1a: {  	s8 =	sadd.s32 $0xFFFFE003, lr  }
0x1b: {  	s9 =	sadd.s32 $0xFFFFFEF7, lr;
	s5 =	simm.s32 $0xFFFFFFFF;
	p2 =	slt.u32 s8, $0xFFFFF086  }
0x1c: {  	p1 =	slt.u32 s9, $0xF7A;
	s5 =	simm.s32 @!p2 $0x0  }
0x1d: {  	s5 =	simm.s32 @p1 $0x1;
	p0 =	seq.s32 s7, s2  }
0x1e: {  	s7 =	smul.u32 @!p0 $0xF7A, s2;
	p2 =	seq.s32 @!p0 s5, $0x0  }
0x1f: {  	s9 =	smul.u32 $0xF7A, s1;
	s8 =	simm.s32 @!p0 $0x1BF5;
	p2 =	por !p2, p0  }
0x20: {  	[sflag:s8] =	ssyncset.s32 @!p0 $0xFFFFF086;
	s6 =	sadd.s32 @!p0 s3, s7;
	s7 =	simm.s32 @!p0 $0x108  }
0x21: {  	s3 =	sadd.s32 s3, s9;
	s6 =	sadd.s32 @!p0 $0x88, s6;
	s7 =	simm.s32 @p2 $0x1082  }
0x22: {  	[simem:s7], [sflag:s8] =	dma.local @!p0 [hbm:s6], $0xF7A  }
0x23: {  	s9 =	sor.u32 $0xD0000000, s2;
	s6 =	simm.s32 $0x108;
	_ =	swait.ge @!p0 [sflag:s8], $0x0  }
0x24: {  	s3 =	sadd.s32 $0x88, s3;
	s6 =	simm.s32 @!p1 $0x1082;
	[sflag:s4] =	ssyncset.s32 $0xFFFFF086  }
0x25: {  	[simem:s6], [sflag:s4] =	dma.local [hbm:s3], $0xF7A  }
0x26: {  	[smem:$0x3F90] =	sst s1;
	(tag) =	ssettag s2;
	_ =	strace s9  }
0x27: {  	s1 =	sld [smem:$0x3FA0]  }
0x28: {  	s2 =	sld [smem:$0x3FA1]  }
0x29: {  	s4 =	sld [smem:$0x3FA3]  }
0x2a: {  	p0 =	seq.s32 s5, $0x0;
	s5 =	sld [smem:$0x3FA4]  }
0x2b: {  	s6 =	sld [smem:$0x3FA5]  }
0x2c: {  	s7 =	sld [smem:$0x3FA6]  }
0x2d: {  	s3 =	simm.s32 $0x108;
	s8 =	sld [smem:$0x3FA7]  }
0x2e: {  	s3 =	simm.s32 @!p0 $0x1082;
	s9 =	sld [smem:$0x3FA8]  }
0x2f: {  	lr =	sadd.s32 s0, s3;
	s0 =	sld [smem:$0x3F9F]  }
0x30: {  	s3 =	sld [smem:$0x3FA2]  }
0x31: {  	[smem:$0x3FAB] =	sst s10  }
0x32: {  	s10 =	sld [smem:$0x3FA9];
	_ =	sdelay $0x3  }
0x33: {  	p0 =	seq.s32 s10, $0x1;
	s10 =	sld [smem:$0x3FAB];
	_ =	sdelay $0x3  }
0x34: {  	[smem:$0x3FAB] =	sst s10  }
0x35: {  	s10 =	sld [smem:$0x3FAA];
	_ =	sdelay $0x3  }
0x36: {  	p1 =	seq.s32 s10, $0x1;
	s10 =	sld [smem:$0x3FAB];
	_ =	sdelay $0x3  }
0x37: {  	[smem:$0x3FAB] =	sst s10  }
0x38: {  	s10 =	sld [smem:$0x3FAC]  }
0x39: {  	_ = 	snop;
	(pc) =	sbr.ind lr, $3  }
0x3a: {  	_ = 	snop  }
0x3b: {  	_ = 	snop  }
0x3c: {  	p2 =	seq.s32 s10, $0x1;
	s10 =	sld [smem:$0x3FAB]  }
0x3d: {  	_ =	shalt  }
0x3e: {  	_ =	shalt  }
0x3f: {  	_ =	shalt  }
0x40: {  	_ =	shalt  }
0x41: {  	_ =	shalt  }
0x42: {  	_ =	shalt  }
0x43: {  	_ =	shalt  }
0x44: {  	_ =	shalt  }
0x45: {  	_ =	shalt  }
0x46: {  	_ =	shalt  }
0x47: {  	_ =	shalt  }
0x48: {  	_ =	shalt  }
0x49: {  	_ =	shalt  }
0x4a: {  	_ =	shalt  }
0x4b: {  	_ =	shalt  }
0x4c: {  	_ =	shalt  }
0x4d: {  	_ =	shalt  }
0x4e: {  	_ =	shalt  }
0x4f: {  	_ =	shalt  }
0x50: {  	_ =	shalt  }
0x51: {  	_ =	shalt  }
0x52: {  	_ =	shalt  }
0x53: {  	_ =	shalt  }
0x54: {  	_ =	shalt  }
0x55: {  	_ =	shalt  }
0x56: {  	_ =	shalt  }
0x57: {  	_ =	shalt  }
0x58: {  	_ =	shalt  }
0x59: {  	_ =	shalt  }
0x5a: {  	_ =	shalt  }
0x5b: {  	_ =	shalt  }
0x5c: {  	_ =	shalt  }
0x5d: {  	_ =	shalt  }
0x5e: {  	_ =	shalt  }
0x5f: {  	_ =	shalt  }
0x60: {  	_ =	shalt  }
0x61: {  	_ =	shalt  }
0x62: {  	_ =	shalt  }
0x63: {  	_ =	shalt  }
0x64: {  	_ =	shalt  }
0x65: {  	_ =	shalt  }
0x66: {  	_ =	shalt  }
0x67: {  	_ =	shalt  }
0x68: {  	_ =	shalt  }
0x69: {  	_ =	shalt  }
0x6a: {  	_ =	shalt  }
0x6b: {  	_ =	shalt  }
0x6c: {  	_ =	shalt  }
0x6d: {  	_ =	shalt  }
0x6e: {  	_ =	shalt  }
0x6f: {  	_ =	shalt  }
0x70: {  	_ =	shalt  }
0x71: {  	_ =	shalt  }
0x72: {  	_ =	shalt  }
0x73: {  	_ =	shalt  }
0x74: {  	_ =	shalt  }
0x75: {  	_ =	shalt  }
0x76: {  	_ =	shalt  }
0x77: {  	_ =	shalt  }
0x78: {  	_ =	shalt  }
0x79: {  	_ =	shalt  }
0x7a: {  	_ =	shalt  }
0x7b: {  	_ =	shalt  }
0x7c: {  	_ =	shalt  }
0x7d: {  	_ =	shalt  }
0x7e: {  	_ =	shalt  }
0x7f: {  	_ =	shalt  }
0x80: {  	_ =	shalt  }
0x81: {  	_ =	shalt  }
0x82: {  	_ =	shalt  }
0x83: {  	_ =	shalt  }
0x84: {  	_ =	shalt  }
0x85: {  	_ =	shalt  }
0x86: {  	_ =	shalt  }
0x87: {  	_ =	shalt  }
.Lfunc_end0:
.L_simem_size_0:
called_computation.1_lowered:
.L_overlay_start_0:
0x88: {  	s2 =	sld [smem:$0x3FD9]  }
0x89: {  	s3 =	sld [smem:$0x3FFE];
	_ =	sdelay $0x1  }
0x8a: {  	s1 =	srdreg.scid  }
0x8b: {  	s0 =	sand.u32 $0x1, s1  }
0x8c: {  	s17 =	sshll.u32 s0, $0xA;
	s2 =	sadd.s32 s3, s2  }
0x8d: {  	s2 =	sadd.s32 s2, s17  }
0x8e: {  	[smem:$0x3FB7] =	sst s2  }
0x8f: {  	_ = 	snop  }
0x90: {  	(tm) =	ssettm $0x1  }
0x91: {  	s18 =	sld [smem:$0x3FFB];
	_ =	sdelay $0x3  }
0x92: {  	_ =	strace s18  }
0x93: {  	s2 =	sld [smem:$0x3FFC];
	_ =	sdelay $0x3  }
0x94: {  	_ =	strace s2  }
0x95: {  	s2 =	sld [smem:$0x3FFD];
	_ =	sdelay $0x3  }
0x96: {  	_ =	strace s2  }
0x97: {  	_ =	strace $0x8FFFFFFF  }
0x98: {  	s19 =	sld [smem:$0x3FDB];
	_ =	sdelay $0x1  }
0x99: {  	s20 =	simm.s32 $_scs_section_size  }
0x9a: {  	s4 =	simm.s32 $_size__tile_overlayer_lowered;
	s5 =	simm.s32 $_tile_overlayer_lowered  }
0x9b: {  	s6 =	simm.s32 $0x1BFF;
	s21 =	sshll.u32 s5, $0x1;
	s3 =	sadd.s32 s20, s19  }
0x9c: {  	s22 =	simm.s32 $0x0;
	s4 =	sshll.u32 s4, $0x1;
	s5 =	sadd.s32 s21, s3  }
0x9d: {  	[timem:s22], [sflag:s6] =	dma.local [hbm:s5], s4  }
0x9e: {  	_ =	swait.ge [sflag:s6], s4  }
0x9f: {  	s4 =	ssub.s32 $0x0, s4;
	[sflag:s6] =	ssyncset.done $0x0  }
0xa0: {  	[sflag:s6] =	ssyncadd.s32 s4;
	_ =	sdelay $0x1  }
0xa1: {  	s23 =	simm.s32 $0x1B8B  }
0xa2: {  	_ =	swait.ge [sflag:s23], $0x1  }
0xa3: {  	[sflag:s23] =	ssyncset.done $0x0  }
0xa4: {  	[sflag:s23] =	ssyncadd.s32 $0xFFFFFFFF  }
0xa5: {  	s4 =	sld [smem:$0x0]  }
0xa6: {  	s5 =	sand.u32 $0xFFFFFFFE, s1  }
0xa7: {  	p0 =	sne.s32 s1, s5  }
0xa8: {  	s5 =	sshll.u32 @p0 s5, $0xE  }
0xa9: {  	s5 =	sadd.s32 @p0 $0x11B8D, s5;
	s6 =	sshll.u32 @p0 s4, $0x11  }
0xaa: {  	s5 =	sor.u32 @p0 s6, s5  }
0xab: {  	[sflag:s5] =	ssyncadd.remote.s32 @p0 $0x1;
	_ =	sdelay $0x1  }
0xac: {  	s5 =	simm.s32 @p0 $0x1B8D  }
0xad: {  	_ =	swait.eq @p0 [sflag:s5], $0x1  }
0xae: {  	[sflag:s5] =	ssyncadd.s32 @p0 $0xFFFFFFFF  }
0xaf: {  	s6 =	sshll.u32 @!p0 s1, $0xE  }
0xb0: {  	s6 =	sor.u32 @!p0 $0x4000, s6;
	s5 =	simm.s32 @!p0 $0x1B8D  }
0xb1: {  	s4 =	sshll.u32 @!p0 s4, $0x11;
	s6 =	sadd.s32 @!p0 $0x11B8D, s6;
	_ =	swait.eq @!p0 [sflag:s5], $0x1  }
0xb2: {  	s4 =	sor.u32 @!p0 s4, s6;
	[sflag:s5] =	ssyncadd.s32 @!p0 $0xFFFFFFFF  }
0xb3: {  	s25 =	simm.s32 $0x1B8E;
	s24 =	sld [smem:$0x3FFE];
	[sflag:s4] =	ssyncadd.remote.s32 @!p0 $0x1  }
0xb4: {  	s26 =	simm.s32 $execute0_lowered;
	[smem:$0x3FD2] =	sst s25  }
0xb5: {  	s5 =	sshll.u32 s26, $0x1;
	_ =	strace $0x80000049;
	[dreg:$0x1] =	wrdreg $0xFFFFFFFF  }
0xb6: {  	s28 =	simm.s32 $_size_execute0_lowered;
	s3 =	sadd.s32 s3, s5;
	[dreg:$0x0] =	wrdreg $0x0  }
0xb7: {  	s5 =	sshll.u32 s28, $0x1;
	[dreg:$0x2] =	wrdreg s3  }
0xb8: {  	[dreg:$0x3] =	wrdreg s5  }
0xb9: {  	[dreg:$0x4] =	wrdreg $0xC0  }
0xba: {  	_ =	task [dreg:s22], $0x5FFFF  }
0xbb: {  	[dreg:$0x1] =	wrdreg $0xFFFFFFFF  }
0xbc: {  	[dreg:$0x0] =	wrdreg $0x60  }
0xbd: {  	[dreg:$0x2] =	wrdreg s24  }
0xbe: {  	[dreg:$0x3] =	wrdreg $0x118000  }
0xbf: {  	[dreg:$0x4] =	wrdreg $0xA  }
0xc0: {  	_ =	task.clear_ibuf [dreg:s22], $0x5FFFF;
	_ =	strace $0x90000049  }
0xc1: {  	s29 =	simm.s32 $0xA;
	_ =	strace $0x8000004B  }
0xc2: {  	_ =	swait.ge [sflag:s29], $0x1  }
0xc3: {  	[sflag:s29] =	ssyncadd.s32 $0xFFFFFFFF  }
0xc4: {  	_ =	strace $0x9000004B  }
0xc5: {  	_ =	sfence  }
0xc6: {  	s30 =	sld [smem:$0x0];
	_ =	sdelay $0x2  }
0xc7: {  	s31 =	sshll.u32 s1, $0xD;
	s1 =	sshrl.u32 s1, $0x2  }
0xc8: {  	s4 =	sand.u32 $0x4000, s31;
	s1 =	sadd.s32 s1, s30  }
0xc9: {  	s0 =	sor.u32 s4, s0;
	s1 =	sshll.u32 s1, $0x11  }
0xca: {  	s0 =	sor.u32 s1, s0  }
0xcb: {  	s0 =	sadd.s32 $0x8F2B, s0  }
0xcc: {  	[sflag:s0] =	ssyncadd.remote.s32 $0x1  }
0xcd: {  	_ =	sfence.sel $0xFFFF  }
0xce: {  	[dreg:$0x0] =	wrdreg $0xFFFFFFFF;
	(pc) =	sbr.abs _section_cstart, $3  }
0xcf: {  	[dreg:$0x1] =	wrdreg $0xFFFFFFFF  }
0xd0: {  	_ =	task.clear_ibuf [dreg:s22], $0x2FFFF;
	_ =	strace $0x9FFFFFFF  }
0xd1: {  	(tm) =	ssettm $0x7FFFFFFF  }
tec
execute0_lowered:
.L_overlay_start_1:
0x0: {  	(tag) =	ssettag $0x1  }
0x1: {  	s0 =	rddreg [dreg:$0x0]  }
0x2: {  	s2 =	rddreg [dreg:$0x1]  }
0x3: {  	s1 =	srdreg.scid;
	s8 =	stileid.u32  }
0x4: {  	s3 =	simm.s32 $0x0;
	s14 =	simm.s32 $0x6;
	s15 =	simm.s32 $0x80  }
0x5: {  	s16 =	simm.s32 $0x5000;
	s17 =	simm.s32 $0x7000;
	s19 =	simm.s32 $0x9000  }
0x6: {  	s21 =	simm.s32 $0xB000;
	s23 =	simm.s32 $0xD000;
	s24 =	simm.s32 $0xF000  }
0x7: {  	s25 =	simm.s32 $0x8;
	s28 =	simm.s32 $0x1;
	s29 =	simm.s32 $0x2  }
0x8: {  	s30 =	simm.s32 $0x3;
	s31 =	simm.s32 $0x4;
	s22 =	simm.s32 $0x4F80  }
0x9: {  	s13 =	simm.s32 $0x0;
	s1 =	sand.u32 $0x1, s1;
	s7 =	smul.u32 $0xA000, s8  }
0xa: {  	[smem:$0x7FF] =	sst s3;
	s4 =	sshll.u32 s1, $0x4;
	s5 =	smul.u32 $0xA0000, s1  }
0xb: {  	_ =	strace $0x8000004A;
	s1 =	ssub.s32 $0x2, s1;
	s6 =	sor.u32 s8, s4  }
0xc: {  	s4 =	sadd.s32 $0x5C600, s0;
	s8 =	smul.u32 $0x28000, s8;
	s26 =	sshrl.u32 s1, $0x1  }
0xd: {  	s6 =	smul.u32 $0x500, s6;
	s5 =	sadd.s32 s7, s5;
	s1 =	ssub.s32 s1, s26  }
0xe: {  	s7 =	sadd.s32 s7, s2;
	s26 =	simm.s32 $0x7;
	s5 =	sshrl.u32 s5, $0x3  }
0xf: {  	s8 =	sshrl.u32 s8, $0x2;
	s12 =	smax.u32 s1, $0x1;
	s6 =	sadd.s32 s6, s0  }
0x10: {  	s0 =	sadd.s32 s5, s0;
	s10 =	sadd.s32 s8, s2;
	s5 =	sadd.s32 $0x20600, s6  }
0x11: {  	s6 =	sadd.s32 $0x16600, s6;
	s8 =	sadd.s32 $0x2800, s10;
	s9 =	sadd.s32 $0x5000, s10  }
0x12: {  	v0 =	vimm.f32 $0.0e+00;
	s10 =	sadd.s32 $0x7800, s10;
	s11 =	sadd.s32 $0x70600, s0;
	s0 =	simm.s32 $0x5  }
.LBB2_1:
0x13: {  	[tilespmem:s3], [sflag:$0x6] =	stream.linear.gather [hbm4b:s5+s3], $0x2800, $0x38;
	[tilespmem:$0x1B800] =	vst v63  }
0x14: {  	s1 =	simm.s32 $0x2800  }
0x15: {  	[tilespmem:s1], [sflag:$0x7] =	stream.linear.gather [hbm4b:s6+s3], $0x2800, $0x38;
	[tilespmem:$0x1B800] =	vst v63  }
0x16: {  	s18 =	simm.s32 $0x100;
	s1 =	simm.s32 $0x0  }
.LBB2_2:
0x17: {  	p0 =	sne.s32 s18, $0x9F00;
	[tilespmem:s1+$0xF030] =	vst v0;
	s20 =	smov.u32 s18;
	s18 =	sadd.s32 $0x100, s18  }
.Ltmp0:
0x18: {  	[tilespmem:s1+$0xF020] =	vst v0;
	(pc) =	sbr.rel @p0 .LBB2_2-.Ltmp0, $3  }
0x19: {  	[tilespmem:s1+$0xF000] =	vst v0  }
0x1a: {  	[tilespmem:s1+$0xF010] =	vst v0;
	_ =	sdelay $0x1  }
0x1b: {  	s1 =	sshra.s32 s20, $0x2  }
0x1c: {  	[tilespmem:s1+$0xF030] =	vst v0  }
0x1d: {  	[tilespmem:s1+$0xF020] =	vst v0  }
0x1e: {  	[tilespmem:s1+$0xF000] =	vst v0  }
0x1f: {  	[tilespmem:s1+$0xF010] =	vst v0  }
0x20: {  	_ =	swait.ge [sflag:s14], $0x2800  }
0x21: {  	[sflag:s14] =	ssyncset.done $0x0  }
0x22: {  	s20 =	simm.s32 $0x0;
	[sflag:s14] =	ssyncadd.s32 $0xFFFFD800  }
0x23: {  	[tilespmem:s16], [sflag:$0x1] =	stream.indirect.gather [hbm4b:s4+s15], $0x40, s20, s15, $0xb8;
	[tilespmem:$0x1B800] =	vst v63  }
0x24: {  	_ = 	snop  }
0x25: {  	[tilespmem:s17], [sflag:$0x2] =	stream.indirect.gather [hbm4b:s4+s15], $0x40, s15, s15, $0xb8;
	[tilespmem:$0x1B800] =	vst v63  }
0x26: {  	s18 =	simm.s32 $0x100  }
0x27: {  	[tilespmem:s19], [sflag:$0x3] =	stream.indirect.gather [hbm4b:s4+s15], $0x40, s18, s15, $0xb8;
	[tilespmem:$0x1B800] =	vst v63  }
0x28: {  	s20 =	simm.s32 $0x180  }
0x29: {  	[tilespmem:s21], [sflag:$0x4] =	stream.indirect.gather [hbm4b:s4+s15], $0x40, s20, s15, $0xb8;
	[tilespmem:$0x1B800] =	vst v63  }
0x2a: {  	s18 =	simm.s32 $0x200  }
0x2b: {  	[tilespmem:s23], [sflag:$0x5] =	stream.indirect.gather [hbm4b:s4+s15], $0x40, s18, s15, $0xb8;
	[tilespmem:$0x1B800] =	vst v63  }
0x2c: {  	_ = 	snop  }
0x2d: {  	[spmem:s7] =	stream.linear.scatter [tilespmem:s24], [sflag:$0x8], $0x2800, $0x38;
	[tilespmem:$0x1B800] =	vst v63  }
0x2e: {  	_ =	swait.ge [sflag:s25], $0x2800  }
0x2f: {  	[sflag:s25] =	ssyncset.done $0x0  }
0x30: {  	[sflag:s25] =	ssyncadd.s32 $0xFFFFD800  }
0x31: {  	[spmem:s8] =	stream.linear.scatter [tilespmem:s24], [sflag:$0x8], $0x2800, $0x38;
	[tilespmem:$0x1B800] =	vst v63  }
0x32: {  	_ =	swait.ge [sflag:s25], $0x2800  }
0x33: {  	[sflag:s25] =	ssyncset.done $0x0  }
0x34: {  	[sflag:s25] =	ssyncadd.s32 $0xFFFFD800  }
0x35: {  	[spmem:s9] =	stream.linear.scatter [tilespmem:s24], [sflag:$0x8], $0x2800, $0x38;
	[tilespmem:$0x1B800] =	vst v63  }
0x36: {  	_ =	swait.ge [sflag:s25], $0x2800  }
0x37: {  	[sflag:s25] =	ssyncset.done $0x0  }
0x38: {  	[sflag:s25] =	ssyncadd.s32 $0xFFFFD800  }
0x39: {  	[spmem:s10] =	stream.linear.scatter [tilespmem:s24], [sflag:$0x8], $0x2800, $0x38;
	[tilespmem:$0x1B800] =	vst v63  }
0x3a: {  	_ =	swait.ge [sflag:s25], $0x2800  }
0x3b: {  	[sflag:s25] =	ssyncset.done $0x0  }
0x3c: {  	[sflag:s25] =	ssyncadd.s32 $0xFFFFD800  }
0x3d: {  	_ =	swait.ge [sflag:s26], $0x2800  }
0x3e: {  	[sflag:s26] =	ssyncset.done $0x0  }
0x3f: {  	[sflag:s26] =	ssyncadd.s32 $0xFFFFD800  }
0x40: {  	[bflag:$0x0] =	sbarrier.arrive $0xFFFF  }
0x41: {  	_ =	swait.ge [sflag:s28], $0x2000  }
0x42: {  	[sflag:s28] =	ssyncset.done $0x0  }
0x43: {  	s20 =	simm.s32 $0x2800;
	[sflag:s28] =	ssyncadd.s32 $0xFFFFE000  }
0x44: {  	[spmem:s2] =	stream.indirect.scatter.add.f32 [tilespmem:s16], [sflag:$0x8], $0x40, s20, s15, $0xb8;
	[tilespmem:$0x1B800] =	vst v63  }
0x45: {  	_ =	swait.ge [sflag:s25], $0x2000  }
0x46: {  	[sflag:s25] =	ssyncset.done $0x0  }
0x47: {  	s18 =	simm.s32 $0x280;
	[sflag:s25] =	ssyncadd.s32 $0xFFFFE000  }
0x48: {  	[tilespmem:s16], [sflag:$0x1] =	stream.indirect.gather [hbm4b:s4+s15], $0x40, s18, s15, $0xb8;
	[tilespmem:$0x1B800] =	vst v63  }
0x49: {  	_ =	swait.ge [sflag:s29], $0x2000  }
0x4a: {  	[sflag:s29] =	ssyncset.done $0x0  }
0x4b: {  	s20 =	simm.s32 $0x2880;
	[sflag:s29] =	ssyncadd.s32 $0xFFFFE000  }
0x4c: {  	[spmem:s2] =	stream.indirect.scatter.add.f32 [tilespmem:s17], [sflag:$0x8], $0x40, s20, s15, $0xb8;
	[tilespmem:$0x1B800] =	vst v63  }
0x4d: {  	_ =	swait.ge [sflag:s25], $0x2000  }
0x4e: {  	[sflag:s25] =	ssyncset.done $0x0  }
0x4f: {  	s18 =	simm.s32 $0x300;
	[sflag:s25] =	ssyncadd.s32 $0xFFFFE000  }
0x50: {  	[tilespmem:s17], [sflag:$0x2] =	stream.indirect.gather [hbm4b:s4+s15], $0x40, s18, s15, $0xb8;
	[tilespmem:$0x1B800] =	vst v63  }
0x51: {  	_ =	swait.ge [sflag:s30], $0x2000  }
0x52: {  	[sflag:s30] =	ssyncset.done $0x0  }
0x53: {  	s20 =	simm.s32 $0x2900;
	[sflag:s30] =	ssyncadd.s32 $0xFFFFE000  }
0x54: {  	[spmem:s2] =	stream.indirect.scatter.add.f32 [tilespmem:s19], [sflag:$0x8], $0x40, s20, s15, $0xb8;
	[tilespmem:$0x1B800] =	vst v63  }
0x55: {  	_ =	swait.ge [sflag:s25], $0x2000  }
0x56: {  	[sflag:s25] =	ssyncset.done $0x0  }
0x57: {  	s18 =	simm.s32 $0x380;
	[sflag:s25] =	ssyncadd.s32 $0xFFFFE000  }
0x58: {  	[tilespmem:s19], [sflag:$0x3] =	stream.indirect.gather [hbm4b:s4+s15], $0x40, s18, s15, $0xb8;
	[tilespmem:$0x1B800] =	vst v63  }
0x59: {  	_ =	swait.ge [sflag:s31], $0x2000  }
0x5a: {  	[sflag:s31] =	ssyncset.done $0x0  }
0x5b: {  	s20 =	simm.s32 $0x2980;
	[sflag:s31] =	ssyncadd.s32 $0xFFFFE000  }
0x5c: {  	[spmem:s2] =	stream.indirect.scatter.add.f32 [tilespmem:s21], [sflag:$0x8], $0x40, s20, s15, $0xb8;
	[tilespmem:$0x1B800] =	vst v63  }
0x5d: {  	_ =	swait.ge [sflag:s25], $0x2000  }
0x5e: {  	[sflag:s25] =	ssyncset.done $0x0  }
0x5f: {  	s18 =	simm.s32 $0x400;
	[sflag:s25] =	ssyncadd.s32 $0xFFFFE000  }
0x60: {  	[tilespmem:s21], [sflag:$0x4] =	stream.indirect.gather [hbm4b:s4+s15], $0x40, s18, s15, $0xb8;
	[tilespmem:$0x1B800] =	vst v63  }
0x61: {  	_ =	swait.ge [sflag:s0], $0x2000  }
0x62: {  	[sflag:s0] =	ssyncset.done $0x0  }
0x63: {  	s20 =	simm.s32 $0x2A00;
	[sflag:s0] =	ssyncadd.s32 $0xFFFFE000  }
0x64: {  	[spmem:s2] =	stream.indirect.scatter.add.f32 [tilespmem:s23], [sflag:$0x8], $0x40, s20, s15, $0xb8;
	[tilespmem:$0x1B800] =	vst v63  }
0x65: {  	_ =	swait.ge [sflag:s25], $0x2000  }
0x66: {  	[sflag:s25] =	ssyncset.done $0x0  }
0x67: {  	s1 =	simm.s32 $0xA00;
	s18 =	simm.s32 $0x480;
	[sflag:s25] =	ssyncadd.s32 $0xFFFFE000  }
.LBB2_4:
0x68: {  	[tilespmem:s23], [sflag:$0x5] =	stream.indirect.gather [hbm4b:s4+s15], $0x40, s18, s15, $0xb8;
	[tilespmem:$0x1B800] =	vst v63  }
0x69: {  	s18 =	smov.u32 s1  }
0x6a: {  	p0 =	sne.s32 s1, $0x8C00;
	s1 =	sadd.s32 $0xA00, s1;
	_ =	swait.ge [sflag:s28], $0x2000  }
0x6b: {  	s18 =	sshra.s32 s18, $0x2;
	[sflag:s28] =	ssyncset.done $0x0  }
0x6c: {  	s20 =	sadd.s32 $0x2800, s18;
	[sflag:s28] =	ssyncadd.s32 $0xFFFFE000  }
0x6d: {  	[spmem:s2] =	stream.indirect.scatter.add.f32 [tilespmem:s16], [sflag:$0x8], $0x40, s20, s15, $0xb8;
	[tilespmem:$0x1B800] =	vst v63  }
0x6e: {  	_ =	swait.ge [sflag:s25], $0x2000  }
0x6f: {  	[sflag:s25] =	ssyncset.done $0x0  }
0x70: {  	s20 =	sadd.s32 $0x280, s18;
	[sflag:s25] =	ssyncadd.s32 $0xFFFFE000  }
0x71: {  	[tilespmem:s16], [sflag:$0x1] =	stream.indirect.gather [hbm4b:s4+s15], $0x40, s20, s15, $0xb8;
	[tilespmem:$0x1B800] =	vst v63  }
0x72: {  	_ =	swait.ge [sflag:s29], $0x2000  }
0x73: {  	[sflag:s29] =	ssyncset.done $0x0  }
0x74: {  	s20 =	sadd.s32 $0x2880, s18;
	[sflag:s29] =	ssyncadd.s32 $0xFFFFE000  }
0x75: {  	[spmem:s2] =	stream.indirect.scatter.add.f32 [tilespmem:s17], [sflag:$0x8], $0x40, s20, s15, $0xb8;
	[tilespmem:$0x1B800] =	vst v63  }
0x76: {  	_ =	swait.ge [sflag:s25], $0x2000  }
0x77: {  	[sflag:s25] =	ssyncset.done $0x0  }
0x78: {  	s20 =	sadd.s32 $0x300, s18;
	[sflag:s25] =	ssyncadd.s32 $0xFFFFE000  }
0x79: {  	[tilespmem:s17], [sflag:$0x2] =	stream.indirect.gather [hbm4b:s4+s15], $0x40, s20, s15, $0xb8;
	[tilespmem:$0x1B800] =	vst v63  }
0x7a: {  	_ =	swait.ge [sflag:s30], $0x2000  }
0x7b: {  	[sflag:s30] =	ssyncset.done $0x0  }
0x7c: {  	s20 =	sadd.s32 $0x2900, s18;
	[sflag:s30] =	ssyncadd.s32 $0xFFFFE000  }
0x7d: {  	[spmem:s2] =	stream.indirect.scatter.add.f32 [tilespmem:s19], [sflag:$0x8], $0x40, s20, s15, $0xb8;
	[tilespmem:$0x1B800] =	vst v63  }
0x7e: {  	_ =	swait.ge [sflag:s25], $0x2000  }
0x7f: {  	[sflag:s25] =	ssyncset.done $0x0  }
0x80: {  	s20 =	sadd.s32 $0x380, s18;
	[sflag:s25] =	ssyncadd.s32 $0xFFFFE000  }
0x81: {  	[tilespmem:s19], [sflag:$0x3] =	stream.indirect.gather [hbm4b:s4+s15], $0x40, s20, s15, $0xb8;
	[tilespmem:$0x1B800] =	vst v63  }
0x82: {  	_ =	swait.ge [sflag:s31], $0x2000  }
0x83: {  	[sflag:s31] =	ssyncset.done $0x0  }
0x84: {  	s20 =	sadd.s32 $0x2980, s18;
	[sflag:s31] =	ssyncadd.s32 $0xFFFFE000  }
0x85: {  	[spmem:s2] =	stream.indirect.scatter.add.f32 [tilespmem:s21], [sflag:$0x8], $0x40, s20, s15, $0xb8;
	[tilespmem:$0x1B800] =	vst v63  }
0x86: {  	_ =	swait.ge [sflag:s25], $0x2000  }
0x87: {  	[sflag:s25] =	ssyncset.done $0x0  }
0x88: {  	s20 =	sadd.s32 $0x400, s18;
	[sflag:s25] =	ssyncadd.s32 $0xFFFFE000  }
0x89: {  	[tilespmem:s21], [sflag:$0x4] =	stream.indirect.gather [hbm4b:s4+s15], $0x40, s20, s15, $0xb8;
	[tilespmem:$0x1B800] =	vst v63  }
0x8a: {  	_ =	swait.ge [sflag:s0], $0x2000  }
0x8b: {  	[sflag:s0] =	ssyncset.done $0x0  }
.Ltmp1:
0x8c: {  	s20 =	sadd.s32 $0x2A00, s18;
	[sflag:s0] =	ssyncadd.s32 $0xFFFFE000;
	(pc) =	sbr.rel @p0 .LBB2_4-.Ltmp1, $4  }
0x8d: {  	[spmem:s2] =	stream.indirect.scatter.add.f32 [tilespmem:s23], [sflag:$0x8], $0x40, s20, s15, $0xb8;
	[tilespmem:$0x1B800] =	vst v63  }
0x8e: {  	_ =	swait.ge [sflag:s25], $0x2000  }
0x8f: {  	[sflag:s25] =	ssyncset.done $0x0  }
0x90: {  	s18 =	sadd.s32 $0x480, s18;
	[sflag:s25] =	ssyncadd.s32 $0xFFFFE000  }
0x91: {  	[tilespmem:s23], [sflag:$0x5] =	stream.indirect.gather [hbm4b:s4+s15], $0x40, s18, s15, $0xb8;
	[tilespmem:$0x1B800] =	vst v63  }
0x92: {  	_ =	swait.ge [sflag:s28], $0x2000  }
0x93: {  	[sflag:s28] =	ssyncset.done $0x0  }
0x94: {  	s1 =	simm.s32 $0x4D80;
	[sflag:s28] =	ssyncadd.s32 $0xFFFFE000  }
0x95: {  	[spmem:s2] =	stream.indirect.scatter.add.f32 [tilespmem:s16], [sflag:$0x8], $0x40, s1, s15, $0xb8;
	[tilespmem:$0x1B800] =	vst v63  }
0x96: {  	_ =	swait.ge [sflag:s25], $0x2000  }
0x97: {  	[sflag:s25] =	ssyncset.done $0x0  }
0x98: {  	[sflag:s25] =	ssyncadd.s32 $0xFFFFE000  }
0x99: {  	_ =	swait.ge [sflag:s29], $0x2000  }
0x9a: {  	[sflag:s29] =	ssyncset.done $0x0  }
0x9b: {  	s20 =	simm.s32 $0x4E00;
	[sflag:s29] =	ssyncadd.s32 $0xFFFFE000  }
0x9c: {  	[spmem:s2] =	stream.indirect.scatter.add.f32 [tilespmem:s17], [sflag:$0x8], $0x40, s20, s15, $0xb8;
	[tilespmem:$0x1B800] =	vst v63  }
0x9d: {  	_ =	swait.ge [sflag:s25], $0x2000  }
0x9e: {  	[sflag:s25] =	ssyncset.done $0x0  }
0x9f: {  	[sflag:s25] =	ssyncadd.s32 $0xFFFFE000  }
0xa0: {  	_ =	swait.ge [sflag:s30], $0x2000  }
0xa1: {  	[sflag:s30] =	ssyncset.done $0x0  }
0xa2: {  	s18 =	simm.s32 $0x4E80;
	[sflag:s30] =	ssyncadd.s32 $0xFFFFE000  }
0xa3: {  	[spmem:s2] =	stream.indirect.scatter.add.f32 [tilespmem:s19], [sflag:$0x8], $0x40, s18, s15, $0xb8;
	[tilespmem:$0x1B800] =	vst v63  }
0xa4: {  	_ =	swait.ge [sflag:s25], $0x2000  }
0xa5: {  	[sflag:s25] =	ssyncset.done $0x0  }
0xa6: {  	[sflag:s25] =	ssyncadd.s32 $0xFFFFE000  }
0xa7: {  	_ =	swait.ge [sflag:s31], $0x2000  }
0xa8: {  	[sflag:s31] =	ssyncset.done $0x0  }
0xa9: {  	s20 =	simm.s32 $0x4F00;
	[sflag:s31] =	ssyncadd.s32 $0xFFFFE000  }
0xaa: {  	[spmem:s2] =	stream.indirect.scatter.add.f32 [tilespmem:s21], [sflag:$0x8], $0x40, s20, s15, $0xb8;
	[tilespmem:$0x1B800] =	vst v63  }
0xab: {  	_ =	swait.ge [sflag:s25], $0x2000  }
0xac: {  	[sflag:s25] =	ssyncset.done $0x0  }
0xad: {  	[sflag:s25] =	ssyncadd.s32 $0xFFFFE000  }
0xae: {  	_ =	swait.ge [sflag:s0], $0x2000  }
0xaf: {  	[sflag:s0] =	ssyncset.done $0x0  }
0xb0: {  	[sflag:s0] =	ssyncadd.s32 $0xFFFFE000  }
0xb1: {  	[spmem:s2] =	stream.indirect.scatter.add.f32 [tilespmem:s23], [sflag:$0x8], $0x40, s22, s15, $0xb8;
	[tilespmem:$0x1B800] =	vst v63  }
0xb2: {  	s18 =	stileid.u32;
	_ =	swait.ge [sflag:s25], $0x2000  }
0xb3: {  	s13 =	sadd.s32 $0x1, s13;
	s1 =	sshll.u32 s18, $0x6;
	[sflag:s25] =	ssyncset.done $0x0  }
0xb4: {  	p0 =	sne.s32 s13, s12;
	s1 =	sor.u32 $0x1C08, s1;
	[sflag:s25] =	ssyncadd.s32 $0xFFFFE000  }
.Ltmp2:
0xb5: {  	s20 =	sshrl.u32 s7, $0x3;
	[bflag:$0x0] =	sbarrier.arrive $0xFFFF;
	(pc) =	sbr.rel @p0 .LBB2_1-.Ltmp2, $4  }
0xb6: {  	[hbm:s11], [sflag:s1] =	dma.local [spmem:s20], $0x1400  }
0xb7: {  	_ =	swait.ge [sflag:s25], $0x1400  }
0xb8: {  	[sflag:s25] =	ssyncset.done $0x0  }
0xb9: {  	[sflag:s25] =	ssyncadd.s32 $0xFFFFEC00  }
0xba: {  	_ =	sfence.sel $0x180000  }
0xbb: {  	[bflag:$0x0] =	sbarrier.arrive $0xFFFF  }
0xbc: {  	_ =	strace $0x9000004A  }
0xbd: {  	s0 =	stileid.u32;
	[bflag:$0x2] =	sbarrier.arrive $0xFFFF  }
0xbe: {  	p0 =	sne.s32 s0, $0x0;
	s0 =	rddreg [dreg:$0x2]  }
0xbf: {  	s0 =	sadd.s32 @!p0 $0x100000, s0  }
0xc0: {  	[sflag:s0] =	ssyncadd.tile.s32 @!p0 $0x1;
	_ =	shalt  }
.Lfunc_end2:
_tile_overlayer_lowered:
.L_overlay_start_2:
0xc1: {  	(tag) =	ssettag $0x2  }
0xc2: {  	s0 =	rddreg [dreg:$0x0];
	s2 =	stileid.u32  }
0xc3: {  	s1 =	rddreg [dreg:$0x1];
	p0 =	sne.s32 s2, $0x0  }
0xc4: {  	s3 =	rddreg [dreg:$0x2];
	[bflag:$0x3] =	sbarrier.arrive $0xFFFF;
	s2 =	simm.s32 @!p0 $0x1C08  }
0xc5: {  	[timem:s3], [sflag:s2] =	dma.local @!p0 [hbm:s0], s1  }
0xc6: {  	s0 =	simm.s32 @!p0 $0x8  }
0xc7: {  	_ =	swait.ge @!p0 [sflag:s0], s1  }
0xc8: {  	s1 =	ssub.s32 @!p0 $0x0, s1;
	[sflag:s0] =	ssyncset.done @!p0 $0x0  }
0xc9: {  	[sflag:s0] =	ssyncadd.s32 @!p0 s1  }
0xca: {  	[bflag:$0x3] =	sbarrier.arrive $0xFFFF  }
0xcb: {  	_ =	shalt  }

// kernel: kernel.13.cloned.1.call-start
scs
__scs_entry_jumppad:
0x0: {  	(pc) =	sbr.rel $0x88, $3  }
0x1: {  	(tag) =	ssettag $0x0;
	lr =	simm.s32 $0x1  }
0x2: {  	[smem:$0x3F90] =	sst lr;
	_ =	strace $0xD0000000  }
0x3: {  	_ = 	snop  }
0x4: {  	_ = 	snop  }
0x5: {  	_ = 	snop  }
0x6: {  	_ = 	snop  }
0x7: {  	_ = 	snop  }
__scs_overlays_trampoline_lowered:
0x8: {  	[smem:$0x3F9F] =	sst s0  }
0x9: {  	[smem:$0x3FA0] =	sst s1  }
0xa: {  	[smem:$0x3FA1] =	sst s2  }
0xb: {  	[smem:$0x3FA2] =	sst s3  }
0xc: {  	[smem:$0x3FA3] =	sst s4  }
0xd: {  	[smem:$0x3FA4] =	sst s5  }
0xe: {  	[smem:$0x3FA5] =	sst s6  }
0xf: {  	[smem:$0x3FA6] =	sst s7  }
0x10: {  	[smem:$0x3FA7] =	sst s8  }
0x11: {  	[smem:$0x3FA8] =	sst s9;
	s0 =	simm.s32 @!p0 $0x0  }
0x12: {  	s1 =	sld [smem:$0x3F8E];
	s0 =	simm.s32 @p0 $0x1  }
0x13: {  	[smem:$0x3FA9] =	sst s0;
	s0 =	simm.s32 @!p1 $0x0  }
0x14: {  	s2 =	sld [smem:$0x3F8D];
	s0 =	simm.s32 @p1 $0x1  }
0x15: {  	[smem:$0x3FAA] =	sst s0;
	s0 =	simm.s32 @!p2 $0x0  }
0x16: {  	s3 =	sld [smem:$0x3FDB];
	s0 =	simm.s32 @p2 $0x1  }
0x17: {  	s4 =	simm.s32 $0x1BF5;
	[smem:$0x3FAC] =	sst s0  }
0x18: {  	s0 =	sld [smem:$0x3F8F];
	_ =	swait.ge [sflag:s4], $0x0  }
0x19: {  	s7 =	sld [smem:$0x3F90]  }
0x1a: {  	s8 =	sadd.s32 $0xFFFFE003, lr  }
0x1b: {  	s9 =	sadd.s32 $0xFFFFFEF7, lr;
	s5 =	simm.s32 $0xFFFFFFFF;
	p2 =	slt.u32 s8, $0xFFFFF086  }
0x1c: {  	p1 =	slt.u32 s9, $0xF7A;
	s5 =	simm.s32 @!p2 $0x0  }
0x1d: {  	s5 =	simm.s32 @p1 $0x1;
	p0 =	seq.s32 s7, s2  }
0x1e: {  	s7 =	smul.u32 @!p0 $0xF7A, s2;
	p2 =	seq.s32 @!p0 s5, $0x0  }
0x1f: {  	s9 =	smul.u32 $0xF7A, s1;
	s8 =	simm.s32 @!p0 $0x1BF5;
	p2 =	por !p2, p0  }
0x20: {  	[sflag:s8] =	ssyncset.s32 @!p0 $0xFFFFF086;
	s6 =	sadd.s32 @!p0 s3, s7;
	s7 =	simm.s32 @!p0 $0x108  }
0x21: {  	s3 =	sadd.s32 s3, s9;
	s6 =	sadd.s32 @!p0 $0x88, s6;
	s7 =	simm.s32 @p2 $0x1082  }
0x22: {  	[simem:s7], [sflag:s8] =	dma.local @!p0 [hbm:s6], $0xF7A  }
0x23: {  	s9 =	sor.u32 $0xD0000000, s2;
	s6 =	simm.s32 $0x108;
	_ =	swait.ge @!p0 [sflag:s8], $0x0  }
0x24: {  	s3 =	sadd.s32 $0x88, s3;
	s6 =	simm.s32 @!p1 $0x1082;
	[sflag:s4] =	ssyncset.s32 $0xFFFFF086  }
0x25: {  	[simem:s6], [sflag:s4] =	dma.local [hbm:s3], $0xF7A  }
0x26: {  	[smem:$0x3F90] =	sst s1;
	(tag) =	ssettag s2;
	_ =	strace s9  }
0x27: {  	s1 =	sld [smem:$0x3FA0]  }
0x28: {  	s2 =	sld [smem:$0x3FA1]  }
0x29: {  	s4 =	sld [smem:$0x3FA3]  }
0x2a: {  	p0 =	seq.s32 s5, $0x0;
	s5 =	sld [smem:$0x3FA4]  }
0x2b: {  	s6 =	sld [smem:$0x3FA5]  }
0x2c: {  	s7 =	sld [smem:$0x3FA6]  }
0x2d: {  	s3 =	simm.s32 $0x108;
	s8 =	sld [smem:$0x3FA7]  }
0x2e: {  	s3 =	simm.s32 @!p0 $0x1082;
	s9 =	sld [smem:$0x3FA8]  }
0x2f: {  	lr =	sadd.s32 s0, s3;
	s0 =	sld [smem:$0x3F9F]  }
0x30: {  	s3 =	sld [smem:$0x3FA2]  }
0x31: {  	[smem:$0x3FAB] =	sst s10  }
0x32: {  	s10 =	sld [smem:$0x3FA9];
	_ =	sdelay $0x3  }
0x33: {  	p0 =	seq.s32 s10, $0x1;
	s10 =	sld [smem:$0x3FAB];
	_ =	sdelay $0x3  }
0x34: {  	[smem:$0x3FAB] =	sst s10  }
0x35: {  	s10 =	sld [smem:$0x3FAA];
	_ =	sdelay $0x3  }
0x36: {  	p1 =	seq.s32 s10, $0x1;
	s10 =	sld [smem:$0x3FAB];
	_ =	sdelay $0x3  }
0x37: {  	[smem:$0x3FAB] =	sst s10  }
0x38: {  	s10 =	sld [smem:$0x3FAC]  }
0x39: {  	_ = 	snop;
	(pc) =	sbr.ind lr, $3  }
0x3a: {  	_ = 	snop  }
0x3b: {  	_ = 	snop  }
0x3c: {  	p2 =	seq.s32 s10, $0x1;
	s10 =	sld [smem:$0x3FAB]  }
0x3d: {  	_ =	shalt  }
0x3e: {  	_ =	shalt  }
0x3f: {  	_ =	shalt  }
0x40: {  	_ =	shalt  }
0x41: {  	_ =	shalt  }
0x42: {  	_ =	shalt  }
0x43: {  	_ =	shalt  }
0x44: {  	_ =	shalt  }
0x45: {  	_ =	shalt  }
0x46: {  	_ =	shalt  }
0x47: {  	_ =	shalt  }
0x48: {  	_ =	shalt  }
0x49: {  	_ =	shalt  }
0x4a: {  	_ =	shalt  }
0x4b: {  	_ =	shalt  }
0x4c: {  	_ =	shalt  }
0x4d: {  	_ =	shalt  }
0x4e: {  	_ =	shalt  }
0x4f: {  	_ =	shalt  }
0x50: {  	_ =	shalt  }
0x51: {  	_ =	shalt  }
0x52: {  	_ =	shalt  }
0x53: {  	_ =	shalt  }
0x54: {  	_ =	shalt  }
0x55: {  	_ =	shalt  }
0x56: {  	_ =	shalt  }
0x57: {  	_ =	shalt  }
0x58: {  	_ =	shalt  }
0x59: {  	_ =	shalt  }
0x5a: {  	_ =	shalt  }
0x5b: {  	_ =	shalt  }
0x5c: {  	_ =	shalt  }
0x5d: {  	_ =	shalt  }
0x5e: {  	_ =	shalt  }
0x5f: {  	_ =	shalt  }
0x60: {  	_ =	shalt  }
0x61: {  	_ =	shalt  }
0x62: {  	_ =	shalt  }
0x63: {  	_ =	shalt  }
0x64: {  	_ =	shalt  }
0x65: {  	_ =	shalt  }
0x66: {  	_ =	shalt  }
0x67: {  	_ =	shalt  }
0x68: {  	_ =	shalt  }
0x69: {  	_ =	shalt  }
0x6a: {  	_ =	shalt  }
0x6b: {  	_ =	shalt  }
0x6c: {  	_ =	shalt  }
0x6d: {  	_ =	shalt  }
0x6e: {  	_ =	shalt  }
0x6f: {  	_ =	shalt  }
0x70: {  	_ =	shalt  }
0x71: {  	_ =	shalt  }
0x72: {  	_ =	shalt  }
0x73: {  	_ =	shalt  }
0x74: {  	_ =	shalt  }
0x75: {  	_ =	shalt  }
0x76: {  	_ =	shalt  }
0x77: {  	_ =	shalt  }
0x78: {  	_ =	shalt  }
0x79: {  	_ =	shalt  }
0x7a: {  	_ =	shalt  }
0x7b: {  	_ =	shalt  }
0x7c: {  	_ =	shalt  }
0x7d: {  	_ =	shalt  }
0x7e: {  	_ =	shalt  }
0x7f: {  	_ =	shalt  }
0x80: {  	_ =	shalt  }
0x81: {  	_ =	shalt  }
0x82: {  	_ =	shalt  }
0x83: {  	_ =	shalt  }
0x84: {  	_ =	shalt  }
0x85: {  	_ =	shalt  }
0x86: {  	_ =	shalt  }
0x87: {  	_ =	shalt  }
.Lfunc_end0:
.L_simem_size_0:
called_computation.2_lowered:
.L_overlay_start_0:
0x88: {  	s2 =	sld [smem:$0x3FD9]  }
0x89: {  	s3 =	sld [smem:$0x3FFE];
	_ =	sdelay $0x1  }
0x8a: {  	s1 =	srdreg.scid  }
0x8b: {  	s0 =	sand.u32 $0x1, s1  }
0x8c: {  	s16 =	sshll.u32 s0, $0xA;
	s2 =	sadd.s32 s3, s2  }
0x8d: {  	s2 =	sadd.s32 s2, s16  }
0x8e: {  	[smem:$0x3FB7] =	sst s2  }
0x8f: {  	_ = 	snop  }
0x90: {  	(tm) =	ssettm $0x1  }
0x91: {  	s17 =	sld [smem:$0x3FFB];
	_ =	sdelay $0x3  }
0x92: {  	_ =	strace s17  }
0x93: {  	s2 =	sld [smem:$0x3FFC];
	_ =	sdelay $0x3  }
0x94: {  	_ =	strace s2  }
0x95: {  	s2 =	sld [smem:$0x3FFD];
	_ =	sdelay $0x3  }
0x96: {  	_ =	strace s2  }
0x97: {  	_ =	strace $0x8FFFFFFF  }
0x98: {  	s18 =	sld [smem:$0x3FDB];
	_ =	sdelay $0x1  }
0x99: {  	s19 =	simm.s32 $_scs_section_size  }
0x9a: {  	s4 =	simm.s32 $_size__tile_overlayer_lowered;
	s5 =	simm.s32 $_tile_overlayer_lowered  }
0x9b: {  	s22 =	simm.s32 $0x1BFF;
	s21 =	sshll.u32 s5, $0x1;
	s2 =	sadd.s32 s19, s18  }
0x9c: {  	s6 =	simm.s32 $0x0;
	s20 =	sshll.u32 s4, $0x1;
	s4 =	sadd.s32 s21, s2  }
0x9d: {  	[timem:s6], [sflag:s22] =	dma.local [hbm:s4], s20  }
0x9e: {  	_ =	swait.ge [sflag:s22], s20  }
0x9f: {  	s3 =	ssub.s32 $0x0, s20;
	[sflag:s22] =	ssyncset.done $0x0  }
0xa0: {  	[sflag:s22] =	ssyncadd.s32 s3;
	_ =	sdelay $0x1  }
0xa1: {  	s23 =	simm.s32 $0x1B8B  }
0xa2: {  	_ =	swait.ge [sflag:s23], $0x1  }
0xa3: {  	[sflag:s23] =	ssyncset.done $0x0  }
0xa4: {  	s25 =	simm.s32 $0x1B8E;
	s24 =	sld [smem:$0x3FFE];
	[sflag:s23] =	ssyncadd.s32 $0xFFFFFFFF  }
0xa5: {  	s26 =	simm.s32 $execute0_lowered;
	[smem:$0x3FD2] =	sst s25  }
0xa6: {  	s4 =	sshll.u32 s26, $0x1;
	_ =	strace $0x8000004C;
	[dreg:$0x1] =	wrdreg $0xFFFFFFFF  }
0xa7: {  	s28 =	simm.s32 $_size_execute0_lowered;
	s2 =	sadd.s32 s2, s4;
	[dreg:$0x0] =	wrdreg $0x0  }
0xa8: {  	s4 =	sshll.u32 s28, $0x1;
	[dreg:$0x2] =	wrdreg s2  }
0xa9: {  	[dreg:$0x3] =	wrdreg s4  }
0xaa: {  	[dreg:$0x4] =	wrdreg $0xC0  }
0xab: {  	_ =	task [dreg:s6], $0x5FFFF  }
0xac: {  	[dreg:$0x1] =	wrdreg $0xFFFFFFFF  }
0xad: {  	[dreg:$0x0] =	wrdreg $0x60  }
0xae: {  	[dreg:$0x2] =	wrdreg s24  }
0xaf: {  	[dreg:$0x3] =	wrdreg $0x118000  }
0xb0: {  	[dreg:$0x4] =	wrdreg $0x9  }
0xb1: {  	_ =	task.clear_ibuf [dreg:s6], $0x5FFFF;
	_ =	strace $0x9000004C  }
0xb2: {  	s29 =	simm.s32 $0x9;
	_ =	strace $0x8000004E  }
0xb3: {  	_ =	swait.ge [sflag:s29], $0x1  }
0xb4: {  	[sflag:s29] =	ssyncadd.s32 $0xFFFFFFFF  }
0xb5: {  	_ =	strace $0x9000004E  }
0xb6: {  	_ =	sfence  }
0xb7: {  	s30 =	sld [smem:$0x0];
	_ =	sdelay $0x2  }
0xb8: {  	s31 =	sshll.u32 s1, $0xD;
	s1 =	sshrl.u32 s1, $0x2  }
0xb9: {  	s3 =	sand.u32 $0x4000, s31;
	s1 =	sadd.s32 s1, s30  }
0xba: {  	s0 =	sor.u32 s3, s0;
	s1 =	sshll.u32 s1, $0x11  }
0xbb: {  	s0 =	sor.u32 s1, s0  }
0xbc: {  	s0 =	sadd.s32 $0x8F2B, s0  }
0xbd: {  	[sflag:s0] =	ssyncadd.remote.s32 $0x1  }
0xbe: {  	_ =	sfence.sel $0xFFFF  }
0xbf: {  	[dreg:$0x0] =	wrdreg $0xFFFFFFFF;
	(pc) =	sbr.abs _section_cstart, $3  }
0xc0: {  	[dreg:$0x1] =	wrdreg $0xFFFFFFFF  }
0xc1: {  	_ =	task.clear_ibuf [dreg:s6], $0x2FFFF;
	_ =	strace $0x9FFFFFFF  }
0xc2: {  	(tm) =	ssettm $0x7FFFFFFF  }
0xc3: {  	_ =	shalt  }
tec
execute0_lowered:
.L_overlay_start_1:
0x0: {  	(tag) =	ssettag $0x1  }
0x1: {  	s0 =	rddreg [dreg:$0x0]  }
0x2: {  	s2 =	rddreg [dreg:$0x1]  }
0x3: {  	s1 =	srdreg.scid;
	s8 =	stileid.u32  }
0x4: {  	s3 =	simm.s32 $0x0;
	s14 =	simm.s32 $0x6;
	s15 =	simm.s32 $0x80  }
0x5: {  	s16 =	simm.s32 $0x5000;
	s17 =	simm.s32 $0x7000;
	s19 =	simm.s32 $0x9000  }
0x6: {  	s21 =	simm.s32 $0xB000;
	s23 =	simm.s32 $0xD000;
	s24 =	simm.s32 $0xF000  }
0x7: {  	s25 =	simm.s32 $0x8;
	s28 =	simm.s32 $0x1;
	s29 =	simm.s32 $0x2  }
0x8: {  	s30 =	simm.s32 $0x3;
	s31 =	simm.s32 $0x4;
	s22 =	simm.s32 $0x4F80  }
0x9: {  	s13 =	simm.s32 $0x0;
	s1 =	sand.u32 $0x1, s1;
	s7 =	smul.u32 $0xA000, s8  }
0xa: {  	[smem:$0x7FF] =	sst s3;
	s4 =	sshll.u32 s1, $0x4;
	s5 =	smul.u32 $0xA0000, s1  }
0xb: {  	_ =	strace $0x8000004D;
	s1 =	ssub.s32 $0x2, s1;
	s6 =	sor.u32 s8, s4  }
0xc: {  	s4 =	sadd.s32 $0x2600, s0;
	s8 =	smul.u32 $0x28000, s8;
	s26 =	sshrl.u32 s1, $0x1  }
0xd: {  	s6 =	smul.u32 $0x500, s6;
	s5 =	sadd.s32 s7, s5;
	s1 =	ssub.s32 s1, s26  }
0xe: {  	s7 =	sadd.s32 s7, s2;
	s26 =	simm.s32 $0x7;
	s5 =	sshrl.u32 s5, $0x3  }
0xf: {  	s8 =	sshrl.u32 s8, $0x2;
	s12 =	smax.u32 s1, $0x1;
	s6 =	sadd.s32 s6, s0  }
0x10: {  	s0 =	sadd.s32 s5, s0;
	s10 =	sadd.s32 s8, s2;
	s5 =	sadd.s32 $0x20600, s6  }
0x11: {  	s6 =	sadd.s32 $0x16600, s6;
	s8 =	sadd.s32 $0x2800, s10;
	s9 =	sadd.s32 $0x5000, s10  }
0x12: {  	v0 =	vimm.f32 $0.0e+00;
	s10 =	sadd.s32 $0x7800, s10;
	s11 =	sadd.s32 $0x2A600, s0;
	s0 =	simm.s32 $0x5  }
.LBB2_1:
0x13: {  	[tilespmem:s3], [sflag:$0x6] =	stream.linear.gather [hbm4b:s5+s3], $0x2800, $0x38;
	[tilespmem:$0x1B800] =	vst v63  }
0x14: {  	s1 =	simm.s32 $0x2800  }
0x15: {  	[tilespmem:s1], [sflag:$0x7] =	stream.linear.gather [hbm4b:s6+s3], $0x2800, $0x38;
	[tilespmem:$0x1B800] =	vst v63  }
0x16: {  	s18 =	simm.s32 $0x100;
	s1 =	simm.s32 $0x0  }
.LBB2_2:
0x17: {  	p0 =	sne.s32 s18, $0x9F00;
	[tilespmem:s1+$0xF030] =	vst v0;
	s20 =	smov.u32 s18;
	s18 =	sadd.s32 $0x100, s18  }
.Ltmp0:
0x18: {  	[tilespmem:s1+$0xF020] =	vst v0;
	(pc) =	sbr.rel @p0 .LBB2_2-.Ltmp0, $3  }
0x19: {  	[tilespmem:s1+$0xF000] =	vst v0  }
0x1a: {  	[tilespmem:s1+$0xF010] =	vst v0;
	_ =	sdelay $0x1  }
0x1b: {  	s1 =	sshra.s32 s20, $0x2  }
0x1c: {  	[tilespmem:s1+$0xF030] =	vst v0  }
0x1d: {  	[tilespmem:s1+$0xF020] =	vst v0  }
0x1e: {  	[tilespmem:s1+$0xF000] =	vst v0  }
0x1f: {  	[tilespmem:s1+$0xF010] =	vst v0  }
0x20: {  	_ =	swait.ge [sflag:s14], $0x2800  }
0x21: {  	[sflag:s14] =	ssyncset.done $0x0  }
0x22: {  	s20 =	simm.s32 $0x0;
	[sflag:s14] =	ssyncadd.s32 $0xFFFFD800  }
0x23: {  	[tilespmem:s16], [sflag:$0x1] =	stream.indirect.gather [hbm4b:s4+s15], $0x40, s20, s15, $0xb8;
	[tilespmem:$0x1B800] =	vst v63  }
0x24: {  	_ = 	snop  }
0x25: {  	[tilespmem:s17], [sflag:$0x2] =	stream.indirect.gather [hbm4b:s4+s15], $0x40, s15, s15, $0xb8;
	[tilespmem:$0x1B800] =	vst v63  }
0x26: {  	s18 =	simm.s32 $0x100  }
0x27: {  	[tilespmem:s19], [sflag:$0x3] =	stream.indirect.gather [hbm4b:s4+s15], $0x40, s18, s15, $0xb8;
	[tilespmem:$0x1B800] =	vst v63  }
0x28: {  	s20 =	simm.s32 $0x180  }
0x29: {  	[tilespmem:s21], [sflag:$0x4] =	stream.indirect.gather [hbm4b:s4+s15], $0x40, s20, s15, $0xb8;
	[tilespmem:$0x1B800] =	vst v63  }
0x2a: {  	s18 =	simm.s32 $0x200  }
0x2b: {  	[tilespmem:s23], [sflag:$0x5] =	stream.indirect.gather [hbm4b:s4+s15], $0x40, s18, s15, $0xb8;
	[tilespmem:$0x1B800] =	vst v63  }
0x2c: {  	_ = 	snop  }
0x2d: {  	[spmem:s7] =	stream.linear.scatter [tilespmem:s24], [sflag:$0x8], $0x2800, $0x38;
	[tilespmem:$0x1B800] =	vst v63  }
0x2e: {  	_ =	swait.ge [sflag:s25], $0x2800  }
0x2f: {  	[sflag:s25] =	ssyncset.done $0x0  }
0x30: {  	[sflag:s25] =	ssyncadd.s32 $0xFFFFD800  }
0x31: {  	[spmem:s8] =	stream.linear.scatter [tilespmem:s24], [sflag:$0x8], $0x2800, $0x38;
	[tilespmem:$0x1B800] =	vst v63  }
0x32: {  	_ =	swait.ge [sflag:s25], $0x2800  }
0x33: {  	[sflag:s25] =	ssyncset.done $0x0  }
0x34: {  	[sflag:s25] =	ssyncadd.s32 $0xFFFFD800  }
0x35: {  	[spmem:s9] =	stream.linear.scatter [tilespmem:s24], [sflag:$0x8], $0x2800, $0x38;
	[tilespmem:$0x1B800] =	vst v63  }
0x36: {  	_ =	swait.ge [sflag:s25], $0x2800  }
0x37: {  	[sflag:s25] =	ssyncset.done $0x0  }
0x38: {  	[sflag:s25] =	ssyncadd.s32 $0xFFFFD800  }
0x39: {  	[spmem:s10] =	stream.linear.scatter [tilespmem:s24], [sflag:$0x8], $0x2800, $0x38;
	[tilespmem:$0x1B800] =	vst v63  }
0x3a: {  	_ =	swait.ge [sflag:s25], $0x2800  }
0x3b: {  	[sflag:s25] =	ssyncset.done $0x0  }
0x3c: {  	[sflag:s25] =	ssyncadd.s32 $0xFFFFD800  }
0x3d: {  	_ =	swait.ge [sflag:s26], $0x2800  }
0x3e: {  	[sflag:s26] =	ssyncset.done $0x0  }
0x3f: {  	[sflag:s26] =	ssyncadd.s32 $0xFFFFD800  }
0x40: {  	[bflag:$0x0] =	sbarrier.arrive $0xFFFF  }
0x41: {  	_ =	swait.ge [sflag:s28], $0x2000  }
0x42: {  	[sflag:s28] =	ssyncset.done $0x0  }
0x43: {  	s20 =	simm.s32 $0x2800;
	[sflag:s28] =	ssyncadd.s32 $0xFFFFE000  }
0x44: {  	[spmem:s2] =	stream.indirect.scatter.add.f32 [tilespmem:s16], [sflag:$0x8], $0x40, s20, s15, $0xb8;
	[tilespmem:$0x1B800] =	vst v63  }
0x45: {  	_ =	swait.ge [sflag:s25], $0x2000  }
0x46: {  	[sflag:s25] =	ssyncset.done $0x0  }
0x47: {  	s18 =	simm.s32 $0x280;
	[sflag:s25] =	ssyncadd.s32 $0xFFFFE000  }
0x48: {  	[tilespmem:s16], [sflag:$0x1] =	stream.indirect.gather [hbm4b:s4+s15], $0x40, s18, s15, $0xb8;
	[tilespmem:$0x1B800] =	vst v63  }
0x49: {  	_ =	swait.ge [sflag:s29], $0x2000  }
0x4a: {  	[sflag:s29] =	ssyncset.done $0x0  }
0x4b: {  	s20 =	simm.s32 $0x2880;
	[sflag:s29] =	ssyncadd.s32 $0xFFFFE000  }
0x4c: {  	[spmem:s2] =	stream.indirect.scatter.add.f32 [tilespmem:s17], [sflag:$0x8], $0x40, s20, s15, $0xb8;
	[tilespmem:$0x1B800] =	vst v63  }
0x4d: {  	_ =	swait.ge [sflag:s25], $0x2000  }
0x4e: {  	[sflag:s25] =	ssyncset.done $0x0  }
0x4f: {  	s18 =	simm.s32 $0x300;
	[sflag:s25] =	ssyncadd.s32 $0xFFFFE000  }
0x50: {  	[tilespmem:s17], [sflag:$0x2] =	stream.indirect.gather [hbm4b:s4+s15], $0x40, s18, s15, $0xb8;
	[tilespmem:$0x1B800] =	vst v63  }
0x51: {  	_ =	swait.ge [sflag:s30], $0x2000  }
0x52: {  	[sflag:s30] =	ssyncset.done $0x0  }
0x53: {  	s20 =	simm.s32 $0x2900;
	[sflag:s30] =	ssyncadd.s32 $0xFFFFE000  }
0x54: {  	[spmem:s2] =	stream.indirect.scatter.add.f32 [tilespmem:s19], [sflag:$0x8], $0x40, s20, s15, $0xb8;
	[tilespmem:$0x1B800] =	vst v63  }
0x55: {  	_ =	swait.ge [sflag:s25], $0x2000  }
0x56: {  	[sflag:s25] =	ssyncset.done $0x0  }
0x57: {  	s18 =	simm.s32 $0x380;
	[sflag:s25] =	ssyncadd.s32 $0xFFFFE000  }
0x58: {  	[tilespmem:s19], [sflag:$0x3] =	stream.indirect.gather [hbm4b:s4+s15], $0x40, s18, s15, $0xb8;
	[tilespmem:$0x1B800] =	vst v63  }
0x59: {  	_ =	swait.ge [sflag:s31], $0x2000  }
0x5a: {  	[sflag:s31] =	ssyncset.done $0x0  }
0x5b: {  	s20 =	simm.s32 $0x2980;
	[sflag:s31] =	ssyncadd.s32 $0xFFFFE000  }
0x5c: {  	[spmem:s2] =	stream.indirect.scatter.add.f32 [tilespmem:s21], [sflag:$0x8], $0x40, s20, s15, $0xb8;
	[tilespmem:$0x1B800] =	vst v63  }
0x5d: {  	_ =	swait.ge [sflag:s25], $0x2000  }
0x5e: {  	[sflag:s25] =	ssyncset.done $0x0  }
0x5f: {  	s18 =	simm.s32 $0x400;
	[sflag:s25] =	ssyncadd.s32 $0xFFFFE000  }
0x60: {  	[tilespmem:s21], [sflag:$0x4] =	stream.indirect.gather [hbm4b:s4+s15], $0x40, s18, s15, $0xb8;
	[tilespmem:$0x1B800] =	vst v63  }
0x61: {  	_ =	swait.ge [sflag:s0], $0x2000  }
0x62: {  	[sflag:s0] =	ssyncset.done $0x0  }
0x63: {  	s20 =	simm.s32 $0x2A00;
	[sflag:s0] =	ssyncadd.s32 $0xFFFFE000  }
0x64: {  	[spmem:s2] =	stream.indirect.scatter.add.f32 [tilespmem:s23], [sflag:$0x8], $0x40, s20, s15, $0xb8;
	[tilespmem:$0x1B800] =	vst v63  }
0x65: {  	_ =	swait.ge [sflag:s25], $0x2000  }
0x66: {  	[sflag:s25] =	ssyncset.done $0x0  }
0x67: {  	s1 =	simm.s32 $0xA00;
	s18 =	simm.s32 $0x480;
	[sflag:s25] =	ssyncadd.s32 $0xFFFFE000  }
.LBB2_4:
0x68: {  	[tilespmem:s23], [sflag:$0x5] =	stream.indirect.gather [hbm4b:s4+s15], $0x40, s18, s15, $0xb8;
	[tilespmem:$0x1B800] =	vst v63  }
0x69: {  	s18 =	smov.u32 s1  }
0x6a: {  	p0 =	sne.s32 s1, $0x8C00;
	s1 =	sadd.s32 $0xA00, s1;
	_ =	swait.ge [sflag:s28], $0x2000  }
0x6b: {  	s18 =	sshra.s32 s18, $0x2;
	[sflag:s28] =	ssyncset.done $0x0  }
0x6c: {  	s20 =	sadd.s32 $0x2800, s18;
	[sflag:s28] =	ssyncadd.s32 $0xFFFFE000  }
0x6d: {  	[spmem:s2] =	stream.indirect.scatter.add.f32 [tilespmem:s16], [sflag:$0x8], $0x40, s20, s15, $0xb8;
	[tilespmem:$0x1B800] =	vst v63  }
0x6e: {  	_ =	swait.ge [sflag:s25], $0x2000  }
0x6f: {  	[sflag:s25] =	ssyncset.done $0x0  }
0x70: {  	s20 =	sadd.s32 $0x280, s18;
	[sflag:s25] =	ssyncadd.s32 $0xFFFFE000  }
0x71: {  	[tilespmem:s16], [sflag:$0x1] =	stream.indirect.gather [hbm4b:s4+s15], $0x40, s20, s15, $0xb8;
	[tilespmem:$0x1B800] =	vst v63  }
0x72: {  	_ =	swait.ge [sflag:s29], $0x2000  }
0x73: {  	[sflag:s29] =	ssyncset.done $0x0  }
0x74: {  	s20 =	sadd.s32 $0x2880, s18;
	[sflag:s29] =	ssyncadd.s32 $0xFFFFE000  }
0x75: {  	[spmem:s2] =	stream.indirect.scatter.add.f32 [tilespmem:s17], [sflag:$0x8], $0x40, s20, s15, $0xb8;
	[tilespmem:$0x1B800] =	vst v63  }
0x76: {  	_ =	swait.ge [sflag:s25], $0x2000  }
0x77: {  	[sflag:s25] =	ssyncset.done $0x0  }
0x78: {  	s20 =	sadd.s32 $0x300, s18;
	[sflag:s25] =	ssyncadd.s32 $0xFFFFE000  }
0x79: {  	[tilespmem:s17], [sflag:$0x2] =	stream.indirect.gather [hbm4b:s4+s15], $0x40, s20, s15, $0xb8;
	[tilespmem:$0x1B800] =	vst v63  }
0x7a: {  	_ =	swait.ge [sflag:s30], $0x2000  }
0x7b: {  	[sflag:s30] =	ssyncset.done $0x0  }
0x7c: {  	s20 =	sadd.s32 $0x2900, s18;
	[sflag:s30] =	ssyncadd.s32 $0xFFFFE000  }
0x7d: {  	[spmem:s2] =	stream.indirect.scatter.add.f32 [tilespmem:s19], [sflag:$0x8], $0x40, s20, s15, $0xb8;
	[tilespmem:$0x1B800] =	vst v63  }
0x7e: {  	_ =	swait.ge [sflag:s25], $0x2000  }
0x7f: {  	[sflag:s25] =	ssyncset.done $0x0  }
0x80: {  	s20 =	sadd.s32 $0x380, s18;
	[sflag:s25] =	ssyncadd.s32 $0xFFFFE000  }
0x81: {  	[tilespmem:s19], [sflag:$0x3] =	stream.indirect.gather [hbm4b:s4+s15], $0x40, s20, s15, $0xb8;
	[tilespmem:$0x1B800] =	vst v63  }
0x82: {  	_ =	swait.ge [sflag:s31], $0x2000  }
0x83: {  	[sflag:s31] =	ssyncset.done $0x0  }
0x84: {  	s20 =	sadd.s32 $0x2980, s18;
	[sflag:s31] =	ssyncadd.s32 $0xFFFFE000  }
0x85: {  	[spmem:s2] =	stream.indirect.scatter.add.f32 [tilespmem:s21], [sflag:$0x8], $0x40, s20, s15, $0xb8;
	[tilespmem:$0x1B800] =	vst v63  }
0x86: {  	_ =	swait.ge [sflag:s25], $0x2000  }
0x87: {  	[sflag:s25] =	ssyncset.done $0x0  }
0x88: {  	s20 =	sadd.s32 $0x400, s18;
	[sflag:s25] =	ssyncadd.s32 $0xFFFFE000  }
0x89: {  	[tilespmem:s21], [sflag:$0x4] =	stream.indirect.gather [hbm4b:s4+s15], $0x40, s20, s15, $0xb8;
	[tilespmem:$0x1B800] =	vst v63  }
0x8a: {  	_ =	swait.ge [sflag:s0], $0x2000  }
0x8b: {  	[sflag:s0] =	ssyncset.done $0x0  }
.Ltmp1:
0x8c: {  	s20 =	sadd.s32 $0x2A00, s18;
	[sflag:s0] =	ssyncadd.s32 $0xFFFFE000;
	(pc) =	sbr.rel @p0 .LBB2_4-.Ltmp1, $4  }
0x8d: {  	[spmem:s2] =	stream.indirect.scatter.add.f32 [tilespmem:s23], [sflag:$0x8], $0x40, s20, s15, $0xb8;
	[tilespmem:$0x1B800] =	vst v63  }
0x8e: {  	_ =	swait.ge [sflag:s25], $0x2000  }
0x8f: {  	[sflag:s25] =	ssyncset.done $0x0  }
0x90: {  	s18 =	sadd.s32 $0x480, s18;
	[sflag:s25] =	ssyncadd.s32 $0xFFFFE000  }
0x91: {  	[tilespmem:s23], [sflag:$0x5] =	stream.indirect.gather [hbm4b:s4+s15], $0x40, s18, s15, $0xb8;
	[tilespmem:$0x1B800] =	vst v63  }
0x92: {  	_ =	swait.ge [sflag:s28], $0x2000  }
0x93: {  	[sflag:s28] =	ssyncset.done $0x0  }
0x94: {  	s1 =	simm.s32 $0x4D80;
	[sflag:s28] =	ssyncadd.s32 $0xFFFFE000  }
0x95: {  	[spmem:s2] =	stream.indirect.scatter.add.f32 [tilespmem:s16], [sflag:$0x8], $0x40, s1, s15, $0xb8;
	[tilespmem:$0x1B800] =	vst v63  }
0x96: {  	_ =	swait.ge [sflag:s25], $0x2000  }
0x97: {  	[sflag:s25] =	ssyncset.done $0x0  }
0x98: {  	[sflag:s25] =	ssyncadd.s32 $0xFFFFE000  }
0x99: {  	_ =	swait.ge [sflag:s29], $0x2000  }
0x9a: {  	[sflag:s29] =	ssyncset.done $0x0  }
0x9b: {  	s20 =	simm.s32 $0x4E00;
	[sflag:s29] =	ssyncadd.s32 $0xFFFFE000  }
0x9c: {  	[spmem:s2] =	stream.indirect.scatter.add.f32 [tilespmem:s17], [sflag:$0x8], $0x40, s20, s15, $0xb8;
	[tilespmem:$0x1B800] =	vst v63  }
0x9d: {  	_ =	swait.ge [sflag:s25], $0x2000  }
0x9e: {  	[sflag:s25] =	ssyncset.done $0x0  }
0x9f: {  	[sflag:s25] =	ssyncadd.s32 $0xFFFFE000  }
0xa0: {  	_ =	swait.ge [sflag:s30], $0x2000  }
0xa1: {  	[sflag:s30] =	ssyncset.done $0x0  }
0xa2: {  	s18 =	simm.s32 $0x4E80;
	[sflag:s30] =	ssyncadd.s32 $0xFFFFE000  }
0xa3: {  	[spmem:s2] =	stream.indirect.scatter.add.f32 [tilespmem:s19], [sflag:$0x8], $0x40, s18, s15, $0xb8;
	[tilespmem:$0x1B800] =	vst v63  }
0xa4: {  	_ =	swait.ge [sflag:s25], $0x2000  }
0xa5: {  	[sflag:s25] =	ssyncset.done $0x0  }
0xa6: {  	[sflag:s25] =	ssyncadd.s32 $0xFFFFE000  }
0xa7: {  	_ =	swait.ge [sflag:s31], $0x2000  }
0xa8: {  	[sflag:s31] =	ssyncset.done $0x0  }
0xa9: {  	s20 =	simm.s32 $0x4F00;
	[sflag:s31] =	ssyncadd.s32 $0xFFFFE000  }
0xaa: {  	[spmem:s2] =	stream.indirect.scatter.add.f32 [tilespmem:s21], [sflag:$0x8], $0x40, s20, s15, $0xb8;
	[tilespmem:$0x1B800] =	vst v63  }
0xab: {  	_ =	swait.ge [sflag:s25], $0x2000  }
0xac: {  	[sflag:s25] =	ssyncset.done $0x0  }
0xad: {  	[sflag:s25] =	ssyncadd.s32 $0xFFFFE000  }
0xae: {  	_ =	swait.ge [sflag:s0], $0x2000  }
0xaf: {  	[sflag:s0] =	ssyncset.done $0x0  }
0xb0: {  	[sflag:s0] =	ssyncadd.s32 $0xFFFFE000  }
0xb1: {  	[spmem:s2] =	stream.indirect.scatter.add.f32 [tilespmem:s23], [sflag:$0x8], $0x40, s22, s15, $0xb8;
	[tilespmem:$0x1B800] =	vst v63  }
0xb2: {  	s18 =	stileid.u32;
	_ =	swait.ge [sflag:s25], $0x2000  }
0xb3: {  	s13 =	sadd.s32 $0x1, s13;
	s1 =	sshll.u32 s18, $0x6;
	[sflag:s25] =	ssyncset.done $0x0  }
0xb4: {  	p0 =	sne.s32 s13, s12;
	s1 =	sor.u32 $0x1C08, s1;
	[sflag:s25] =	ssyncadd.s32 $0xFFFFE000  }
.Ltmp2:
0xb5: {  	s20 =	sshrl.u32 s7, $0x3;
	[bflag:$0x0] =	sbarrier.arrive $0xFFFF;
	(pc) =	sbr.rel @p0 .LBB2_1-.Ltmp2, $4  }
0xb6: {  	[hbm:s11], [sflag:s1] =	dma.local [spmem:s20], $0x1400  }
0xb7: {  	_ =	swait.ge [sflag:s25], $0x1400  }
0xb8: {  	[sflag:s25] =	ssyncset.done $0x0  }
0xb9: {  	[sflag:s25] =	ssyncadd.s32 $0xFFFFEC00  }
0xba: {  	_ =	sfence.sel $0x180000  }
0xbb: {  	[bflag:$0x0] =	sbarrier.arrive $0xFFFF  }
0xbc: {  	_ =	strace $0x9000004D  }
0xbd: {  	s0 =	stileid.u32;
	[bflag:$0x2] =	sbarrier.arrive $0xFFFF  }
0xbe: {  	p0 =	sne.s32 s0, $0x0;
	s0 =	rddreg [dreg:$0x2]  }
0xbf: {  	s0 =	sadd.s32 @!p0 $0x100000, s0  }
0xc0: {  	[sflag:s0] =	ssyncadd.tile.s32 @!p0 $0x1;
	_ =	shalt  }
.Lfunc_end2:
_tile_overlayer_lowered:
.L_overlay_start_2:
0xc1: {  	(tag) =	ssettag $0x2  }
0xc2: {  	s0 =	rddreg [dreg:$0x0];
	s2 =	stileid.u32  }
0xc3: {  	s1 =	rddreg [dreg:$0x1];
	p0 =	sne.s32 s2, $0x0  }
0xc4: {  	s3 =	rddreg [dreg:$0x2];
	[bflag:$0x3] =	sbarrier.arrive $0xFFFF;
	s2 =	simm.s32 @!p0 $0x1C08  }
0xc5: {  	[timem:s3], [sflag:s2] =	dma.local @!p0 [hbm:s0], s1  }
0xc6: {  	s0 =	simm.s32 @!p0 $0x8  }
0xc7: {  	_ =	swait.ge @!p0 [sflag:s0], s1  }
0xc8: {  	s1 =	ssub.s32 @!p0 $0x0, s1;
	[sflag:s0] =	ssyncset.done @!p0 $0x0  }
0xc9: {  	[sflag:s0] =	ssyncadd.s32 @!p0 s1  }
0xca: {  	[bflag:$0x3] =	sbarrier.arrive $0xFFFF  }
0xcb: {  	_ =	shalt  }

// kernel: kernel.7.cloned.1.call-start
scs
__scs_entry_jumppad:
0x0: {  	(pc) =	sbr.rel $0x88, $3  }
0x1: {  	(tag) =	ssettag $0x0;
	lr =	simm.s32 $0x1  }
0x2: {  	[smem:$0x3F90] =	sst lr;
	_ =	strace $0xD0000000  }
0x3: {  	_ = 	snop  }
0x4: {  	_ = 	snop  }
0x5: {  	_ = 	snop  }
0x6: {  	_ = 	snop  }
0x7: {  	_ = 	snop  }
__scs_overlays_trampoline_lowered:
0x8: {  	[smem:$0x3F9F] =	sst s0  }
0x9: {  	[smem:$0x3FA0] =	sst s1  }
0xa: {  	[smem:$0x3FA1] =	sst s2  }
0xb: {  	[smem:$0x3FA2] =	sst s3  }
0xc: {  	[smem:$0x3FA3] =	sst s4  }
0xd: {  	[smem:$0x3FA4] =	sst s5  }
0xe: {  	[smem:$0x3FA5] =	sst s6  }
0xf: {  	[smem:$0x3FA6] =	sst s7  }
0x10: {  	[smem:$0x3FA7] =	sst s8  }
0x11: {  	[smem:$0x3FA8] =	sst s9;
	s0 =	simm.s32 @!p0 $0x0  }
0x12: {  	s1 =	sld [smem:$0x3F8E];
	s0 =	simm.s32 @p0 $0x1  }
0x13: {  	[smem:$0x3FA9] =	sst s0;
	s0 =	simm.s32 @!p1 $0x0  }
0x14: {  	s2 =	sld [smem:$0x3F8D];
	s0 =	simm.s32 @p1 $0x1  }
0x15: {  	[smem:$0x3FAA] =	sst s0;
	s0 =	simm.s32 @!p2 $0x0  }
0x16: {  	s3 =	sld [smem:$0x3FDB];
	s0 =	simm.s32 @p2 $0x1  }
0x17: {  	s4 =	simm.s32 $0x1BF5;
	[smem:$0x3FAC] =	sst s0  }
0x18: {  	s0 =	sld [smem:$0x3F8F];
	_ =	swait.ge [sflag:s4], $0x0  }
0x19: {  	s7 =	sld [smem:$0x3F90]  }
0x1a: {  	s8 =	sadd.s32 $0xFFFFE003, lr  }
0x1b: {  	s9 =	sadd.s32 $0xFFFFFEF7, lr;
	s5 =	simm.s32 $0xFFFFFFFF;
	p2 =	slt.u32 s8, $0xFFFFF086  }
0x1c: {  	p1 =	slt.u32 s9, $0xF7A;
	s5 =	simm.s32 @!p2 $0x0  }
0x1d: {  	s5 =	simm.s32 @p1 $0x1;
	p0 =	seq.s32 s7, s2  }
0x1e: {  	s7 =	smul.u32 @!p0 $0xF7A, s2;
	p2 =	seq.s32 @!p0 s5, $0x0  }
0x1f: {  	s9 =	smul.u32 $0xF7A, s1;
	s8 =	simm.s32 @!p0 $0x1BF5;
	p2 =	por !p2, p0  }
0x20: {  	[sflag:s8] =	ssyncset.s32 @!p0 $0xFFFFF086;
	s6 =	sadd.s32 @!p0 s3, s7;
	s7 =	simm.s32 @!p0 $0x108  }
0x21: {  	s3 =	sadd.s32 s3, s9;
	s6 =	sadd.s32 @!p0 $0x88, s6;
	s7 =	simm.s32 @p2 $0x1082  }
0x22: {  	[simem:s7], [sflag:s8] =	dma.local @!p0 [hbm:s6], $0xF7A  }
0x23: {  	s9 =	sor.u32 $0xD0000000, s2;
	s6 =	simm.s32 $0x108;
	_ =	swait.ge @!p0 [sflag:s8], $0x0  }
0x24: {  	s3 =	sadd.s32 $0x88, s3;
	s6 =	simm.s32 @!p1 $0x1082;
	[sflag:s4] =	ssyncset.s32 $0xFFFFF086  }
0x25: {  	[simem:s6], [sflag:s4] =	dma.local [hbm:s3], $0xF7A  }
0x26: {  	[smem:$0x3F90] =	sst s1;
	(tag) =	ssettag s2;
	_ =	strace s9  }
0x27: {  	s1 =	sld [smem:$0x3FA0]  }
0x28: {  	s2 =	sld [smem:$0x3FA1]  }
0x29: {  	s4 =	sld [smem:$0x3FA3]  }
0x2a: {  	p0 =	seq.s32 s5, $0x0;
	s5 =	sld [smem:$0x3FA4]  }
0x2b: {  	s6 =	sld [smem:$0x3FA5]  }
0x2c: {  	s7 =	sld [smem:$0x3FA6]  }
0x2d: {  	s3 =	simm.s32 $0x108;
	s8 =	sld [smem:$0x3FA7]  }
0x2e: {  	s3 =	simm.s32 @!p0 $0x1082;
	s9 =	sld [smem:$0x3FA8]  }
0x2f: {  	lr =	sadd.s32 s0, s3;
	s0 =	sld [smem:$0x3F9F]  }
0x30: {  	s3 =	sld [smem:$0x3FA2]  }
0x31: {  	[smem:$0x3FAB] =	sst s10  }
0x32: {  	s10 =	sld [smem:$0x3FA9];
	_ =	sdelay $0x3  }
0x33: {  	p0 =	seq.s32 s10, $0x1;
	s10 =	sld [smem:$0x3FAB];
	_ =	sdelay $0x3  }
0x34: {  	[smem:$0x3FAB] =	sst s10  }
0x35: {  	s10 =	sld [smem:$0x3FAA];
	_ =	sdelay $0x3  }
0x36: {  	p1 =	seq.s32 s10, $0x1;
	s10 =	sld [smem:$0x3FAB];
	_ =	sdelay $0x3  }
0x37: {  	[smem:$0x3FAB] =	sst s10  }
0x38: {  	s10 =	sld [smem:$0x3FAC]  }
0x39: {  	_ = 	snop;
	(pc) =	sbr.ind lr, $3  }
0x3a: {  	_ = 	snop  }
0x3b: {  	_ = 	snop  }
0x3c: {  	p2 =	seq.s32 s10, $0x1;
	s10 =	sld [smem:$0x3FAB]  }
0x3d: {  	_ =	shalt  }
0x3e: {  	_ =	shalt  }
0x3f: {  	_ =	shalt  }
0x40: {  	_ =	shalt  }
0x41: {  	_ =	shalt  }
0x42: {  	_ =	shalt  }
0x43: {  	_ =	shalt  }
0x44: {  	_ =	shalt  }
0x45: {  	_ =	shalt  }
0x46: {  	_ =	shalt  }
0x47: {  	_ =	shalt  }
0x48: {  	_ =	shalt  }
0x49: {  	_ =	shalt  }
0x4a: {  	_ =	shalt  }
0x4b: {  	_ =	shalt  }
0x4c: {  	_ =	shalt  }
0x4d: {  	_ =	shalt  }
0x4e: {  	_ =	shalt  }
0x4f: {  	_ =	shalt  }
0x50: {  	_ =	shalt  }
0x51: {  	_ =	shalt  }
0x52: {  	_ =	shalt  }
0x53: {  	_ =	shalt  }
0x54: {  	_ =	shalt  }
0x55: {  	_ =	shalt  }
0x56: {  	_ =	shalt  }
0x57: {  	_ =	shalt  }
0x58: {  	_ =	shalt  }
0x59: {  	_ =	shalt  }
0x5a: {  	_ =	shalt  }
0x5b: {  	_ =	shalt  }
0x5c: {  	_ =	shalt  }
0x5d: {  	_ =	shalt  }
0x5e: {  	_ =	shalt  }
0x5f: {  	_ =	shalt  }
0x60: {  	_ =	shalt  }
0x61: {  	_ =	shalt  }
0x62: {  	_ =	shalt  }
0x63: {  	_ =	shalt  }
0x64: {  	_ =	shalt  }
0x65: {  	_ =	shalt  }
0x66: {  	_ =	shalt  }
0x67: {  	_ =	shalt  }
0x68: {  	_ =	shalt  }
0x69: {  	_ =	shalt  }
0x6a: {  	_ =	shalt  }
0x6b: {  	_ =	shalt  }
0x6c: {  	_ =	shalt  }
0x6d: {  	_ =	shalt  }
0x6e: {  	_ =	shalt  }
0x6f: {  	_ =	shalt  }
0x70: {  	_ =	shalt  }
0x71: {  	_ =	shalt  }
0x72: {  	_ =	shalt  }
0x73: {  	_ =	shalt  }
0x74: {  	_ =	shalt  }
0x75: {  	_ =	shalt  }
0x76: {  	_ =	shalt  }
0x77: {  	_ =	shalt  }
0x78: {  	_ =	shalt  }
0x79: {  	_ =	shalt  }
0x7a: {  	_ =	shalt  }
0x7b: {  	_ =	shalt  }
0x7c: {  	_ =	shalt  }
0x7d: {  	_ =	shalt  }
0x7e: {  	_ =	shalt  }
0x7f: {  	_ =	shalt  }
0x80: {  	_ =	shalt  }
0x81: {  	_ =	shalt  }
0x82: {  	_ =	shalt  }
0x83: {  	_ =	shalt  }
0x84: {  	_ =	shalt  }
0x85: {  	_ =	shalt  }
0x86: {  	_ =	shalt  }
0x87: {  	_ =	shalt  }
.Lfunc_end0:
.L_simem_size_0:
called_computation_lowered:
.L_overlay_start_0:
0x88: {  	s2 =	sld [smem:$0x3FD9]  }
0x89: {  	s3 =	sld [smem:$0x3FFE];
	_ =	sdelay $0x1  }
0x8a: {  	s1 =	srdreg.scid  }
0x8b: {  	s0 =	sand.u32 $0x1, s1  }
0x8c: {  	s16 =	sshll.u32 s0, $0xA;
	s2 =	sadd.s32 s3, s2  }
0x8d: {  	s2 =	sadd.s32 s2, s16  }
0x8e: {  	[smem:$0x3FB7] =	sst s2  }
0x8f: {  	_ = 	snop  }
0x90: {  	(tm) =	ssettm $0x1  }
0x91: {  	s17 =	sld [smem:$0x3FFB];
	_ =	sdelay $0x3  }
0x92: {  	_ =	strace s17  }
0x93: {  	s2 =	sld [smem:$0x3FFC];
	_ =	sdelay $0x3  }
0x94: {  	_ =	strace s2  }
0x95: {  	s2 =	sld [smem:$0x3FFD];
	_ =	sdelay $0x3  }
0x96: {  	_ =	strace s2  }
0x97: {  	_ =	strace $0x8FFFFFFF  }
0x98: {  	s18 =	sld [smem:$0x3FDB];
	_ =	sdelay $0x1  }
0x99: {  	s19 =	simm.s32 $_scs_section_size  }
0x9a: {  	s4 =	simm.s32 $_size__tile_overlayer_lowered;
	s5 =	simm.s32 $_tile_overlayer_lowered  }
0x9b: {  	s22 =	simm.s32 $0x1BFF;
	s21 =	sshll.u32 s5, $0x1;
	s2 =	sadd.s32 s19, s18  }
0x9c: {  	s6 =	simm.s32 $0x0;
	s20 =	sshll.u32 s4, $0x1;
	s4 =	sadd.s32 s21, s2  }
0x9d: {  	[timem:s6], [sflag:s22] =	dma.local [hbm:s4], s20  }
0x9e: {  	_ =	swait.ge [sflag:s22], s20  }
0x9f: {  	s3 =	ssub.s32 $0x0, s20;
	[sflag:s22] =	ssyncset.done $0x0  }
0xa0: {  	[sflag:s22] =	ssyncadd.s32 s3;
	_ =	sdelay $0x1  }
0xa1: {  	s23 =	simm.s32 $0x1B8B  }
0xa2: {  	_ =	swait.ge [sflag:s23], $0x1  }
0xa3: {  	[sflag:s23] =	ssyncset.done $0x0  }
0xa4: {  	s25 =	simm.s32 $0x1B8E;
	s24 =	sld [smem:$0x3FFE];
	[sflag:s23] =	ssyncadd.s32 $0xFFFFFFFF  }
0xa5: {  	s26 =	simm.s32 $execute0_lowered;
	[smem:$0x3FD2] =	sst s25  }
0xa6: {  	s4 =	sshll.u32 s26, $0x1;
	_ =	strace $0x80000046;
	[dreg:$0x1] =	wrdreg $0xFFFFFFFF  }
0xa7: {  	s28 =	simm.s32 $_size_execute0_lowered;
	s2 =	sadd.s32 s2, s4;
	[dreg:$0x0] =	wrdreg $0x0  }
0xa8: {  	s4 =	sshll.u32 s28, $0x1;
	[dreg:$0x2] =	wrdreg s2  }
0xa9: {  	[dreg:$0x3] =	wrdreg s4  }
0xaa: {  	[dreg:$0x4] =	wrdreg $0xC0  }
0xab: {  	_ =	task [dreg:s6], $0x5FFFF  }
0xac: {  	[dreg:$0x1] =	wrdreg $0xFFFFFFFF  }
0xad: {  	[dreg:$0x0] =	wrdreg $0x60  }
0xae: {  	[dreg:$0x2] =	wrdreg s24  }
0xaf: {  	[dreg:$0x3] =	wrdreg $0x118000  }
0xb0: {  	[dreg:$0x4] =	wrdreg $0x1C0000  }
0xb1: {  	[dreg:$0x5] =	wrdreg $0x9  }
0xb2: {  	_ =	task.clear_ibuf [dreg:s6], $0x6FFFF;
	_ =	strace $0x90000046  }
0xb3: {  	s29 =	simm.s32 $0x9;
	_ =	strace $0x80000048  }
0xb4: {  	_ =	swait.ge [sflag:s29], $0x1  }
0xb5: {  	[sflag:s29] =	ssyncadd.s32 $0xFFFFFFFF  }
0xb6: {  	_ =	strace $0x90000048  }
0xb7: {  	_ =	sfence  }
0xb8: {  	s30 =	sld [smem:$0x0];
	_ =	sdelay $0x2  }
0xb9: {  	s31 =	sshll.u32 s1, $0xD;
	s1 =	sshrl.u32 s1, $0x2  }
0xba: {  	s3 =	sand.u32 $0x4000, s31;
	s1 =	sadd.s32 s1, s30  }
0xbb: {  	s0 =	sor.u32 s3, s0;
	s1 =	sshll.u32 s1, $0x11  }
0xbc: {  	s0 =	sor.u32 s1, s0  }
0xbd: {  	s0 =	sadd.s32 $0x8F2B, s0  }
0xbe: {  	[sflag:s0] =	ssyncadd.remote.s32 $0x1  }
0xbf: {  	_ =	sfence.sel $0xFFFF  }
0xc0: {  	[dreg:$0x0] =	wrdreg $0xFFFFFFFF;
	(pc) =	sbr.abs _section_cstart, $3  }
0xc1: {  	[dreg:$0x1] =	wrdreg $0xFFFFFFFF  }
0xc2: {  	_ =	task.clear_ibuf [dreg:s6], $0x2FFFF;
	_ =	strace $0x9FFFFFFF  }
0xc3: {  	(tm) =	ssettm $0x7FFFFFFF  }
tec
execute0_lowered:
.L_overlay_start_1:
0x0: {  	(tag) =	ssettag $0x1  }
0x1: {  	s4 =	rddreg [dreg:$0x0]  }
0x2: {  	s0 =	srdreg.scid;
	s2 =	rddreg [dreg:$0x1]  }
0x3: {  	s11 =	stileid.u32;
	s3 =	rddreg [dreg:$0x2];
	s5 =	simm.s32 $0x0  }
0x4: {  	s28 =	simm.s32 $0xB000;
	s30 =	simm.s32 $0xD000;
	s6 =	smul.u32 $0xA000, s11  }
0x5: {  	s31 =	simm.s32 $0x9;
	s29 =	simm.s32 $0x3;
	s9 =	smul.u32 $0x2800, s11  }
0x6: {  	s16 =	simm.s32 $0x8;
	s0 =	sand.u32 $0x1, s0;
	s17 =	smul.u32 $0x280, s11  }
0x7: {  	[smem:$0x7FF] =	sst s5;
	s5 =	sadd.s32 $0x2600, s4;
	s7 =	smul.u32 $0xA0000, s0  }
0x8: {  	s1 =	sshll.u32 s0, $0x4;
	s8 =	smul.u32 $0x28000, s0;
	s0 =	ssub.s32 $0x2, s0  }
0x9: {  	_ =	strace $0x80000047;
	s1 =	sor.u32 s11, s1;
	s10 =	sshrl.u32 s0, $0x1  }
0xa: {  	s19 =	sadd.s32 $0xA0, s17;
	s20 =	sadd.s32 $0x140, s17;
	s1 =	smul.u32 $0x500, s1  }
0xb: {  	s7 =	sadd.s32 s6, s7;
	s8 =	sadd.s32 s9, s8;
	s0 =	ssub.s32 s0, s10  }
0xc: {  	s10 =	sadd.s32 $0x1E0, s17;
	s21 =	sshll.u32 s19, $0x6;
	s12 =	sshll.u32 s20, $0x6  }
0xd: {  	s17 =	simm.s32 $0x0;
	s7 =	sshrl.u32 s7, $0x3;
	s8 =	sshrl.u32 s8, $0x3  }
0xe: {  	s13 =	sshll.u32 s10, $0x6;
	s11 =	sadd.s32 s21, s2;
	s22 =	sadd.s32 s12, s2  }
0xf: {  	s12 =	sadd.s32 s9, s3;
	s24 =	sshll.u32 s10, $0x4;
	s0 =	smax.u32 s0, $0x1  }
0x10: {  	s21 =	simm.s32 $0x80;
	s9 =	simm.s32 $0x4E80;
	s10 =	simm.s32 $0x4F00  }
0x11: {  	s1 =	sadd.s32 s1, s4;
	s7 =	sadd.s32 s7, s4;
	[dreg:$0x6] =	wrdreg s11  }
0x12: {  	s4 =	sadd.s32 s8, s4;
	s8 =	sadd.s32 s6, s2;
	[dreg:$0x7] =	wrdreg s22  }
0x13: {  	s23 =	sadd.s32 s13, s2;
	s6 =	sshll.u32 s20, $0x4;
	s15 =	sadd.s32 s24, s3  }
0x14: {  	[dreg:$0xb] =	wrdreg s0;
	s20 =	simm.s32 $0x6;
	s22 =	simm.s32 $0x5000  }
0x15: {  	s24 =	simm.s32 $0x1B800;
	s0 =	simm.s32 $0x4;
	s11 =	simm.s32 $0x4F80  }
0x16: {  	s18 =	sadd.s32 $0x20600, s1;
	s1 =	sadd.s32 $0x16600, s1;
	[dreg:$0x8] =	wrdreg s23  }
0x17: {  	s14 =	sadd.s32 s6, s3;
	s25 =	sadd.s32 $0x2A600, s7;
	[dreg:$0x4] =	wrdreg s18  }
0x18: {  	s26 =	sadd.s32 $0x52600, s4;
	s23 =	simm.s32 $0x7000;
	[dreg:$0x5] =	wrdreg s1  }
0x19: {  	s4 =	simm.s32 $0x5;
	s1 =	sshll.u32 s19, $0x4;
	[dreg:$0x9] =	wrdreg s25  }
0x1a: {  	[dreg:$0xa] =	wrdreg s26;
	s25 =	simm.s32 $0x9000;
	s19 =	simm.s32 $0x1  }
0x1b: {  	v0 =	vimm.f32 $0.0e+00;
	v1 =	vimm.f32 $1.000000000e+00;
	s26 =	simm.s32 $0x2;
	s13 =	sadd.s32 s1, s3;
	s1 =	simm.s32 $0x7  }
.LBB2_1:
0x1c: {  	s6 =	simm.s32 $0x0;
	s7 =	rddreg [dreg:$0x4]  }
0x1d: {  	[tilespmem:s6], [sflag:$0x6] =	stream.linear.gather [hbm4b:s7+s6], $0x2800, $0x38;
	[tilespmem:$0x1E800] =	vst v63  }
0x1e: {  	s18 =	simm.s32 $0x2800;
	s7 =	rddreg [dreg:$0x5]  }
0x1f: {  	[tilespmem:s18], [sflag:$0x7] =	stream.linear.gather [hbm4b:s7+s6], $0x2800, $0x38;
	[tilespmem:$0x1E800] =	vst v63  }
0x20: {  	s6 =	simm.s32 $0x0  }
.LBB2_2:
0x21: {  	p0 =	sne.s32 s6, $0x9F00  }
.Ltmp0:
0x22: {  	s18 =	sshra.s32 s6, $0x2;
	(pc) =	sbr.rel @p0 .LBB2_2-.Ltmp0, $4  }
0x23: {  	[tilespmem:s18+$0xF000] =	vst v0  }
0x24: {  	[tilespmem:s18+$0xF010] =	vst v0  }
0x25: {  	[tilespmem:s18+$0xF020] =	vst v0  }
0x26: {  	s6 =	sadd.s32 $0x100, s6;
	[tilespmem:s18+$0xF030] =	vst v0  }
0x27: {  	s6 =	simm.s32 $0x40;
	s18 =	simm.s32 $0x0  }
.LBB2_4:
0x28: {  	p0 =	sne.s32 s6, $0x1FC0;
	[tilespmem:s18+$0x1B800] =	vst v1;
	s18 =	smov.u32 s6;
	s6 =	sadd.s32 $0x40, s6  }
.Ltmp1:
0x29: {  	(pc) =	sbr.rel @p0 .LBB2_4-.Ltmp1, $2  }
0x2a: {  	_ =	sdelay $0x2  }
0x2b: {  	s18 =	sshra.s32 s18, $0x2  }
0x2c: {  	[tilespmem:s18+$0x1B800] =	vst v1  }
0x2d: {  	_ =	swait.ge [sflag:s20], $0x2800  }
0x2e: {  	[sflag:s20] =	ssyncset.done $0x0  }
0x2f: {  	s6 =	simm.s32 $0x0;
	[sflag:s20] =	ssyncadd.s32 $0xFFFFD800  }
0x30: {  	[tilespmem:s22], [sflag:$0x1] =	stream.indirect.gather [hbm4b:s5+s21], $0x40, s6, s21, $0xb8;
	[tilespmem:$0x1E800] =	vst v63  }
0x31: {  	_ = 	snop  }
0x32: {  	[tilespmem:s23], [sflag:$0x2] =	stream.indirect.gather [hbm4b:s5+s21], $0x40, s21, s21, $0xb8;
	[tilespmem:$0x1E800] =	vst v63  }
0x33: {  	s7 =	simm.s32 $0x100  }
0x34: {  	[tilespmem:s25], [sflag:$0x3] =	stream.indirect.gather [hbm4b:s5+s21], $0x40, s7, s21, $0xb8;
	[tilespmem:$0x1E800] =	vst v63  }
0x35: {  	s18 =	simm.s32 $0x180  }
0x36: {  	[tilespmem:s28], [sflag:$0x4] =	stream.indirect.gather [hbm4b:s5+s21], $0x40, s18, s21, $0xb8;
	[tilespmem:$0x1E800] =	vst v63  }
0x37: {  	s7 =	simm.s32 $0x200  }
0x38: {  	[tilespmem:s30], [sflag:$0x5] =	stream.indirect.gather [hbm4b:s5+s21], $0x40, s7, s21, $0xb8;
	[tilespmem:$0x1E800] =	vst v63  }
0x39: {  	s6 =	simm.s32 $0xF000  }
0x3a: {  	[spmem:s8] =	stream.linear.scatter [tilespmem:s6], [sflag:$0x9], $0x2800, $0x38;
	[tilespmem:$0x1E800] =	vst v63  }
0x3b: {  	_ =	swait.ge [sflag:s31], $0x2800  }
0x3c: {  	[sflag:s31] =	ssyncset.done $0x0  }
0x3d: {  	s7 =	rddreg [dreg:$0x6];
	[sflag:s31] =	ssyncadd.s32 $0xFFFFD800  }
0x3e: {  	[spmem:s7] =	stream.linear.scatter [tilespmem:s6], [sflag:$0x9], $0x2800, $0x38;
	[tilespmem:$0x1E800] =	vst v63  }
0x3f: {  	_ =	swait.ge [sflag:s31], $0x2800  }
0x40: {  	[sflag:s31] =	ssyncset.done $0x0  }
0x41: {  	s18 =	rddreg [dreg:$0x7];
	[sflag:s31] =	ssyncadd.s32 $0xFFFFD800  }
0x42: {  	[spmem:s18] =	stream.linear.scatter [tilespmem:s6], [sflag:$0x9], $0x2800, $0x38;
	[tilespmem:$0x1E800] =	vst v63  }
0x43: {  	_ =	swait.ge [sflag:s31], $0x2800  }
0x44: {  	[sflag:s31] =	ssyncset.done $0x0  }
0x45: {  	s18 =	rddreg [dreg:$0x8];
	[sflag:s31] =	ssyncadd.s32 $0xFFFFD800  }
0x46: {  	[spmem:s18] =	stream.linear.scatter [tilespmem:s6], [sflag:$0x9], $0x2800, $0x38;
	[tilespmem:$0x1E800] =	vst v63  }
0x47: {  	_ =	swait.ge [sflag:s31], $0x2800  }
0x48: {  	[sflag:s31] =	ssyncset.done $0x0  }
0x49: {  	s7 =	sadd.s32 $0x0, s12;
	s18 =	simm.s32 $0x40;
	[sflag:s31] =	ssyncadd.s32 $0xFFFFD800  }
0x4a: {  	[spmem:s7] =	stream.linear.scatter [tilespmem:s6], [sflag:$0x9], $0x10, $0x38;
	[tilespmem:$0x1E800] =	vst v63  }
.LBB2_6:
0x4b: {  	p0 =	sne.s32 s18, $0x27C0  }
.Ltmp2:
0x4c: {  	_ = 	snop;
	(pc) =	sbr.rel @p0 .LBB2_6-.Ltmp2, $4  }
0x4d: {  	_ = 	snop  }
0x4e: {  	s7 =	sshra.s32 s18, $0x2;
	s18 =	sadd.s32 $0x40, s18  }
0x4f: {  	s6 =	sadd.s32 $0x40, s6;
	s7 =	sadd.s32 s7, s12  }
0x50: {  	[spmem:s7] =	stream.linear.scatter [tilespmem:s6], [sflag:$0x9], $0x10, $0x38;
	[tilespmem:$0x1E800] =	vst v63  }
0x51: {  	_ =	swait.ge [sflag:s31], $0xA00  }
0x52: {  	s6 =	simm.s32 $0xF000;
	[sflag:s31] =	ssyncset.done $0x0  }
0x53: {  	s7 =	sadd.s32 $0x0, s13;
	s18 =	simm.s32 $0x40;
	[sflag:s31] =	ssyncadd.s32 $0xFFFFF600  }
0x54: {  	[spmem:s7] =	stream.linear.scatter [tilespmem:s6], [sflag:$0x9], $0x10, $0x38;
	[tilespmem:$0x1E800] =	vst v63  }
.LBB2_8:
0x55: {  	p0 =	sne.s32 s18, $0x27C0  }
.Ltmp3:
0x56: {  	_ = 	snop;
	(pc) =	sbr.rel @p0 .LBB2_8-.Ltmp3, $4  }
0x57: {  	_ = 	snop  }
0x58: {  	s7 =	sshra.s32 s18, $0x2;
	s18 =	sadd.s32 $0x40, s18  }
0x59: {  	s6 =	sadd.s32 $0x40, s6;
	s7 =	sadd.s32 s7, s13  }
0x5a: {  	[spmem:s7] =	stream.linear.scatter [tilespmem:s6], [sflag:$0x9], $0x10, $0x38;
	[tilespmem:$0x1E800] =	vst v63  }
0x5b: {  	_ =	swait.ge [sflag:s31], $0xA00  }
0x5c: {  	s6 =	simm.s32 $0xF000;
	[sflag:s31] =	ssyncset.done $0x0  }
0x5d: {  	s7 =	sadd.s32 $0x0, s14;
	s18 =	simm.s32 $0x40;
	[sflag:s31] =	ssyncadd.s32 $0xFFFFF600  }
0x5e: {  	[spmem:s7] =	stream.linear.scatter [tilespmem:s6], [sflag:$0x9], $0x10, $0x38;
	[tilespmem:$0x1E800] =	vst v63  }
.LBB2_10:
0x5f: {  	p0 =	sne.s32 s18, $0x27C0  }
.Ltmp4:
0x60: {  	_ = 	snop;
	(pc) =	sbr.rel @p0 .LBB2_10-.Ltmp4, $4  }
0x61: {  	_ = 	snop  }
0x62: {  	s7 =	sshra.s32 s18, $0x2;
	s18 =	sadd.s32 $0x40, s18  }
0x63: {  	s6 =	sadd.s32 $0x40, s6;
	s7 =	sadd.s32 s7, s14  }
0x64: {  	[spmem:s7] =	stream.linear.scatter [tilespmem:s6], [sflag:$0x9], $0x10, $0x38;
	[tilespmem:$0x1E800] =	vst v63  }
0x65: {  	_ =	swait.ge [sflag:s31], $0xA00  }
0x66: {  	s6 =	simm.s32 $0xF000;
	[sflag:s31] =	ssyncset.done $0x0  }
0x67: {  	s7 =	sadd.s32 $0x0, s15;
	s18 =	simm.s32 $0x40;
	[sflag:s31] =	ssyncadd.s32 $0xFFFFF600  }
0x68: {  	[spmem:s7] =	stream.linear.scatter [tilespmem:s6], [sflag:$0x9], $0x10, $0x38;
	[tilespmem:$0x1E800] =	vst v63  }
.LBB2_12:
0x69: {  	p0 =	sne.s32 s18, $0x27C0  }
.Ltmp5:
0x6a: {  	_ = 	snop;
	(pc) =	sbr.rel @p0 .LBB2_12-.Ltmp5, $4  }
0x6b: {  	_ = 	snop  }
0x6c: {  	s7 =	sshra.s32 s18, $0x2;
	s18 =	sadd.s32 $0x40, s18  }
0x6d: {  	s6 =	sadd.s32 $0x40, s6;
	s7 =	sadd.s32 s7, s15  }
0x6e: {  	[spmem:s7] =	stream.linear.scatter [tilespmem:s6], [sflag:$0x9], $0x10, $0x38;
	[tilespmem:$0x1E800] =	vst v63  }
0x6f: {  	_ =	swait.ge [sflag:s31], $0xA00  }
0x70: {  	[sflag:s31] =	ssyncset.done $0x0  }
0x71: {  	[sflag:s31] =	ssyncadd.s32 $0xFFFFF600  }
0x72: {  	_ =	swait.ge [sflag:s1], $0x2800  }
0x73: {  	[sflag:s1] =	ssyncset.done $0x0  }
0x74: {  	[sflag:s1] =	ssyncadd.s32 $0xFFFFD800  }
0x75: {  	[bflag:$0x0] =	sbarrier.arrive $0xFFFF  }
0x76: {  	_ =	swait.ge [sflag:s19], $0x2000  }
0x77: {  	[sflag:s19] =	ssyncset.done $0x0  }
0x78: {  	s6 =	simm.s32 $0x2800;
	[sflag:s19] =	ssyncadd.s32 $0xFFFFE000  }
0x79: {  	[spmem:s2] =	stream.indirect.scatter.add.f32 [tilespmem:s22], [sflag:$0x9], $0x40, s6, s21, $0xb8;
	[tilespmem:$0x1E800] =	vst v63  }
0x7a: {  	_ =	swait.ge [sflag:s31], $0x2000  }
0x7b: {  	[sflag:s31] =	ssyncset.done $0x0  }
0x7c: {  	[sflag:s31] =	ssyncadd.s32 $0xFFFFE000  }
0x7d: {  	[spmem:s3] =	stream.indirect.scatter.add.f32 [tilespmem:s24], [sflag:$0x8], $0x10, s6, s21, $0xb8;
	[tilespmem:$0x1E800] =	vst v63  }
0x7e: {  	s7 =	simm.s32 $0x280  }
0x7f: {  	[tilespmem:s22], [sflag:$0x1] =	stream.indirect.gather [hbm4b:s5+s21], $0x40, s7, s21, $0xb8;
	[tilespmem:$0x1E800] =	vst v63  }
0x80: {  	_ =	swait.ge [sflag:s26], $0x2000  }
0x81: {  	[sflag:s26] =	ssyncset.done $0x0  }
0x82: {  	s18 =	simm.s32 $0x2880;
	[sflag:s26] =	ssyncadd.s32 $0xFFFFE000  }
0x83: {  	[spmem:s2] =	stream.indirect.scatter.add.f32 [tilespmem:s23], [sflag:$0x9], $0x40, s18, s21, $0xb8;
	[tilespmem:$0x1E800] =	vst v63  }
0x84: {  	_ =	swait.ge [sflag:s31], $0x2000  }
0x85: {  	[sflag:s31] =	ssyncset.done $0x0  }
0x86: {  	[sflag:s31] =	ssyncadd.s32 $0xFFFFE000  }
0x87: {  	[spmem:s3] =	stream.indirect.scatter.add.f32 [tilespmem:s24], [sflag:$0x8], $0x10, s18, s21, $0xb8;
	[tilespmem:$0x1E800] =	vst v63  }
0x88: {  	s7 =	simm.s32 $0x300  }
0x89: {  	[tilespmem:s23], [sflag:$0x2] =	stream.indirect.gather [hbm4b:s5+s21], $0x40, s7, s21, $0xb8;
	[tilespmem:$0x1E800] =	vst v63  }
0x8a: {  	_ =	swait.ge [sflag:s29], $0x2000  }
0x8b: {  	[sflag:s29] =	ssyncset.done $0x0  }
0x8c: {  	s18 =	simm.s32 $0x2900;
	[sflag:s29] =	ssyncadd.s32 $0xFFFFE000  }
0x8d: {  	[spmem:s2] =	stream.indirect.scatter.add.f32 [tilespmem:s25], [sflag:$0x9], $0x40, s18, s21, $0xb8;
	[tilespmem:$0x1E800] =	vst v63  }
0x8e: {  	_ =	swait.ge [sflag:s31], $0x2000  }
0x8f: {  	[sflag:s31] =	ssyncset.done $0x0  }
0x90: {  	[sflag:s31] =	ssyncadd.s32 $0xFFFFE000  }
0x91: {  	[spmem:s3] =	stream.indirect.scatter.add.f32 [tilespmem:s24], [sflag:$0x8], $0x10, s18, s21, $0xb8;
	[tilespmem:$0x1E800] =	vst v63  }
0x92: {  	s7 =	simm.s32 $0x380  }
0x93: {  	[tilespmem:s25], [sflag:$0x3] =	stream.indirect.gather [hbm4b:s5+s21], $0x40, s7, s21, $0xb8;
	[tilespmem:$0x1E800] =	vst v63  }
0x94: {  	_ =	swait.ge [sflag:s0], $0x2000  }
0x95: {  	[sflag:s0] =	ssyncset.done $0x0  }
0x96: {  	s18 =	simm.s32 $0x2980;
	[sflag:s0] =	ssyncadd.s32 $0xFFFFE000  }
0x97: {  	[spmem:s2] =	stream.indirect.scatter.add.f32 [tilespmem:s28], [sflag:$0x9], $0x40, s18, s21, $0xb8;
	[tilespmem:$0x1E800] =	vst v63  }
0x98: {  	_ =	swait.ge [sflag:s31], $0x2000  }
0x99: {  	[sflag:s31] =	ssyncset.done $0x0  }
0x9a: {  	[sflag:s31] =	ssyncadd.s32 $0xFFFFE000  }
0x9b: {  	[spmem:s3] =	stream.indirect.scatter.add.f32 [tilespmem:s24], [sflag:$0x8], $0x10, s18, s21, $0xb8;
	[tilespmem:$0x1E800] =	vst v63  }
0x9c: {  	s7 =	simm.s32 $0x400  }
0x9d: {  	[tilespmem:s28], [sflag:$0x4] =	stream.indirect.gather [hbm4b:s5+s21], $0x40, s7, s21, $0xb8;
	[tilespmem:$0x1E800] =	vst v63  }
0x9e: {  	_ =	swait.ge [sflag:s4], $0x2000  }
0x9f: {  	[sflag:s4] =	ssyncset.done $0x0  }
0xa0: {  	s18 =	simm.s32 $0x2A00;
	[sflag:s4] =	ssyncadd.s32 $0xFFFFE000  }
0xa1: {  	[spmem:s2] =	stream.indirect.scatter.add.f32 [tilespmem:s30], [sflag:$0x9], $0x40, s18, s21, $0xb8;
	[tilespmem:$0x1E800] =	vst v63  }
0xa2: {  	_ =	swait.ge [sflag:s31], $0x2000  }
0xa3: {  	[sflag:s31] =	ssyncset.done $0x0  }
0xa4: {  	[sflag:s31] =	ssyncadd.s32 $0xFFFFE000  }
0xa5: {  	[spmem:s3] =	stream.indirect.scatter.add.f32 [tilespmem:s24], [sflag:$0x8], $0x10, s18, s21, $0xb8;
	[tilespmem:$0x1E800] =	vst v63  }
0xa6: {  	s6 =	simm.s32 $0x480;
	s18 =	simm.s32 $0xA00  }
.LBB2_14:
0xa7: {  	[tilespmem:s30], [sflag:$0x5] =	stream.indirect.gather [hbm4b:s5+s21], $0x40, s6, s21, $0xb8;
	[tilespmem:$0x1E800] =	vst v63  }
0xa8: {  	s6 =	smov.u32 s18  }
0xa9: {  	p0 =	sne.s32 s18, $0x8C00;
	s18 =	sadd.s32 $0xA00, s18;
	_ =	swait.ge [sflag:s19], $0x2000  }
0xaa: {  	s6 =	sshra.s32 s6, $0x2;
	[sflag:s19] =	ssyncset.done $0x0  }
0xab: {  	s7 =	sadd.s32 $0x2800, s6;
	[sflag:s19] =	ssyncadd.s32 $0xFFFFE000  }
0xac: {  	[spmem:s2] =	stream.indirect.scatter.add.f32 [tilespmem:s22], [sflag:$0x9], $0x40, s7, s21, $0xb8;
	[tilespmem:$0x1E800] =	vst v63  }
0xad: {  	_ =	swait.ge [sflag:s31], $0x2000  }
0xae: {  	[sflag:s31] =	ssyncset.done $0x0  }
0xaf: {  	[sflag:s31] =	ssyncadd.s32 $0xFFFFE000  }
0xb0: {  	[spmem:s3] =	stream.indirect.scatter.add.f32 [tilespmem:s24], [sflag:$0x8], $0x10, s7, s21, $0xb8;
	[tilespmem:$0x1E800] =	vst v63  }
0xb1: {  	s7 =	sadd.s32 $0x280, s6  }
0xb2: {  	[tilespmem:s22], [sflag:$0x1] =	stream.indirect.gather [hbm4b:s5+s21], $0x40, s7, s21, $0xb8;
	[tilespmem:$0x1E800] =	vst v63  }
0xb3: {  	_ =	swait.ge [sflag:s26], $0x2000  }
0xb4: {  	[sflag:s26] =	ssyncset.done $0x0  }
0xb5: {  	s7 =	sadd.s32 $0x2880, s6;
	[sflag:s26] =	ssyncadd.s32 $0xFFFFE000  }
0xb6: {  	[spmem:s2] =	stream.indirect.scatter.add.f32 [tilespmem:s23], [sflag:$0x9], $0x40, s7, s21, $0xb8;
	[tilespmem:$0x1E800] =	vst v63  }
0xb7: {  	_ =	swait.ge [sflag:s31], $0x2000  }
0xb8: {  	[sflag:s31] =	ssyncset.done $0x0  }
0xb9: {  	[sflag:s31] =	ssyncadd.s32 $0xFFFFE000  }
0xba: {  	[spmem:s3] =	stream.indirect.scatter.add.f32 [tilespmem:s24], [sflag:$0x8], $0x10, s7, s21, $0xb8;
	[tilespmem:$0x1E800] =	vst v63  }
0xbb: {  	s7 =	sadd.s32 $0x300, s6  }
0xbc: {  	[tilespmem:s23], [sflag:$0x2] =	stream.indirect.gather [hbm4b:s5+s21], $0x40, s7, s21, $0xb8;
	[tilespmem:$0x1E800] =	vst v63  }
0xbd: {  	_ =	swait.ge [sflag:s29], $0x2000  }
0xbe: {  	[sflag:s29] =	ssyncset.done $0x0  }
0xbf: {  	s7 =	sadd.s32 $0x2900, s6;
	[sflag:s29] =	ssyncadd.s32 $0xFFFFE000  }
0xc0: {  	[spmem:s2] =	stream.indirect.scatter.add.f32 [tilespmem:s25], [sflag:$0x9], $0x40, s7, s21, $0xb8;
	[tilespmem:$0x1E800] =	vst v63  }
0xc1: {  	_ =	swait.ge [sflag:s31], $0x2000  }
0xc2: {  	[sflag:s31] =	ssyncset.done $0x0  }
0xc3: {  	[sflag:s31] =	ssyncadd.s32 $0xFFFFE000  }
0xc4: {  	[spmem:s3] =	stream.indirect.scatter.add.f32 [tilespmem:s24], [sflag:$0x8], $0x10, s7, s21, $0xb8;
	[tilespmem:$0x1E800] =	vst v63  }
0xc5: {  	s7 =	sadd.s32 $0x380, s6  }
0xc6: {  	[tilespmem:s25], [sflag:$0x3] =	stream.indirect.gather [hbm4b:s5+s21], $0x40, s7, s21, $0xb8;
	[tilespmem:$0x1E800] =	vst v63  }
0xc7: {  	_ =	swait.ge [sflag:s0], $0x2000  }
0xc8: {  	[sflag:s0] =	ssyncset.done $0x0  }
0xc9: {  	s7 =	sadd.s32 $0x2980, s6;
	[sflag:s0] =	ssyncadd.s32 $0xFFFFE000  }
0xca: {  	[spmem:s2] =	stream.indirect.scatter.add.f32 [tilespmem:s28], [sflag:$0x9], $0x40, s7, s21, $0xb8;
	[tilespmem:$0x1E800] =	vst v63  }
0xcb: {  	_ =	swait.ge [sflag:s31], $0x2000  }
0xcc: {  	[sflag:s31] =	ssyncset.done $0x0  }
0xcd: {  	[sflag:s31] =	ssyncadd.s32 $0xFFFFE000  }
0xce: {  	[spmem:s3] =	stream.indirect.scatter.add.f32 [tilespmem:s24], [sflag:$0x8], $0x10, s7, s21, $0xb8;
	[tilespmem:$0x1E800] =	vst v63  }
0xcf: {  	s7 =	sadd.s32 $0x400, s6  }
0xd0: {  	[tilespmem:s28], [sflag:$0x4] =	stream.indirect.gather [hbm4b:s5+s21], $0x40, s7, s21, $0xb8;
	[tilespmem:$0x1E800] =	vst v63  }
0xd1: {  	_ =	swait.ge [sflag:s4], $0x2000  }
0xd2: {  	[sflag:s4] =	ssyncset.done $0x0  }
0xd3: {  	s7 =	sadd.s32 $0x2A00, s6;
	[sflag:s4] =	ssyncadd.s32 $0xFFFFE000  }
0xd4: {  	[spmem:s2] =	stream.indirect.scatter.add.f32 [tilespmem:s30], [sflag:$0x9], $0x40, s7, s21, $0xb8;
	[tilespmem:$0x1E800] =	vst v63  }
.Ltmp6:
0xd5: {  	_ =	swait.ge [sflag:s31], $0x2000;
	(pc) =	sbr.rel @p0 .LBB2_14-.Ltmp6, $4  }
0xd6: {  	[sflag:s31] =	ssyncset.done $0x0  }
0xd7: {  	[sflag:s31] =	ssyncadd.s32 $0xFFFFE000  }
0xd8: {  	[spmem:s3] =	stream.indirect.scatter.add.f32 [tilespmem:s24], [sflag:$0x8], $0x10, s7, s21, $0xb8;
	[tilespmem:$0x1E800] =	vst v63  }
0xd9: {  	s6 =	sadd.s32 $0x480, s6  }
0xda: {  	[tilespmem:s30], [sflag:$0x5] =	stream.indirect.gather [hbm4b:s5+s21], $0x40, s6, s21, $0xb8;
	[tilespmem:$0x1E800] =	vst v63  }
0xdb: {  	_ =	swait.ge [sflag:s19], $0x2000  }
0xdc: {  	[sflag:s19] =	ssyncset.done $0x0  }
0xdd: {  	s7 =	simm.s32 $0x4D80;
	[sflag:s19] =	ssyncadd.s32 $0xFFFFE000  }
0xde: {  	[spmem:s2] =	stream.indirect.scatter.add.f32 [tilespmem:s22], [sflag:$0x9], $0x40, s7, s21, $0xb8;
	[tilespmem:$0x1E800] =	vst v63  }
0xdf: {  	_ =	swait.ge [sflag:s31], $0x2000  }
0xe0: {  	[sflag:s31] =	ssyncset.done $0x0  }
0xe1: {  	[sflag:s31] =	ssyncadd.s32 $0xFFFFE000  }
0xe2: {  	[spmem:s3] =	stream.indirect.scatter.add.f32 [tilespmem:s24], [sflag:$0x8], $0x10, s7, s21, $0xb8;
	[tilespmem:$0x1E800] =	vst v63  }
0xe3: {  	_ =	swait.ge [sflag:s26], $0x2000  }
0xe4: {  	[sflag:s26] =	ssyncset.done $0x0  }
0xe5: {  	s18 =	simm.s32 $0x4E00;
	[sflag:s26] =	ssyncadd.s32 $0xFFFFE000  }
0xe6: {  	[spmem:s2] =	stream.indirect.scatter.add.f32 [tilespmem:s23], [sflag:$0x9], $0x40, s18, s21, $0xb8;
	[tilespmem:$0x1E800] =	vst v63  }
0xe7: {  	_ =	swait.ge [sflag:s31], $0x2000  }
0xe8: {  	[sflag:s31] =	ssyncset.done $0x0  }
0xe9: {  	[sflag:s31] =	ssyncadd.s32 $0xFFFFE000  }
0xea: {  	[spmem:s3] =	stream.indirect.scatter.add.f32 [tilespmem:s24], [sflag:$0x8], $0x10, s18, s21, $0xb8;
	[tilespmem:$0x1E800] =	vst v63  }
0xeb: {  	_ =	swait.ge [sflag:s29], $0x2000  }
0xec: {  	[sflag:s29] =	ssyncset.done $0x0  }
0xed: {  	[sflag:s29] =	ssyncadd.s32 $0xFFFFE000  }
0xee: {  	[spmem:s2] =	stream.indirect.scatter.add.f32 [tilespmem:s25], [sflag:$0x9], $0x40, s9, s21, $0xb8;
	[tilespmem:$0x1E800] =	vst v63  }
0xef: {  	_ =	swait.ge [sflag:s31], $0x2000  }
0xf0: {  	[sflag:s31] =	ssyncset.done $0x0  }
0xf1: {  	[sflag:s31] =	ssyncadd.s32 $0xFFFFE000  }
0xf2: {  	[spmem:s3] =	stream.indirect.scatter.add.f32 [tilespmem:s24], [sflag:$0x8], $0x10, s9, s21, $0xb8;
	[tilespmem:$0x1E800] =	vst v63  }
0xf3: {  	_ =	swait.ge [sflag:s0], $0x2000  }
0xf4: {  	[sflag:s0] =	ssyncset.done $0x0  }
0xf5: {  	[sflag:s0] =	ssyncadd.s32 $0xFFFFE000  }
0xf6: {  	[spmem:s2] =	stream.indirect.scatter.add.f32 [tilespmem:s28], [sflag:$0x9], $0x40, s10, s21, $0xb8;
	[tilespmem:$0x1E800] =	vst v63  }
0xf7: {  	_ =	swait.ge [sflag:s31], $0x2000  }
0xf8: {  	[sflag:s31] =	ssyncset.done $0x0  }
0xf9: {  	[sflag:s31] =	ssyncadd.s32 $0xFFFFE000  }
0xfa: {  	[spmem:s3] =	stream.indirect.scatter.add.f32 [tilespmem:s24], [sflag:$0x8], $0x10, s10, s21, $0xb8;
	[tilespmem:$0x1E800] =	vst v63  }
0xfb: {  	_ =	swait.ge [sflag:s4], $0x2000  }
0xfc: {  	[sflag:s4] =	ssyncset.done $0x0  }
0xfd: {  	[sflag:s4] =	ssyncadd.s32 $0xFFFFE000  }
0xfe: {  	[spmem:s2] =	stream.indirect.scatter.add.f32 [tilespmem:s30], [sflag:$0x9], $0x40, s11, s21, $0xb8;
	[tilespmem:$0x1E800] =	vst v63  }
0xff: {  	_ =	swait.ge [sflag:s31], $0x2000  }
0x100: {  	[sflag:s31] =	ssyncset.done $0x0  }
0x101: {  	[sflag:s31] =	ssyncadd.s32 $0xFFFFE000  }
0x102: {  	[spmem:s3] =	stream.indirect.scatter.add.f32 [tilespmem:s24], [sflag:$0x8], $0x10, s11, s21, $0xb8;
	[tilespmem:$0x1E800] =	vst v63  }
0x103: {  	_ =	swait.ge [sflag:s16], $0x800  }
0x104: {  	s6 =	simm.s32 $0x4F;
	[sflag:s16] =	ssyncset.done $0x0  }
.LBB2_16:
0x105: {  	p0 =	sne.s32 s6, $0x1;
	s6 =	sadd.s32 $0xFFFFFFFF, s6;
	[sflag:s16] =	ssyncadd.s32 $0xFFFFF800  }
.Ltmp7:
0x106: {  	(pc) =	sbr.rel @p0 .LBB2_16-.Ltmp7, $3  }
0x107: {  	_ =	sdelay $0x1  }
0x108: {  	_ =	swait.ge [sflag:s16], $0x800  }
0x109: {  	[sflag:s16] =	ssyncset.done $0x0  }
0x10a: {  	[sflag:s16] =	ssyncadd.s32 $0xFFFFF800;
	s6 =	stileid.u32  }
0x10b: {  	s6 =	sshll.u32 s6, $0x6;
	[bflag:$0x0] =	sbarrier.arrive $0xFFFF  }
0x10c: {  	s7 =	sshrl.u32 s8, $0x3;
	s6 =	sor.u32 $0x1C09, s6;
	s18 =	rddreg [dreg:$0x9]  }
0x10d: {  	[hbm:s18], [sflag:s6] =	dma.local [spmem:s7], $0x1400  }
0x10e: {  	_ =	swait.ge [sflag:s31], $0x1400  }
0x10f: {  	[sflag:s31] =	ssyncset.done $0x0  }
0x110: {  	s7 =	sshrl.u32 s12, $0x3;
	s18 =	rddreg [dreg:$0xa];
	[sflag:s31] =	ssyncadd.s32 $0xFFFFEC00  }
0x111: {  	[hbm:s18], [sflag:s6] =	dma.local [spmem:s7], $0x500  }
0x112: {  	_ =	swait.ge [sflag:s31], $0x500  }
0x113: {  	s17 =	sadd.s32 $0x1, s17;
	s18 =	rddreg [dreg:$0xb]  }
0x114: {  	p0 =	sne.s32 s17, s18  }
.Ltmp8:
0x115: {  	_ = 	snop;
	(pc) =	sbr.rel @p0 .LBB2_1-.Ltmp8, $3  }
0x116: {  	_ =	sdelay $0x1  }
0x117: {  	[sflag:s31] =	ssyncset.done $0x0  }
0x118: {  	[sflag:s31] =	ssyncadd.s32 $0xFFFFFB00  }
0x119: {  	_ =	sfence.sel $0x180000  }
0x11a: {  	[bflag:$0x0] =	sbarrier.arrive $0xFFFF  }
0x11b: {  	_ =	strace $0x90000047  }
0x11c: {  	s0 =	stileid.u32;
	[bflag:$0x2] =	sbarrier.arrive $0xFFFF  }
0x11d: {  	p0 =	sne.s32 s0, $0x0;
	s0 =	rddreg [dreg:$0x3]  }
0x11e: {  	s0 =	sadd.s32 @!p0 $0x100000, s0  }
0x11f: {  	[sflag:s0] =	ssyncadd.tile.s32 @!p0 $0x1;
	_ =	shalt  }
.Lfunc_end2:
_tile_overlayer_lowered:
.L_overlay_start_2:
0x120: {  	(tag) =	ssettag $0x2  }
0x121: {  	s0 =	rddreg [dreg:$0x0];
	s2 =	stileid.u32  }
0x122: {  	s1 =	rddreg [dreg:$0x1];
	p0 =	sne.s32 s2, $0x0  }
0x123: {  	s3 =	rddreg [dreg:$0x2];
	[bflag:$0x3] =	sbarrier.arrive $0xFFFF;
	s2 =	simm.s32 @!p0 $0x1C09  }
0x124: {  	[timem:s3], [sflag:s2] =	dma.local @!p0 [hbm:s0], s1  }
0x125: {  	s0 =	simm.s32 @!p0 $0x9  }
0x126: {  	_ =	swait.ge @!p0 [sflag:s0], s1  }
0x127: {  	s1 =	ssub.s32 @!p0 $0x0, s1;
	[sflag:s0] =	ssyncset.done @!p0 $0x0  }
0x128: {  	[sflag:s0] =	ssyncadd.s32 @!p0 s1  }
0x129: {  	[bflag:$0x3] =	sbarrier.arrive $0xFFFF  }
0x12a: {  	_ =	shalt  }

</sc_bundles>
